<compile_context>
chip_gen: v7x
topology: tpu7x:2x2x1
jax: 0.10.2.dev20260603
libtpu: 0.0.44.dev20260713+nightly
codegen_flags: <defaults>
</compile_context>

<pallas_src>
import functools

import jax
import jax.numpy as jnp
from jax import lax
from jax.experimental import pallas as pl
from jax.experimental.pallas import tpu as pltpu
from jax.experimental.pallas import tpu_sc as plsc

N = 100000
K = 256
L = 16
NUM_TILES = 16
PER_TILE = 6256
VREGS = PER_TILE // L
GROUPS = 97
GROUPS8 = 48
PAD_N = NUM_TILES * PER_TILE
CAP = 4096
OUT_PAD = K + L
NEG_KEY = -2147483648
PAD_IDX = 2147483647


def _body(pert_hbm, src_hbm, tgt_hbm, ovl_hbm,
          out_src, out_tgt, out_ovl,
          buf, keys, hist, suf, candk, candi, gk, gi, gridbuf,
          totbuf, scal8, sc16x8, rankref, idxref, gsrc, gtgt, govl,
          sh_hist, sh_scal, sh_gk, sh_gi, sh_osrc, sh_otgt, sh_oovl, sem):
    c = lax.axis_index("c")
    s = lax.axis_index("s")
    iota = lax.iota(jnp.int32, L)
    ones = jnp.ones((L,), jnp.int32)
    zeros = jnp.zeros((L,), jnp.int32)

    base = s * PER_TILE
    last_valid = N - (NUM_TILES - 1) * PER_TILE

    @pl.when(s < NUM_TILES - 1)
    def _():
        load = pltpu.async_copy(pert_hbm.at[pl.ds(base, PER_TILE)], buf, sem)

        def _zero_hist(i, _):
            for k in range(8):
                hist[pl.ds((i * 8 + k) * L, L)] = zeros
            return 0
        lax.fori_loop(0, 32, _zero_hist, 0)
        load.wait()

    @pl.when(s == NUM_TILES - 1)
    def _():
        load = pltpu.async_copy(pert_hbm.at[pl.ds(base, last_valid)],
                                buf.at[pl.ds(0, last_valid)], sem)
        neg_inf_bits = jnp.full((L,), -8388608, jnp.int32)
        for k in range((PER_TILE - last_valid) // L):
            buf[pl.ds(last_valid + k * L, L)] = neg_inf_bits

        def _zero_hist(i, _):
            for k in range(8):
                hist[pl.ds((i * 8 + k) * L, L)] = zeros
            return 0
        lax.fori_loop(0, 32, _zero_hist, 0)
        load.wait()

    lane_a = iota * 256 + 128

    def _a_one(j):
        raw = buf[pl.ds(j * L, L)]
        keyv = raw ^ ((raw >> 31) & 0x7FFFFFFF)
        keys[pl.ds(j * L, L)] = keyv
        plsc.addupdate_scatter(hist, [(keyv >> 24) + lane_a], ones)

    def _pass_a(g, _):
        j0 = g * 8
        raws = [buf[pl.ds((j0 + k) * L, L)] for k in range(8)]
        sgs = [r >> 31 for r in raws]
        mks = [m & 0x7FFFFFFF for m in sgs]
        kys = [r ^ m for r, m in zip(raws, mks)]
        bins = [(kv >> 24) + lane_a for kv in kys]
        for k in range(8):
            keys[pl.ds((j0 + k) * L, L)] = kys[k]
        for k in range(8):
            plsc.addupdate_scatter(hist, [bins[k]], ones)
        return 0
    lax.fori_loop(0, GROUPS8, _pass_a, 0)
    for j in range(GROUPS8 * 8, VREGS):
        _a_one(j)
    keys[pl.ds(VREGS * L, L)] = jnp.full((L,), NEG_KEY, jnp.int32)

    def _merge_hist(rezero):
        def _red(g, _):
            acc = hist[pl.ds(g * L, L)]
            if rezero:
                hist[pl.ds(g * L, L)] = zeros
            for lane in range(1, L):
                o = lane * 256 + g * L
                acc = acc + hist[pl.ds(o, L)]
                if rezero:
                    hist[pl.ds(o, L)] = zeros
            totbuf[pl.ds(g * L, L)] = acc
            return 0
        lax.fori_loop(0, L, _red, 0)
        pltpu.sync_copy(totbuf, sh_hist.at[s])
        plsc.subcore_barrier()
        pltpu.sync_copy(sh_hist, gridbuf)
        plsc.subcore_barrier()

        def _sum(g, _):
            acc = gridbuf[0, pl.ds(g * L, L)]
            for t in range(1, NUM_TILES):
                acc = acc + gridbuf[t, pl.ds(g * L, L)]
            totbuf[pl.ds(g * L, L)] = acc
            return 0
        lax.fori_loop(0, L, _sum, 0)

    def _suffix_select(need):
        carry = zeros
        accq = zeros
        for g in range(L - 1, -1, -1):
            tv = totbuf[pl.ds(g * L, L)]
            sincl = lax.rev(plsc.cumsum(lax.rev(tv, (0,))), (0,)) + carry
            suf[pl.ds(g * L, L)] = sincl
            carry = carry + jnp.full((L,), jnp.sum(tv), jnp.int32)
            accq = accq + plsc.all_reduce_population_count(sincl >= need)
        bstar = jnp.max(accq) - 1
        nxt = jnp.minimum(bstar + 1, 255)
        suf_next_v = plsc.load_gather(suf, [jnp.full((L,), nxt, jnp.int32)])
        suf_next = jnp.where(bstar >= 255, 0, jnp.max(suf_next_v))
        return bstar, suf_next

    _merge_hist(rezero=True)
    bstar, sufA_next = _suffix_select(K)
    need_b = K - sufA_next
    b8 = bstar - 128

    lane_b = iota * 256

    def _b_one(j):
        keyv = keys[pl.ds(j * L, L)]
        m = (keyv >> 24) == b8
        plsc.addupdate_scatter(hist, [((keyv >> 16) & 0xFF) + lane_b], ones,
                               mask=m)

    def _pass_b(g, _):
        j0 = g * 8
        kys = [keys[pl.ds((j0 + k) * L, L)] for k in range(8)]
        tops = [kv >> 24 for kv in kys]
        los = [((kv >> 16) & 0xFF) + lane_b for kv in kys]
        ms = [t == b8 for t in tops]
        for k in range(8):
            plsc.addupdate_scatter(hist, [los[k]], ones, mask=ms[k])
        return 0
    lax.fori_loop(0, GROUPS8, _pass_b, 0)
    for j in range(GROUPS8 * 8, VREGS):
        _b_one(j)

    _merge_hist(rezero=False)
    cstar, _ = _suffix_select(need_b)
    thresh = (b8 << 24) + (cstar << 16)

    def _compact(g, off):
        kvs = [keys[pl.ds((g * 4 + k) * L, L)] for k in range(4)]
        ms = [kv >= thresh for kv in kvs]
        anym = jnp.logical_or(jnp.logical_or(ms[0], ms[1]),
                              jnp.logical_or(ms[2], ms[3]))

        def _do(off):
            for k in range(4):
                mm = jnp.logical_and(ms[k], off < CAP)
                cnt = plsc.all_reduce_population_count(mm)
                gidx = jnp.full((L,), base + (g * 4 + k) * L, jnp.int32) + iota
                plsc.store_compressed(candk.at[pl.ds(off, L)], kvs[k], mask=mm)
                plsc.store_compressed(candi.at[pl.ds(off, L)], gidx, mask=mm)
                off = off + jnp.max(cnt)
            return off

        return lax.cond(jnp.any(anym), _do, lambda o: o, off)
    off = lax.fori_loop(0, GROUPS + 1, _compact, jnp.int32(0))

    off = jnp.minimum(off, CAP)
    candk[pl.ds(off, L)] = jnp.full((L,), NEG_KEY, jnp.int32)
    candi[pl.ds(off, L)] = jnp.full((L,), PAD_IDX, jnp.int32)
    nv = jnp.minimum((off + L - 1) // L, CAP // (L * NUM_TILES))

    scal8[...] = jnp.full((L,), nv, jnp.int32)
    pltpu.sync_copy(scal8.at[pl.ds(0, 8)], sh_scal.at[s])
    plsc.subcore_barrier()
    pltpu.sync_copy(sh_scal, sc16x8)
    nvs = plsc.load_gather(sc16x8, [iota, zeros])
    incl = plsc.cumsum(nvs)
    my_slot = jnp.max(jnp.where(iota == s, incl - nvs, 0))
    nv_tot = jnp.max(incl)

    def _pub(i, _):
        pltpu.sync_copy(candk.at[pl.ds(i * L, L)],
                        sh_gk.at[pl.ds((my_slot + i) * L, L)])
        pltpu.sync_copy(candi.at[pl.ds(i * L, L)],
                        sh_gi.at[pl.ds((my_slot + i) * L, L)])
        return 0
    lax.fori_loop(0, nv, _pub, 0)
    plsc.subcore_barrier()

    nb = (nv_tot + 15) // 16

    def _pull(i, _):
        pltpu.sync_copy(sh_gk.at[pl.ds(i * 256, 256)],
                        gk.at[pl.ds(i * 256, 256)])
        pltpu.sync_copy(sh_gi.at[pl.ds(i * 256, 256)],
                        gi.at[pl.ds(i * 256, 256)])
        return 0
    lax.fori_loop(0, nb, _pull, 0)

    n_el = nv_tot * L
    n_mine = jnp.maximum(0, (nv_tot - s + 15) // 16)

    def _rank_one(i, _):
        v = s + i * 16
        mk = gk[pl.ds(v * L, L)]
        mi = gi[pl.ds(v * L, L)]

        def _cmp(j, rank):
            jv = jnp.full((L,), j, jnp.int32)
            kj = plsc.load_gather(gk, [jv])
            ij = plsc.load_gather(gi, [jv])
            beats = jnp.logical_or(kj > mk,
                                   jnp.logical_and(kj == mk, ij < mi))
            return rank + beats.astype(jnp.int32)
        rank = lax.fori_loop(0, n_el, _cmp, zeros)
        win = rank < K
        nwin = plsc.all_reduce_population_count(win)

        def _emit(x):
            rankref[...] = jnp.where(win, rank, K + iota)
            idxref[...] = jnp.minimum(mi, N - 1)
            h1 = pltpu.async_copy(src_hbm.at[idxref], gsrc, sem)
            h2 = pltpu.async_copy(tgt_hbm.at[idxref], gtgt, sem)
            h3 = pltpu.async_copy(ovl_hbm.at[idxref], govl, sem)
            h1.wait(); h2.wait(); h3.wait()
            pltpu.sync_copy(gsrc, sh_osrc.at[rankref])
            pltpu.sync_copy(gtgt, sh_otgt.at[rankref])
            pltpu.sync_copy(govl, sh_oovl.at[rankref])
            return 0
        lax.cond(jnp.max(nwin) > 0, _emit, lambda x: 0, 0)
        return 0
    lax.fori_loop(0, n_mine, _rank_one, 0)
    plsc.subcore_barrier()

    @pl.when(jnp.logical_and(c == 0, s == 0))
    def _():
        pltpu.sync_copy(sh_osrc.at[pl.ds(0, K)], out_src)

    @pl.when(jnp.logical_and(c == 0, s == 1))
    def _():
        pltpu.sync_copy(sh_otgt.at[pl.ds(0, K)], out_tgt)

    @pl.when(jnp.logical_and(c == 0, s == 2))
    def _():
        pltpu.sync_copy(sh_oovl.at[pl.ds(0, K)], out_ovl)


@functools.lru_cache(maxsize=1)
def _build():
    mesh = plsc.VectorSubcoreMesh(core_axis_name="c", subcore_axis_name="s",
                                  num_cores=1)
    return pl.kernel(
        _body,
        out_type=(jax.ShapeDtypeStruct((K,), jnp.int32),
                  jax.ShapeDtypeStruct((K,), jnp.int32),
                  jax.ShapeDtypeStruct((K,), jnp.float32)),
        mesh=mesh,
        scratch_types=[
            pltpu.VMEM((PER_TILE,), jnp.int32),
            pltpu.VMEM((PER_TILE + L,), jnp.int32),
            pltpu.VMEM((4096,), jnp.int32),
            pltpu.VMEM((256,), jnp.int32),
            pltpu.VMEM((CAP + L,), jnp.int32),
            pltpu.VMEM((CAP + L,), jnp.int32),
            pltpu.VMEM((CAP,), jnp.int32),
            pltpu.VMEM((CAP,), jnp.int32),
            pltpu.VMEM((NUM_TILES, 256), jnp.int32),
            pltpu.VMEM((256,), jnp.int32),
            pltpu.VMEM((L,), jnp.int32),
            pltpu.VMEM((NUM_TILES, 8), jnp.int32),
            pltpu.VMEM((L,), jnp.int32),
            pltpu.VMEM((L,), jnp.int32),
            pltpu.VMEM((L,), jnp.int32),
            pltpu.VMEM((L,), jnp.int32),
            pltpu.VMEM((L,), jnp.float32),
            pltpu.VMEM_SHARED((NUM_TILES, 256), jnp.int32),
            pltpu.VMEM_SHARED((NUM_TILES, 8), jnp.int32),
            pltpu.VMEM_SHARED((CAP,), jnp.int32),
            pltpu.VMEM_SHARED((CAP,), jnp.int32),
            pltpu.VMEM_SHARED((OUT_PAD,), jnp.int32),
            pltpu.VMEM_SHARED((OUT_PAD,), jnp.int32),
            pltpu.VMEM_SHARED((OUT_PAD,), jnp.float32),
            pltpu.SemaphoreType.DMA,
        ],
        compiler_params=pltpu.CompilerParams(needs_layout_passes=False),
    )


_GUMBEL_CACHE = {}


def _gumbel_const(n, dtype):
    k = (n, jnp.dtype(dtype).name)
    if k not in _GUMBEL_CACHE:
        try:
            g = jax.random.gumbel(jax.random.key(1234), (n,), dtype=dtype)
            g.block_until_ready()
            _GUMBEL_CACHE[k] = g
        except Exception:
            return jax.random.gumbel(jax.random.key(1234), (n,), dtype=dtype)
    return _GUMBEL_CACHE[k]


def kernel(gt_src_corr_indices, gt_tgt_corr_indices, gt_corr_overlaps):
    n = gt_corr_overlaps.shape[0]
    scores = gt_corr_overlaps / jnp.sum(gt_corr_overlaps)
    gumbel = _gumbel_const(n, gt_corr_overlaps.dtype)
    perturbed = jnp.log(scores) + gumbel
    pert_bits = jax.lax.bitcast_convert_type(perturbed, jnp.int32)
    out_src, out_tgt, out_ovl = _build()(
        pert_bits, gt_src_corr_indices, gt_tgt_corr_indices, gt_corr_overlaps)
    return (out_src, out_tgt, out_ovl)

# --- scband reference (transcript-rebuilt; emitter-appended) ---
"""Pipeline reference for scband-node-proposal-generator-2173253452366 (READ-ONLY COPY).

The authoritative reference and input builder live on the scoring server;
editing this copy changes nothing except your own understanding.
"""

import jax, jax.numpy as jnp
import numpy as np

NUM_PROPOSALS = 256
N = 100000
NUM_SUPERPOINTS = 5000


def setup_inputs(seed: int = 0) -> dict:
    key = jax.random.key(seed)
    k1, k2, k3 = jax.random.split(key, 3)
    gt_src_corr_indices = jax.random.randint(k1, (N,), 0, NUM_SUPERPOINTS, dtype=jnp.int32)
    gt_tgt_corr_indices = jax.random.randint(k2, (N,), 0, NUM_SUPERPOINTS, dtype=jnp.int32)
    gt_corr_overlaps = jax.random.uniform(k3, (N,), dtype=jnp.float32)
    return {
        "gt_src_corr_indices": gt_src_corr_indices,
        "gt_tgt_corr_indices": gt_tgt_corr_indices,
        "gt_corr_overlaps": gt_corr_overlaps,
    }


def reference(gt_src_corr_indices, gt_tgt_corr_indices, gt_corr_overlaps):
    num_proposals = NUM_PROPOSALS
    n = gt_corr_overlaps.shape[0]
    if n > num_proposals:
        # scores = overlaps / overlaps.sum(); weighted sampling WITHOUT replacement
        # with probabilities proportional to scores == Gumbel-top-k on log(scores).
        scores = gt_corr_overlaps / jnp.sum(gt_corr_overlaps)
        gkey = jax.random.key(1234)
        gumbel = jax.random.gumbel(gkey, (n,), dtype=gt_corr_overlaps.dtype)
        perturbed = jnp.log(scores) + gumbel
        _, sel_indices = jax.lax.top_k(perturbed, num_proposals)
        gt_src_corr_indices = jnp.take(gt_src_corr_indices, sel_indices, axis=0)
        gt_tgt_corr_indices = jnp.take(gt_tgt_corr_indices, sel_indices, axis=0)
        gt_corr_overlaps = jnp.take(gt_corr_overlaps, sel_indices, axis=0)
    return (gt_src_corr_indices, gt_tgt_corr_indices, gt_corr_overlaps)

if __name__ == "__main__":
    import jax
    _d = setup_inputs()
    print(jax.jit(kernel)(*tuple(_d.values())))

</pallas_src>

<mosaic_0001>
#map = affine_map<(d0, d1) -> (0)>
module attributes {stable_mosaic.version = 14 : i64} {
  func.func @_body(%arg0: i32, %arg1: i32, %arg2: memref<100000xi32, #tpu.memory_space<hbm>>, %arg3: memref<100000xi32, #tpu.memory_space<hbm>>, %arg4: memref<100000xi32, #tpu.memory_space<hbm>>, %arg5: memref<100000xf32, #tpu.memory_space<hbm>>, %arg6: memref<256xi32, #tpu.memory_space<hbm>>, %arg7: memref<256xi32, #tpu.memory_space<hbm>>, %arg8: memref<256xf32, #tpu.memory_space<hbm>>, %arg9: memref<6256xi32, #tpu.memory_space<vmem>>, %arg10: memref<6272xi32, #tpu.memory_space<vmem>>, %arg11: memref<4096xi32, #tpu.memory_space<vmem>>, %arg12: memref<256xi32, #tpu.memory_space<vmem>>, %arg13: memref<4112xi32, #tpu.memory_space<vmem>>, %arg14: memref<4112xi32, #tpu.memory_space<vmem>>, %arg15: memref<4096xi32, #tpu.memory_space<vmem>>, %arg16: memref<4096xi32, #tpu.memory_space<vmem>>, %arg17: memref<16x256xi32, #tpu.memory_space<vmem>>, %arg18: memref<256xi32, #tpu.memory_space<vmem>>, %arg19: memref<16xi32, #tpu.memory_space<vmem>>, %arg20: memref<16x8xi32, #tpu.memory_space<vmem>>, %arg21: memref<16xi32, #tpu.memory_space<vmem>>, %arg22: memref<16xi32, #tpu.memory_space<vmem>>, %arg23: memref<16xi32, #tpu.memory_space<vmem>>, %arg24: memref<16xi32, #tpu.memory_space<vmem>>, %arg25: memref<16xf32, #tpu.memory_space<vmem>>, %arg26: memref<16x256xi32, #tpu.memory_space<vmem_shared>>, %arg27: memref<16x8xi32, #tpu.memory_space<vmem_shared>>, %arg28: memref<4096xi32, #tpu.memory_space<vmem_shared>>, %arg29: memref<4096xi32, #tpu.memory_space<vmem_shared>>, %arg30: memref<272xi32, #tpu.memory_space<vmem_shared>>, %arg31: memref<272xi32, #tpu.memory_space<vmem_shared>>, %arg32: memref<272xf32, #tpu.memory_space<vmem_shared>>, %arg33: memref<!tpu.dma_semaphore, #tpu.memory_space<semaphore_mem>>) attributes {dimension_semantics = [#tpu.dimension_semantics<core_parallel>, #tpu.dimension_semantics<subcore_parallel>], iteration_bounds = array<i64: 1, 16>, scalar_prefetch = 0 : i64, scratch_operands = 25 : i64, tpu.core_type = #tpu.core_type<sc_vector_subcore>, window_params = [{transform_indices = #map}, {transform_indices = #map}, {transform_indices = #map}, {transform_indices = #map}, {transform_indices = #map}, {transform_indices = #map}, {transform_indices = #map}]} {
    %iota3A = tpu.iota {dimensions = array<i32: 0>} : vector<16xi32>
    %broadcast_in_dim3A = arith.constant 1 : i32
    %broadcast_in_dim3A_0 = vector.broadcast %broadcast_in_dim3A : i32 to vector<16xi32>
    %broadcast_in_dim3A_1 = arith.constant 0 : i32
    %broadcast_in_dim3A_2 = vector.broadcast %broadcast_in_dim3A_1 : i32 to vector<16xi32>
    %mul3A = arith.constant 6256 : i32
    %mul3A_3 = arith.muli %arg1, %mul3A : i32
    %lt3A = arith.constant 15 : i32
    %lt3A_4 = arith.cmpi slt, %arg1, %lt3A : i32
    %convert_element_type3A = arith.extui %lt3A_4 : i1 to i32
    %cond3A = arith.constant 0 : i32
    %cond3A_5 = arith.cmpi ne, %convert_element_type3A, %cond3A : i32
    scf.if %cond3A_5 {
      %dma_start3A = tpu.memref_slice %arg2[%mul3A_3] : memref<100000xi32, #tpu.memory_space<hbm>> -> memref<6256xi32, #tpu.memory_space<hbm>>
      %dma_start3A_1419 = tpu.memref_slice %arg2[%mul3A_3] : memref<100000xi32, #tpu.memory_space<hbm>> -> memref<6256xi32, #tpu.memory_space<hbm>>
      tpu.enqueue_dma source(%dma_start3A_1419 : memref<6256xi32, #tpu.memory_space<hbm>>) target(%arg9 : memref<6256xi32, #tpu.memory_space<vmem>>) target_semaphore(%arg33 : memref<!tpu.dma_semaphore, #tpu.memory_space<semaphore_mem>>)
      %scan3A_1420 = arith.constant 0 : i32
      %scan3A_1421 = arith.constant 0 : i32
      %scan3A_1422 = arith.constant 32 : i32
      %scan3A_1423 = arith.addi %scan3A_1421, %scan3A_1422 : i32
      %scan3A_1424 = arith.constant 1 : i32
      %scan3A_1425 = scf.for %scan3A_1428 = %scan3A_1421 to %scan3A_1423 step %scan3A_1424 iter_args(%scan3A_1429 = %scan3A_1420) -> (i32)  : i32 {
        %mul3A_1430 = arith.constant 8 : i32
        %mul3A_1431 = arith.muli %scan3A_1428, %mul3A_1430 : i32
        %add3A_1432 = arith.constant 0 : i32
        %add3A_1433 = arith.addi %mul3A_1431, %add3A_1432 : i32
        %mul3A_1434 = arith.constant 16 : i32
        %mul3A_1435 = arith.muli %add3A_1433, %mul3A_1434 : i32
        %swap3A_1436 = arith.index_cast %mul3A_1435 : i32 to index
        %swap3A_1437 = tpu.vector_load %arg11[%swap3A_1436] {strides = array<i32>} : memref<4096xi32, #tpu.memory_space<vmem>>, vector<16xi32>,
        tpu.vector_store %arg11[%swap3A_1436], %broadcast_in_dim3A_2 {strides = array<i32>} : memref<4096xi32, #tpu.memory_space<vmem>>, vector<16xi32>,
        %mul3A_1438 = arith.constant 8 : i32
        %mul3A_1439 = arith.muli %scan3A_1428, %mul3A_1438 : i32
        %add3A_1440 = arith.constant 1 : i32
        %add3A_1441 = arith.addi %mul3A_1439, %add3A_1440 : i32
        %mul3A_1442 = arith.constant 16 : i32
        %mul3A_1443 = arith.muli %add3A_1441, %mul3A_1442 : i32
        %swap3A_1444 = arith.index_cast %mul3A_1443 : i32 to index
        %swap3A_1445 = tpu.vector_load %arg11[%swap3A_1444] {strides = array<i32>} : memref<4096xi32, #tpu.memory_space<vmem>>, vector<16xi32>,
        tpu.vector_store %arg11[%swap3A_1444], %broadcast_in_dim3A_2 {strides = array<i32>} : memref<4096xi32, #tpu.memory_space<vmem>>, vector<16xi32>,
        %mul3A_1446 = arith.constant 8 : i32
        %mul3A_1447 = arith.muli %scan3A_1428, %mul3A_1446 : i32
        %add3A_1448 = arith.constant 2 : i32
        %add3A_1449 = arith.addi %mul3A_1447, %add3A_1448 : i32
        %mul3A_1450 = arith.constant 16 : i32
        %mul3A_1451 = arith.muli %add3A_1449, %mul3A_1450 : i32
        %swap3A_1452 = arith.index_cast %mul3A_1451 : i32 to index
        %swap3A_1453 = tpu.vector_load %arg11[%swap3A_1452] {strides = array<i32>} : memref<4096xi32, #tpu.memory_space<vmem>>, vector<16xi32>,
        tpu.vector_store %arg11[%swap3A_1452], %broadcast_in_dim3A_2 {strides = array<i32>} : memref<4096xi32, #tpu.memory_space<vmem>>, vector<16xi32>,
        %mul3A_1454 = arith.constant 8 : i32
        %mul3A_1455 = arith.muli %scan3A_1428, %mul3A_1454 : i32
        %add3A_1456 = arith.constant 3 : i32
        %add3A_1457 = arith.addi %mul3A_1455, %add3A_1456 : i32
        %mul3A_1458 = arith.constant 16 : i32
        %mul3A_1459 = arith.muli %add3A_1457, %mul3A_1458 : i32
        %swap3A_1460 = arith.index_cast %mul3A_1459 : i32 to index
        %swap3A_1461 = tpu.vector_load %arg11[%swap3A_1460] {strides = array<i32>} : memref<4096xi32, #tpu.memory_space<vmem>>, vector<16xi32>,
        tpu.vector_store %arg11[%swap3A_1460], %broadcast_in_dim3A_2 {strides = array<i32>} : memref<4096xi32, #tpu.memory_space<vmem>>, vector<16xi32>,
        %mul3A_1462 = arith.constant 8 : i32
        %mul3A_1463 = arith.muli %scan3A_1428, %mul3A_1462 : i32
        %add3A_1464 = arith.constant 4 : i32
        %add3A_1465 = arith.addi %mul3A_1463, %add3A_1464 : i32
        %mul3A_1466 = arith.constant 16 : i32
        %mul3A_1467 = arith.muli %add3A_1465, %mul3A_1466 : i32
        %swap3A_1468 = arith.index_cast %mul3A_1467 : i32 to index
        %swap3A_1469 = tpu.vector_load %arg11[%swap3A_1468] {strides = array<i32>} : memref<4096xi32, #tpu.memory_space<vmem>>, vector<16xi32>,
        tpu.vector_store %arg11[%swap3A_1468], %broadcast_in_dim3A_2 {strides = array<i32>} : memref<4096xi32, #tpu.memory_space<vmem>>, vector<16xi32>,
        %mul3A_1470 = arith.constant 8 : i32
        %mul3A_1471 = arith.muli %scan3A_1428, %mul3A_1470 : i32
        %add3A_1472 = arith.constant 5 : i32
        %add3A_1473 = arith.addi %mul3A_1471, %add3A_1472 : i32
        %mul3A_1474 = arith.constant 16 : i32
        %mul3A_1475 = arith.muli %add3A_1473, %mul3A_1474 : i32
        %swap3A_1476 = arith.index_cast %mul3A_1475 : i32 to index
        %swap3A_1477 = tpu.vector_load %arg11[%swap3A_1476] {strides = array<i32>} : memref<4096xi32, #tpu.memory_space<vmem>>, vector<16xi32>,
        tpu.vector_store %arg11[%swap3A_1476], %broadcast_in_dim3A_2 {strides = array<i32>} : memref<4096xi32, #tpu.memory_space<vmem>>, vector<16xi32>,
        %mul3A_1478 = arith.constant 8 : i32
        %mul3A_1479 = arith.muli %scan3A_1428, %mul3A_1478 : i32
        %add3A_1480 = arith.constant 6 : i32
        %add3A_1481 = arith.addi %mul3A_1479, %add3A_1480 : i32
        %mul3A_1482 = arith.constant 16 : i32
        %mul3A_1483 = arith.muli %add3A_1481, %mul3A_1482 : i32
        %swap3A_1484 = arith.index_cast %mul3A_1483 : i32 to index
        %swap3A_1485 = tpu.vector_load %arg11[%swap3A_1484] {strides = array<i32>} : memref<4096xi32, #tpu.memory_space<vmem>>, vector<16xi32>,
        tpu.vector_store %arg11[%swap3A_1484], %broadcast_in_dim3A_2 {strides = array<i32>} : memref<4096xi32, #tpu.memory_space<vmem>>, vector<16xi32>,
        %mul3A_1486 = arith.constant 8 : i32
        %mul3A_1487 = arith.muli %scan3A_1428, %mul3A_1486 : i32
        %add3A_1488 = arith.constant 7 : i32
        %add3A_1489 = arith.addi %mul3A_1487, %add3A_1488 : i32
        %mul3A_1490 = arith.constant 16 : i32
        %mul3A_1491 = arith.muli %add3A_1489, %mul3A_1490 : i32
        %swap3A_1492 = arith.index_cast %mul3A_1491 : i32 to index
        %swap3A_1493 = tpu.vector_load %arg11[%swap3A_1492] {strides = array<i32>} : memref<4096xi32, #tpu.memory_space<vmem>>, vector<16xi32>,
        tpu.vector_store %arg11[%swap3A_1492], %broadcast_in_dim3A_2 {strides = array<i32>} : memref<4096xi32, #tpu.memory_space<vmem>>, vector<16xi32>,
        %scan3A_1494 = arith.constant 0 : i32
        scf.yield %scan3A_1494 : i32
      }
      %scan3A_1426 = arith.constant 32 : i32
      %dma_wait3A = tpu.memref_slice %arg2[%mul3A_3] : memref<100000xi32, #tpu.memory_space<hbm>> -> memref<6256xi32, #tpu.memory_space<hbm>>
      %dma_wait3A_1427 = tpu.memref_slice %arg2[%mul3A_3] : memref<100000xi32, #tpu.memory_space<hbm>> -> memref<6256xi32, #tpu.memory_space<hbm>>
      tpu.wait_dma2 semaphore(%arg33 : memref<!tpu.dma_semaphore, #tpu.memory_space<semaphore_mem>>) src(%dma_wait3A_1427 : memref<6256xi32, #tpu.memory_space<hbm>>) dst(%arg9 : memref<6256xi32, #tpu.memory_space<vmem>>)
    } else {
    }
    %eq3A = arith.constant 15 : i32
    %eq3A_6 = arith.cmpi eq, %arg1, %eq3A : i32
    %convert_element_type3A_7 = arith.extui %eq3A_6 : i1 to i32
    %cond3A_8 = arith.constant 0 : i32
    %cond3A_9 = arith.cmpi ne, %convert_element_type3A_7, %cond3A_8 : i32
    scf.if %cond3A_9 {
      %dma_start3A = arith.constant 0 : i32
      %dma_start3A_1419 = tpu.memref_slice %arg9[%dma_start3A] : memref<6256xi32, #tpu.memory_space<vmem>> -> memref<6160xi32, #tpu.memory_space<vmem>>
      %dma_start3A_1420 = tpu.memref_slice %arg2[%mul3A_3] : memref<100000xi32, #tpu.memory_space<hbm>> -> memref<6160xi32, #tpu.memory_space<hbm>>
      %dma_start3A_1421 = arith.constant 0 : i32
      %dma_start3A_1422 = tpu.memref_slice %arg9[%dma_start3A_1421] : memref<6256xi32, #tpu.memory_space<vmem>> -> memref<6160xi32, #tpu.memory_space<vmem>>
      %dma_start3A_1423 = tpu.memref_slice %arg2[%mul3A_3] : memref<100000xi32, #tpu.memory_space<hbm>> -> memref<6160xi32, #tpu.memory_space<hbm>>
      tpu.enqueue_dma source(%dma_start3A_1423 : memref<6160xi32, #tpu.memory_space<hbm>>) target(%dma_start3A_1422 : memref<6160xi32, #tpu.memory_space<vmem>>) target_semaphore(%arg33 : memref<!tpu.dma_semaphore, #tpu.memory_space<semaphore_mem>>)
      %broadcast_in_dim3A_1424 = arith.constant -8388608 : i32
      %broadcast_in_dim3A_1425 = vector.broadcast %broadcast_in_dim3A_1424 : i32 to vector<16xi32>
      %swap3A_1426 = arith.constant 6160 : index
      %swap3A_1427 = tpu.vector_load %arg9[%swap3A_1426] {strides = array<i32>} : memref<6256xi32, #tpu.memory_space<vmem>>, vector<16xi32>,
      tpu.vector_store %arg9[%swap3A_1426], %broadcast_in_dim3A_1425 {strides = array<i32>} : memref<6256xi32, #tpu.memory_space<vmem>>, vector<16xi32>,
      %swap3A_1428 = arith.constant 6176 : index
      %swap3A_1429 = tpu.vector_load %arg9[%swap3A_1428] {strides = array<i32>} : memref<6256xi32, #tpu.memory_space<vmem>>, vector<16xi32>,
      tpu.vector_store %arg9[%swap3A_1428], %broadcast_in_dim3A_1425 {strides = array<i32>} : memref<6256xi32, #tpu.memory_space<vmem>>, vector<16xi32>,
      %swap3A_1430 = arith.constant 6192 : index
      %swap3A_1431 = tpu.vector_load %arg9[%swap3A_1430] {strides = array<i32>} : memref<6256xi32, #tpu.memory_space<vmem>>, vector<16xi32>,
      tpu.vector_store %arg9[%swap3A_1430], %broadcast_in_dim3A_1425 {strides = array<i32>} : memref<6256xi32, #tpu.memory_space<vmem>>, vector<16xi32>,
      %swap3A_1432 = arith.constant 6208 : index
      %swap3A_1433 = tpu.vector_load %arg9[%swap3A_1432] {strides = array<i32>} : memref<6256xi32, #tpu.memory_space<vmem>>, vector<16xi32>,
      tpu.vector_store %arg9[%swap3A_1432], %broadcast_in_dim3A_1425 {strides = array<i32>} : memref<6256xi32, #tpu.memory_space<vmem>>, vector<16xi32>,
      %swap3A_1434 = arith.constant 6224 : index
      %swap3A_1435 = tpu.vector_load %arg9[%swap3A_1434] {strides = array<i32>} : memref<6256xi32, #tpu.memory_space<vmem>>, vector<16xi32>,
      tpu.vector_store %arg9[%swap3A_1434], %broadcast_in_dim3A_1425 {strides = array<i32>} : memref<6256xi32, #tpu.memory_space<vmem>>, vector<16xi32>,
      %swap3A_1436 = arith.constant 6240 : index
      %swap3A_1437 = tpu.vector_load %arg9[%swap3A_1436] {strides = array<i32>} : memref<6256xi32, #tpu.memory_space<vmem>>, vector<16xi32>,
      tpu.vector_store %arg9[%swap3A_1436], %broadcast_in_dim3A_1425 {strides = array<i32>} : memref<6256xi32, #tpu.memory_space<vmem>>, vector<16xi32>,
      %scan3A_1438 = arith.constant 0 : i32
      %scan3A_1439 = arith.constant 0 : i32
      %scan3A_1440 = arith.constant 32 : i32
      %scan3A_1441 = arith.addi %scan3A_1439, %scan3A_1440 : i32
      %scan3A_1442 = arith.constant 1 : i32
      %scan3A_1443 = scf.for %scan3A_1450 = %scan3A_1439 to %scan3A_1441 step %scan3A_1442 iter_args(%scan3A_1451 = %scan3A_1438) -> (i32)  : i32 {
        %mul3A_1452 = arith.constant 8 : i32
        %mul3A_1453 = arith.muli %scan3A_1450, %mul3A_1452 : i32
        %add3A_1454 = arith.constant 0 : i32
        %add3A_1455 = arith.addi %mul3A_1453, %add3A_1454 : i32
        %mul3A_1456 = arith.constant 16 : i32
        %mul3A_1457 = arith.muli %add3A_1455, %mul3A_1456 : i32
        %swap3A_1458 = arith.index_cast %mul3A_1457 : i32 to index
        %swap3A_1459 = tpu.vector_load %arg11[%swap3A_1458] {strides = array<i32>} : memref<4096xi32, #tpu.memory_space<vmem>>, vector<16xi32>,
        tpu.vector_store %arg11[%swap3A_1458], %broadcast_in_dim3A_2 {strides = array<i32>} : memref<4096xi32, #tpu.memory_space<vmem>>, vector<16xi32>,
        %mul3A_1460 = arith.constant 8 : i32
        %mul3A_1461 = arith.muli %scan3A_1450, %mul3A_1460 : i32
        %add3A_1462 = arith.constant 1 : i32
        %add3A_1463 = arith.addi %mul3A_1461, %add3A_1462 : i32
        %mul3A_1464 = arith.constant 16 : i32
        %mul3A_1465 = arith.muli %add3A_1463, %mul3A_1464 : i32
        %swap3A_1466 = arith.index_cast %mul3A_1465 : i32 to index
        %swap3A_1467 = tpu.vector_load %arg11[%swap3A_1466] {strides = array<i32>} : memref<4096xi32, #tpu.memory_space<vmem>>, vector<16xi32>,
        tpu.vector_store %arg11[%swap3A_1466], %broadcast_in_dim3A_2 {strides = array<i32>} : memref<4096xi32, #tpu.memory_space<vmem>>, vector<16xi32>,
        %mul3A_1468 = arith.constant 8 : i32
        %mul3A_1469 = arith.muli %scan3A_1450, %mul3A_1468 : i32
        %add3A_1470 = arith.constant 2 : i32
        %add3A_1471 = arith.addi %mul3A_1469, %add3A_1470 : i32
        %mul3A_1472 = arith.constant 16 : i32
        %mul3A_1473 = arith.muli %add3A_1471, %mul3A_1472 : i32
        %swap3A_1474 = arith.index_cast %mul3A_1473 : i32 to index
        %swap3A_1475 = tpu.vector_load %arg11[%swap3A_1474] {strides = array<i32>} : memref<4096xi32, #tpu.memory_space<vmem>>, vector<16xi32>,
        tpu.vector_store %arg11[%swap3A_1474], %broadcast_in_dim3A_2 {strides = array<i32>} : memref<4096xi32, #tpu.memory_space<vmem>>, vector<16xi32>,
        %mul3A_1476 = arith.constant 8 : i32
        %mul3A_1477 = arith.muli %scan3A_1450, %mul3A_1476 : i32
        %add3A_1478 = arith.constant 3 : i32
        %add3A_1479 = arith.addi %mul3A_1477, %add3A_1478 : i32
        %mul3A_1480 = arith.constant 16 : i32
        %mul3A_1481 = arith.muli %add3A_1479, %mul3A_1480 : i32
        %swap3A_1482 = arith.index_cast %mul3A_1481 : i32 to index
        %swap3A_1483 = tpu.vector_load %arg11[%swap3A_1482] {strides = array<i32>} : memref<4096xi32, #tpu.memory_space<vmem>>, vector<16xi32>,
        tpu.vector_store %arg11[%swap3A_1482], %broadcast_in_dim3A_2 {strides = array<i32>} : memref<4096xi32, #tpu.memory_space<vmem>>, vector<16xi32>,
        %mul3A_1484 = arith.constant 8 : i32
        %mul3A_1485 = arith.muli %scan3A_1450, %mul3A_1484 : i32
        %add3A_1486 = arith.constant 4 : i32
        %add3A_1487 = arith.addi %mul3A_1485, %add3A_1486 : i32
        %mul3A_1488 = arith.constant 16 : i32
        %mul3A_1489 = arith.muli %add3A_1487, %mul3A_1488 : i32
        %swap3A_1490 = arith.index_cast %mul3A_1489 : i32 to index
        %swap3A_1491 = tpu.vector_load %arg11[%swap3A_1490] {strides = array<i32>} : memref<4096xi32, #tpu.memory_space<vmem>>, vector<16xi32>,
        tpu.vector_store %arg11[%swap3A_1490], %broadcast_in_dim3A_2 {strides = array<i32>} : memref<4096xi32, #tpu.memory_space<vmem>>, vector<16xi32>,
        %mul3A_1492 = arith.constant 8 : i32
        %mul3A_1493 = arith.muli %scan3A_1450, %mul3A_1492 : i32
        %add3A_1494 = arith.constant 5 : i32
        %add3A_1495 = arith.addi %mul3A_1493, %add3A_1494 : i32
        %mul3A_1496 = arith.constant 16 : i32
        %mul3A_1497 = arith.muli %add3A_1495, %mul3A_1496 : i32
        %swap3A_1498 = arith.index_cast %mul3A_1497 : i32 to index
        %swap3A_1499 = tpu.vector_load %arg11[%swap3A_1498] {strides = array<i32>} : memref<4096xi32, #tpu.memory_space<vmem>>, vector<16xi32>,
        tpu.vector_store %arg11[%swap3A_1498], %broadcast_in_dim3A_2 {strides = array<i32>} : memref<4096xi32, #tpu.memory_space<vmem>>, vector<16xi32>,
        %mul3A_1500 = arith.constant 8 : i32
        %mul3A_1501 = arith.muli %scan3A_1450, %mul3A_1500 : i32
        %add3A_1502 = arith.constant 6 : i32
        %add3A_1503 = arith.addi %mul3A_1501, %add3A_1502 : i32
        %mul3A_1504 = arith.constant 16 : i32
        %mul3A_1505 = arith.muli %add3A_1503, %mul3A_1504 : i32
        %swap3A_1506 = arith.index_cast %mul3A_1505 : i32 to index
        %swap3A_1507 = tpu.vector_load %arg11[%swap3A_1506] {strides = array<i32>} : memref<4096xi32, #tpu.memory_space<vmem>>, vector<16xi32>,
        tpu.vector_store %arg11[%swap3A_1506], %broadcast_in_dim3A_2 {strides = array<i32>} : memref<4096xi32, #tpu.memory_space<vmem>>, vector<16xi32>,
        %mul3A_1508 = arith.constant 8 : i32
        %mul3A_1509 = arith.muli %scan3A_1450, %mul3A_1508 : i32
        %add3A_1510 = arith.constant 7 : i32
        %add3A_1511 = arith.addi %mul3A_1509, %add3A_1510 : i32
        %mul3A_1512 = arith.constant 16 : i32
        %mul3A_1513 = arith.muli %add3A_1511, %mul3A_1512 : i32
        %swap3A_1514 = arith.index_cast %mul3A_1513 : i32 to index
        %swap3A_1515 = tpu.vector_load %arg11[%swap3A_1514] {strides = array<i32>} : memref<4096xi32, #tpu.memory_space<vmem>>, vector<16xi32>,
        tpu.vector_store %arg11[%swap3A_1514], %broadcast_in_dim3A_2 {strides = array<i32>} : memref<4096xi32, #tpu.memory_space<vmem>>, vector<16xi32>,
        %scan3A_1516 = arith.constant 0 : i32
        scf.yield %scan3A_1516 : i32
      }
      %scan3A_1444 = arith.constant 32 : i32
      %dma_wait3A = arith.constant 0 : i32
      %dma_wait3A_1445 = tpu.memref_slice %arg9[%dma_wait3A] : memref<6256xi32, #tpu.memory_space<vmem>> -> memref<6160xi32, #tpu.memory_space<vmem>>
      %dma_wait3A_1446 = tpu.memref_slice %arg2[%mul3A_3] : memref<100000xi32, #tpu.memory_space<hbm>> -> memref<6160xi32, #tpu.memory_space<hbm>>
      %dma_wait3A_1447 = arith.constant 0 : i32
      %dma_wait3A_1448 = tpu.memref_slice %arg9[%dma_wait3A_1447] : memref<6256xi32, #tpu.memory_space<vmem>> -> memref<6160xi32, #tpu.memory_space<vmem>>
      %dma_wait3A_1449 = tpu.memref_slice %arg2[%mul3A_3] : memref<100000xi32, #tpu.memory_space<hbm>> -> memref<6160xi32, #tpu.memory_space<hbm>>
      tpu.wait_dma2 semaphore(%arg33 : memref<!tpu.dma_semaphore, #tpu.memory_space<semaphore_mem>>) src(%dma_wait3A_1449 : memref<6160xi32, #tpu.memory_space<hbm>>) dst(%dma_wait3A_1448 : memref<6160xi32, #tpu.memory_space<vmem>>)
    } else {
    }
    %mul3A_10 = arith.constant 256 : i32
    %mul3A_11 = vector.broadcast %mul3A_10 : i32 to vector<16xi32>
    %mul3A_12 = arith.muli %iota3A, %mul3A_11 : vector<16xi32>
    %add3A = arith.constant 128 : i32
    %add3A_13 = vector.broadcast %add3A : i32 to vector<16xi32>
    %add3A_14 = arith.addi %mul3A_12, %add3A_13 : vector<16xi32>
    %scan3A = arith.constant 0 : i32
    %scan3A_15 = arith.constant 0 : i32
    %scan3A_16 = arith.constant 48 : i32
    %scan3A_17 = arith.addi %scan3A_15, %scan3A_16 : i32
    %scan3A_18 = arith.constant 1 : i32
    %scan3A_19 = scf.for %scan3A_1419 = %scan3A_15 to %scan3A_17 step %scan3A_18 iter_args(%scan3A_1420 = %scan3A) -> (i32)  : i32 {
      %mul3A_1421 = arith.constant 8 : i32
      %mul3A_1422 = arith.muli %scan3A_1419, %mul3A_1421 : i32
      %add3A_1423 = arith.constant 0 : i32
      %add3A_1424 = arith.addi %mul3A_1422, %add3A_1423 : i32
      %mul3A_1425 = arith.constant 16 : i32
      %mul3A_1426 = arith.muli %add3A_1424, %mul3A_1425 : i32
      %get3A_1427 = arith.index_cast %mul3A_1426 : i32 to index
      %get3A_1428 = tpu.vector_load %arg9[%get3A_1427] {strides = array<i32>} : memref<6256xi32, #tpu.memory_space<vmem>>, vector<16xi32>,
      %add3A_1429 = arith.constant 1 : i32
      %add3A_1430 = arith.addi %mul3A_1422, %add3A_1429 : i32
      %mul3A_1431 = arith.constant 16 : i32
      %mul3A_1432 = arith.muli %add3A_1430, %mul3A_1431 : i32
      %get3A_1433 = arith.index_cast %mul3A_1432 : i32 to index
      %get3A_1434 = tpu.vector_load %arg9[%get3A_1433] {strides = array<i32>} : memref<6256xi32, #tpu.memory_space<vmem>>, vector<16xi32>,
      %add3A_1435 = arith.constant 2 : i32
      %add3A_1436 = arith.addi %mul3A_1422, %add3A_1435 : i32
      %mul3A_1437 = arith.constant 16 : i32
      %mul3A_1438 = arith.muli %add3A_1436, %mul3A_1437 : i32
      %get3A_1439 = arith.index_cast %mul3A_1438 : i32 to index
      %get3A_1440 = tpu.vector_load %arg9[%get3A_1439] {strides = array<i32>} : memref<6256xi32, #tpu.memory_space<vmem>>, vector<16xi32>,
      %add3A_1441 = arith.constant 3 : i32
      %add3A_1442 = arith.addi %mul3A_1422, %add3A_1441 : i32
      %mul3A_1443 = arith.constant 16 : i32
      %mul3A_1444 = arith.muli %add3A_1442, %mul3A_1443 : i32
      %get3A_1445 = arith.index_cast %mul3A_1444 : i32 to index
      %get3A_1446 = tpu.vector_load %arg9[%get3A_1445] {strides = array<i32>} : memref<6256xi32, #tpu.memory_space<vmem>>, vector<16xi32>,
      %add3A_1447 = arith.constant 4 : i32
      %add3A_1448 = arith.addi %mul3A_1422, %add3A_1447 : i32
      %mul3A_1449 = arith.constant 16 : i32
      %mul3A_1450 = arith.muli %add3A_1448, %mul3A_1449 : i32
      %get3A_1451 = arith.index_cast %mul3A_1450 : i32 to index
      %get3A_1452 = tpu.vector_load %arg9[%get3A_1451] {strides = array<i32>} : memref<6256xi32, #tpu.memory_space<vmem>>, vector<16xi32>,
      %add3A_1453 = arith.constant 5 : i32
      %add3A_1454 = arith.addi %mul3A_1422, %add3A_1453 : i32
      %mul3A_1455 = arith.constant 16 : i32
      %mul3A_1456 = arith.muli %add3A_1454, %mul3A_1455 : i32
      %get3A_1457 = arith.index_cast %mul3A_1456 : i32 to index
      %get3A_1458 = tpu.vector_load %arg9[%get3A_1457] {strides = array<i32>} : memref<6256xi32, #tpu.memory_space<vmem>>, vector<16xi32>,
      %add3A_1459 = arith.constant 6 : i32
      %add3A_1460 = arith.addi %mul3A_1422, %add3A_1459 : i32
      %mul3A_1461 = arith.constant 16 : i32
      %mul3A_1462 = arith.muli %add3A_1460, %mul3A_1461 : i32
      %get3A_1463 = arith.index_cast %mul3A_1462 : i32 to index
      %get3A_1464 = tpu.vector_load %arg9[%get3A_1463] {strides = array<i32>} : memref<6256xi32, #tpu.memory_space<vmem>>, vector<16xi32>,
      %add3A_1465 = arith.constant 7 : i32
      %add3A_1466 = arith.addi %mul3A_1422, %add3A_1465 : i32
      %mul3A_1467 = arith.constant 16 : i32
      %mul3A_1468 = arith.muli %add3A_1466, %mul3A_1467 : i32
      %get3A_1469 = arith.index_cast %mul3A_1468 : i32 to index
      %get3A_1470 = tpu.vector_load %arg9[%get3A_1469] {strides = array<i32>} : memref<6256xi32, #tpu.memory_space<vmem>>, vector<16xi32>,
      %shift_right_arithmetic3A_1471 = arith.constant 31 : i32
      %shift_right_arithmetic3A_1472 = vector.broadcast %shift_right_arithmetic3A_1471 : i32 to vector<16xi32>
      %shift_right_arithmetic3A_1473 = arith.shrsi %get3A_1428, %shift_right_arithmetic3A_1472 : vector<16xi32>
      %shift_right_arithmetic3A_1474 = arith.constant 31 : i32
      %shift_right_arithmetic3A_1475 = vector.broadcast %shift_right_arithmetic3A_1474 : i32 to vector<16xi32>
      %shift_right_arithmetic3A_1476 = arith.shrsi %get3A_1434, %shift_right_arithmetic3A_1475 : vector<16xi32>
      %shift_right_arithmetic3A_1477 = arith.constant 31 : i32
      %shift_right_arithmetic3A_1478 = vector.broadcast %shift_right_arithmetic3A_1477 : i32 to vector<16xi32>
      %shift_right_arithmetic3A_1479 = arith.shrsi %get3A_1440, %shift_right_arithmetic3A_1478 : vector<16xi32>
      %shift_right_arithmetic3A_1480 = arith.constant 31 : i32
      %shift_right_arithmetic3A_1481 = vector.broadcast %shift_right_arithmetic3A_1480 : i32 to vector<16xi32>
      %shift_right_arithmetic3A_1482 = arith.shrsi %get3A_1446, %shift_right_arithmetic3A_1481 : vector<16xi32>
      %shift_right_arithmetic3A_1483 = arith.constant 31 : i32
      %shift_right_arithmetic3A_1484 = vector.broadcast %shift_right_arithmetic3A_1483 : i32 to vector<16xi32>
      %shift_right_arithmetic3A_1485 = arith.shrsi %get3A_1452, %shift_right_arithmetic3A_1484 : vector<16xi32>
      %shift_right_arithmetic3A_1486 = arith.constant 31 : i32
      %shift_right_arithmetic3A_1487 = vector.broadcast %shift_right_arithmetic3A_1486 : i32 to vector<16xi32>
      %shift_right_arithmetic3A_1488 = arith.shrsi %get3A_1458, %shift_right_arithmetic3A_1487 : vector<16xi32>
      %shift_right_arithmetic3A_1489 = arith.constant 31 : i32
      %shift_right_arithmetic3A_1490 = vector.broadcast %shift_right_arithmetic3A_1489 : i32 to vector<16xi32>
      %shift_right_arithmetic3A_1491 = arith.shrsi %get3A_1464, %shift_right_arithmetic3A_1490 : vector<16xi32>
      %shift_right_arithmetic3A_1492 = arith.constant 31 : i32
      %shift_right_arithmetic3A_1493 = vector.broadcast %shift_right_arithmetic3A_1492 : i32 to vector<16xi32>
      %shift_right_arithmetic3A_1494 = arith.shrsi %get3A_1470, %shift_right_arithmetic3A_1493 : vector<16xi32>
      %and3A_1495 = arith.constant 2147483647 : i32
      %and3A_1496 = vector.broadcast %and3A_1495 : i32 to vector<16xi32>
      %and3A_1497 = arith.andi %shift_right_arithmetic3A_1473, %and3A_1496 : vector<16xi32>
      %and3A_1498 = arith.constant 2147483647 : i32
      %and3A_1499 = vector.broadcast %and3A_1498 : i32 to vector<16xi32>
      %and3A_1500 = arith.andi %shift_right_arithmetic3A_1476, %and3A_1499 : vector<16xi32>
      %and3A_1501 = arith.constant 2147483647 : i32
      %and3A_1502 = vector.broadcast %and3A_1501 : i32 to vector<16xi32>
      %and3A_1503 = arith.andi %shift_right_arithmetic3A_1479, %and3A_1502 : vector<16xi32>
      %and3A_1504 = arith.constant 2147483647 : i32
      %and3A_1505 = vector.broadcast %and3A_1504 : i32 to vector<16xi32>
      %and3A_1506 = arith.andi %shift_right_arithmetic3A_1482, %and3A_1505 : vector<16xi32>
      %and3A_1507 = arith.constant 2147483647 : i32
      %and3A_1508 = vector.broadcast %and3A_1507 : i32 to vector<16xi32>
      %and3A_1509 = arith.andi %shift_right_arithmetic3A_1485, %and3A_1508 : vector<16xi32>
      %and3A_1510 = arith.constant 2147483647 : i32
      %and3A_1511 = vector.broadcast %and3A_1510 : i32 to vector<16xi32>
      %and3A_1512 = arith.andi %shift_right_arithmetic3A_1488, %and3A_1511 : vector<16xi32>
      %and3A_1513 = arith.constant 2147483647 : i32
      %and3A_1514 = vector.broadcast %and3A_1513 : i32 to vector<16xi32>
      %and3A_1515 = arith.andi %shift_right_arithmetic3A_1491, %and3A_1514 : vector<16xi32>
      %and3A_1516 = arith.constant 2147483647 : i32
      %and3A_1517 = vector.broadcast %and3A_1516 : i32 to vector<16xi32>
      %and3A_1518 = arith.andi %shift_right_arithmetic3A_1494, %and3A_1517 : vector<16xi32>
      %xor3A_1519 = arith.xori %get3A_1428, %and3A_1497 : vector<16xi32>
      %xor3A_1520 = arith.xori %get3A_1434, %and3A_1500 : vector<16xi32>
      %xor3A_1521 = arith.xori %get3A_1440, %and3A_1503 : vector<16xi32>
      %xor3A_1522 = arith.xori %get3A_1446, %and3A_1506 : vector<16xi32>
      %xor3A_1523 = arith.xori %get3A_1452, %and3A_1509 : vector<16xi32>
      %xor3A_1524 = arith.xori %get3A_1458, %and3A_1512 : vector<16xi32>
      %xor3A_1525 = arith.xori %get3A_1464, %and3A_1515 : vector<16xi32>
      %xor3A_1526 = arith.xori %get3A_1470, %and3A_1518 : vector<16xi32>
      %shift_right_arithmetic3A_1527 = arith.constant 24 : i32
      %shift_right_arithmetic3A_1528 = vector.broadcast %shift_right_arithmetic3A_1527 : i32 to vector<16xi32>
      %shift_right_arithmetic3A_1529 = arith.shrsi %xor3A_1519, %shift_right_arithmetic3A_1528 : vector<16xi32>
      %add3A_1530 = arith.addi %shift_right_arithmetic3A_1529, %add3A_14 : vector<16xi32>
      %shift_right_arithmetic3A_1531 = arith.constant 24 : i32
      %shift_right_arithmetic3A_1532 = vector.broadcast %shift_right_arithmetic3A_1531 : i32 to vector<16xi32>
      %shift_right_arithmetic3A_1533 = arith.shrsi %xor3A_1520, %shift_right_arithmetic3A_1532 : vector<16xi32>
      %add3A_1534 = arith.addi %shift_right_arithmetic3A_1533, %add3A_14 : vector<16xi32>
      %shift_right_arithmetic3A_1535 = arith.constant 24 : i32
      %shift_right_arithmetic3A_1536 = vector.broadcast %shift_right_arithmetic3A_1535 : i32 to vector<16xi32>
      %shift_right_arithmetic3A_1537 = arith.shrsi %xor3A_1521, %shift_right_arithmetic3A_1536 : vector<16xi32>
      %add3A_1538 = arith.addi %shift_right_arithmetic3A_1537, %add3A_14 : vector<16xi32>
      %shift_right_arithmetic3A_1539 = arith.constant 24 : i32
      %shift_right_arithmetic3A_1540 = vector.broadcast %shift_right_arithmetic3A_1539 : i32 to vector<16xi32>
      %shift_right_arithmetic3A_1541 = arith.shrsi %xor3A_1522, %shift_right_arithmetic3A_1540 : vector<16xi32>
      %add3A_1542 = arith.addi %shift_right_arithmetic3A_1541, %add3A_14 : vector<16xi32>
      %shift_right_arithmetic3A_1543 = arith.constant 24 : i32
      %shift_right_arithmetic3A_1544 = vector.broadcast %shift_right_arithmetic3A_1543 : i32 to vector<16xi32>
      %shift_right_arithmetic3A_1545 = arith.shrsi %xor3A_1523, %shift_right_arithmetic3A_1544 : vector<16xi32>
      %add3A_1546 = arith.addi %shift_right_arithmetic3A_1545, %add3A_14 : vector<16xi32>
      %shift_right_arithmetic3A_1547 = arith.constant 24 : i32
      %shift_right_arithmetic3A_1548 = vector.broadcast %shift_right_arithmetic3A_1547 : i32 to vector<16xi32>
      %shift_right_arithmetic3A_1549 = arith.shrsi %xor3A_1524, %shift_right_arithmetic3A_1548 : vector<16xi32>
      %add3A_1550 = arith.addi %shift_right_arithmetic3A_1549, %add3A_14 : vector<16xi32>
      %shift_right_arithmetic3A_1551 = arith.constant 24 : i32
      %shift_right_arithmetic3A_1552 = vector.broadcast %shift_right_arithmetic3A_1551 : i32 to vector<16xi32>
      %shift_right_arithmetic3A_1553 = arith.shrsi %xor3A_1525, %shift_right_arithmetic3A_1552 : vector<16xi32>
      %add3A_1554 = arith.addi %shift_right_arithmetic3A_1553, %add3A_14 : vector<16xi32>
      %shift_right_arithmetic3A_1555 = arith.constant 24 : i32
      %shift_right_arithmetic3A_1556 = vector.broadcast %shift_right_arithmetic3A_1555 : i32 to vector<16xi32>
      %shift_right_arithmetic3A_1557 = arith.shrsi %xor3A_1526, %shift_right_arithmetic3A_1556 : vector<16xi32>
      %add3A_1558 = arith.addi %shift_right_arithmetic3A_1557, %add3A_14 : vector<16xi32>
      %add3A_1559 = arith.constant 0 : i32
      %add3A_1560 = arith.addi %mul3A_1422, %add3A_1559 : i32
      %mul3A_1561 = arith.constant 16 : i32
      %mul3A_1562 = arith.muli %add3A_1560, %mul3A_1561 : i32
      %swap3A_1563 = arith.index_cast %mul3A_1562 : i32 to index
      %swap3A_1564 = tpu.vector_load %arg10[%swap3A_1563] {strides = array<i32>} : memref<6272xi32, #tpu.memory_space<vmem>>, vector<16xi32>,
      tpu.vector_store %arg10[%swap3A_1563], %xor3A_1519 {strides = array<i32>} : memref<6272xi32, #tpu.memory_space<vmem>>, vector<16xi32>,
      %add3A_1565 = arith.constant 1 : i32
      %add3A_1566 = arith.addi %mul3A_1422, %add3A_1565 : i32
      %mul3A_1567 = arith.constant 16 : i32
      %mul3A_1568 = arith.muli %add3A_1566, %mul3A_1567 : i32
      %swap3A_1569 = arith.index_cast %mul3A_1568 : i32 to index
      %swap3A_1570 = tpu.vector_load %arg10[%swap3A_1569] {strides = array<i32>} : memref<6272xi32, #tpu.memory_space<vmem>>, vector<16xi32>,
      tpu.vector_store %arg10[%swap3A_1569], %xor3A_1520 {strides = array<i32>} : memref<6272xi32, #tpu.memory_space<vmem>>, vector<16xi32>,
      %add3A_1571 = arith.constant 2 : i32
      %add3A_1572 = arith.addi %mul3A_1422, %add3A_1571 : i32
      %mul3A_1573 = arith.constant 16 : i32
      %mul3A_1574 = arith.muli %add3A_1572, %mul3A_1573 : i32
      %swap3A_1575 = arith.index_cast %mul3A_1574 : i32 to index
      %swap3A_1576 = tpu.vector_load %arg10[%swap3A_1575] {strides = array<i32>} : memref<6272xi32, #tpu.memory_space<vmem>>, vector<16xi32>,
      tpu.vector_store %arg10[%swap3A_1575], %xor3A_1521 {strides = array<i32>} : memref<6272xi32, #tpu.memory_space<vmem>>, vector<16xi32>,
      %add3A_1577 = arith.constant 3 : i32
      %add3A_1578 = arith.addi %mul3A_1422, %add3A_1577 : i32
      %mul3A_1579 = arith.constant 16 : i32
      %mul3A_1580 = arith.muli %add3A_1578, %mul3A_1579 : i32
      %swap3A_1581 = arith.index_cast %mul3A_1580 : i32 to index
      %swap3A_1582 = tpu.vector_load %arg10[%swap3A_1581] {strides = array<i32>} : memref<6272xi32, #tpu.memory_space<vmem>>, vector<16xi32>,
      tpu.vector_store %arg10[%swap3A_1581], %xor3A_1522 {strides = array<i32>} : memref<6272xi32, #tpu.memory_space<vmem>>, vector<16xi32>,
      %add3A_1583 = arith.constant 4 : i32
      %add3A_1584 = arith.addi %mul3A_1422, %add3A_1583 : i32
      %mul3A_1585 = arith.constant 16 : i32
      %mul3A_1586 = arith.muli %add3A_1584, %mul3A_1585 : i32
      %swap3A_1587 = arith.index_cast %mul3A_1586 : i32 to index
      %swap3A_1588 = tpu.vector_load %arg10[%swap3A_1587] {strides = array<i32>} : memref<6272xi32, #tpu.memory_space<vmem>>, vector<16xi32>,
      tpu.vector_store %arg10[%swap3A_1587], %xor3A_1523 {strides = array<i32>} : memref<6272xi32, #tpu.memory_space<vmem>>, vector<16xi32>,
      %add3A_1589 = arith.constant 5 : i32
      %add3A_1590 = arith.addi %mul3A_1422, %add3A_1589 : i32
      %mul3A_1591 = arith.constant 16 : i32
      %mul3A_1592 = arith.muli %add3A_1590, %mul3A_1591 : i32
      %swap3A_1593 = arith.index_cast %mul3A_1592 : i32 to index
      %swap3A_1594 = tpu.vector_load %arg10[%swap3A_1593] {strides = array<i32>} : memref<6272xi32, #tpu.memory_space<vmem>>, vector<16xi32>,
      tpu.vector_store %arg10[%swap3A_1593], %xor3A_1524 {strides = array<i32>} : memref<6272xi32, #tpu.memory_space<vmem>>, vector<16xi32>,
      %add3A_1595 = arith.constant 6 : i32
      %add3A_1596 = arith.addi %mul3A_1422, %add3A_1595 : i32
      %mul3A_1597 = arith.constant 16 : i32
      %mul3A_1598 = arith.muli %add3A_1596, %mul3A_1597 : i32
      %swap3A_1599 = arith.index_cast %mul3A_1598 : i32 to index
      %swap3A_1600 = tpu.vector_load %arg10[%swap3A_1599] {strides = array<i32>} : memref<6272xi32, #tpu.memory_space<vmem>>, vector<16xi32>,
      tpu.vector_store %arg10[%swap3A_1599], %xor3A_1525 {strides = array<i32>} : memref<6272xi32, #tpu.memory_space<vmem>>, vector<16xi32>,
      %add3A_1601 = arith.constant 7 : i32
      %add3A_1602 = arith.addi %mul3A_1422, %add3A_1601 : i32
      %mul3A_1603 = arith.constant 16 : i32
      %mul3A_1604 = arith.muli %add3A_1602, %mul3A_1603 : i32
      %swap3A_1605 = arith.index_cast %mul3A_1604 : i32 to index
      %swap3A_1606 = tpu.vector_load %arg10[%swap3A_1605] {strides = array<i32>} : memref<6272xi32, #tpu.memory_space<vmem>>, vector<16xi32>,
      tpu.vector_store %arg10[%swap3A_1605], %xor3A_1526 {strides = array<i32>} : memref<6272xi32, #tpu.memory_space<vmem>>, vector<16xi32>,
      tpu.vector_store_idx %arg11[%add3A_1530], %broadcast_in_dim3A_0 {add = true} : memref<4096xi32, #tpu.memory_space<vmem>>[vector<16xi32>], vector<16xi32>,
      tpu.vector_store_idx %arg11[%add3A_1534], %broadcast_in_dim3A_0 {add = true} : memref<4096xi32, #tpu.memory_space<vmem>>[vector<16xi32>], vector<16xi32>,
      tpu.vector_store_idx %arg11[%add3A_1538], %broadcast_in_dim3A_0 {add = true} : memref<4096xi32, #tpu.memory_space<vmem>>[vector<16xi32>], vector<16xi32>,
      tpu.vector_store_idx %arg11[%add3A_1542], %broadcast_in_dim3A_0 {add = true} : memref<4096xi32, #tpu.memory_space<vmem>>[vector<16xi32>], vector<16xi32>,
      tpu.vector_store_idx %arg11[%add3A_1546], %broadcast_in_dim3A_0 {add = true} : memref<4096xi32, #tpu.memory_space<vmem>>[vector<16xi32>], vector<16xi32>,
      tpu.vector_store_idx %arg11[%add3A_1550], %broadcast_in_dim3A_0 {add = true} : memref<4096xi32, #tpu.memory_space<vmem>>[vector<16xi32>], vector<16xi32>,
      tpu.vector_store_idx %arg11[%add3A_1554], %broadcast_in_dim3A_0 {add = true} : memref<4096xi32, #tpu.memory_space<vmem>>[vector<16xi32>], vector<16xi32>,
      tpu.vector_store_idx %arg11[%add3A_1558], %broadcast_in_dim3A_0 {add = true} : memref<4096xi32, #tpu.memory_space<vmem>>[vector<16xi32>], vector<16xi32>,
      %scan3A_1607 = arith.constant 0 : i32
      scf.yield %scan3A_1607 : i32
    }
    %scan3A_20 = arith.constant 48 : i32
    %get3A = arith.constant 6144 : index
    %get3A_21 = tpu.vector_load %arg9[%get3A] {strides = array<i32>} : memref<6256xi32, #tpu.memory_space<vmem>>, vector<16xi32>,
    %shift_right_arithmetic3A = arith.constant 31 : i32
    %shift_right_arithmetic3A_22 = vector.broadcast %shift_right_arithmetic3A : i32 to vector<16xi32>
    %shift_right_arithmetic3A_23 = arith.shrsi %get3A_21, %shift_right_arithmetic3A_22 : vector<16xi32>
    %and3A = arith.constant 2147483647 : i32
    %and3A_24 = vector.broadcast %and3A : i32 to vector<16xi32>
    %and3A_25 = arith.andi %shift_right_arithmetic3A_23, %and3A_24 : vector<16xi32>
    %xor3A = arith.xori %get3A_21, %and3A_25 : vector<16xi32>
    %swap3A = arith.constant 6144 : index
    %swap3A_26 = tpu.vector_load %arg10[%swap3A] {strides = array<i32>} : memref<6272xi32, #tpu.memory_space<vmem>>, vector<16xi32>,
    tpu.vector_store %arg10[%swap3A], %xor3A {strides = array<i32>} : memref<6272xi32, #tpu.memory_space<vmem>>, vector<16xi32>,
    %shift_right_arithmetic3A_27 = arith.constant 24 : i32
    %shift_right_arithmetic3A_28 = vector.broadcast %shift_right_arithmetic3A_27 : i32 to vector<16xi32>
    %shift_right_arithmetic3A_29 = arith.shrsi %xor3A, %shift_right_arithmetic3A_28 : vector<16xi32>
    %add3A_30 = arith.addi %shift_right_arithmetic3A_29, %add3A_14 : vector<16xi32>
    tpu.vector_store_idx %arg11[%add3A_30], %broadcast_in_dim3A_0 {add = true} : memref<4096xi32, #tpu.memory_space<vmem>>[vector<16xi32>], vector<16xi32>,
    %get3A_31 = arith.constant 6160 : index
    %get3A_32 = tpu.vector_load %arg9[%get3A_31] {strides = array<i32>} : memref<6256xi32, #tpu.memory_space<vmem>>, vector<16xi32>,
    %shift_right_arithmetic3A_33 = arith.constant 31 : i32
    %shift_right_arithmetic3A_34 = vector.broadcast %shift_right_arithmetic3A_33 : i32 to vector<16xi32>
    %shift_right_arithmetic3A_35 = arith.shrsi %get3A_32, %shift_right_arithmetic3A_34 : vector<16xi32>
    %and3A_36 = arith.constant 2147483647 : i32
    %and3A_37 = vector.broadcast %and3A_36 : i32 to vector<16xi32>
    %and3A_38 = arith.andi %shift_right_arithmetic3A_35, %and3A_37 : vector<16xi32>
    %xor3A_39 = arith.xori %get3A_32, %and3A_38 : vector<16xi32>
    %swap3A_40 = arith.constant 6160 : index
    %swap3A_41 = tpu.vector_load %arg10[%swap3A_40] {strides = array<i32>} : memref<6272xi32, #tpu.memory_space<vmem>>, vector<16xi32>,
    tpu.vector_store %arg10[%swap3A_40], %xor3A_39 {strides = array<i32>} : memref<6272xi32, #tpu.memory_space<vmem>>, vector<16xi32>,
    %shift_right_arithmetic3A_42 = arith.constant 24 : i32
    %shift_right_arithmetic3A_43 = vector.broadcast %shift_right_arithmetic3A_42 : i32 to vector<16xi32>
    %shift_right_arithmetic3A_44 = arith.shrsi %xor3A_39, %shift_right_arithmetic3A_43 : vector<16xi32>
    %add3A_45 = arith.addi %shift_right_arithmetic3A_44, %add3A_14 : vector<16xi32>
    tpu.vector_store_idx %arg11[%add3A_45], %broadcast_in_dim3A_0 {add = true} : memref<4096xi32, #tpu.memory_space<vmem>>[vector<16xi32>], vector<16xi32>,
    %get3A_46 = arith.constant 6176 : index
    %get3A_47 = tpu.vector_load %arg9[%get3A_46] {strides = array<i32>} : memref<6256xi32, #tpu.memory_space<vmem>>, vector<16xi32>,
    %shift_right_arithmetic3A_48 = arith.constant 31 : i32
    %shift_right_arithmetic3A_49 = vector.broadcast %shift_right_arithmetic3A_48 : i32 to vector<16xi32>
    %shift_right_arithmetic3A_50 = arith.shrsi %get3A_47, %shift_right_arithmetic3A_49 : vector<16xi32>
    %and3A_51 = arith.constant 2147483647 : i32
    %and3A_52 = vector.broadcast %and3A_51 : i32 to vector<16xi32>
    %and3A_53 = arith.andi %shift_right_arithmetic3A_50, %and3A_52 : vector<16xi32>
    %xor3A_54 = arith.xori %get3A_47, %and3A_53 : vector<16xi32>
    %swap3A_55 = arith.constant 6176 : index
    %swap3A_56 = tpu.vector_load %arg10[%swap3A_55] {strides = array<i32>} : memref<6272xi32, #tpu.memory_space<vmem>>, vector<16xi32>,
    tpu.vector_store %arg10[%swap3A_55], %xor3A_54 {strides = array<i32>} : memref<6272xi32, #tpu.memory_space<vmem>>, vector<16xi32>,
    %shift_right_arithmetic3A_57 = arith.constant 24 : i32
    %shift_right_arithmetic3A_58 = vector.broadcast %shift_right_arithmetic3A_57 : i32 to vector<16xi32>
    %shift_right_arithmetic3A_59 = arith.shrsi %xor3A_54, %shift_right_arithmetic3A_58 : vector<16xi32>
    %add3A_60 = arith.addi %shift_right_arithmetic3A_59, %add3A_14 : vector<16xi32>
    tpu.vector_store_idx %arg11[%add3A_60], %broadcast_in_dim3A_0 {add = true} : memref<4096xi32, #tpu.memory_space<vmem>>[vector<16xi32>], vector<16xi32>,
    %get3A_61 = arith.constant 6192 : index
    %get3A_62 = tpu.vector_load %arg9[%get3A_61] {strides = array<i32>} : memref<6256xi32, #tpu.memory_space<vmem>>, vector<16xi32>,
    %shift_right_arithmetic3A_63 = arith.constant 31 : i32
    %shift_right_arithmetic3A_64 = vector.broadcast %shift_right_arithmetic3A_63 : i32 to vector<16xi32>
    %shift_right_arithmetic3A_65 = arith.shrsi %get3A_62, %shift_right_arithmetic3A_64 : vector<16xi32>
    %and3A_66 = arith.constant 2147483647 : i32
    %and3A_67 = vector.broadcast %and3A_66 : i32 to vector<16xi32>
    %and3A_68 = arith.andi %shift_right_arithmetic3A_65, %and3A_67 : vector<16xi32>
    %xor3A_69 = arith.xori %get3A_62, %and3A_68 : vector<16xi32>
    %swap3A_70 = arith.constant 6192 : index
    %swap3A_71 = tpu.vector_load %arg10[%swap3A_70] {strides = array<i32>} : memref<6272xi32, #tpu.memory_space<vmem>>, vector<16xi32>,
    tpu.vector_store %arg10[%swap3A_70], %xor3A_69 {strides = array<i32>} : memref<6272xi32, #tpu.memory_space<vmem>>, vector<16xi32>,
    %shift_right_arithmetic3A_72 = arith.constant 24 : i32
    %shift_right_arithmetic3A_73 = vector.broadcast %shift_right_arithmetic3A_72 : i32 to vector<16xi32>
    %shift_right_arithmetic3A_74 = arith.shrsi %xor3A_69, %shift_right_arithmetic3A_73 : vector<16xi32>
    %add3A_75 = arith.addi %shift_right_arithmetic3A_74, %add3A_14 : vector<16xi32>
    tpu.vector_store_idx %arg11[%add3A_75], %broadcast_in_dim3A_0 {add = true} : memref<4096xi32, #tpu.memory_space<vmem>>[vector<16xi32>], vector<16xi32>,
    %get3A_76 = arith.constant 6208 : index
    %get3A_77 = tpu.vector_load %arg9[%get3A_76] {strides = array<i32>} : memref<6256xi32, #tpu.memory_space<vmem>>, vector<16xi32>,
    %shift_right_arithmetic3A_78 = arith.constant 31 : i32
    %shift_right_arithmetic3A_79 = vector.broadcast %shift_right_arithmetic3A_78 : i32 to vector<16xi32>
    %shift_right_arithmetic3A_80 = arith.shrsi %get3A_77, %shift_right_arithmetic3A_79 : vector<16xi32>
    %and3A_81 = arith.constant 2147483647 : i32
    %and3A_82 = vector.broadcast %and3A_81 : i32 to vector<16xi32>
    %and3A_83 = arith.andi %shift_right_arithmetic3A_80, %and3A_82 : vector<16xi32>
    %xor3A_84 = arith.xori %get3A_77, %and3A_83 : vector<16xi32>
    %swap3A_85 = arith.constant 6208 : index
    %swap3A_86 = tpu.vector_load %arg10[%swap3A_85] {strides = array<i32>} : memref<6272xi32, #tpu.memory_space<vmem>>, vector<16xi32>,
    tpu.vector_store %arg10[%swap3A_85], %xor3A_84 {strides = array<i32>} : memref<6272xi32, #tpu.memory_space<vmem>>, vector<16xi32>,
    %shift_right_arithmetic3A_87 = arith.constant 24 : i32
    %shift_right_arithmetic3A_88 = vector.broadcast %shift_right_arithmetic3A_87 : i32 to vector<16xi32>
    %shift_right_arithmetic3A_89 = arith.shrsi %xor3A_84, %shift_right_arithmetic3A_88 : vector<16xi32>
    %add3A_90 = arith.addi %shift_right_arithmetic3A_89, %add3A_14 : vector<16xi32>
    tpu.vector_store_idx %arg11[%add3A_90], %broadcast_in_dim3A_0 {add = true} : memref<4096xi32, #tpu.memory_space<vmem>>[vector<16xi32>], vector<16xi32>,
    %get3A_91 = arith.constant 6224 : index
    %get3A_92 = tpu.vector_load %arg9[%get3A_91] {strides = array<i32>} : memref<6256xi32, #tpu.memory_space<vmem>>, vector<16xi32>,
    %shift_right_arithmetic3A_93 = arith.constant 31 : i32
    %shift_right_arithmetic3A_94 = vector.broadcast %shift_right_arithmetic3A_93 : i32 to vector<16xi32>
    %shift_right_arithmetic3A_95 = arith.shrsi %get3A_92, %shift_right_arithmetic3A_94 : vector<16xi32>
    %and3A_96 = arith.constant 2147483647 : i32
    %and3A_97 = vector.broadcast %and3A_96 : i32 to vector<16xi32>
    %and3A_98 = arith.andi %shift_right_arithmetic3A_95, %and3A_97 : vector<16xi32>
    %xor3A_99 = arith.xori %get3A_92, %and3A_98 : vector<16xi32>
    %swap3A_100 = arith.constant 6224 : index
    %swap3A_101 = tpu.vector_load %arg10[%swap3A_100] {strides = array<i32>} : memref<6272xi32, #tpu.memory_space<vmem>>, vector<16xi32>,
    tpu.vector_store %arg10[%swap3A_100], %xor3A_99 {strides = array<i32>} : memref<6272xi32, #tpu.memory_space<vmem>>, vector<16xi32>,
    %shift_right_arithmetic3A_102 = arith.constant 24 : i32
    %shift_right_arithmetic3A_103 = vector.broadcast %shift_right_arithmetic3A_102 : i32 to vector<16xi32>
    %shift_right_arithmetic3A_104 = arith.shrsi %xor3A_99, %shift_right_arithmetic3A_103 : vector<16xi32>
    %add3A_105 = arith.addi %shift_right_arithmetic3A_104, %add3A_14 : vector<16xi32>
    tpu.vector_store_idx %arg11[%add3A_105], %broadcast_in_dim3A_0 {add = true} : memref<4096xi32, #tpu.memory_space<vmem>>[vector<16xi32>], vector<16xi32>,
    %get3A_106 = arith.constant 6240 : index
    %get3A_107 = tpu.vector_load %arg9[%get3A_106] {strides = array<i32>} : memref<6256xi32, #tpu.memory_space<vmem>>, vector<16xi32>,
    %shift_right_arithmetic3A_108 = arith.constant 31 : i32
    %shift_right_arithmetic3A_109 = vector.broadcast %shift_right_arithmetic3A_108 : i32 to vector<16xi32>
    %shift_right_arithmetic3A_110 = arith.shrsi %get3A_107, %shift_right_arithmetic3A_109 : vector<16xi32>
    %and3A_111 = arith.constant 2147483647 : i32
    %and3A_112 = vector.broadcast %and3A_111 : i32 to vector<16xi32>
    %and3A_113 = arith.andi %shift_right_arithmetic3A_110, %and3A_112 : vector<16xi32>
    %xor3A_114 = arith.xori %get3A_107, %and3A_113 : vector<16xi32>
    %swap3A_115 = arith.constant 6240 : index
    %swap3A_116 = tpu.vector_load %arg10[%swap3A_115] {strides = array<i32>} : memref<6272xi32, #tpu.memory_space<vmem>>, vector<16xi32>,
    tpu.vector_store %arg10[%swap3A_115], %xor3A_114 {strides = array<i32>} : memref<6272xi32, #tpu.memory_space<vmem>>, vector<16xi32>,
    %shift_right_arithmetic3A_117 = arith.constant 24 : i32
    %shift_right_arithmetic3A_118 = vector.broadcast %shift_right_arithmetic3A_117 : i32 to vector<16xi32>
    %shift_right_arithmetic3A_119 = arith.shrsi %xor3A_114, %shift_right_arithmetic3A_118 : vector<16xi32>
    %add3A_120 = arith.addi %shift_right_arithmetic3A_119, %add3A_14 : vector<16xi32>
    tpu.vector_store_idx %arg11[%add3A_120], %broadcast_in_dim3A_0 {add = true} : memref<4096xi32, #tpu.memory_space<vmem>>[vector<16xi32>], vector<16xi32>,
    %broadcast_in_dim3A_121 = arith.constant -2147483648 : i32
    %broadcast_in_dim3A_122 = vector.broadcast %broadcast_in_dim3A_121 : i32 to vector<16xi32>
    %swap3A_123 = arith.constant 6256 : index
    %swap3A_124 = tpu.vector_load %arg10[%swap3A_123] {strides = array<i32>} : memref<6272xi32, #tpu.memory_space<vmem>>, vector<16xi32>,
    tpu.vector_store %arg10[%swap3A_123], %broadcast_in_dim3A_122 {strides = array<i32>} : memref<6272xi32, #tpu.memory_space<vmem>>, vector<16xi32>,
    %scan3A_125 = arith.constant 0 : i32
    %scan3A_126 = arith.constant 0 : i32
    %scan3A_127 = arith.constant 16 : i32
    %scan3A_128 = arith.addi %scan3A_126, %scan3A_127 : i32
    %scan3A_129 = arith.constant 1 : i32
    %scan3A_130 = scf.for %scan3A_1419 = %scan3A_126 to %scan3A_128 step %scan3A_129 iter_args(%scan3A_1420 = %scan3A_125) -> (i32)  : i32 {
      %mul3A_1421 = arith.constant 16 : i32
      %mul3A_1422 = arith.muli %scan3A_1419, %mul3A_1421 : i32
      %get3A_1423 = arith.index_cast %mul3A_1422 : i32 to index
      %get3A_1424 = tpu.vector_load %arg11[%get3A_1423] {strides = array<i32>} : memref<4096xi32, #tpu.memory_space<vmem>>, vector<16xi32>,
      %mul3A_1425 = arith.constant 16 : i32
      %mul3A_1426 = arith.muli %scan3A_1419, %mul3A_1425 : i32
      %swap3A_1427 = arith.index_cast %mul3A_1426 : i32 to index
      %swap3A_1428 = tpu.vector_load %arg11[%swap3A_1427] {strides = array<i32>} : memref<4096xi32, #tpu.memory_space<vmem>>, vector<16xi32>,
      tpu.vector_store %arg11[%swap3A_1427], %broadcast_in_dim3A_2 {strides = array<i32>} : memref<4096xi32, #tpu.memory_space<vmem>>, vector<16xi32>,
      %mul3A_1429 = arith.constant 16 : i32
      %mul3A_1430 = arith.muli %scan3A_1419, %mul3A_1429 : i32
      %add3A_1431 = arith.constant 256 : i32
      %add3A_1432 = arith.addi %add3A_1431, %mul3A_1430 : i32
      %get3A_1433 = arith.index_cast %add3A_1432 : i32 to index
      %get3A_1434 = tpu.vector_load %arg11[%get3A_1433] {strides = array<i32>} : memref<4096xi32, #tpu.memory_space<vmem>>, vector<16xi32>,
      %add3A_1435 = arith.addi %get3A_1424, %get3A_1434 : vector<16xi32>
      %swap3A_1436 = arith.index_cast %add3A_1432 : i32 to index
      %swap3A_1437 = tpu.vector_load %arg11[%swap3A_1436] {strides = array<i32>} : memref<4096xi32, #tpu.memory_space<vmem>>, vector<16xi32>,
      tpu.vector_store %arg11[%swap3A_1436], %broadcast_in_dim3A_2 {strides = array<i32>} : memref<4096xi32, #tpu.memory_space<vmem>>, vector<16xi32>,
      %mul3A_1438 = arith.constant 16 : i32
      %mul3A_1439 = arith.muli %scan3A_1419, %mul3A_1438 : i32
      %add3A_1440 = arith.constant 512 : i32
      %add3A_1441 = arith.addi %add3A_1440, %mul3A_1439 : i32
      %get3A_1442 = arith.index_cast %add3A_1441 : i32 to index
      %get3A_1443 = tpu.vector_load %arg11[%get3A_1442] {strides = array<i32>} : memref<4096xi32, #tpu.memory_space<vmem>>, vector<16xi32>,
      %add3A_1444 = arith.addi %add3A_1435, %get3A_1443 : vector<16xi32>
      %swap3A_1445 = arith.index_cast %add3A_1441 : i32 to index
      %swap3A_1446 = tpu.vector_load %arg11[%swap3A_1445] {strides = array<i32>} : memref<4096xi32, #tpu.memory_space<vmem>>, vector<16xi32>,
      tpu.vector_store %arg11[%swap3A_1445], %broadcast_in_dim3A_2 {strides = array<i32>} : memref<4096xi32, #tpu.memory_space<vmem>>, vector<16xi32>,
      %mul3A_1447 = arith.constant 16 : i32
      %mul3A_1448 = arith.muli %scan3A_1419, %mul3A_1447 : i32
      %add3A_1449 = arith.constant 768 : i32
      %add3A_1450 = arith.addi %add3A_1449, %mul3A_1448 : i32
      %get3A_1451 = arith.index_cast %add3A_1450 : i32 to index
      %get3A_1452 = tpu.vector_load %arg11[%get3A_1451] {strides = array<i32>} : memref<4096xi32, #tpu.memory_space<vmem>>, vector<16xi32>,
      %add3A_1453 = arith.addi %add3A_1444, %get3A_1452 : vector<16xi32>
      %swap3A_1454 = arith.index_cast %add3A_1450 : i32 to index
      %swap3A_1455 = tpu.vector_load %arg11[%swap3A_1454] {strides = array<i32>} : memref<4096xi32, #tpu.memory_space<vmem>>, vector<16xi32>,
      tpu.vector_store %arg11[%swap3A_1454], %broadcast_in_dim3A_2 {strides = array<i32>} : memref<4096xi32, #tpu.memory_space<vmem>>, vector<16xi32>,
      %mul3A_1456 = arith.constant 16 : i32
      %mul3A_1457 = arith.muli %scan3A_1419, %mul3A_1456 : i32
      %add3A_1458 = arith.constant 1024 : i32
      %add3A_1459 = arith.addi %add3A_1458, %mul3A_1457 : i32
      %get3A_1460 = arith.index_cast %add3A_1459 : i32 to index
      %get3A_1461 = tpu.vector_load %arg11[%get3A_1460] {strides = array<i32>} : memref<4096xi32, #tpu.memory_space<vmem>>, vector<16xi32>,
      %add3A_1462 = arith.addi %add3A_1453, %get3A_1461 : vector<16xi32>
      %swap3A_1463 = arith.index_cast %add3A_1459 : i32 to index
      %swap3A_1464 = tpu.vector_load %arg11[%swap3A_1463] {strides = array<i32>} : memref<4096xi32, #tpu.memory_space<vmem>>, vector<16xi32>,
      tpu.vector_store %arg11[%swap3A_1463], %broadcast_in_dim3A_2 {strides = array<i32>} : memref<4096xi32, #tpu.memory_space<vmem>>, vector<16xi32>,
      %mul3A_1465 = arith.constant 16 : i32
      %mul3A_1466 = arith.muli %scan3A_1419, %mul3A_1465 : i32
      %add3A_1467 = arith.constant 1280 : i32
      %add3A_1468 = arith.addi %add3A_1467, %mul3A_1466 : i32
      %get3A_1469 = arith.index_cast %add3A_1468 : i32 to index
      %get3A_1470 = tpu.vector_load %arg11[%get3A_1469] {strides = array<i32>} : memref<4096xi32, #tpu.memory_space<vmem>>, vector<16xi32>,
      %add3A_1471 = arith.addi %add3A_1462, %get3A_1470 : vector<16xi32>
      %swap3A_1472 = arith.index_cast %add3A_1468 : i32 to index
      %swap3A_1473 = tpu.vector_load %arg11[%swap3A_1472] {strides = array<i32>} : memref<4096xi32, #tpu.memory_space<vmem>>, vector<16xi32>,
      tpu.vector_store %arg11[%swap3A_1472], %broadcast_in_dim3A_2 {strides = array<i32>} : memref<4096xi32, #tpu.memory_space<vmem>>, vector<16xi32>,
      %mul3A_1474 = arith.constant 16 : i32
      %mul3A_1475 = arith.muli %scan3A_1419, %mul3A_1474 : i32
      %add3A_1476 = arith.constant 1536 : i32
      %add3A_1477 = arith.addi %add3A_1476, %mul3A_1475 : i32
      %get3A_1478 = arith.index_cast %add3A_1477 : i32 to index
      %get3A_1479 = tpu.vector_load %arg11[%get3A_1478] {strides = array<i32>} : memref<4096xi32, #tpu.memory_space<vmem>>, vector<16xi32>,
      %add3A_1480 = arith.addi %add3A_1471, %get3A_1479 : vector<16xi32>
      %swap3A_1481 = arith.index_cast %add3A_1477 : i32 to index
      %swap3A_1482 = tpu.vector_load %arg11[%swap3A_1481] {strides = array<i32>} : memref<4096xi32, #tpu.memory_space<vmem>>, vector<16xi32>,
      tpu.vector_store %arg11[%swap3A_1481], %broadcast_in_dim3A_2 {strides = array<i32>} : memref<4096xi32, #tpu.memory_space<vmem>>, vector<16xi32>,
      %mul3A_1483 = arith.constant 16 : i32
      %mul3A_1484 = arith.muli %scan3A_1419, %mul3A_1483 : i32
      %add3A_1485 = arith.constant 1792 : i32
      %add3A_1486 = arith.addi %add3A_1485, %mul3A_1484 : i32
      %get3A_1487 = arith.index_cast %add3A_1486 : i32 to index
      %get3A_1488 = tpu.vector_load %arg11[%get3A_1487] {strides = array<i32>} : memref<4096xi32, #tpu.memory_space<vmem>>, vector<16xi32>,
      %add3A_1489 = arith.addi %add3A_1480, %get3A_1488 : vector<16xi32>
      %swap3A_1490 = arith.index_cast %add3A_1486 : i32 to index
      %swap3A_1491 = tpu.vector_load %arg11[%swap3A_1490] {strides = array<i32>} : memref<4096xi32, #tpu.memory_space<vmem>>, vector<16xi32>,
      tpu.vector_store %arg11[%swap3A_1490], %broadcast_in_dim3A_2 {strides = array<i32>} : memref<4096xi32, #tpu.memory_space<vmem>>, vector<16xi32>,
      %mul3A_1492 = arith.constant 16 : i32
      %mul3A_1493 = arith.muli %scan3A_1419, %mul3A_1492 : i32
      %add3A_1494 = arith.constant 2048 : i32
      %add3A_1495 = arith.addi %add3A_1494, %mul3A_1493 : i32
      %get3A_1496 = arith.index_cast %add3A_1495 : i32 to index
      %get3A_1497 = tpu.vector_load %arg11[%get3A_1496] {strides = array<i32>} : memref<4096xi32, #tpu.memory_space<vmem>>, vector<16xi32>,
      %add3A_1498 = arith.addi %add3A_1489, %get3A_1497 : vector<16xi32>
      %swap3A_1499 = arith.index_cast %add3A_1495 : i32 to index
      %swap3A_1500 = tpu.vector_load %arg11[%swap3A_1499] {strides = array<i32>} : memref<4096xi32, #tpu.memory_space<vmem>>, vector<16xi32>,
      tpu.vector_store %arg11[%swap3A_1499], %broadcast_in_dim3A_2 {strides = array<i32>} : memref<4096xi32, #tpu.memory_space<vmem>>, vector<16xi32>,
      %mul3A_1501 = arith.constant 16 : i32
      %mul3A_1502 = arith.muli %scan3A_1419, %mul3A_1501 : i32
      %add3A_1503 = arith.constant 2304 : i32
      %add3A_1504 = arith.addi %add3A_1503, %mul3A_1502 : i32
      %get3A_1505 = arith.index_cast %add3A_1504 : i32 to index
      %get3A_1506 = tpu.vector_load %arg11[%get3A_1505] {strides = array<i32>} : memref<4096xi32, #tpu.memory_space<vmem>>, vector<16xi32>,
      %add3A_1507 = arith.addi %add3A_1498, %get3A_1506 : vector<16xi32>
      %swap3A_1508 = arith.index_cast %add3A_1504 : i32 to index
      %swap3A_1509 = tpu.vector_load %arg11[%swap3A_1508] {strides = array<i32>} : memref<4096xi32, #tpu.memory_space<vmem>>, vector<16xi32>,
      tpu.vector_store %arg11[%swap3A_1508], %broadcast_in_dim3A_2 {strides = array<i32>} : memref<4096xi32, #tpu.memory_space<vmem>>, vector<16xi32>,
      %mul3A_1510 = arith.constant 16 : i32
      %mul3A_1511 = arith.muli %scan3A_1419, %mul3A_1510 : i32
      %add3A_1512 = arith.constant 2560 : i32
      %add3A_1513 = arith.addi %add3A_1512, %mul3A_1511 : i32
      %get3A_1514 = arith.index_cast %add3A_1513 : i32 to index
      %get3A_1515 = tpu.vector_load %arg11[%get3A_1514] {strides = array<i32>} : memref<4096xi32, #tpu.memory_space<vmem>>, vector<16xi32>,
      %add3A_1516 = arith.addi %add3A_1507, %get3A_1515 : vector<16xi32>
      %swap3A_1517 = arith.index_cast %add3A_1513 : i32 to index
      %swap3A_1518 = tpu.vector_load %arg11[%swap3A_1517] {strides = array<i32>} : memref<4096xi32, #tpu.memory_space<vmem>>, vector<16xi32>,
      tpu.vector_store %arg11[%swap3A_1517], %broadcast_in_dim3A_2 {strides = array<i32>} : memref<4096xi32, #tpu.memory_space<vmem>>, vector<16xi32>,
      %mul3A_1519 = arith.constant 16 : i32
      %mul3A_1520 = arith.muli %scan3A_1419, %mul3A_1519 : i32
      %add3A_1521 = arith.constant 2816 : i32
      %add3A_1522 = arith.addi %add3A_1521, %mul3A_1520 : i32
      %get3A_1523 = arith.index_cast %add3A_1522 : i32 to index
      %get3A_1524 = tpu.vector_load %arg11[%get3A_1523] {strides = array<i32>} : memref<4096xi32, #tpu.memory_space<vmem>>, vector<16xi32>,
      %add3A_1525 = arith.addi %add3A_1516, %get3A_1524 : vector<16xi32>
      %swap3A_1526 = arith.index_cast %add3A_1522 : i32 to index
      %swap3A_1527 = tpu.vector_load %arg11[%swap3A_1526] {strides = array<i32>} : memref<4096xi32, #tpu.memory_space<vmem>>, vector<16xi32>,
      tpu.vector_store %arg11[%swap3A_1526], %broadcast_in_dim3A_2 {strides = array<i32>} : memref<4096xi32, #tpu.memory_space<vmem>>, vector<16xi32>,
      %mul3A_1528 = arith.constant 16 : i32
      %mul3A_1529 = arith.muli %scan3A_1419, %mul3A_1528 : i32
      %add3A_1530 = arith.constant 3072 : i32
      %add3A_1531 = arith.addi %add3A_1530, %mul3A_1529 : i32
      %get3A_1532 = arith.index_cast %add3A_1531 : i32 to index
      %get3A_1533 = tpu.vector_load %arg11[%get3A_1532] {strides = array<i32>} : memref<4096xi32, #tpu.memory_space<vmem>>, vector<16xi32>,
      %add3A_1534 = arith.addi %add3A_1525, %get3A_1533 : vector<16xi32>
      %swap3A_1535 = arith.index_cast %add3A_1531 : i32 to index
      %swap3A_1536 = tpu.vector_load %arg11[%swap3A_1535] {strides = array<i32>} : memref<4096xi32, #tpu.memory_space<vmem>>, vector<16xi32>,
      tpu.vector_store %arg11[%swap3A_1535], %broadcast_in_dim3A_2 {strides = array<i32>} : memref<4096xi32, #tpu.memory_space<vmem>>, vector<16xi32>,
      %mul3A_1537 = arith.constant 16 : i32
      %mul3A_1538 = arith.muli %scan3A_1419, %mul3A_1537 : i32
      %add3A_1539 = arith.constant 3328 : i32
      %add3A_1540 = arith.addi %add3A_1539, %mul3A_1538 : i32
      %get3A_1541 = arith.index_cast %add3A_1540 : i32 to index
      %get3A_1542 = tpu.vector_load %arg11[%get3A_1541] {strides = array<i32>} : memref<4096xi32, #tpu.memory_space<vmem>>, vector<16xi32>,
      %add3A_1543 = arith.addi %add3A_1534, %get3A_1542 : vector<16xi32>
      %swap3A_1544 = arith.index_cast %add3A_1540 : i32 to index
      %swap3A_1545 = tpu.vector_load %arg11[%swap3A_1544] {strides = array<i32>} : memref<4096xi32, #tpu.memory_space<vmem>>, vector<16xi32>,
      tpu.vector_store %arg11[%swap3A_1544], %broadcast_in_dim3A_2 {strides = array<i32>} : memref<4096xi32, #tpu.memory_space<vmem>>, vector<16xi32>,
      %mul3A_1546 = arith.constant 16 : i32
      %mul3A_1547 = arith.muli %scan3A_1419, %mul3A_1546 : i32
      %add3A_1548 = arith.constant 3584 : i32
      %add3A_1549 = arith.addi %add3A_1548, %mul3A_1547 : i32
      %get3A_1550 = arith.index_cast %add3A_1549 : i32 to index
      %get3A_1551 = tpu.vector_load %arg11[%get3A_1550] {strides = array<i32>} : memref<4096xi32, #tpu.memory_space<vmem>>, vector<16xi32>,
      %add3A_1552 = arith.addi %add3A_1543, %get3A_1551 : vector<16xi32>
      %swap3A_1553 = arith.index_cast %add3A_1549 : i32 to index
      %swap3A_1554 = tpu.vector_load %arg11[%swap3A_1553] {strides = array<i32>} : memref<4096xi32, #tpu.memory_space<vmem>>, vector<16xi32>,
      tpu.vector_store %arg11[%swap3A_1553], %broadcast_in_dim3A_2 {strides = array<i32>} : memref<4096xi32, #tpu.memory_space<vmem>>, vector<16xi32>,
      %mul3A_1555 = arith.constant 16 : i32
      %mul3A_1556 = arith.muli %scan3A_1419, %mul3A_1555 : i32
      %add3A_1557 = arith.constant 3840 : i32
      %add3A_1558 = arith.addi %add3A_1557, %mul3A_1556 : i32
      %get3A_1559 = arith.index_cast %add3A_1558 : i32 to index
      %get3A_1560 = tpu.vector_load %arg11[%get3A_1559] {strides = array<i32>} : memref<4096xi32, #tpu.memory_space<vmem>>, vector<16xi32>,
      %add3A_1561 = arith.addi %add3A_1552, %get3A_1560 : vector<16xi32>
      %swap3A_1562 = arith.index_cast %add3A_1558 : i32 to index
      %swap3A_1563 = tpu.vector_load %arg11[%swap3A_1562] {strides = array<i32>} : memref<4096xi32, #tpu.memory_space<vmem>>, vector<16xi32>,
      tpu.vector_store %arg11[%swap3A_1562], %broadcast_in_dim3A_2 {strides = array<i32>} : memref<4096xi32, #tpu.memory_space<vmem>>, vector<16xi32>,
      %mul3A_1564 = arith.constant 16 : i32
      %mul3A_1565 = arith.muli %scan3A_1419, %mul3A_1564 : i32
      %swap3A_1566 = arith.index_cast %mul3A_1565 : i32 to index
      %swap3A_1567 = tpu.vector_load %arg18[%swap3A_1566] {strides = array<i32>} : memref<256xi32, #tpu.memory_space<vmem>>, vector<16xi32>,
      tpu.vector_store %arg18[%swap3A_1566], %add3A_1561 {strides = array<i32>} : memref<256xi32, #tpu.memory_space<vmem>>, vector<16xi32>,
      %scan3A_1568 = arith.constant 0 : i32
      scf.yield %scan3A_1568 : i32
    }
    %scan3A_131 = arith.constant 16 : i32
    "tpu.region"() ({
      %run_scoped3A = tpu.sem_alloc : memref<!tpu.dma_semaphore, #tpu.memory_space<semaphore_mem>>
      %dma_start3A = arith.constant 0 : i32
      %dma_start3A_1419 = tpu.memref_slice %arg26[%arg1, %dma_start3A] : memref<16x256xi32, #tpu.memory_space<vmem_shared>> -> memref<1x256xi32, #tpu.memory_space<vmem_shared>>
      %dma_start3A_1420 = tpu.memref_squeeze %dma_start3A_1419 : memref<1x256xi32, #tpu.memory_space<vmem_shared>> -> memref<256xi32, #tpu.memory_space<vmem_shared>>
      %dma_start3A_1421 = arith.constant 0 : i32
      %dma_start3A_1422 = tpu.memref_slice %arg26[%arg1, %dma_start3A_1421] : memref<16x256xi32, #tpu.memory_space<vmem_shared>> -> memref<1x256xi32, #tpu.memory_space<vmem_shared>>
      %dma_start3A_1423 = tpu.memref_squeeze %dma_start3A_1422 : memref<1x256xi32, #tpu.memory_space<vmem_shared>> -> memref<256xi32, #tpu.memory_space<vmem_shared>>
      tpu.enqueue_dma source(%arg18 : memref<256xi32, #tpu.memory_space<vmem>>) target(%dma_start3A_1423 : memref<256xi32, #tpu.memory_space<vmem_shared>>) target_semaphore(%run_scoped3A : memref<!tpu.dma_semaphore, #tpu.memory_space<semaphore_mem>>)
      %dma_wait3A = arith.constant 0 : i32
      %dma_wait3A_1424 = tpu.memref_slice %arg26[%arg1, %dma_wait3A] : memref<16x256xi32, #tpu.memory_space<vmem_shared>> -> memref<1x256xi32, #tpu.memory_space<vmem_shared>>
      %dma_wait3A_1425 = tpu.memref_squeeze %dma_wait3A_1424 : memref<1x256xi32, #tpu.memory_space<vmem_shared>> -> memref<256xi32, #tpu.memory_space<vmem_shared>>
      %dma_wait3A_1426 = arith.constant 0 : i32
      %dma_wait3A_1427 = tpu.memref_slice %arg26[%arg1, %dma_wait3A_1426] : memref<16x256xi32, #tpu.memory_space<vmem_shared>> -> memref<1x256xi32, #tpu.memory_space<vmem_shared>>
      %dma_wait3A_1428 = tpu.memref_squeeze %dma_wait3A_1427 : memref<1x256xi32, #tpu.memory_space<vmem_shared>> -> memref<256xi32, #tpu.memory_space<vmem_shared>>
      tpu.wait_dma2 semaphore(%run_scoped3A : memref<!tpu.dma_semaphore, #tpu.memory_space<semaphore_mem>>) src(%arg18 : memref<256xi32, #tpu.memory_space<vmem>>) dst(%dma_wait3A_1428 : memref<256xi32, #tpu.memory_space<vmem_shared>>)
      tpu.yield
    }) : () -> ()
    %barrier3A = arith.constant 0 : index
    tpu.barrier barrier_id(%barrier3A)
    "tpu.region"() ({
      %run_scoped3A = tpu.sem_alloc : memref<!tpu.dma_semaphore, #tpu.memory_space<semaphore_mem>>
      tpu.enqueue_dma source(%arg26 : memref<16x256xi32, #tpu.memory_space<vmem_shared>>) target(%arg17 : memref<16x256xi32, #tpu.memory_space<vmem>>) target_semaphore(%run_scoped3A : memref<!tpu.dma_semaphore, #tpu.memory_space<semaphore_mem>>)
      tpu.wait_dma2 semaphore(%run_scoped3A : memref<!tpu.dma_semaphore, #tpu.memory_space<semaphore_mem>>) src(%arg26 : memref<16x256xi32, #tpu.memory_space<vmem_shared>>) dst(%arg17 : memref<16x256xi32, #tpu.memory_space<vmem>>)
      tpu.yield
    }) : () -> ()
    %barrier3A_132 = arith.constant 0 : index
    tpu.barrier barrier_id(%barrier3A_132)
    %scan3A_133 = arith.constant 0 : i32
    %scan3A_134 = arith.constant 0 : i32
    %scan3A_135 = arith.constant 16 : i32
    %scan3A_136 = arith.addi %scan3A_134, %scan3A_135 : i32
    %scan3A_137 = arith.constant 1 : i32
    %scan3A_138 = scf.for %scan3A_1419 = %scan3A_134 to %scan3A_136 step %scan3A_137 iter_args(%scan3A_1420 = %scan3A_133) -> (i32)  : i32 {
      %mul3A_1421 = arith.constant 16 : i32
      %mul3A_1422 = arith.muli %scan3A_1419, %mul3A_1421 : i32
      %get3A_1423 = arith.constant 0 : i32
      %get3A_1424 = arith.index_cast %get3A_1423 : i32 to index
      %get3A_1425 = arith.index_cast %mul3A_1422 : i32 to index
      %get3A_1426 = tpu.vector_load %arg17[%get3A_1424, %get3A_1425] {strides = array<i32>} : memref<16x256xi32, #tpu.memory_space<vmem>>, vector<16xi32>,
      %mul3A_1427 = arith.constant 16 : i32
      %mul3A_1428 = arith.muli %scan3A_1419, %mul3A_1427 : i32
      %get3A_1429 = arith.constant 1 : i32
      %get3A_1430 = arith.index_cast %get3A_1429 : i32 to index
      %get3A_1431 = arith.index_cast %mul3A_1428 : i32 to index
      %get3A_1432 = tpu.vector_load %arg17[%get3A_1430, %get3A_1431] {strides = array<i32>} : memref<16x256xi32, #tpu.memory_space<vmem>>, vector<16xi32>,
      %add3A_1433 = arith.addi %get3A_1426, %get3A_1432 : vector<16xi32>
      %mul3A_1434 = arith.constant 16 : i32
      %mul3A_1435 = arith.muli %scan3A_1419, %mul3A_1434 : i32
      %get3A_1436 = arith.constant 2 : i32
      %get3A_1437 = arith.index_cast %get3A_1436 : i32 to index
      %get3A_1438 = arith.index_cast %mul3A_1435 : i32 to index
      %get3A_1439 = tpu.vector_load %arg17[%get3A_1437, %get3A_1438] {strides = array<i32>} : memref<16x256xi32, #tpu.memory_space<vmem>>, vector<16xi32>,
      %add3A_1440 = arith.addi %add3A_1433, %get3A_1439 : vector<16xi32>
      %mul3A_1441 = arith.constant 16 : i32
      %mul3A_1442 = arith.muli %scan3A_1419, %mul3A_1441 : i32
      %get3A_1443 = arith.constant 3 : i32
      %get3A_1444 = arith.index_cast %get3A_1443 : i32 to index
      %get3A_1445 = arith.index_cast %mul3A_1442 : i32 to index
      %get3A_1446 = tpu.vector_load %arg17[%get3A_1444, %get3A_1445] {strides = array<i32>} : memref<16x256xi32, #tpu.memory_space<vmem>>, vector<16xi32>,
      %add3A_1447 = arith.addi %add3A_1440, %get3A_1446 : vector<16xi32>
      %mul3A_1448 = arith.constant 16 : i32
      %mul3A_1449 = arith.muli %scan3A_1419, %mul3A_1448 : i32
      %get3A_1450 = arith.constant 4 : i32
      %get3A_1451 = arith.index_cast %get3A_1450 : i32 to index
      %get3A_1452 = arith.index_cast %mul3A_1449 : i32 to index
      %get3A_1453 = tpu.vector_load %arg17[%get3A_1451, %get3A_1452] {strides = array<i32>} : memref<16x256xi32, #tpu.memory_space<vmem>>, vector<16xi32>,
      %add3A_1454 = arith.addi %add3A_1447, %get3A_1453 : vector<16xi32>
      %mul3A_1455 = arith.constant 16 : i32
      %mul3A_1456 = arith.muli %scan3A_1419, %mul3A_1455 : i32
      %get3A_1457 = arith.constant 5 : i32
      %get3A_1458 = arith.index_cast %get3A_1457 : i32 to index
      %get3A_1459 = arith.index_cast %mul3A_1456 : i32 to index
      %get3A_1460 = tpu.vector_load %arg17[%get3A_1458, %get3A_1459] {strides = array<i32>} : memref<16x256xi32, #tpu.memory_space<vmem>>, vector<16xi32>,
      %add3A_1461 = arith.addi %add3A_1454, %get3A_1460 : vector<16xi32>
      %mul3A_1462 = arith.constant 16 : i32
      %mul3A_1463 = arith.muli %scan3A_1419, %mul3A_1462 : i32
      %get3A_1464 = arith.constant 6 : i32
      %get3A_1465 = arith.index_cast %get3A_1464 : i32 to index
      %get3A_1466 = arith.index_cast %mul3A_1463 : i32 to index
      %get3A_1467 = tpu.vector_load %arg17[%get3A_1465, %get3A_1466] {strides = array<i32>} : memref<16x256xi32, #tpu.memory_space<vmem>>, vector<16xi32>,
      %add3A_1468 = arith.addi %add3A_1461, %get3A_1467 : vector<16xi32>
      %mul3A_1469 = arith.constant 16 : i32
      %mul3A_1470 = arith.muli %scan3A_1419, %mul3A_1469 : i32
      %get3A_1471 = arith.constant 7 : i32
      %get3A_1472 = arith.index_cast %get3A_1471 : i32 to index
      %get3A_1473 = arith.index_cast %mul3A_1470 : i32 to index
      %get3A_1474 = tpu.vector_load %arg17[%get3A_1472, %get3A_1473] {strides = array<i32>} : memref<16x256xi32, #tpu.memory_space<vmem>>, vector<16xi32>,
      %add3A_1475 = arith.addi %add3A_1468, %get3A_1474 : vector<16xi32>
      %mul3A_1476 = arith.constant 16 : i32
      %mul3A_1477 = arith.muli %scan3A_1419, %mul3A_1476 : i32
      %get3A_1478 = arith.constant 8 : i32
      %get3A_1479 = arith.index_cast %get3A_1478 : i32 to index
      %get3A_1480 = arith.index_cast %mul3A_1477 : i32 to index
      %get3A_1481 = tpu.vector_load %arg17[%get3A_1479, %get3A_1480] {strides = array<i32>} : memref<16x256xi32, #tpu.memory_space<vmem>>, vector<16xi32>,
      %add3A_1482 = arith.addi %add3A_1475, %get3A_1481 : vector<16xi32>
      %mul3A_1483 = arith.constant 16 : i32
      %mul3A_1484 = arith.muli %scan3A_1419, %mul3A_1483 : i32
      %get3A_1485 = arith.constant 9 : i32
      %get3A_1486 = arith.index_cast %get3A_1485 : i32 to index
      %get3A_1487 = arith.index_cast %mul3A_1484 : i32 to index
      %get3A_1488 = tpu.vector_load %arg17[%get3A_1486, %get3A_1487] {strides = array<i32>} : memref<16x256xi32, #tpu.memory_space<vmem>>, vector<16xi32>,
      %add3A_1489 = arith.addi %add3A_1482, %get3A_1488 : vector<16xi32>
      %mul3A_1490 = arith.constant 16 : i32
      %mul3A_1491 = arith.muli %scan3A_1419, %mul3A_1490 : i32
      %get3A_1492 = arith.constant 10 : i32
      %get3A_1493 = arith.index_cast %get3A_1492 : i32 to index
      %get3A_1494 = arith.index_cast %mul3A_1491 : i32 to index
      %get3A_1495 = tpu.vector_load %arg17[%get3A_1493, %get3A_1494] {strides = array<i32>} : memref<16x256xi32, #tpu.memory_space<vmem>>, vector<16xi32>,
      %add3A_1496 = arith.addi %add3A_1489, %get3A_1495 : vector<16xi32>
      %mul3A_1497 = arith.constant 16 : i32
      %mul3A_1498 = arith.muli %scan3A_1419, %mul3A_1497 : i32
      %get3A_1499 = arith.constant 11 : i32
      %get3A_1500 = arith.index_cast %get3A_1499 : i32 to index
      %get3A_1501 = arith.index_cast %mul3A_1498 : i32 to index
      %get3A_1502 = tpu.vector_load %arg17[%get3A_1500, %get3A_1501] {strides = array<i32>} : memref<16x256xi32, #tpu.memory_space<vmem>>, vector<16xi32>,
      %add3A_1503 = arith.addi %add3A_1496, %get3A_1502 : vector<16xi32>
      %mul3A_1504 = arith.constant 16 : i32
      %mul3A_1505 = arith.muli %scan3A_1419, %mul3A_1504 : i32
      %get3A_1506 = arith.constant 12 : i32
      %get3A_1507 = arith.index_cast %get3A_1506 : i32 to index
      %get3A_1508 = arith.index_cast %mul3A_1505 : i32 to index
      %get3A_1509 = tpu.vector_load %arg17[%get3A_1507, %get3A_1508] {strides = array<i32>} : memref<16x256xi32, #tpu.memory_space<vmem>>, vector<16xi32>,
      %add3A_1510 = arith.addi %add3A_1503, %get3A_1509 : vector<16xi32>
      %mul3A_1511 = arith.constant 16 : i32
      %mul3A_1512 = arith.muli %scan3A_1419, %mul3A_1511 : i32
      %get3A_1513 = arith.constant 13 : i32
      %get3A_1514 = arith.index_cast %get3A_1513 : i32 to index
      %get3A_1515 = arith.index_cast %mul3A_1512 : i32 to index
      %get3A_1516 = tpu.vector_load %arg17[%get3A_1514, %get3A_1515] {strides = array<i32>} : memref<16x256xi32, #tpu.memory_space<vmem>>, vector<16xi32>,
      %add3A_1517 = arith.addi %add3A_1510, %get3A_1516 : vector<16xi32>
      %mul3A_1518 = arith.constant 16 : i32
      %mul3A_1519 = arith.muli %scan3A_1419, %mul3A_1518 : i32
      %get3A_1520 = arith.constant 14 : i32
      %get3A_1521 = arith.index_cast %get3A_1520 : i32 to index
      %get3A_1522 = arith.index_cast %mul3A_1519 : i32 to index
      %get3A_1523 = tpu.vector_load %arg17[%get3A_1521, %get3A_1522] {strides = array<i32>} : memref<16x256xi32, #tpu.memory_space<vmem>>, vector<16xi32>,
      %add3A_1524 = arith.addi %add3A_1517, %get3A_1523 : vector<16xi32>
      %mul3A_1525 = arith.constant 16 : i32
      %mul3A_1526 = arith.muli %scan3A_1419, %mul3A_1525 : i32
      %get3A_1527 = arith.constant 15 : i32
      %get3A_1528 = arith.index_cast %get3A_1527 : i32 to index
      %get3A_1529 = arith.index_cast %mul3A_1526 : i32 to index
      %get3A_1530 = tpu.vector_load %arg17[%get3A_1528, %get3A_1529] {strides = array<i32>} : memref<16x256xi32, #tpu.memory_space<vmem>>, vector<16xi32>,
      %add3A_1531 = arith.addi %add3A_1524, %get3A_1530 : vector<16xi32>
      %mul3A_1532 = arith.constant 16 : i32
      %mul3A_1533 = arith.muli %scan3A_1419, %mul3A_1532 : i32
      %swap3A_1534 = arith.index_cast %mul3A_1533 : i32 to index
      %swap3A_1535 = tpu.vector_load %arg18[%swap3A_1534] {strides = array<i32>} : memref<256xi32, #tpu.memory_space<vmem>>, vector<16xi32>,
      tpu.vector_store %arg18[%swap3A_1534], %add3A_1531 {strides = array<i32>} : memref<256xi32, #tpu.memory_space<vmem>>, vector<16xi32>,
      %scan3A_1536 = arith.constant 0 : i32
      scf.yield %scan3A_1536 : i32
    }
    %scan3A_139 = arith.constant 16 : i32
    %get3A_140 = arith.constant 240 : index
    %get3A_141 = tpu.vector_load %arg18[%get3A_140] {strides = array<i32>} : memref<256xi32, #tpu.memory_space<vmem>>, vector<16xi32>,
    %rev3A = arith.constant 15 : i32
    %rev3A_142 = vector.broadcast %rev3A : i32 to vector<16xi32>
    %rev3A_143 = tpu.iota {dimensions = array<i32: 0>} : vector<16xi32>
    %rev3A_144 = arith.subi %rev3A_142, %rev3A_143 : vector<16xi32>
    %rev3A_145 = tpu.dynamic_gather %get3A_141[%rev3A_144] in [0] : vector<16xi32>, vector<16xi32> -> vector<16xi32>
    %broadcast_in_dim3A_146 = arith.constant true
    %broadcast_in_dim3A_147 = vector.broadcast %broadcast_in_dim3A_146 : i1 to vector<16xi1>
    %masked_cumsum3A = tpu.scan <sum>, %rev3A_145 masked %broadcast_in_dim3A_147 : vector<16xi32>, vector<16xi1> -> vector<16xi32>
    %rev3A_148 = arith.constant 15 : i32
    %rev3A_149 = vector.broadcast %rev3A_148 : i32 to vector<16xi32>
    %rev3A_150 = tpu.iota {dimensions = array<i32: 0>} : vector<16xi32>
    %rev3A_151 = arith.subi %rev3A_149, %rev3A_150 : vector<16xi32>
    %rev3A_152 = tpu.dynamic_gather %masked_cumsum3A[%rev3A_151] in [0] : vector<16xi32>, vector<16xi32> -> vector<16xi32>
    %add3A_153 = arith.addi %rev3A_152, %broadcast_in_dim3A_2 : vector<16xi32>
    %swap3A_154 = arith.constant 240 : index
    %swap3A_155 = tpu.vector_load %arg12[%swap3A_154] {strides = array<i32>} : memref<256xi32, #tpu.memory_space<vmem>>, vector<16xi32>,
    tpu.vector_store %arg12[%swap3A_154], %add3A_153 {strides = array<i32>} : memref<256xi32, #tpu.memory_space<vmem>>, vector<16xi32>,
    %reduce_sum3A = arith.constant true
    %reduce_sum3A_156 = vector.broadcast %reduce_sum3A : i1 to vector<16xi1>
    %reduce_sum3A_157 = tpu.scan <sum>, %get3A_141 masked %reduce_sum3A_156 : vector<16xi32>, vector<16xi1> -> vector<16xi32>
    %reduce_sum3A_158 = vector.extract %reduce_sum3A_157[15] : i32 from vector<16xi32>
    %broadcast_in_dim3A_159 = vector.broadcast %reduce_sum3A_158 : i32 to vector<16xi32>
    %add3A_160 = arith.addi %broadcast_in_dim3A_2, %broadcast_in_dim3A_159 : vector<16xi32>
    %ge3A = arith.constant 256 : i32
    %ge3A_161 = vector.broadcast %ge3A : i32 to vector<16xi32>
    %ge3A_162 = arith.cmpi sge, %add3A_153, %ge3A_161 : vector<16xi32>
    %all_reduce_population_count3A = tpu.all_reduce %ge3A_162 {dim = 0 : i64, kind = #tpu.reduction_kind<sum>} : vector<16xi1> -> vector<16xi32>
    %add3A_163 = arith.addi %broadcast_in_dim3A_2, %all_reduce_population_count3A : vector<16xi32>
    %get3A_164 = arith.constant 224 : index
    %get3A_165 = tpu.vector_load %arg18[%get3A_164] {strides = array<i32>} : memref<256xi32, #tpu.memory_space<vmem>>, vector<16xi32>,
    %rev3A_166 = arith.constant 15 : i32
    %rev3A_167 = vector.broadcast %rev3A_166 : i32 to vector<16xi32>
    %rev3A_168 = tpu.iota {dimensions = array<i32: 0>} : vector<16xi32>
    %rev3A_169 = arith.subi %rev3A_167, %rev3A_168 : vector<16xi32>
    %rev3A_170 = tpu.dynamic_gather %get3A_165[%rev3A_169] in [0] : vector<16xi32>, vector<16xi32> -> vector<16xi32>
    %broadcast_in_dim3A_171 = arith.constant true
    %broadcast_in_dim3A_172 = vector.broadcast %broadcast_in_dim3A_171 : i1 to vector<16xi1>
    %masked_cumsum3A_173 = tpu.scan <sum>, %rev3A_170 masked %broadcast_in_dim3A_172 : vector<16xi32>, vector<16xi1> -> vector<16xi32>
    %rev3A_174 = arith.constant 15 : i32
    %rev3A_175 = vector.broadcast %rev3A_174 : i32 to vector<16xi32>
    %rev3A_176 = tpu.iota {dimensions = array<i32: 0>} : vector<16xi32>
    %rev3A_177 = arith.subi %rev3A_175, %rev3A_176 : vector<16xi32>
    %rev3A_178 = tpu.dynamic_gather %masked_cumsum3A_173[%rev3A_177] in [0] : vector<16xi32>, vector<16xi32> -> vector<16xi32>
    %add3A_179 = arith.addi %rev3A_178, %add3A_160 : vector<16xi32>
    %swap3A_180 = arith.constant 224 : index
    %swap3A_181 = tpu.vector_load %arg12[%swap3A_180] {strides = array<i32>} : memref<256xi32, #tpu.memory_space<vmem>>, vector<16xi32>,
    tpu.vector_store %arg12[%swap3A_180], %add3A_179 {strides = array<i32>} : memref<256xi32, #tpu.memory_space<vmem>>, vector<16xi32>,
    %reduce_sum3A_182 = arith.constant true
    %reduce_sum3A_183 = vector.broadcast %reduce_sum3A_182 : i1 to vector<16xi1>
    %reduce_sum3A_184 = tpu.scan <sum>, %get3A_165 masked %reduce_sum3A_183 : vector<16xi32>, vector<16xi1> -> vector<16xi32>
    %reduce_sum3A_185 = vector.extract %reduce_sum3A_184[15] : i32 from vector<16xi32>
    %broadcast_in_dim3A_186 = vector.broadcast %reduce_sum3A_185 : i32 to vector<16xi32>
    %add3A_187 = arith.addi %add3A_160, %broadcast_in_dim3A_186 : vector<16xi32>
    %ge3A_188 = arith.constant 256 : i32
    %ge3A_189 = vector.broadcast %ge3A_188 : i32 to vector<16xi32>
    %ge3A_190 = arith.cmpi sge, %add3A_179, %ge3A_189 : vector<16xi32>
    %all_reduce_population_count3A_191 = tpu.all_reduce %ge3A_190 {dim = 0 : i64, kind = #tpu.reduction_kind<sum>} : vector<16xi1> -> vector<16xi32>
    %add3A_192 = arith.addi %add3A_163, %all_reduce_population_count3A_191 : vector<16xi32>
    %get3A_193 = arith.constant 208 : index
    %get3A_194 = tpu.vector_load %arg18[%get3A_193] {strides = array<i32>} : memref<256xi32, #tpu.memory_space<vmem>>, vector<16xi32>,
    %rev3A_195 = arith.constant 15 : i32
    %rev3A_196 = vector.broadcast %rev3A_195 : i32 to vector<16xi32>
    %rev3A_197 = tpu.iota {dimensions = array<i32: 0>} : vector<16xi32>
    %rev3A_198 = arith.subi %rev3A_196, %rev3A_197 : vector<16xi32>
    %rev3A_199 = tpu.dynamic_gather %get3A_194[%rev3A_198] in [0] : vector<16xi32>, vector<16xi32> -> vector<16xi32>
    %broadcast_in_dim3A_200 = arith.constant true
    %broadcast_in_dim3A_201 = vector.broadcast %broadcast_in_dim3A_200 : i1 to vector<16xi1>
    %masked_cumsum3A_202 = tpu.scan <sum>, %rev3A_199 masked %broadcast_in_dim3A_201 : vector<16xi32>, vector<16xi1> -> vector<16xi32>
    %rev3A_203 = arith.constant 15 : i32
    %rev3A_204 = vector.broadcast %rev3A_203 : i32 to vector<16xi32>
    %rev3A_205 = tpu.iota {dimensions = array<i32: 0>} : vector<16xi32>
    %rev3A_206 = arith.subi %rev3A_204, %rev3A_205 : vector<16xi32>
    %rev3A_207 = tpu.dynamic_gather %masked_cumsum3A_202[%rev3A_206] in [0] : vector<16xi32>, vector<16xi32> -> vector<16xi32>
    %add3A_208 = arith.addi %rev3A_207, %add3A_187 : vector<16xi32>
    %swap3A_209 = arith.constant 208 : index
    %swap3A_210 = tpu.vector_load %arg12[%swap3A_209] {strides = array<i32>} : memref<256xi32, #tpu.memory_space<vmem>>, vector<16xi32>,
    tpu.vector_store %arg12[%swap3A_209], %add3A_208 {strides = array<i32>} : memref<256xi32, #tpu.memory_space<vmem>>, vector<16xi32>,
    %reduce_sum3A_211 = arith.constant true
    %reduce_sum3A_212 = vector.broadcast %reduce_sum3A_211 : i1 to vector<16xi1>
    %reduce_sum3A_213 = tpu.scan <sum>, %get3A_194 masked %reduce_sum3A_212 : vector<16xi32>, vector<16xi1> -> vector<16xi32>
    %reduce_sum3A_214 = vector.extract %reduce_sum3A_213[15] : i32 from vector<16xi32>
    %broadcast_in_dim3A_215 = vector.broadcast %reduce_sum3A_214 : i32 to vector<16xi32>
    %add3A_216 = arith.addi %add3A_187, %broadcast_in_dim3A_215 : vector<16xi32>
    %ge3A_217 = arith.constant 256 : i32
    %ge3A_218 = vector.broadcast %ge3A_217 : i32 to vector<16xi32>
    %ge3A_219 = arith.cmpi sge, %add3A_208, %ge3A_218 : vector<16xi32>
    %all_reduce_population_count3A_220 = tpu.all_reduce %ge3A_219 {dim = 0 : i64, kind = #tpu.reduction_kind<sum>} : vector<16xi1> -> vector<16xi32>
    %add3A_221 = arith.addi %add3A_192, %all_reduce_population_count3A_220 : vector<16xi32>
    %get3A_222 = arith.constant 192 : index
    %get3A_223 = tpu.vector_load %arg18[%get3A_222] {strides = array<i32>} : memref<256xi32, #tpu.memory_space<vmem>>, vector<16xi32>,
    %rev3A_224 = arith.constant 15 : i32
    %rev3A_225 = vector.broadcast %rev3A_224 : i32 to vector<16xi32>
    %rev3A_226 = tpu.iota {dimensions = array<i32: 0>} : vector<16xi32>
    %rev3A_227 = arith.subi %rev3A_225, %rev3A_226 : vector<16xi32>
    %rev3A_228 = tpu.dynamic_gather %get3A_223[%rev3A_227] in [0] : vector<16xi32>, vector<16xi32> -> vector<16xi32>
    %broadcast_in_dim3A_229 = arith.constant true
    %broadcast_in_dim3A_230 = vector.broadcast %broadcast_in_dim3A_229 : i1 to vector<16xi1>
    %masked_cumsum3A_231 = tpu.scan <sum>, %rev3A_228 masked %broadcast_in_dim3A_230 : vector<16xi32>, vector<16xi1> -> vector<16xi32>
    %rev3A_232 = arith.constant 15 : i32
    %rev3A_233 = vector.broadcast %rev3A_232 : i32 to vector<16xi32>
    %rev3A_234 = tpu.iota {dimensions = array<i32: 0>} : vector<16xi32>
    %rev3A_235 = arith.subi %rev3A_233, %rev3A_234 : vector<16xi32>
    %rev3A_236 = tpu.dynamic_gather %masked_cumsum3A_231[%rev3A_235] in [0] : vector<16xi32>, vector<16xi32> -> vector<16xi32>
    %add3A_237 = arith.addi %rev3A_236, %add3A_216 : vector<16xi32>
    %swap3A_238 = arith.constant 192 : index
    %swap3A_239 = tpu.vector_load %arg12[%swap3A_238] {strides = array<i32>} : memref<256xi32, #tpu.memory_space<vmem>>, vector<16xi32>,
    tpu.vector_store %arg12[%swap3A_238], %add3A_237 {strides = array<i32>} : memref<256xi32, #tpu.memory_space<vmem>>, vector<16xi32>,
    %reduce_sum3A_240 = arith.constant true
    %reduce_sum3A_241 = vector.broadcast %reduce_sum3A_240 : i1 to vector<16xi1>
    %reduce_sum3A_242 = tpu.scan <sum>, %get3A_223 masked %reduce_sum3A_241 : vector<16xi32>, vector<16xi1> -> vector<16xi32>
    %reduce_sum3A_243 = vector.extract %reduce_sum3A_242[15] : i32 from vector<16xi32>
    %broadcast_in_dim3A_244 = vector.broadcast %reduce_sum3A_243 : i32 to vector<16xi32>
    %add3A_245 = arith.addi %add3A_216, %broadcast_in_dim3A_244 : vector<16xi32>
    %ge3A_246 = arith.constant 256 : i32
    %ge3A_247 = vector.broadcast %ge3A_246 : i32 to vector<16xi32>
    %ge3A_248 = arith.cmpi sge, %add3A_237, %ge3A_247 : vector<16xi32>
    %all_reduce_population_count3A_249 = tpu.all_reduce %ge3A_248 {dim = 0 : i64, kind = #tpu.reduction_kind<sum>} : vector<16xi1> -> vector<16xi32>
    %add3A_250 = arith.addi %add3A_221, %all_reduce_population_count3A_249 : vector<16xi32>
    %get3A_251 = arith.constant 176 : index
    %get3A_252 = tpu.vector_load %arg18[%get3A_251] {strides = array<i32>} : memref<256xi32, #tpu.memory_space<vmem>>, vector<16xi32>,
    %rev3A_253 = arith.constant 15 : i32
    %rev3A_254 = vector.broadcast %rev3A_253 : i32 to vector<16xi32>
    %rev3A_255 = tpu.iota {dimensions = array<i32: 0>} : vector<16xi32>
    %rev3A_256 = arith.subi %rev3A_254, %rev3A_255 : vector<16xi32>
    %rev3A_257 = tpu.dynamic_gather %get3A_252[%rev3A_256] in [0] : vector<16xi32>, vector<16xi32> -> vector<16xi32>
    %broadcast_in_dim3A_258 = arith.constant true
    %broadcast_in_dim3A_259 = vector.broadcast %broadcast_in_dim3A_258 : i1 to vector<16xi1>
    %masked_cumsum3A_260 = tpu.scan <sum>, %rev3A_257 masked %broadcast_in_dim3A_259 : vector<16xi32>, vector<16xi1> -> vector<16xi32>
    %rev3A_261 = arith.constant 15 : i32
    %rev3A_262 = vector.broadcast %rev3A_261 : i32 to vector<16xi32>
    %rev3A_263 = tpu.iota {dimensions = array<i32: 0>} : vector<16xi32>
    %rev3A_264 = arith.subi %rev3A_262, %rev3A_263 : vector<16xi32>
    %rev3A_265 = tpu.dynamic_gather %masked_cumsum3A_260[%rev3A_264] in [0] : vector<16xi32>, vector<16xi32> -> vector<16xi32>
    %add3A_266 = arith.addi %rev3A_265, %add3A_245 : vector<16xi32>
    %swap3A_267 = arith.constant 176 : index
    %swap3A_268 = tpu.vector_load %arg12[%swap3A_267] {strides = array<i32>} : memref<256xi32, #tpu.memory_space<vmem>>, vector<16xi32>,
    tpu.vector_store %arg12[%swap3A_267], %add3A_266 {strides = array<i32>} : memref<256xi32, #tpu.memory_space<vmem>>, vector<16xi32>,
    %reduce_sum3A_269 = arith.constant true
    %reduce_sum3A_270 = vector.broadcast %reduce_sum3A_269 : i1 to vector<16xi1>
    %reduce_sum3A_271 = tpu.scan <sum>, %get3A_252 masked %reduce_sum3A_270 : vector<16xi32>, vector<16xi1> -> vector<16xi32>
    %reduce_sum3A_272 = vector.extract %reduce_sum3A_271[15] : i32 from vector<16xi32>
    %broadcast_in_dim3A_273 = vector.broadcast %reduce_sum3A_272 : i32 to vector<16xi32>
    %add3A_274 = arith.addi %add3A_245, %broadcast_in_dim3A_273 : vector<16xi32>
    %ge3A_275 = arith.constant 256 : i32
    %ge3A_276 = vector.broadcast %ge3A_275 : i32 to vector<16xi32>
    %ge3A_277 = arith.cmpi sge, %add3A_266, %ge3A_276 : vector<16xi32>
    %all_reduce_population_count3A_278 = tpu.all_reduce %ge3A_277 {dim = 0 : i64, kind = #tpu.reduction_kind<sum>} : vector<16xi1> -> vector<16xi32>
    %add3A_279 = arith.addi %add3A_250, %all_reduce_population_count3A_278 : vector<16xi32>
    %get3A_280 = arith.constant 160 : index
    %get3A_281 = tpu.vector_load %arg18[%get3A_280] {strides = array<i32>} : memref<256xi32, #tpu.memory_space<vmem>>, vector<16xi32>,
    %rev3A_282 = arith.constant 15 : i32
    %rev3A_283 = vector.broadcast %rev3A_282 : i32 to vector<16xi32>
    %rev3A_284 = tpu.iota {dimensions = array<i32: 0>} : vector<16xi32>
    %rev3A_285 = arith.subi %rev3A_283, %rev3A_284 : vector<16xi32>
    %rev3A_286 = tpu.dynamic_gather %get3A_281[%rev3A_285] in [0] : vector<16xi32>, vector<16xi32> -> vector<16xi32>
    %broadcast_in_dim3A_287 = arith.constant true
    %broadcast_in_dim3A_288 = vector.broadcast %broadcast_in_dim3A_287 : i1 to vector<16xi1>
    %masked_cumsum3A_289 = tpu.scan <sum>, %rev3A_286 masked %broadcast_in_dim3A_288 : vector<16xi32>, vector<16xi1> -> vector<16xi32>
    %rev3A_290 = arith.constant 15 : i32
    %rev3A_291 = vector.broadcast %rev3A_290 : i32 to vector<16xi32>
    %rev3A_292 = tpu.iota {dimensions = array<i32: 0>} : vector<16xi32>
    %rev3A_293 = arith.subi %rev3A_291, %rev3A_292 : vector<16xi32>
    %rev3A_294 = tpu.dynamic_gather %masked_cumsum3A_289[%rev3A_293] in [0] : vector<16xi32>, vector<16xi32> -> vector<16xi32>
    %add3A_295 = arith.addi %rev3A_294, %add3A_274 : vector<16xi32>
    %swap3A_296 = arith.constant 160 : index
    %swap3A_297 = tpu.vector_load %arg12[%swap3A_296] {strides = array<i32>} : memref<256xi32, #tpu.memory_space<vmem>>, vector<16xi32>,
    tpu.vector_store %arg12[%swap3A_296], %add3A_295 {strides = array<i32>} : memref<256xi32, #tpu.memory_space<vmem>>, vector<16xi32>,
    %reduce_sum3A_298 = arith.constant true
    %reduce_sum3A_299 = vector.broadcast %reduce_sum3A_298 : i1 to vector<16xi1>
    %reduce_sum3A_300 = tpu.scan <sum>, %get3A_281 masked %reduce_sum3A_299 : vector<16xi32>, vector<16xi1> -> vector<16xi32>
    %reduce_sum3A_301 = vector.extract %reduce_sum3A_300[15] : i32 from vector<16xi32>
    %broadcast_in_dim3A_302 = vector.broadcast %reduce_sum3A_301 : i32 to vector<16xi32>
    %add3A_303 = arith.addi %add3A_274, %broadcast_in_dim3A_302 : vector<16xi32>
    %ge3A_304 = arith.constant 256 : i32
    %ge3A_305 = vector.broadcast %ge3A_304 : i32 to vector<16xi32>
    %ge3A_306 = arith.cmpi sge, %add3A_295, %ge3A_305 : vector<16xi32>
    %all_reduce_population_count3A_307 = tpu.all_reduce %ge3A_306 {dim = 0 : i64, kind = #tpu.reduction_kind<sum>} : vector<16xi1> -> vector<16xi32>
    %add3A_308 = arith.addi %add3A_279, %all_reduce_population_count3A_307 : vector<16xi32>
    %get3A_309 = arith.constant 144 : index
    %get3A_310 = tpu.vector_load %arg18[%get3A_309] {strides = array<i32>} : memref<256xi32, #tpu.memory_space<vmem>>, vector<16xi32>,
    %rev3A_311 = arith.constant 15 : i32
    %rev3A_312 = vector.broadcast %rev3A_311 : i32 to vector<16xi32>
    %rev3A_313 = tpu.iota {dimensions = array<i32: 0>} : vector<16xi32>
    %rev3A_314 = arith.subi %rev3A_312, %rev3A_313 : vector<16xi32>
    %rev3A_315 = tpu.dynamic_gather %get3A_310[%rev3A_314] in [0] : vector<16xi32>, vector<16xi32> -> vector<16xi32>
    %broadcast_in_dim3A_316 = arith.constant true
    %broadcast_in_dim3A_317 = vector.broadcast %broadcast_in_dim3A_316 : i1 to vector<16xi1>
    %masked_cumsum3A_318 = tpu.scan <sum>, %rev3A_315 masked %broadcast_in_dim3A_317 : vector<16xi32>, vector<16xi1> -> vector<16xi32>
    %rev3A_319 = arith.constant 15 : i32
    %rev3A_320 = vector.broadcast %rev3A_319 : i32 to vector<16xi32>
    %rev3A_321 = tpu.iota {dimensions = array<i32: 0>} : vector<16xi32>
    %rev3A_322 = arith.subi %rev3A_320, %rev3A_321 : vector<16xi32>
    %rev3A_323 = tpu.dynamic_gather %masked_cumsum3A_318[%rev3A_322] in [0] : vector<16xi32>, vector<16xi32> -> vector<16xi32>
    %add3A_324 = arith.addi %rev3A_323, %add3A_303 : vector<16xi32>
    %swap3A_325 = arith.constant 144 : index
    %swap3A_326 = tpu.vector_load %arg12[%swap3A_325] {strides = array<i32>} : memref<256xi32, #tpu.memory_space<vmem>>, vector<16xi32>,
    tpu.vector_store %arg12[%swap3A_325], %add3A_324 {strides = array<i32>} : memref<256xi32, #tpu.memory_space<vmem>>, vector<16xi32>,
    %reduce_sum3A_327 = arith.constant true
    %reduce_sum3A_328 = vector.broadcast %reduce_sum3A_327 : i1 to vector<16xi1>
    %reduce_sum3A_329 = tpu.scan <sum>, %get3A_310 masked %reduce_sum3A_328 : vector<16xi32>, vector<16xi1> -> vector<16xi32>
    %reduce_sum3A_330 = vector.extract %reduce_sum3A_329[15] : i32 from vector<16xi32>
    %broadcast_in_dim3A_331 = vector.broadcast %reduce_sum3A_330 : i32 to vector<16xi32>
    %add3A_332 = arith.addi %add3A_303, %broadcast_in_dim3A_331 : vector<16xi32>
    %ge3A_333 = arith.constant 256 : i32
    %ge3A_334 = vector.broadcast %ge3A_333 : i32 to vector<16xi32>
    %ge3A_335 = arith.cmpi sge, %add3A_324, %ge3A_334 : vector<16xi32>
    %all_reduce_population_count3A_336 = tpu.all_reduce %ge3A_335 {dim = 0 : i64, kind = #tpu.reduction_kind<sum>} : vector<16xi1> -> vector<16xi32>
    %add3A_337 = arith.addi %add3A_308, %all_reduce_population_count3A_336 : vector<16xi32>
    %get3A_338 = arith.constant 128 : index
    %get3A_339 = tpu.vector_load %arg18[%get3A_338] {strides = array<i32>} : memref<256xi32, #tpu.memory_space<vmem>>, vector<16xi32>,
    %rev3A_340 = arith.constant 15 : i32
    %rev3A_341 = vector.broadcast %rev3A_340 : i32 to vector<16xi32>
    %rev3A_342 = tpu.iota {dimensions = array<i32: 0>} : vector<16xi32>
    %rev3A_343 = arith.subi %rev3A_341, %rev3A_342 : vector<16xi32>
    %rev3A_344 = tpu.dynamic_gather %get3A_339[%rev3A_343] in [0] : vector<16xi32>, vector<16xi32> -> vector<16xi32>
    %broadcast_in_dim3A_345 = arith.constant true
    %broadcast_in_dim3A_346 = vector.broadcast %broadcast_in_dim3A_345 : i1 to vector<16xi1>
    %masked_cumsum3A_347 = tpu.scan <sum>, %rev3A_344 masked %broadcast_in_dim3A_346 : vector<16xi32>, vector<16xi1> -> vector<16xi32>
    %rev3A_348 = arith.constant 15 : i32
    %rev3A_349 = vector.broadcast %rev3A_348 : i32 to vector<16xi32>
    %rev3A_350 = tpu.iota {dimensions = array<i32: 0>} : vector<16xi32>
    %rev3A_351 = arith.subi %rev3A_349, %rev3A_350 : vector<16xi32>
    %rev3A_352 = tpu.dynamic_gather %masked_cumsum3A_347[%rev3A_351] in [0] : vector<16xi32>, vector<16xi32> -> vector<16xi32>
    %add3A_353 = arith.addi %rev3A_352, %add3A_332 : vector<16xi32>
    %swap3A_354 = arith.constant 128 : index
    %swap3A_355 = tpu.vector_load %arg12[%swap3A_354] {strides = array<i32>} : memref<256xi32, #tpu.memory_space<vmem>>, vector<16xi32>,
    tpu.vector_store %arg12[%swap3A_354], %add3A_353 {strides = array<i32>} : memref<256xi32, #tpu.memory_space<vmem>>, vector<16xi32>,
    %reduce_sum3A_356 = arith.constant true
    %reduce_sum3A_357 = vector.broadcast %reduce_sum3A_356 : i1 to vector<16xi1>
    %reduce_sum3A_358 = tpu.scan <sum>, %get3A_339 masked %reduce_sum3A_357 : vector<16xi32>, vector<16xi1> -> vector<16xi32>
    %reduce_sum3A_359 = vector.extract %reduce_sum3A_358[15] : i32 from vector<16xi32>
    %broadcast_in_dim3A_360 = vector.broadcast %reduce_sum3A_359 : i32 to vector<16xi32>
    %add3A_361 = arith.addi %add3A_332, %broadcast_in_dim3A_360 : vector<16xi32>
    %ge3A_362 = arith.constant 256 : i32
    %ge3A_363 = vector.broadcast %ge3A_362 : i32 to vector<16xi32>
    %ge3A_364 = arith.cmpi sge, %add3A_353, %ge3A_363 : vector<16xi32>
    %all_reduce_population_count3A_365 = tpu.all_reduce %ge3A_364 {dim = 0 : i64, kind = #tpu.reduction_kind<sum>} : vector<16xi1> -> vector<16xi32>
    %add3A_366 = arith.addi %add3A_337, %all_reduce_population_count3A_365 : vector<16xi32>
    %get3A_367 = arith.constant 112 : index
    %get3A_368 = tpu.vector_load %arg18[%get3A_367] {strides = array<i32>} : memref<256xi32, #tpu.memory_space<vmem>>, vector<16xi32>,
    %rev3A_369 = arith.constant 15 : i32
    %rev3A_370 = vector.broadcast %rev3A_369 : i32 to vector<16xi32>
    %rev3A_371 = tpu.iota {dimensions = array<i32: 0>} : vector<16xi32>
    %rev3A_372 = arith.subi %rev3A_370, %rev3A_371 : vector<16xi32>
    %rev3A_373 = tpu.dynamic_gather %get3A_368[%rev3A_372] in [0] : vector<16xi32>, vector<16xi32> -> vector<16xi32>
    %broadcast_in_dim3A_374 = arith.constant true
    %broadcast_in_dim3A_375 = vector.broadcast %broadcast_in_dim3A_374 : i1 to vector<16xi1>
    %masked_cumsum3A_376 = tpu.scan <sum>, %rev3A_373 masked %broadcast_in_dim3A_375 : vector<16xi32>, vector<16xi1> -> vector<16xi32>
    %rev3A_377 = arith.constant 15 : i32
    %rev3A_378 = vector.broadcast %rev3A_377 : i32 to vector<16xi32>
    %rev3A_379 = tpu.iota {dimensions = array<i32: 0>} : vector<16xi32>
    %rev3A_380 = arith.subi %rev3A_378, %rev3A_379 : vector<16xi32>
    %rev3A_381 = tpu.dynamic_gather %masked_cumsum3A_376[%rev3A_380] in [0] : vector<16xi32>, vector<16xi32> -> vector<16xi32>
    %add3A_382 = arith.addi %rev3A_381, %add3A_361 : vector<16xi32>
    %swap3A_383 = arith.constant 112 : index
    %swap3A_384 = tpu.vector_load %arg12[%swap3A_383] {strides = array<i32>} : memref<256xi32, #tpu.memory_space<vmem>>, vector<16xi32>,
    tpu.vector_store %arg12[%swap3A_383], %add3A_382 {strides = array<i32>} : memref<256xi32, #tpu.memory_space<vmem>>, vector<16xi32>,
    %reduce_sum3A_385 = arith.constant true
    %reduce_sum3A_386 = vector.broadcast %reduce_sum3A_385 : i1 to vector<16xi1>
    %reduce_sum3A_387 = tpu.scan <sum>, %get3A_368 masked %reduce_sum3A_386 : vector<16xi32>, vector<16xi1> -> vector<16xi32>
    %reduce_sum3A_388 = vector.extract %reduce_sum3A_387[15] : i32 from vector<16xi32>
    %broadcast_in_dim3A_389 = vector.broadcast %reduce_sum3A_388 : i32 to vector<16xi32>
    %add3A_390 = arith.addi %add3A_361, %broadcast_in_dim3A_389 : vector<16xi32>
    %ge3A_391 = arith.constant 256 : i32
    %ge3A_392 = vector.broadcast %ge3A_391 : i32 to vector<16xi32>
    %ge3A_393 = arith.cmpi sge, %add3A_382, %ge3A_392 : vector<16xi32>
    %all_reduce_population_count3A_394 = tpu.all_reduce %ge3A_393 {dim = 0 : i64, kind = #tpu.reduction_kind<sum>} : vector<16xi1> -> vector<16xi32>
    %add3A_395 = arith.addi %add3A_366, %all_reduce_population_count3A_394 : vector<16xi32>
    %get3A_396 = arith.constant 96 : index
    %get3A_397 = tpu.vector_load %arg18[%get3A_396] {strides = array<i32>} : memref<256xi32, #tpu.memory_space<vmem>>, vector<16xi32>,
    %rev3A_398 = arith.constant 15 : i32
    %rev3A_399 = vector.broadcast %rev3A_398 : i32 to vector<16xi32>
    %rev3A_400 = tpu.iota {dimensions = array<i32: 0>} : vector<16xi32>
    %rev3A_401 = arith.subi %rev3A_399, %rev3A_400 : vector<16xi32>
    %rev3A_402 = tpu.dynamic_gather %get3A_397[%rev3A_401] in [0] : vector<16xi32>, vector<16xi32> -> vector<16xi32>
    %broadcast_in_dim3A_403 = arith.constant true
    %broadcast_in_dim3A_404 = vector.broadcast %broadcast_in_dim3A_403 : i1 to vector<16xi1>
    %masked_cumsum3A_405 = tpu.scan <sum>, %rev3A_402 masked %broadcast_in_dim3A_404 : vector<16xi32>, vector<16xi1> -> vector<16xi32>
    %rev3A_406 = arith.constant 15 : i32
    %rev3A_407 = vector.broadcast %rev3A_406 : i32 to vector<16xi32>
    %rev3A_408 = tpu.iota {dimensions = array<i32: 0>} : vector<16xi32>
    %rev3A_409 = arith.subi %rev3A_407, %rev3A_408 : vector<16xi32>
    %rev3A_410 = tpu.dynamic_gather %masked_cumsum3A_405[%rev3A_409] in [0] : vector<16xi32>, vector<16xi32> -> vector<16xi32>
    %add3A_411 = arith.addi %rev3A_410, %add3A_390 : vector<16xi32>
    %swap3A_412 = arith.constant 96 : index
    %swap3A_413 = tpu.vector_load %arg12[%swap3A_412] {strides = array<i32>} : memref<256xi32, #tpu.memory_space<vmem>>, vector<16xi32>,
    tpu.vector_store %arg12[%swap3A_412], %add3A_411 {strides = array<i32>} : memref<256xi32, #tpu.memory_space<vmem>>, vector<16xi32>,
    %reduce_sum3A_414 = arith.constant true
    %reduce_sum3A_415 = vector.broadcast %reduce_sum3A_414 : i1 to vector<16xi1>
    %reduce_sum3A_416 = tpu.scan <sum>, %get3A_397 masked %reduce_sum3A_415 : vector<16xi32>, vector<16xi1> -> vector<16xi32>
    %reduce_sum3A_417 = vector.extract %reduce_sum3A_416[15] : i32 from vector<16xi32>
    %broadcast_in_dim3A_418 = vector.broadcast %reduce_sum3A_417 : i32 to vector<16xi32>
    %add3A_419 = arith.addi %add3A_390, %broadcast_in_dim3A_418 : vector<16xi32>
    %ge3A_420 = arith.constant 256 : i32
    %ge3A_421 = vector.broadcast %ge3A_420 : i32 to vector<16xi32>
    %ge3A_422 = arith.cmpi sge, %add3A_411, %ge3A_421 : vector<16xi32>
    %all_reduce_population_count3A_423 = tpu.all_reduce %ge3A_422 {dim = 0 : i64, kind = #tpu.reduction_kind<sum>} : vector<16xi1> -> vector<16xi32>
    %add3A_424 = arith.addi %add3A_395, %all_reduce_population_count3A_423 : vector<16xi32>
    %get3A_425 = arith.constant 80 : index
    %get3A_426 = tpu.vector_load %arg18[%get3A_425] {strides = array<i32>} : memref<256xi32, #tpu.memory_space<vmem>>, vector<16xi32>,
    %rev3A_427 = arith.constant 15 : i32
    %rev3A_428 = vector.broadcast %rev3A_427 : i32 to vector<16xi32>
    %rev3A_429 = tpu.iota {dimensions = array<i32: 0>} : vector<16xi32>
    %rev3A_430 = arith.subi %rev3A_428, %rev3A_429 : vector<16xi32>
    %rev3A_431 = tpu.dynamic_gather %get3A_426[%rev3A_430] in [0] : vector<16xi32>, vector<16xi32> -> vector<16xi32>
    %broadcast_in_dim3A_432 = arith.constant true
    %broadcast_in_dim3A_433 = vector.broadcast %broadcast_in_dim3A_432 : i1 to vector<16xi1>
    %masked_cumsum3A_434 = tpu.scan <sum>, %rev3A_431 masked %broadcast_in_dim3A_433 : vector<16xi32>, vector<16xi1> -> vector<16xi32>
    %rev3A_435 = arith.constant 15 : i32
    %rev3A_436 = vector.broadcast %rev3A_435 : i32 to vector<16xi32>
    %rev3A_437 = tpu.iota {dimensions = array<i32: 0>} : vector<16xi32>
    %rev3A_438 = arith.subi %rev3A_436, %rev3A_437 : vector<16xi32>
    %rev3A_439 = tpu.dynamic_gather %masked_cumsum3A_434[%rev3A_438] in [0] : vector<16xi32>, vector<16xi32> -> vector<16xi32>
    %add3A_440 = arith.addi %rev3A_439, %add3A_419 : vector<16xi32>
    %swap3A_441 = arith.constant 80 : index
    %swap3A_442 = tpu.vector_load %arg12[%swap3A_441] {strides = array<i32>} : memref<256xi32, #tpu.memory_space<vmem>>, vector<16xi32>,
    tpu.vector_store %arg12[%swap3A_441], %add3A_440 {strides = array<i32>} : memref<256xi32, #tpu.memory_space<vmem>>, vector<16xi32>,
    %reduce_sum3A_443 = arith.constant true
    %reduce_sum3A_444 = vector.broadcast %reduce_sum3A_443 : i1 to vector<16xi1>
    %reduce_sum3A_445 = tpu.scan <sum>, %get3A_426 masked %reduce_sum3A_444 : vector<16xi32>, vector<16xi1> -> vector<16xi32>
    %reduce_sum3A_446 = vector.extract %reduce_sum3A_445[15] : i32 from vector<16xi32>
    %broadcast_in_dim3A_447 = vector.broadcast %reduce_sum3A_446 : i32 to vector<16xi32>
    %add3A_448 = arith.addi %add3A_419, %broadcast_in_dim3A_447 : vector<16xi32>
    %ge3A_449 = arith.constant 256 : i32
    %ge3A_450 = vector.broadcast %ge3A_449 : i32 to vector<16xi32>
    %ge3A_451 = arith.cmpi sge, %add3A_440, %ge3A_450 : vector<16xi32>
    %all_reduce_population_count3A_452 = tpu.all_reduce %ge3A_451 {dim = 0 : i64, kind = #tpu.reduction_kind<sum>} : vector<16xi1> -> vector<16xi32>
    %add3A_453 = arith.addi %add3A_424, %all_reduce_population_count3A_452 : vector<16xi32>
    %get3A_454 = arith.constant 64 : index
    %get3A_455 = tpu.vector_load %arg18[%get3A_454] {strides = array<i32>} : memref<256xi32, #tpu.memory_space<vmem>>, vector<16xi32>,
    %rev3A_456 = arith.constant 15 : i32
    %rev3A_457 = vector.broadcast %rev3A_456 : i32 to vector<16xi32>
    %rev3A_458 = tpu.iota {dimensions = array<i32: 0>} : vector<16xi32>
    %rev3A_459 = arith.subi %rev3A_457, %rev3A_458 : vector<16xi32>
    %rev3A_460 = tpu.dynamic_gather %get3A_455[%rev3A_459] in [0] : vector<16xi32>, vector<16xi32> -> vector<16xi32>
    %broadcast_in_dim3A_461 = arith.constant true
    %broadcast_in_dim3A_462 = vector.broadcast %broadcast_in_dim3A_461 : i1 to vector<16xi1>
    %masked_cumsum3A_463 = tpu.scan <sum>, %rev3A_460 masked %broadcast_in_dim3A_462 : vector<16xi32>, vector<16xi1> -> vector<16xi32>
    %rev3A_464 = arith.constant 15 : i32
    %rev3A_465 = vector.broadcast %rev3A_464 : i32 to vector<16xi32>
    %rev3A_466 = tpu.iota {dimensions = array<i32: 0>} : vector<16xi32>
    %rev3A_467 = arith.subi %rev3A_465, %rev3A_466 : vector<16xi32>
    %rev3A_468 = tpu.dynamic_gather %masked_cumsum3A_463[%rev3A_467] in [0] : vector<16xi32>, vector<16xi32> -> vector<16xi32>
    %add3A_469 = arith.addi %rev3A_468, %add3A_448 : vector<16xi32>
    %swap3A_470 = arith.constant 64 : index
    %swap3A_471 = tpu.vector_load %arg12[%swap3A_470] {strides = array<i32>} : memref<256xi32, #tpu.memory_space<vmem>>, vector<16xi32>,
    tpu.vector_store %arg12[%swap3A_470], %add3A_469 {strides = array<i32>} : memref<256xi32, #tpu.memory_space<vmem>>, vector<16xi32>,
    %reduce_sum3A_472 = arith.constant true
    %reduce_sum3A_473 = vector.broadcast %reduce_sum3A_472 : i1 to vector<16xi1>
    %reduce_sum3A_474 = tpu.scan <sum>, %get3A_455 masked %reduce_sum3A_473 : vector<16xi32>, vector<16xi1> -> vector<16xi32>
    %reduce_sum3A_475 = vector.extract %reduce_sum3A_474[15] : i32 from vector<16xi32>
    %broadcast_in_dim3A_476 = vector.broadcast %reduce_sum3A_475 : i32 to vector<16xi32>
    %add3A_477 = arith.addi %add3A_448, %broadcast_in_dim3A_476 : vector<16xi32>
    %ge3A_478 = arith.constant 256 : i32
    %ge3A_479 = vector.broadcast %ge3A_478 : i32 to vector<16xi32>
    %ge3A_480 = arith.cmpi sge, %add3A_469, %ge3A_479 : vector<16xi32>
    %all_reduce_population_count3A_481 = tpu.all_reduce %ge3A_480 {dim = 0 : i64, kind = #tpu.reduction_kind<sum>} : vector<16xi1> -> vector<16xi32>
    %add3A_482 = arith.addi %add3A_453, %all_reduce_population_count3A_481 : vector<16xi32>
    %get3A_483 = arith.constant 48 : index
    %get3A_484 = tpu.vector_load %arg18[%get3A_483] {strides = array<i32>} : memref<256xi32, #tpu.memory_space<vmem>>, vector<16xi32>,
    %rev3A_485 = arith.constant 15 : i32
    %rev3A_486 = vector.broadcast %rev3A_485 : i32 to vector<16xi32>
    %rev3A_487 = tpu.iota {dimensions = array<i32: 0>} : vector<16xi32>
    %rev3A_488 = arith.subi %rev3A_486, %rev3A_487 : vector<16xi32>
    %rev3A_489 = tpu.dynamic_gather %get3A_484[%rev3A_488] in [0] : vector<16xi32>, vector<16xi32> -> vector<16xi32>
    %broadcast_in_dim3A_490 = arith.constant true
    %broadcast_in_dim3A_491 = vector.broadcast %broadcast_in_dim3A_490 : i1 to vector<16xi1>
    %masked_cumsum3A_492 = tpu.scan <sum>, %rev3A_489 masked %broadcast_in_dim3A_491 : vector<16xi32>, vector<16xi1> -> vector<16xi32>
    %rev3A_493 = arith.constant 15 : i32
    %rev3A_494 = vector.broadcast %rev3A_493 : i32 to vector<16xi32>
    %rev3A_495 = tpu.iota {dimensions = array<i32: 0>} : vector<16xi32>
    %rev3A_496 = arith.subi %rev3A_494, %rev3A_495 : vector<16xi32>
    %rev3A_497 = tpu.dynamic_gather %masked_cumsum3A_492[%rev3A_496] in [0] : vector<16xi32>, vector<16xi32> -> vector<16xi32>
    %add3A_498 = arith.addi %rev3A_497, %add3A_477 : vector<16xi32>
    %swap3A_499 = arith.constant 48 : index
    %swap3A_500 = tpu.vector_load %arg12[%swap3A_499] {strides = array<i32>} : memref<256xi32, #tpu.memory_space<vmem>>, vector<16xi32>,
    tpu.vector_store %arg12[%swap3A_499], %add3A_498 {strides = array<i32>} : memref<256xi32, #tpu.memory_space<vmem>>, vector<16xi32>,
    %reduce_sum3A_501 = arith.constant true
    %reduce_sum3A_502 = vector.broadcast %reduce_sum3A_501 : i1 to vector<16xi1>
    %reduce_sum3A_503 = tpu.scan <sum>, %get3A_484 masked %reduce_sum3A_502 : vector<16xi32>, vector<16xi1> -> vector<16xi32>
    %reduce_sum3A_504 = vector.extract %reduce_sum3A_503[15] : i32 from vector<16xi32>
    %broadcast_in_dim3A_505 = vector.broadcast %reduce_sum3A_504 : i32 to vector<16xi32>
    %add3A_506 = arith.addi %add3A_477, %broadcast_in_dim3A_505 : vector<16xi32>
    %ge3A_507 = arith.constant 256 : i32
    %ge3A_508 = vector.broadcast %ge3A_507 : i32 to vector<16xi32>
    %ge3A_509 = arith.cmpi sge, %add3A_498, %ge3A_508 : vector<16xi32>
    %all_reduce_population_count3A_510 = tpu.all_reduce %ge3A_509 {dim = 0 : i64, kind = #tpu.reduction_kind<sum>} : vector<16xi1> -> vector<16xi32>
    %add3A_511 = arith.addi %add3A_482, %all_reduce_population_count3A_510 : vector<16xi32>
    %get3A_512 = arith.constant 32 : index
    %get3A_513 = tpu.vector_load %arg18[%get3A_512] {strides = array<i32>} : memref<256xi32, #tpu.memory_space<vmem>>, vector<16xi32>,
    %rev3A_514 = arith.constant 15 : i32
    %rev3A_515 = vector.broadcast %rev3A_514 : i32 to vector<16xi32>
    %rev3A_516 = tpu.iota {dimensions = array<i32: 0>} : vector<16xi32>
    %rev3A_517 = arith.subi %rev3A_515, %rev3A_516 : vector<16xi32>
    %rev3A_518 = tpu.dynamic_gather %get3A_513[%rev3A_517] in [0] : vector<16xi32>, vector<16xi32> -> vector<16xi32>
    %broadcast_in_dim3A_519 = arith.constant true
    %broadcast_in_dim3A_520 = vector.broadcast %broadcast_in_dim3A_519 : i1 to vector<16xi1>
    %masked_cumsum3A_521 = tpu.scan <sum>, %rev3A_518 masked %broadcast_in_dim3A_520 : vector<16xi32>, vector<16xi1> -> vector<16xi32>
    %rev3A_522 = arith.constant 15 : i32
    %rev3A_523 = vector.broadcast %rev3A_522 : i32 to vector<16xi32>
    %rev3A_524 = tpu.iota {dimensions = array<i32: 0>} : vector<16xi32>
    %rev3A_525 = arith.subi %rev3A_523, %rev3A_524 : vector<16xi32>
    %rev3A_526 = tpu.dynamic_gather %masked_cumsum3A_521[%rev3A_525] in [0] : vector<16xi32>, vector<16xi32> -> vector<16xi32>
    %add3A_527 = arith.addi %rev3A_526, %add3A_506 : vector<16xi32>
    %swap3A_528 = arith.constant 32 : index
    %swap3A_529 = tpu.vector_load %arg12[%swap3A_528] {strides = array<i32>} : memref<256xi32, #tpu.memory_space<vmem>>, vector<16xi32>,
    tpu.vector_store %arg12[%swap3A_528], %add3A_527 {strides = array<i32>} : memref<256xi32, #tpu.memory_space<vmem>>, vector<16xi32>,
    %reduce_sum3A_530 = arith.constant true
    %reduce_sum3A_531 = vector.broadcast %reduce_sum3A_530 : i1 to vector<16xi1>
    %reduce_sum3A_532 = tpu.scan <sum>, %get3A_513 masked %reduce_sum3A_531 : vector<16xi32>, vector<16xi1> -> vector<16xi32>
    %reduce_sum3A_533 = vector.extract %reduce_sum3A_532[15] : i32 from vector<16xi32>
    %broadcast_in_dim3A_534 = vector.broadcast %reduce_sum3A_533 : i32 to vector<16xi32>
    %add3A_535 = arith.addi %add3A_506, %broadcast_in_dim3A_534 : vector<16xi32>
    %ge3A_536 = arith.constant 256 : i32
    %ge3A_537 = vector.broadcast %ge3A_536 : i32 to vector<16xi32>
    %ge3A_538 = arith.cmpi sge, %add3A_527, %ge3A_537 : vector<16xi32>
    %all_reduce_population_count3A_539 = tpu.all_reduce %ge3A_538 {dim = 0 : i64, kind = #tpu.reduction_kind<sum>} : vector<16xi1> -> vector<16xi32>
    %add3A_540 = arith.addi %add3A_511, %all_reduce_population_count3A_539 : vector<16xi32>
    %get3A_541 = arith.constant 16 : index
    %get3A_542 = tpu.vector_load %arg18[%get3A_541] {strides = array<i32>} : memref<256xi32, #tpu.memory_space<vmem>>, vector<16xi32>,
    %rev3A_543 = arith.constant 15 : i32
    %rev3A_544 = vector.broadcast %rev3A_543 : i32 to vector<16xi32>
    %rev3A_545 = tpu.iota {dimensions = array<i32: 0>} : vector<16xi32>
    %rev3A_546 = arith.subi %rev3A_544, %rev3A_545 : vector<16xi32>
    %rev3A_547 = tpu.dynamic_gather %get3A_542[%rev3A_546] in [0] : vector<16xi32>, vector<16xi32> -> vector<16xi32>
    %broadcast_in_dim3A_548 = arith.constant true
    %broadcast_in_dim3A_549 = vector.broadcast %broadcast_in_dim3A_548 : i1 to vector<16xi1>
    %masked_cumsum3A_550 = tpu.scan <sum>, %rev3A_547 masked %broadcast_in_dim3A_549 : vector<16xi32>, vector<16xi1> -> vector<16xi32>
    %rev3A_551 = arith.constant 15 : i32
    %rev3A_552 = vector.broadcast %rev3A_551 : i32 to vector<16xi32>
    %rev3A_553 = tpu.iota {dimensions = array<i32: 0>} : vector<16xi32>
    %rev3A_554 = arith.subi %rev3A_552, %rev3A_553 : vector<16xi32>
    %rev3A_555 = tpu.dynamic_gather %masked_cumsum3A_550[%rev3A_554] in [0] : vector<16xi32>, vector<16xi32> -> vector<16xi32>
    %add3A_556 = arith.addi %rev3A_555, %add3A_535 : vector<16xi32>
    %swap3A_557 = arith.constant 16 : index
    %swap3A_558 = tpu.vector_load %arg12[%swap3A_557] {strides = array<i32>} : memref<256xi32, #tpu.memory_space<vmem>>, vector<16xi32>,
    tpu.vector_store %arg12[%swap3A_557], %add3A_556 {strides = array<i32>} : memref<256xi32, #tpu.memory_space<vmem>>, vector<16xi32>,
    %reduce_sum3A_559 = arith.constant true
    %reduce_sum3A_560 = vector.broadcast %reduce_sum3A_559 : i1 to vector<16xi1>
    %reduce_sum3A_561 = tpu.scan <sum>, %get3A_542 masked %reduce_sum3A_560 : vector<16xi32>, vector<16xi1> -> vector<16xi32>
    %reduce_sum3A_562 = vector.extract %reduce_sum3A_561[15] : i32 from vector<16xi32>
    %broadcast_in_dim3A_563 = vector.broadcast %reduce_sum3A_562 : i32 to vector<16xi32>
    %add3A_564 = arith.addi %add3A_535, %broadcast_in_dim3A_563 : vector<16xi32>
    %ge3A_565 = arith.constant 256 : i32
    %ge3A_566 = vector.broadcast %ge3A_565 : i32 to vector<16xi32>
    %ge3A_567 = arith.cmpi sge, %add3A_556, %ge3A_566 : vector<16xi32>
    %all_reduce_population_count3A_568 = tpu.all_reduce %ge3A_567 {dim = 0 : i64, kind = #tpu.reduction_kind<sum>} : vector<16xi1> -> vector<16xi32>
    %add3A_569 = arith.addi %add3A_540, %all_reduce_population_count3A_568 : vector<16xi32>
    %get3A_570 = arith.constant 0 : index
    %get3A_571 = tpu.vector_load %arg18[%get3A_570] {strides = array<i32>} : memref<256xi32, #tpu.memory_space<vmem>>, vector<16xi32>,
    %rev3A_572 = arith.constant 15 : i32
    %rev3A_573 = vector.broadcast %rev3A_572 : i32 to vector<16xi32>
    %rev3A_574 = tpu.iota {dimensions = array<i32: 0>} : vector<16xi32>
    %rev3A_575 = arith.subi %rev3A_573, %rev3A_574 : vector<16xi32>
    %rev3A_576 = tpu.dynamic_gather %get3A_571[%rev3A_575] in [0] : vector<16xi32>, vector<16xi32> -> vector<16xi32>
    %broadcast_in_dim3A_577 = arith.constant true
    %broadcast_in_dim3A_578 = vector.broadcast %broadcast_in_dim3A_577 : i1 to vector<16xi1>
    %masked_cumsum3A_579 = tpu.scan <sum>, %rev3A_576 masked %broadcast_in_dim3A_578 : vector<16xi32>, vector<16xi1> -> vector<16xi32>
    %rev3A_580 = arith.constant 15 : i32
    %rev3A_581 = vector.broadcast %rev3A_580 : i32 to vector<16xi32>
    %rev3A_582 = tpu.iota {dimensions = array<i32: 0>} : vector<16xi32>
    %rev3A_583 = arith.subi %rev3A_581, %rev3A_582 : vector<16xi32>
    %rev3A_584 = tpu.dynamic_gather %masked_cumsum3A_579[%rev3A_583] in [0] : vector<16xi32>, vector<16xi32> -> vector<16xi32>
    %add3A_585 = arith.addi %rev3A_584, %add3A_564 : vector<16xi32>
    %swap3A_586 = arith.constant 0 : index
    %swap3A_587 = tpu.vector_load %arg12[%swap3A_586] {strides = array<i32>} : memref<256xi32, #tpu.memory_space<vmem>>, vector<16xi32>,
    tpu.vector_store %arg12[%swap3A_586], %add3A_585 {strides = array<i32>} : memref<256xi32, #tpu.memory_space<vmem>>, vector<16xi32>,
    %reduce_sum3A_588 = arith.constant true
    %reduce_sum3A_589 = vector.broadcast %reduce_sum3A_588 : i1 to vector<16xi1>
    %reduce_sum3A_590 = tpu.scan <sum>, %get3A_571 masked %reduce_sum3A_589 : vector<16xi32>, vector<16xi1> -> vector<16xi32>
    %reduce_sum3A_591 = vector.extract %reduce_sum3A_590[15] : i32 from vector<16xi32>
    %broadcast_in_dim3A_592 = vector.broadcast %reduce_sum3A_591 : i32 to vector<16xi32>
    %add3A_593 = arith.addi %add3A_564, %broadcast_in_dim3A_592 : vector<16xi32>
    %ge3A_594 = arith.constant 256 : i32
    %ge3A_595 = vector.broadcast %ge3A_594 : i32 to vector<16xi32>
    %ge3A_596 = arith.cmpi sge, %add3A_585, %ge3A_595 : vector<16xi32>
    %all_reduce_population_count3A_597 = tpu.all_reduce %ge3A_596 {dim = 0 : i64, kind = #tpu.reduction_kind<sum>} : vector<16xi1> -> vector<16xi32>
    %add3A_598 = arith.addi %add3A_569, %all_reduce_population_count3A_597 : vector<16xi32>
    %reduce_max3A = arith.constant true
    %reduce_max3A_599 = vector.broadcast %reduce_max3A : i1 to vector<16xi1>
    %reduce_max3A_600 = arith.constant -2147483648 : i32
    %reduce_max3A_601 = vector.broadcast %reduce_max3A_600 : i32 to vector<16xi32>
    %reduce_max3A_602 = arith.xori %add3A_598, %reduce_max3A_601 : vector<16xi32>
    %reduce_max3A_603 = tpu.scan <max>, %reduce_max3A_602 masked %reduce_max3A_599 : vector<16xi32>, vector<16xi1> -> vector<16xi32>
    %reduce_max3A_604 = arith.xori %reduce_max3A_603, %reduce_max3A_601 : vector<16xi32>
    %reduce_max3A_605 = vector.extract %reduce_max3A_604[15] : i32 from vector<16xi32>
    %sub3A = arith.constant 1 : i32
    %sub3A_606 = arith.subi %reduce_max3A_605, %sub3A : i32
    %add3A_607 = arith.constant 1 : i32
    %add3A_608 = arith.addi %sub3A_606, %add3A_607 : i32
    %min3A = arith.constant 255 : i32
    %min3A_609 = arith.minsi %add3A_608, %min3A : i32
    %broadcast_in_dim3A_610 = vector.broadcast %min3A_609 : i32 to vector<16xi32>
    %gather3A = tpu.vector_load_idx %arg12[%broadcast_in_dim3A_610] : memref<256xi32, #tpu.memory_space<vmem>>[vector<16xi32>], vector<16xi32>,
    %ge3A_611 = arith.constant 255 : i32
    %ge3A_612 = arith.cmpi sge, %sub3A_606, %ge3A_611 : i32
    %reduce_max3A_613 = arith.constant true
    %reduce_max3A_614 = vector.broadcast %reduce_max3A_613 : i1 to vector<16xi1>
    %reduce_max3A_615 = arith.constant -2147483648 : i32
    %reduce_max3A_616 = vector.broadcast %reduce_max3A_615 : i32 to vector<16xi32>
    %reduce_max3A_617 = arith.xori %gather3A, %reduce_max3A_616 : vector<16xi32>
    %reduce_max3A_618 = tpu.scan <max>, %reduce_max3A_617 masked %reduce_max3A_614 : vector<16xi32>, vector<16xi1> -> vector<16xi32>
    %reduce_max3A_619 = arith.xori %reduce_max3A_618, %reduce_max3A_616 : vector<16xi32>
    %reduce_max3A_620 = vector.extract %reduce_max3A_619[15] : i32 from vector<16xi32>
    %jit3A = arith.constant 0 : i32
    %select_n3A = arith.select %ge3A_612, %jit3A, %reduce_max3A_620 : i32
    %sub3A_621 = arith.constant 256 : i32
    %sub3A_622 = arith.subi %sub3A_621, %select_n3A : i32
    %sub3A_623 = arith.constant 128 : i32
    %sub3A_624 = arith.subi %sub3A_606, %sub3A_623 : i32
    %mul3A_625 = arith.constant 256 : i32
    %mul3A_626 = vector.broadcast %mul3A_625 : i32 to vector<16xi32>
    %mul3A_627 = arith.muli %iota3A, %mul3A_626 : vector<16xi32>
    %scan3A_628 = arith.constant 0 : i32
    %scan3A_629 = arith.constant 0 : i32
    %scan3A_630 = arith.constant 48 : i32
    %scan3A_631 = arith.addi %scan3A_629, %scan3A_630 : i32
    %scan3A_632 = arith.constant 1 : i32
    %scan3A_633 = scf.for %scan3A_1419 = %scan3A_629 to %scan3A_631 step %scan3A_632 iter_args(%scan3A_1420 = %scan3A_628) -> (i32)  : i32 {
      %mul3A_1421 = arith.constant 8 : i32
      %mul3A_1422 = arith.muli %scan3A_1419, %mul3A_1421 : i32
      %add3A_1423 = arith.constant 0 : i32
      %add3A_1424 = arith.addi %mul3A_1422, %add3A_1423 : i32
      %mul3A_1425 = arith.constant 16 : i32
      %mul3A_1426 = arith.muli %add3A_1424, %mul3A_1425 : i32
      %get3A_1427 = arith.index_cast %mul3A_1426 : i32 to index
      %get3A_1428 = tpu.vector_load %arg10[%get3A_1427] {strides = array<i32>} : memref<6272xi32, #tpu.memory_space<vmem>>, vector<16xi32>,
      %add3A_1429 = arith.constant 1 : i32
      %add3A_1430 = arith.addi %mul3A_1422, %add3A_1429 : i32
      %mul3A_1431 = arith.constant 16 : i32
      %mul3A_1432 = arith.muli %add3A_1430, %mul3A_1431 : i32
      %get3A_1433 = arith.index_cast %mul3A_1432 : i32 to index
      %get3A_1434 = tpu.vector_load %arg10[%get3A_1433] {strides = array<i32>} : memref<6272xi32, #tpu.memory_space<vmem>>, vector<16xi32>,
      %add3A_1435 = arith.constant 2 : i32
      %add3A_1436 = arith.addi %mul3A_1422, %add3A_1435 : i32
      %mul3A_1437 = arith.constant 16 : i32
      %mul3A_1438 = arith.muli %add3A_1436, %mul3A_1437 : i32
      %get3A_1439 = arith.index_cast %mul3A_1438 : i32 to index
      %get3A_1440 = tpu.vector_load %arg10[%get3A_1439] {strides = array<i32>} : memref<6272xi32, #tpu.memory_space<vmem>>, vector<16xi32>,
      %add3A_1441 = arith.constant 3 : i32
      %add3A_1442 = arith.addi %mul3A_1422, %add3A_1441 : i32
      %mul3A_1443 = arith.constant 16 : i32
      %mul3A_1444 = arith.muli %add3A_1442, %mul3A_1443 : i32
      %get3A_1445 = arith.index_cast %mul3A_1444 : i32 to index
      %get3A_1446 = tpu.vector_load %arg10[%get3A_1445] {strides = array<i32>} : memref<6272xi32, #tpu.memory_space<vmem>>, vector<16xi32>,
      %add3A_1447 = arith.constant 4 : i32
      %add3A_1448 = arith.addi %mul3A_1422, %add3A_1447 : i32
      %mul3A_1449 = arith.constant 16 : i32
      %mul3A_1450 = arith.muli %add3A_1448, %mul3A_1449 : i32
      %get3A_1451 = arith.index_cast %mul3A_1450 : i32 to index
      %get3A_1452 = tpu.vector_load %arg10[%get3A_1451] {strides = array<i32>} : memref<6272xi32, #tpu.memory_space<vmem>>, vector<16xi32>,
      %add3A_1453 = arith.constant 5 : i32
      %add3A_1454 = arith.addi %mul3A_1422, %add3A_1453 : i32
      %mul3A_1455 = arith.constant 16 : i32
      %mul3A_1456 = arith.muli %add3A_1454, %mul3A_1455 : i32
      %get3A_1457 = arith.index_cast %mul3A_1456 : i32 to index
      %get3A_1458 = tpu.vector_load %arg10[%get3A_1457] {strides = array<i32>} : memref<6272xi32, #tpu.memory_space<vmem>>, vector<16xi32>,
      %add3A_1459 = arith.constant 6 : i32
      %add3A_1460 = arith.addi %mul3A_1422, %add3A_1459 : i32
      %mul3A_1461 = arith.constant 16 : i32
      %mul3A_1462 = arith.muli %add3A_1460, %mul3A_1461 : i32
      %get3A_1463 = arith.index_cast %mul3A_1462 : i32 to index
      %get3A_1464 = tpu.vector_load %arg10[%get3A_1463] {strides = array<i32>} : memref<6272xi32, #tpu.memory_space<vmem>>, vector<16xi32>,
      %add3A_1465 = arith.constant 7 : i32
      %add3A_1466 = arith.addi %mul3A_1422, %add3A_1465 : i32
      %mul3A_1467 = arith.constant 16 : i32
      %mul3A_1468 = arith.muli %add3A_1466, %mul3A_1467 : i32
      %get3A_1469 = arith.index_cast %mul3A_1468 : i32 to index
      %get3A_1470 = tpu.vector_load %arg10[%get3A_1469] {strides = array<i32>} : memref<6272xi32, #tpu.memory_space<vmem>>, vector<16xi32>,
      %shift_right_arithmetic3A_1471 = arith.constant 24 : i32
      %shift_right_arithmetic3A_1472 = vector.broadcast %shift_right_arithmetic3A_1471 : i32 to vector<16xi32>
      %shift_right_arithmetic3A_1473 = arith.shrsi %get3A_1428, %shift_right_arithmetic3A_1472 : vector<16xi32>
      %shift_right_arithmetic3A_1474 = arith.constant 24 : i32
      %shift_right_arithmetic3A_1475 = vector.broadcast %shift_right_arithmetic3A_1474 : i32 to vector<16xi32>
      %shift_right_arithmetic3A_1476 = arith.shrsi %get3A_1434, %shift_right_arithmetic3A_1475 : vector<16xi32>
      %shift_right_arithmetic3A_1477 = arith.constant 24 : i32
      %shift_right_arithmetic3A_1478 = vector.broadcast %shift_right_arithmetic3A_1477 : i32 to vector<16xi32>
      %shift_right_arithmetic3A_1479 = arith.shrsi %get3A_1440, %shift_right_arithmetic3A_1478 : vector<16xi32>
      %shift_right_arithmetic3A_1480 = arith.constant 24 : i32
      %shift_right_arithmetic3A_1481 = vector.broadcast %shift_right_arithmetic3A_1480 : i32 to vector<16xi32>
      %shift_right_arithmetic3A_1482 = arith.shrsi %get3A_1446, %shift_right_arithmetic3A_1481 : vector<16xi32>
      %shift_right_arithmetic3A_1483 = arith.constant 24 : i32
      %shift_right_arithmetic3A_1484 = vector.broadcast %shift_right_arithmetic3A_1483 : i32 to vector<16xi32>
      %shift_right_arithmetic3A_1485 = arith.shrsi %get3A_1452, %shift_right_arithmetic3A_1484 : vector<16xi32>
      %shift_right_arithmetic3A_1486 = arith.constant 24 : i32
      %shift_right_arithmetic3A_1487 = vector.broadcast %shift_right_arithmetic3A_1486 : i32 to vector<16xi32>
      %shift_right_arithmetic3A_1488 = arith.shrsi %get3A_1458, %shift_right_arithmetic3A_1487 : vector<16xi32>
      %shift_right_arithmetic3A_1489 = arith.constant 24 : i32
      %shift_right_arithmetic3A_1490 = vector.broadcast %shift_right_arithmetic3A_1489 : i32 to vector<16xi32>
      %shift_right_arithmetic3A_1491 = arith.shrsi %get3A_1464, %shift_right_arithmetic3A_1490 : vector<16xi32>
      %shift_right_arithmetic3A_1492 = arith.constant 24 : i32
      %shift_right_arithmetic3A_1493 = vector.broadcast %shift_right_arithmetic3A_1492 : i32 to vector<16xi32>
      %shift_right_arithmetic3A_1494 = arith.shrsi %get3A_1470, %shift_right_arithmetic3A_1493 : vector<16xi32>
      %shift_right_arithmetic3A_1495 = arith.constant 16 : i32
      %shift_right_arithmetic3A_1496 = vector.broadcast %shift_right_arithmetic3A_1495 : i32 to vector<16xi32>
      %shift_right_arithmetic3A_1497 = arith.shrsi %get3A_1428, %shift_right_arithmetic3A_1496 : vector<16xi32>
      %and3A_1498 = arith.constant 255 : i32
      %and3A_1499 = vector.broadcast %and3A_1498 : i32 to vector<16xi32>
      %and3A_1500 = arith.andi %shift_right_arithmetic3A_1497, %and3A_1499 : vector<16xi32>
      %add3A_1501 = arith.addi %and3A_1500, %mul3A_627 : vector<16xi32>
      %shift_right_arithmetic3A_1502 = arith.constant 16 : i32
      %shift_right_arithmetic3A_1503 = vector.broadcast %shift_right_arithmetic3A_1502 : i32 to vector<16xi32>
      %shift_right_arithmetic3A_1504 = arith.shrsi %get3A_1434, %shift_right_arithmetic3A_1503 : vector<16xi32>
      %and3A_1505 = arith.constant 255 : i32
      %and3A_1506 = vector.broadcast %and3A_1505 : i32 to vector<16xi32>
      %and3A_1507 = arith.andi %shift_right_arithmetic3A_1504, %and3A_1506 : vector<16xi32>
      %add3A_1508 = arith.addi %and3A_1507, %mul3A_627 : vector<16xi32>
      %shift_right_arithmetic3A_1509 = arith.constant 16 : i32
      %shift_right_arithmetic3A_1510 = vector.broadcast %shift_right_arithmetic3A_1509 : i32 to vector<16xi32>
      %shift_right_arithmetic3A_1511 = arith.shrsi %get3A_1440, %shift_right_arithmetic3A_1510 : vector<16xi32>
      %and3A_1512 = arith.constant 255 : i32
      %and3A_1513 = vector.broadcast %and3A_1512 : i32 to vector<16xi32>
      %and3A_1514 = arith.andi %shift_right_arithmetic3A_1511, %and3A_1513 : vector<16xi32>
      %add3A_1515 = arith.addi %and3A_1514, %mul3A_627 : vector<16xi32>
      %shift_right_arithmetic3A_1516 = arith.constant 16 : i32
      %shift_right_arithmetic3A_1517 = vector.broadcast %shift_right_arithmetic3A_1516 : i32 to vector<16xi32>
      %shift_right_arithmetic3A_1518 = arith.shrsi %get3A_1446, %shift_right_arithmetic3A_1517 : vector<16xi32>
      %and3A_1519 = arith.constant 255 : i32
      %and3A_1520 = vector.broadcast %and3A_1519 : i32 to vector<16xi32>
      %and3A_1521 = arith.andi %shift_right_arithmetic3A_1518, %and3A_1520 : vector<16xi32>
      %add3A_1522 = arith.addi %and3A_1521, %mul3A_627 : vector<16xi32>
      %shift_right_arithmetic3A_1523 = arith.constant 16 : i32
      %shift_right_arithmetic3A_1524 = vector.broadcast %shift_right_arithmetic3A_1523 : i32 to vector<16xi32>
      %shift_right_arithmetic3A_1525 = arith.shrsi %get3A_1452, %shift_right_arithmetic3A_1524 : vector<16xi32>
      %and3A_1526 = arith.constant 255 : i32
      %and3A_1527 = vector.broadcast %and3A_1526 : i32 to vector<16xi32>
      %and3A_1528 = arith.andi %shift_right_arithmetic3A_1525, %and3A_1527 : vector<16xi32>
      %add3A_1529 = arith.addi %and3A_1528, %mul3A_627 : vector<16xi32>
      %shift_right_arithmetic3A_1530 = arith.constant 16 : i32
      %shift_right_arithmetic3A_1531 = vector.broadcast %shift_right_arithmetic3A_1530 : i32 to vector<16xi32>
      %shift_right_arithmetic3A_1532 = arith.shrsi %get3A_1458, %shift_right_arithmetic3A_1531 : vector<16xi32>
      %and3A_1533 = arith.constant 255 : i32
      %and3A_1534 = vector.broadcast %and3A_1533 : i32 to vector<16xi32>
      %and3A_1535 = arith.andi %shift_right_arithmetic3A_1532, %and3A_1534 : vector<16xi32>
      %add3A_1536 = arith.addi %and3A_1535, %mul3A_627 : vector<16xi32>
      %shift_right_arithmetic3A_1537 = arith.constant 16 : i32
      %shift_right_arithmetic3A_1538 = vector.broadcast %shift_right_arithmetic3A_1537 : i32 to vector<16xi32>
      %shift_right_arithmetic3A_1539 = arith.shrsi %get3A_1464, %shift_right_arithmetic3A_1538 : vector<16xi32>
      %and3A_1540 = arith.constant 255 : i32
      %and3A_1541 = vector.broadcast %and3A_1540 : i32 to vector<16xi32>
      %and3A_1542 = arith.andi %shift_right_arithmetic3A_1539, %and3A_1541 : vector<16xi32>
      %add3A_1543 = arith.addi %and3A_1542, %mul3A_627 : vector<16xi32>
      %shift_right_arithmetic3A_1544 = arith.constant 16 : i32
      %shift_right_arithmetic3A_1545 = vector.broadcast %shift_right_arithmetic3A_1544 : i32 to vector<16xi32>
      %shift_right_arithmetic3A_1546 = arith.shrsi %get3A_1470, %shift_right_arithmetic3A_1545 : vector<16xi32>
      %and3A_1547 = arith.constant 255 : i32
      %and3A_1548 = vector.broadcast %and3A_1547 : i32 to vector<16xi32>
      %and3A_1549 = arith.andi %shift_right_arithmetic3A_1546, %and3A_1548 : vector<16xi32>
      %add3A_1550 = arith.addi %and3A_1549, %mul3A_627 : vector<16xi32>
      %eq3A_1551 = vector.broadcast %sub3A_624 : i32 to vector<16xi32>
      %eq3A_1552 = arith.cmpi eq, %shift_right_arithmetic3A_1473, %eq3A_1551 : vector<16xi32>
      %eq3A_1553 = vector.broadcast %sub3A_624 : i32 to vector<16xi32>
      %eq3A_1554 = arith.cmpi eq, %shift_right_arithmetic3A_1476, %eq3A_1553 : vector<16xi32>
      %eq3A_1555 = vector.broadcast %sub3A_624 : i32 to vector<16xi32>
      %eq3A_1556 = arith.cmpi eq, %shift_right_arithmetic3A_1479, %eq3A_1555 : vector<16xi32>
      %eq3A_1557 = vector.broadcast %sub3A_624 : i32 to vector<16xi32>
      %eq3A_1558 = arith.cmpi eq, %shift_right_arithmetic3A_1482, %eq3A_1557 : vector<16xi32>
      %eq3A_1559 = vector.broadcast %sub3A_624 : i32 to vector<16xi32>
      %eq3A_1560 = arith.cmpi eq, %shift_right_arithmetic3A_1485, %eq3A_1559 : vector<16xi32>
      %eq3A_1561 = vector.broadcast %sub3A_624 : i32 to vector<16xi32>
      %eq3A_1562 = arith.cmpi eq, %shift_right_arithmetic3A_1488, %eq3A_1561 : vector<16xi32>
      %eq3A_1563 = vector.broadcast %sub3A_624 : i32 to vector<16xi32>
      %eq3A_1564 = arith.cmpi eq, %shift_right_arithmetic3A_1491, %eq3A_1563 : vector<16xi32>
      %eq3A_1565 = vector.broadcast %sub3A_624 : i32 to vector<16xi32>
      %eq3A_1566 = arith.cmpi eq, %shift_right_arithmetic3A_1494, %eq3A_1565 : vector<16xi32>
      tpu.vector_store_idx %arg11[%add3A_1501], %broadcast_in_dim3A_0 masked %eq3A_1552 {add = true} : memref<4096xi32, #tpu.memory_space<vmem>>[vector<16xi32>], vector<16xi32>, vector<16xi1>
      tpu.vector_store_idx %arg11[%add3A_1508], %broadcast_in_dim3A_0 masked %eq3A_1554 {add = true} : memref<4096xi32, #tpu.memory_space<vmem>>[vector<16xi32>], vector<16xi32>, vector<16xi1>
      tpu.vector_store_idx %arg11[%add3A_1515], %broadcast_in_dim3A_0 masked %eq3A_1556 {add = true} : memref<4096xi32, #tpu.memory_space<vmem>>[vector<16xi32>], vector<16xi32>, vector<16xi1>
      tpu.vector_store_idx %arg11[%add3A_1522], %broadcast_in_dim3A_0 masked %eq3A_1558 {add = true} : memref<4096xi32, #tpu.memory_space<vmem>>[vector<16xi32>], vector<16xi32>, vector<16xi1>
      tpu.vector_store_idx %arg11[%add3A_1529], %broadcast_in_dim3A_0 masked %eq3A_1560 {add = true} : memref<4096xi32, #tpu.memory_space<vmem>>[vector<16xi32>], vector<16xi32>, vector<16xi1>
      tpu.vector_store_idx %arg11[%add3A_1536], %broadcast_in_dim3A_0 masked %eq3A_1562 {add = true} : memref<4096xi32, #tpu.memory_space<vmem>>[vector<16xi32>], vector<16xi32>, vector<16xi1>
      tpu.vector_store_idx %arg11[%add3A_1543], %broadcast_in_dim3A_0 masked %eq3A_1564 {add = true} : memref<4096xi32, #tpu.memory_space<vmem>>[vector<16xi32>], vector<16xi32>, vector<16xi1>
      tpu.vector_store_idx %arg11[%add3A_1550], %broadcast_in_dim3A_0 masked %eq3A_1566 {add = true} : memref<4096xi32, #tpu.memory_space<vmem>>[vector<16xi32>], vector<16xi32>, vector<16xi1>
      %scan3A_1567 = arith.constant 0 : i32
      scf.yield %scan3A_1567 : i32
    }
    %scan3A_634 = arith.constant 48 : i32
    %get3A_635 = arith.constant 6144 : index
    %get3A_636 = tpu.vector_load %arg10[%get3A_635] {strides = array<i32>} : memref<6272xi32, #tpu.memory_space<vmem>>, vector<16xi32>,
    %shift_right_arithmetic3A_637 = arith.constant 24 : i32
    %shift_right_arithmetic3A_638 = vector.broadcast %shift_right_arithmetic3A_637 : i32 to vector<16xi32>
    %shift_right_arithmetic3A_639 = arith.shrsi %get3A_636, %shift_right_arithmetic3A_638 : vector<16xi32>
    %eq3A_640 = vector.broadcast %sub3A_624 : i32 to vector<16xi32>
    %eq3A_641 = arith.cmpi eq, %shift_right_arithmetic3A_639, %eq3A_640 : vector<16xi32>
    %shift_right_arithmetic3A_642 = arith.constant 16 : i32
    %shift_right_arithmetic3A_643 = vector.broadcast %shift_right_arithmetic3A_642 : i32 to vector<16xi32>
    %shift_right_arithmetic3A_644 = arith.shrsi %get3A_636, %shift_right_arithmetic3A_643 : vector<16xi32>
    %and3A_645 = arith.constant 255 : i32
    %and3A_646 = vector.broadcast %and3A_645 : i32 to vector<16xi32>
    %and3A_647 = arith.andi %shift_right_arithmetic3A_644, %and3A_646 : vector<16xi32>
    %add3A_648 = arith.addi %and3A_647, %mul3A_627 : vector<16xi32>
    tpu.vector_store_idx %arg11[%add3A_648], %broadcast_in_dim3A_0 masked %eq3A_641 {add = true} : memref<4096xi32, #tpu.memory_space<vmem>>[vector<16xi32>], vector<16xi32>, vector<16xi1>
    %get3A_649 = arith.constant 6160 : index
    %get3A_650 = tpu.vector_load %arg10[%get3A_649] {strides = array<i32>} : memref<6272xi32, #tpu.memory_space<vmem>>, vector<16xi32>,
    %shift_right_arithmetic3A_651 = arith.constant 24 : i32
    %shift_right_arithmetic3A_652 = vector.broadcast %shift_right_arithmetic3A_651 : i32 to vector<16xi32>
    %shift_right_arithmetic3A_653 = arith.shrsi %get3A_650, %shift_right_arithmetic3A_652 : vector<16xi32>
    %eq3A_654 = vector.broadcast %sub3A_624 : i32 to vector<16xi32>
    %eq3A_655 = arith.cmpi eq, %shift_right_arithmetic3A_653, %eq3A_654 : vector<16xi32>
    %shift_right_arithmetic3A_656 = arith.constant 16 : i32
    %shift_right_arithmetic3A_657 = vector.broadcast %shift_right_arithmetic3A_656 : i32 to vector<16xi32>
    %shift_right_arithmetic3A_658 = arith.shrsi %get3A_650, %shift_right_arithmetic3A_657 : vector<16xi32>
    %and3A_659 = arith.constant 255 : i32
    %and3A_660 = vector.broadcast %and3A_659 : i32 to vector<16xi32>
    %and3A_661 = arith.andi %shift_right_arithmetic3A_658, %and3A_660 : vector<16xi32>
    %add3A_662 = arith.addi %and3A_661, %mul3A_627 : vector<16xi32>
    tpu.vector_store_idx %arg11[%add3A_662], %broadcast_in_dim3A_0 masked %eq3A_655 {add = true} : memref<4096xi32, #tpu.memory_space<vmem>>[vector<16xi32>], vector<16xi32>, vector<16xi1>
    %get3A_663 = arith.constant 6176 : index
    %get3A_664 = tpu.vector_load %arg10[%get3A_663] {strides = array<i32>} : memref<6272xi32, #tpu.memory_space<vmem>>, vector<16xi32>,
    %shift_right_arithmetic3A_665 = arith.constant 24 : i32
    %shift_right_arithmetic3A_666 = vector.broadcast %shift_right_arithmetic3A_665 : i32 to vector<16xi32>
    %shift_right_arithmetic3A_667 = arith.shrsi %get3A_664, %shift_right_arithmetic3A_666 : vector<16xi32>
    %eq3A_668 = vector.broadcast %sub3A_624 : i32 to vector<16xi32>
    %eq3A_669 = arith.cmpi eq, %shift_right_arithmetic3A_667, %eq3A_668 : vector<16xi32>
    %shift_right_arithmetic3A_670 = arith.constant 16 : i32
    %shift_right_arithmetic3A_671 = vector.broadcast %shift_right_arithmetic3A_670 : i32 to vector<16xi32>
    %shift_right_arithmetic3A_672 = arith.shrsi %get3A_664, %shift_right_arithmetic3A_671 : vector<16xi32>
    %and3A_673 = arith.constant 255 : i32
    %and3A_674 = vector.broadcast %and3A_673 : i32 to vector<16xi32>
    %and3A_675 = arith.andi %shift_right_arithmetic3A_672, %and3A_674 : vector<16xi32>
    %add3A_676 = arith.addi %and3A_675, %mul3A_627 : vector<16xi32>
    tpu.vector_store_idx %arg11[%add3A_676], %broadcast_in_dim3A_0 masked %eq3A_669 {add = true} : memref<4096xi32, #tpu.memory_space<vmem>>[vector<16xi32>], vector<16xi32>, vector<16xi1>
    %get3A_677 = arith.constant 6192 : index
    %get3A_678 = tpu.vector_load %arg10[%get3A_677] {strides = array<i32>} : memref<6272xi32, #tpu.memory_space<vmem>>, vector<16xi32>,
    %shift_right_arithmetic3A_679 = arith.constant 24 : i32
    %shift_right_arithmetic3A_680 = vector.broadcast %shift_right_arithmetic3A_679 : i32 to vector<16xi32>
    %shift_right_arithmetic3A_681 = arith.shrsi %get3A_678, %shift_right_arithmetic3A_680 : vector<16xi32>
    %eq3A_682 = vector.broadcast %sub3A_624 : i32 to vector<16xi32>
    %eq3A_683 = arith.cmpi eq, %shift_right_arithmetic3A_681, %eq3A_682 : vector<16xi32>
    %shift_right_arithmetic3A_684 = arith.constant 16 : i32
    %shift_right_arithmetic3A_685 = vector.broadcast %shift_right_arithmetic3A_684 : i32 to vector<16xi32>
    %shift_right_arithmetic3A_686 = arith.shrsi %get3A_678, %shift_right_arithmetic3A_685 : vector<16xi32>
    %and3A_687 = arith.constant 255 : i32
    %and3A_688 = vector.broadcast %and3A_687 : i32 to vector<16xi32>
    %and3A_689 = arith.andi %shift_right_arithmetic3A_686, %and3A_688 : vector<16xi32>
    %add3A_690 = arith.addi %and3A_689, %mul3A_627 : vector<16xi32>
    tpu.vector_store_idx %arg11[%add3A_690], %broadcast_in_dim3A_0 masked %eq3A_683 {add = true} : memref<4096xi32, #tpu.memory_space<vmem>>[vector<16xi32>], vector<16xi32>, vector<16xi1>
    %get3A_691 = arith.constant 6208 : index
    %get3A_692 = tpu.vector_load %arg10[%get3A_691] {strides = array<i32>} : memref<6272xi32, #tpu.memory_space<vmem>>, vector<16xi32>,
    %shift_right_arithmetic3A_693 = arith.constant 24 : i32
    %shift_right_arithmetic3A_694 = vector.broadcast %shift_right_arithmetic3A_693 : i32 to vector<16xi32>
    %shift_right_arithmetic3A_695 = arith.shrsi %get3A_692, %shift_right_arithmetic3A_694 : vector<16xi32>
    %eq3A_696 = vector.broadcast %sub3A_624 : i32 to vector<16xi32>
    %eq3A_697 = arith.cmpi eq, %shift_right_arithmetic3A_695, %eq3A_696 : vector<16xi32>
    %shift_right_arithmetic3A_698 = arith.constant 16 : i32
    %shift_right_arithmetic3A_699 = vector.broadcast %shift_right_arithmetic3A_698 : i32 to vector<16xi32>
    %shift_right_arithmetic3A_700 = arith.shrsi %get3A_692, %shift_right_arithmetic3A_699 : vector<16xi32>
    %and3A_701 = arith.constant 255 : i32
    %and3A_702 = vector.broadcast %and3A_701 : i32 to vector<16xi32>
    %and3A_703 = arith.andi %shift_right_arithmetic3A_700, %and3A_702 : vector<16xi32>
    %add3A_704 = arith.addi %and3A_703, %mul3A_627 : vector<16xi32>
    tpu.vector_store_idx %arg11[%add3A_704], %broadcast_in_dim3A_0 masked %eq3A_697 {add = true} : memref<4096xi32, #tpu.memory_space<vmem>>[vector<16xi32>], vector<16xi32>, vector<16xi1>
    %get3A_705 = arith.constant 6224 : index
    %get3A_706 = tpu.vector_load %arg10[%get3A_705] {strides = array<i32>} : memref<6272xi32, #tpu.memory_space<vmem>>, vector<16xi32>,
    %shift_right_arithmetic3A_707 = arith.constant 24 : i32
    %shift_right_arithmetic3A_708 = vector.broadcast %shift_right_arithmetic3A_707 : i32 to vector<16xi32>
    %shift_right_arithmetic3A_709 = arith.shrsi %get3A_706, %shift_right_arithmetic3A_708 : vector<16xi32>
    %eq3A_710 = vector.broadcast %sub3A_624 : i32 to vector<16xi32>
    %eq3A_711 = arith.cmpi eq, %shift_right_arithmetic3A_709, %eq3A_710 : vector<16xi32>
    %shift_right_arithmetic3A_712 = arith.constant 16 : i32
    %shift_right_arithmetic3A_713 = vector.broadcast %shift_right_arithmetic3A_712 : i32 to vector<16xi32>
    %shift_right_arithmetic3A_714 = arith.shrsi %get3A_706, %shift_right_arithmetic3A_713 : vector<16xi32>
    %and3A_715 = arith.constant 255 : i32
    %and3A_716 = vector.broadcast %and3A_715 : i32 to vector<16xi32>
    %and3A_717 = arith.andi %shift_right_arithmetic3A_714, %and3A_716 : vector<16xi32>
    %add3A_718 = arith.addi %and3A_717, %mul3A_627 : vector<16xi32>
    tpu.vector_store_idx %arg11[%add3A_718], %broadcast_in_dim3A_0 masked %eq3A_711 {add = true} : memref<4096xi32, #tpu.memory_space<vmem>>[vector<16xi32>], vector<16xi32>, vector<16xi1>
    %get3A_719 = arith.constant 6240 : index
    %get3A_720 = tpu.vector_load %arg10[%get3A_719] {strides = array<i32>} : memref<6272xi32, #tpu.memory_space<vmem>>, vector<16xi32>,
    %shift_right_arithmetic3A_721 = arith.constant 24 : i32
    %shift_right_arithmetic3A_722 = vector.broadcast %shift_right_arithmetic3A_721 : i32 to vector<16xi32>
    %shift_right_arithmetic3A_723 = arith.shrsi %get3A_720, %shift_right_arithmetic3A_722 : vector<16xi32>
    %eq3A_724 = vector.broadcast %sub3A_624 : i32 to vector<16xi32>
    %eq3A_725 = arith.cmpi eq, %shift_right_arithmetic3A_723, %eq3A_724 : vector<16xi32>
    %shift_right_arithmetic3A_726 = arith.constant 16 : i32
    %shift_right_arithmetic3A_727 = vector.broadcast %shift_right_arithmetic3A_726 : i32 to vector<16xi32>
    %shift_right_arithmetic3A_728 = arith.shrsi %get3A_720, %shift_right_arithmetic3A_727 : vector<16xi32>
    %and3A_729 = arith.constant 255 : i32
    %and3A_730 = vector.broadcast %and3A_729 : i32 to vector<16xi32>
    %and3A_731 = arith.andi %shift_right_arithmetic3A_728, %and3A_730 : vector<16xi32>
    %add3A_732 = arith.addi %and3A_731, %mul3A_627 : vector<16xi32>
    tpu.vector_store_idx %arg11[%add3A_732], %broadcast_in_dim3A_0 masked %eq3A_725 {add = true} : memref<4096xi32, #tpu.memory_space<vmem>>[vector<16xi32>], vector<16xi32>, vector<16xi1>
    %scan3A_733 = arith.constant 0 : i32
    %scan3A_734 = arith.constant 0 : i32
    %scan3A_735 = arith.constant 16 : i32
    %scan3A_736 = arith.addi %scan3A_734, %scan3A_735 : i32
    %scan3A_737 = arith.constant 1 : i32
    %scan3A_738 = scf.for %scan3A_1419 = %scan3A_734 to %scan3A_736 step %scan3A_737 iter_args(%scan3A_1420 = %scan3A_733) -> (i32)  : i32 {
      %mul3A_1421 = arith.constant 16 : i32
      %mul3A_1422 = arith.muli %scan3A_1419, %mul3A_1421 : i32
      %get3A_1423 = arith.index_cast %mul3A_1422 : i32 to index
      %get3A_1424 = tpu.vector_load %arg11[%get3A_1423] {strides = array<i32>} : memref<4096xi32, #tpu.memory_space<vmem>>, vector<16xi32>,
      %mul3A_1425 = arith.constant 16 : i32
      %mul3A_1426 = arith.muli %scan3A_1419, %mul3A_1425 : i32
      %add3A_1427 = arith.constant 256 : i32
      %add3A_1428 = arith.addi %add3A_1427, %mul3A_1426 : i32
      %get3A_1429 = arith.index_cast %add3A_1428 : i32 to index
      %get3A_1430 = tpu.vector_load %arg11[%get3A_1429] {strides = array<i32>} : memref<4096xi32, #tpu.memory_space<vmem>>, vector<16xi32>,
      %add3A_1431 = arith.addi %get3A_1424, %get3A_1430 : vector<16xi32>
      %mul3A_1432 = arith.constant 16 : i32
      %mul3A_1433 = arith.muli %scan3A_1419, %mul3A_1432 : i32
      %add3A_1434 = arith.constant 512 : i32
      %add3A_1435 = arith.addi %add3A_1434, %mul3A_1433 : i32
      %get3A_1436 = arith.index_cast %add3A_1435 : i32 to index
      %get3A_1437 = tpu.vector_load %arg11[%get3A_1436] {strides = array<i32>} : memref<4096xi32, #tpu.memory_space<vmem>>, vector<16xi32>,
      %add3A_1438 = arith.addi %add3A_1431, %get3A_1437 : vector<16xi32>
      %mul3A_1439 = arith.constant 16 : i32
      %mul3A_1440 = arith.muli %scan3A_1419, %mul3A_1439 : i32
      %add3A_1441 = arith.constant 768 : i32
      %add3A_1442 = arith.addi %add3A_1441, %mul3A_1440 : i32
      %get3A_1443 = arith.index_cast %add3A_1442 : i32 to index
      %get3A_1444 = tpu.vector_load %arg11[%get3A_1443] {strides = array<i32>} : memref<4096xi32, #tpu.memory_space<vmem>>, vector<16xi32>,
      %add3A_1445 = arith.addi %add3A_1438, %get3A_1444 : vector<16xi32>
      %mul3A_1446 = arith.constant 16 : i32
      %mul3A_1447 = arith.muli %scan3A_1419, %mul3A_1446 : i32
      %add3A_1448 = arith.constant 1024 : i32
      %add3A_1449 = arith.addi %add3A_1448, %mul3A_1447 : i32
      %get3A_1450 = arith.index_cast %add3A_1449 : i32 to index
      %get3A_1451 = tpu.vector_load %arg11[%get3A_1450] {strides = array<i32>} : memref<4096xi32, #tpu.memory_space<vmem>>, vector<16xi32>,
      %add3A_1452 = arith.addi %add3A_1445, %get3A_1451 : vector<16xi32>
      %mul3A_1453 = arith.constant 16 : i32
      %mul3A_1454 = arith.muli %scan3A_1419, %mul3A_1453 : i32
      %add3A_1455 = arith.constant 1280 : i32
      %add3A_1456 = arith.addi %add3A_1455, %mul3A_1454 : i32
      %get3A_1457 = arith.index_cast %add3A_1456 : i32 to index
      %get3A_1458 = tpu.vector_load %arg11[%get3A_1457] {strides = array<i32>} : memref<4096xi32, #tpu.memory_space<vmem>>, vector<16xi32>,
      %add3A_1459 = arith.addi %add3A_1452, %get3A_1458 : vector<16xi32>
      %mul3A_1460 = arith.constant 16 : i32
      %mul3A_1461 = arith.muli %scan3A_1419, %mul3A_1460 : i32
      %add3A_1462 = arith.constant 1536 : i32
      %add3A_1463 = arith.addi %add3A_1462, %mul3A_1461 : i32
      %get3A_1464 = arith.index_cast %add3A_1463 : i32 to index
      %get3A_1465 = tpu.vector_load %arg11[%get3A_1464] {strides = array<i32>} : memref<4096xi32, #tpu.memory_space<vmem>>, vector<16xi32>,
      %add3A_1466 = arith.addi %add3A_1459, %get3A_1465 : vector<16xi32>
      %mul3A_1467 = arith.constant 16 : i32
      %mul3A_1468 = arith.muli %scan3A_1419, %mul3A_1467 : i32
      %add3A_1469 = arith.constant 1792 : i32
      %add3A_1470 = arith.addi %add3A_1469, %mul3A_1468 : i32
      %get3A_1471 = arith.index_cast %add3A_1470 : i32 to index
      %get3A_1472 = tpu.vector_load %arg11[%get3A_1471] {strides = array<i32>} : memref<4096xi32, #tpu.memory_space<vmem>>, vector<16xi32>,
      %add3A_1473 = arith.addi %add3A_1466, %get3A_1472 : vector<16xi32>
      %mul3A_1474 = arith.constant 16 : i32
      %mul3A_1475 = arith.muli %scan3A_1419, %mul3A_1474 : i32
      %add3A_1476 = arith.constant 2048 : i32
      %add3A_1477 = arith.addi %add3A_1476, %mul3A_1475 : i32
      %get3A_1478 = arith.index_cast %add3A_1477 : i32 to index
      %get3A_1479 = tpu.vector_load %arg11[%get3A_1478] {strides = array<i32>} : memref<4096xi32, #tpu.memory_space<vmem>>, vector<16xi32>,
      %add3A_1480 = arith.addi %add3A_1473, %get3A_1479 : vector<16xi32>
      %mul3A_1481 = arith.constant 16 : i32
      %mul3A_1482 = arith.muli %scan3A_1419, %mul3A_1481 : i32
      %add3A_1483 = arith.constant 2304 : i32
      %add3A_1484 = arith.addi %add3A_1483, %mul3A_1482 : i32
      %get3A_1485 = arith.index_cast %add3A_1484 : i32 to index
      %get3A_1486 = tpu.vector_load %arg11[%get3A_1485] {strides = array<i32>} : memref<4096xi32, #tpu.memory_space<vmem>>, vector<16xi32>,
      %add3A_1487 = arith.addi %add3A_1480, %get3A_1486 : vector<16xi32>
      %mul3A_1488 = arith.constant 16 : i32
      %mul3A_1489 = arith.muli %scan3A_1419, %mul3A_1488 : i32
      %add3A_1490 = arith.constant 2560 : i32
      %add3A_1491 = arith.addi %add3A_1490, %mul3A_1489 : i32
      %get3A_1492 = arith.index_cast %add3A_1491 : i32 to index
      %get3A_1493 = tpu.vector_load %arg11[%get3A_1492] {strides = array<i32>} : memref<4096xi32, #tpu.memory_space<vmem>>, vector<16xi32>,
      %add3A_1494 = arith.addi %add3A_1487, %get3A_1493 : vector<16xi32>
      %mul3A_1495 = arith.constant 16 : i32
      %mul3A_1496 = arith.muli %scan3A_1419, %mul3A_1495 : i32
      %add3A_1497 = arith.constant 2816 : i32
      %add3A_1498 = arith.addi %add3A_1497, %mul3A_1496 : i32
      %get3A_1499 = arith.index_cast %add3A_1498 : i32 to index
      %get3A_1500 = tpu.vector_load %arg11[%get3A_1499] {strides = array<i32>} : memref<4096xi32, #tpu.memory_space<vmem>>, vector<16xi32>,
      %add3A_1501 = arith.addi %add3A_1494, %get3A_1500 : vector<16xi32>
      %mul3A_1502 = arith.constant 16 : i32
      %mul3A_1503 = arith.muli %scan3A_1419, %mul3A_1502 : i32
      %add3A_1504 = arith.constant 3072 : i32
      %add3A_1505 = arith.addi %add3A_1504, %mul3A_1503 : i32
      %get3A_1506 = arith.index_cast %add3A_1505 : i32 to index
      %get3A_1507 = tpu.vector_load %arg11[%get3A_1506] {strides = array<i32>} : memref<4096xi32, #tpu.memory_space<vmem>>, vector<16xi32>,
      %add3A_1508 = arith.addi %add3A_1501, %get3A_1507 : vector<16xi32>
      %mul3A_1509 = arith.constant 16 : i32
      %mul3A_1510 = arith.muli %scan3A_1419, %mul3A_1509 : i32
      %add3A_1511 = arith.constant 3328 : i32
      %add3A_1512 = arith.addi %add3A_1511, %mul3A_1510 : i32
      %get3A_1513 = arith.index_cast %add3A_1512 : i32 to index
      %get3A_1514 = tpu.vector_load %arg11[%get3A_1513] {strides = array<i32>} : memref<4096xi32, #tpu.memory_space<vmem>>, vector<16xi32>,
      %add3A_1515 = arith.addi %add3A_1508, %get3A_1514 : vector<16xi32>
      %mul3A_1516 = arith.constant 16 : i32
      %mul3A_1517 = arith.muli %scan3A_1419, %mul3A_1516 : i32
      %add3A_1518 = arith.constant 3584 : i32
      %add3A_1519 = arith.addi %add3A_1518, %mul3A_1517 : i32
      %get3A_1520 = arith.index_cast %add3A_1519 : i32 to index
      %get3A_1521 = tpu.vector_load %arg11[%get3A_1520] {strides = array<i32>} : memref<4096xi32, #tpu.memory_space<vmem>>, vector<16xi32>,
      %add3A_1522 = arith.addi %add3A_1515, %get3A_1521 : vector<16xi32>
      %mul3A_1523 = arith.constant 16 : i32
      %mul3A_1524 = arith.muli %scan3A_1419, %mul3A_1523 : i32
      %add3A_1525 = arith.constant 3840 : i32
      %add3A_1526 = arith.addi %add3A_1525, %mul3A_1524 : i32
      %get3A_1527 = arith.index_cast %add3A_1526 : i32 to index
      %get3A_1528 = tpu.vector_load %arg11[%get3A_1527] {strides = array<i32>} : memref<4096xi32, #tpu.memory_space<vmem>>, vector<16xi32>,
      %add3A_1529 = arith.addi %add3A_1522, %get3A_1528 : vector<16xi32>
      %mul3A_1530 = arith.constant 16 : i32
      %mul3A_1531 = arith.muli %scan3A_1419, %mul3A_1530 : i32
      %swap3A_1532 = arith.index_cast %mul3A_1531 : i32 to index
      %swap3A_1533 = tpu.vector_load %arg18[%swap3A_1532] {strides = array<i32>} : memref<256xi32, #tpu.memory_space<vmem>>, vector<16xi32>,
      tpu.vector_store %arg18[%swap3A_1532], %add3A_1529 {strides = array<i32>} : memref<256xi32, #tpu.memory_space<vmem>>, vector<16xi32>,
      %scan3A_1534 = arith.constant 0 : i32
      scf.yield %scan3A_1534 : i32
    }
    %scan3A_739 = arith.constant 16 : i32
    "tpu.region"() ({
      %run_scoped3A = tpu.sem_alloc : memref<!tpu.dma_semaphore, #tpu.memory_space<semaphore_mem>>
      %dma_start3A = arith.constant 0 : i32
      %dma_start3A_1419 = tpu.memref_slice %arg26[%arg1, %dma_start3A] : memref<16x256xi32, #tpu.memory_space<vmem_shared>> -> memref<1x256xi32, #tpu.memory_space<vmem_shared>>
      %dma_start3A_1420 = tpu.memref_squeeze %dma_start3A_1419 : memref<1x256xi32, #tpu.memory_space<vmem_shared>> -> memref<256xi32, #tpu.memory_space<vmem_shared>>
      %dma_start3A_1421 = arith.constant 0 : i32
      %dma_start3A_1422 = tpu.memref_slice %arg26[%arg1, %dma_start3A_1421] : memref<16x256xi32, #tpu.memory_space<vmem_shared>> -> memref<1x256xi32, #tpu.memory_space<vmem_shared>>
      %dma_start3A_1423 = tpu.memref_squeeze %dma_start3A_1422 : memref<1x256xi32, #tpu.memory_space<vmem_shared>> -> memref<256xi32, #tpu.memory_space<vmem_shared>>
      tpu.enqueue_dma source(%arg18 : memref<256xi32, #tpu.memory_space<vmem>>) target(%dma_start3A_1423 : memref<256xi32, #tpu.memory_space<vmem_shared>>) target_semaphore(%run_scoped3A : memref<!tpu.dma_semaphore, #tpu.memory_space<semaphore_mem>>)
      %dma_wait3A = arith.constant 0 : i32
      %dma_wait3A_1424 = tpu.memref_slice %arg26[%arg1, %dma_wait3A] : memref<16x256xi32, #tpu.memory_space<vmem_shared>> -> memref<1x256xi32, #tpu.memory_space<vmem_shared>>
      %dma_wait3A_1425 = tpu.memref_squeeze %dma_wait3A_1424 : memref<1x256xi32, #tpu.memory_space<vmem_shared>> -> memref<256xi32, #tpu.memory_space<vmem_shared>>
      %dma_wait3A_1426 = arith.constant 0 : i32
      %dma_wait3A_1427 = tpu.memref_slice %arg26[%arg1, %dma_wait3A_1426] : memref<16x256xi32, #tpu.memory_space<vmem_shared>> -> memref<1x256xi32, #tpu.memory_space<vmem_shared>>
      %dma_wait3A_1428 = tpu.memref_squeeze %dma_wait3A_1427 : memref<1x256xi32, #tpu.memory_space<vmem_shared>> -> memref<256xi32, #tpu.memory_space<vmem_shared>>
      tpu.wait_dma2 semaphore(%run_scoped3A : memref<!tpu.dma_semaphore, #tpu.memory_space<semaphore_mem>>) src(%arg18 : memref<256xi32, #tpu.memory_space<vmem>>) dst(%dma_wait3A_1428 : memref<256xi32, #tpu.memory_space<vmem_shared>>)
      tpu.yield
    }) : () -> ()
    %barrier3A_740 = arith.constant 0 : index
    tpu.barrier barrier_id(%barrier3A_740)
    "tpu.region"() ({
      %run_scoped3A = tpu.sem_alloc : memref<!tpu.dma_semaphore, #tpu.memory_space<semaphore_mem>>
      tpu.enqueue_dma source(%arg26 : memref<16x256xi32, #tpu.memory_space<vmem_shared>>) target(%arg17 : memref<16x256xi32, #tpu.memory_space<vmem>>) target_semaphore(%run_scoped3A : memref<!tpu.dma_semaphore, #tpu.memory_space<semaphore_mem>>)
      tpu.wait_dma2 semaphore(%run_scoped3A : memref<!tpu.dma_semaphore, #tpu.memory_space<semaphore_mem>>) src(%arg26 : memref<16x256xi32, #tpu.memory_space<vmem_shared>>) dst(%arg17 : memref<16x256xi32, #tpu.memory_space<vmem>>)
      tpu.yield
    }) : () -> ()
    %barrier3A_741 = arith.constant 0 : index
    tpu.barrier barrier_id(%barrier3A_741)
    %scan3A_742 = arith.constant 0 : i32
    %scan3A_743 = arith.constant 0 : i32
    %scan3A_744 = arith.constant 16 : i32
    %scan3A_745 = arith.addi %scan3A_743, %scan3A_744 : i32
    %scan3A_746 = arith.constant 1 : i32
    %scan3A_747 = scf.for %scan3A_1419 = %scan3A_743 to %scan3A_745 step %scan3A_746 iter_args(%scan3A_1420 = %scan3A_742) -> (i32)  : i32 {
      %mul3A_1421 = arith.constant 16 : i32
      %mul3A_1422 = arith.muli %scan3A_1419, %mul3A_1421 : i32
      %get3A_1423 = arith.constant 0 : i32
      %get3A_1424 = arith.index_cast %get3A_1423 : i32 to index
      %get3A_1425 = arith.index_cast %mul3A_1422 : i32 to index
      %get3A_1426 = tpu.vector_load %arg17[%get3A_1424, %get3A_1425] {strides = array<i32>} : memref<16x256xi32, #tpu.memory_space<vmem>>, vector<16xi32>,
      %mul3A_1427 = arith.constant 16 : i32
      %mul3A_1428 = arith.muli %scan3A_1419, %mul3A_1427 : i32
      %get3A_1429 = arith.constant 1 : i32
      %get3A_1430 = arith.index_cast %get3A_1429 : i32 to index
      %get3A_1431 = arith.index_cast %mul3A_1428 : i32 to index
      %get3A_1432 = tpu.vector_load %arg17[%get3A_1430, %get3A_1431] {strides = array<i32>} : memref<16x256xi32, #tpu.memory_space<vmem>>, vector<16xi32>,
      %add3A_1433 = arith.addi %get3A_1426, %get3A_1432 : vector<16xi32>
      %mul3A_1434 = arith.constant 16 : i32
      %mul3A_1435 = arith.muli %scan3A_1419, %mul3A_1434 : i32
      %get3A_1436 = arith.constant 2 : i32
      %get3A_1437 = arith.index_cast %get3A_1436 : i32 to index
      %get3A_1438 = arith.index_cast %mul3A_1435 : i32 to index
      %get3A_1439 = tpu.vector_load %arg17[%get3A_1437, %get3A_1438] {strides = array<i32>} : memref<16x256xi32, #tpu.memory_space<vmem>>, vector<16xi32>,
      %add3A_1440 = arith.addi %add3A_1433, %get3A_1439 : vector<16xi32>
      %mul3A_1441 = arith.constant 16 : i32
      %mul3A_1442 = arith.muli %scan3A_1419, %mul3A_1441 : i32
      %get3A_1443 = arith.constant 3 : i32
      %get3A_1444 = arith.index_cast %get3A_1443 : i32 to index
      %get3A_1445 = arith.index_cast %mul3A_1442 : i32 to index
      %get3A_1446 = tpu.vector_load %arg17[%get3A_1444, %get3A_1445] {strides = array<i32>} : memref<16x256xi32, #tpu.memory_space<vmem>>, vector<16xi32>,
      %add3A_1447 = arith.addi %add3A_1440, %get3A_1446 : vector<16xi32>
      %mul3A_1448 = arith.constant 16 : i32
      %mul3A_1449 = arith.muli %scan3A_1419, %mul3A_1448 : i32
      %get3A_1450 = arith.constant 4 : i32
      %get3A_1451 = arith.index_cast %get3A_1450 : i32 to index
      %get3A_1452 = arith.index_cast %mul3A_1449 : i32 to index
      %get3A_1453 = tpu.vector_load %arg17[%get3A_1451, %get3A_1452] {strides = array<i32>} : memref<16x256xi32, #tpu.memory_space<vmem>>, vector<16xi32>,
      %add3A_1454 = arith.addi %add3A_1447, %get3A_1453 : vector<16xi32>
      %mul3A_1455 = arith.constant 16 : i32
      %mul3A_1456 = arith.muli %scan3A_1419, %mul3A_1455 : i32
      %get3A_1457 = arith.constant 5 : i32
      %get3A_1458 = arith.index_cast %get3A_1457 : i32 to index
      %get3A_1459 = arith.index_cast %mul3A_1456 : i32 to index
      %get3A_1460 = tpu.vector_load %arg17[%get3A_1458, %get3A_1459] {strides = array<i32>} : memref<16x256xi32, #tpu.memory_space<vmem>>, vector<16xi32>,
      %add3A_1461 = arith.addi %add3A_1454, %get3A_1460 : vector<16xi32>
      %mul3A_1462 = arith.constant 16 : i32
      %mul3A_1463 = arith.muli %scan3A_1419, %mul3A_1462 : i32
      %get3A_1464 = arith.constant 6 : i32
      %get3A_1465 = arith.index_cast %get3A_1464 : i32 to index
      %get3A_1466 = arith.index_cast %mul3A_1463 : i32 to index
      %get3A_1467 = tpu.vector_load %arg17[%get3A_1465, %get3A_1466] {strides = array<i32>} : memref<16x256xi32, #tpu.memory_space<vmem>>, vector<16xi32>,
      %add3A_1468 = arith.addi %add3A_1461, %get3A_1467 : vector<16xi32>
      %mul3A_1469 = arith.constant 16 : i32
      %mul3A_1470 = arith.muli %scan3A_1419, %mul3A_1469 : i32
      %get3A_1471 = arith.constant 7 : i32
      %get3A_1472 = arith.index_cast %get3A_1471 : i32 to index
      %get3A_1473 = arith.index_cast %mul3A_1470 : i32 to index
      %get3A_1474 = tpu.vector_load %arg17[%get3A_1472, %get3A_1473] {strides = array<i32>} : memref<16x256xi32, #tpu.memory_space<vmem>>, vector<16xi32>,
      %add3A_1475 = arith.addi %add3A_1468, %get3A_1474 : vector<16xi32>
      %mul3A_1476 = arith.constant 16 : i32
      %mul3A_1477 = arith.muli %scan3A_1419, %mul3A_1476 : i32
      %get3A_1478 = arith.constant 8 : i32
      %get3A_1479 = arith.index_cast %get3A_1478 : i32 to index
      %get3A_1480 = arith.index_cast %mul3A_1477 : i32 to index
      %get3A_1481 = tpu.vector_load %arg17[%get3A_1479, %get3A_1480] {strides = array<i32>} : memref<16x256xi32, #tpu.memory_space<vmem>>, vector<16xi32>,
      %add3A_1482 = arith.addi %add3A_1475, %get3A_1481 : vector<16xi32>
      %mul3A_1483 = arith.constant 16 : i32
      %mul3A_1484 = arith.muli %scan3A_1419, %mul3A_1483 : i32
      %get3A_1485 = arith.constant 9 : i32
      %get3A_1486 = arith.index_cast %get3A_1485 : i32 to index
      %get3A_1487 = arith.index_cast %mul3A_1484 : i32 to index
      %get3A_1488 = tpu.vector_load %arg17[%get3A_1486, %get3A_1487] {strides = array<i32>} : memref<16x256xi32, #tpu.memory_space<vmem>>, vector<16xi32>,
      %add3A_1489 = arith.addi %add3A_1482, %get3A_1488 : vector<16xi32>
      %mul3A_1490 = arith.constant 16 : i32
      %mul3A_1491 = arith.muli %scan3A_1419, %mul3A_1490 : i32
      %get3A_1492 = arith.constant 10 : i32
      %get3A_1493 = arith.index_cast %get3A_1492 : i32 to index
      %get3A_1494 = arith.index_cast %mul3A_1491 : i32 to index
      %get3A_1495 = tpu.vector_load %arg17[%get3A_1493, %get3A_1494] {strides = array<i32>} : memref<16x256xi32, #tpu.memory_space<vmem>>, vector<16xi32>,
      %add3A_1496 = arith.addi %add3A_1489, %get3A_1495 : vector<16xi32>
      %mul3A_1497 = arith.constant 16 : i32
      %mul3A_1498 = arith.muli %scan3A_1419, %mul3A_1497 : i32
      %get3A_1499 = arith.constant 11 : i32
      %get3A_1500 = arith.index_cast %get3A_1499 : i32 to index
      %get3A_1501 = arith.index_cast %mul3A_1498 : i32 to index
      %get3A_1502 = tpu.vector_load %arg17[%get3A_1500, %get3A_1501] {strides = array<i32>} : memref<16x256xi32, #tpu.memory_space<vmem>>, vector<16xi32>,
      %add3A_1503 = arith.addi %add3A_1496, %get3A_1502 : vector<16xi32>
      %mul3A_1504 = arith.constant 16 : i32
      %mul3A_1505 = arith.muli %scan3A_1419, %mul3A_1504 : i32
      %get3A_1506 = arith.constant 12 : i32
      %get3A_1507 = arith.index_cast %get3A_1506 : i32 to index
      %get3A_1508 = arith.index_cast %mul3A_1505 : i32 to index
      %get3A_1509 = tpu.vector_load %arg17[%get3A_1507, %get3A_1508] {strides = array<i32>} : memref<16x256xi32, #tpu.memory_space<vmem>>, vector<16xi32>,
      %add3A_1510 = arith.addi %add3A_1503, %get3A_1509 : vector<16xi32>
      %mul3A_1511 = arith.constant 16 : i32
      %mul3A_1512 = arith.muli %scan3A_1419, %mul3A_1511 : i32
      %get3A_1513 = arith.constant 13 : i32
      %get3A_1514 = arith.index_cast %get3A_1513 : i32 to index
      %get3A_1515 = arith.index_cast %mul3A_1512 : i32 to index
      %get3A_1516 = tpu.vector_load %arg17[%get3A_1514, %get3A_1515] {strides = array<i32>} : memref<16x256xi32, #tpu.memory_space<vmem>>, vector<16xi32>,
      %add3A_1517 = arith.addi %add3A_1510, %get3A_1516 : vector<16xi32>
      %mul3A_1518 = arith.constant 16 : i32
      %mul3A_1519 = arith.muli %scan3A_1419, %mul3A_1518 : i32
      %get3A_1520 = arith.constant 14 : i32
      %get3A_1521 = arith.index_cast %get3A_1520 : i32 to index
      %get3A_1522 = arith.index_cast %mul3A_1519 : i32 to index
      %get3A_1523 = tpu.vector_load %arg17[%get3A_1521, %get3A_1522] {strides = array<i32>} : memref<16x256xi32, #tpu.memory_space<vmem>>, vector<16xi32>,
      %add3A_1524 = arith.addi %add3A_1517, %get3A_1523 : vector<16xi32>
      %mul3A_1525 = arith.constant 16 : i32
      %mul3A_1526 = arith.muli %scan3A_1419, %mul3A_1525 : i32
      %get3A_1527 = arith.constant 15 : i32
      %get3A_1528 = arith.index_cast %get3A_1527 : i32 to index
      %get3A_1529 = arith.index_cast %mul3A_1526 : i32 to index
      %get3A_1530 = tpu.vector_load %arg17[%get3A_1528, %get3A_1529] {strides = array<i32>} : memref<16x256xi32, #tpu.memory_space<vmem>>, vector<16xi32>,
      %add3A_1531 = arith.addi %add3A_1524, %get3A_1530 : vector<16xi32>
      %mul3A_1532 = arith.constant 16 : i32
      %mul3A_1533 = arith.muli %scan3A_1419, %mul3A_1532 : i32
      %swap3A_1534 = arith.index_cast %mul3A_1533 : i32 to index
      %swap3A_1535 = tpu.vector_load %arg18[%swap3A_1534] {strides = array<i32>} : memref<256xi32, #tpu.memory_space<vmem>>, vector<16xi32>,
      tpu.vector_store %arg18[%swap3A_1534], %add3A_1531 {strides = array<i32>} : memref<256xi32, #tpu.memory_space<vmem>>, vector<16xi32>,
      %scan3A_1536 = arith.constant 0 : i32
      scf.yield %scan3A_1536 : i32
    }
    %scan3A_748 = arith.constant 16 : i32
    %get3A_749 = arith.constant 240 : index
    %get3A_750 = tpu.vector_load %arg18[%get3A_749] {strides = array<i32>} : memref<256xi32, #tpu.memory_space<vmem>>, vector<16xi32>,
    %rev3A_751 = arith.constant 15 : i32
    %rev3A_752 = vector.broadcast %rev3A_751 : i32 to vector<16xi32>
    %rev3A_753 = tpu.iota {dimensions = array<i32: 0>} : vector<16xi32>
    %rev3A_754 = arith.subi %rev3A_752, %rev3A_753 : vector<16xi32>
    %rev3A_755 = tpu.dynamic_gather %get3A_750[%rev3A_754] in [0] : vector<16xi32>, vector<16xi32> -> vector<16xi32>
    %broadcast_in_dim3A_756 = arith.constant true
    %broadcast_in_dim3A_757 = vector.broadcast %broadcast_in_dim3A_756 : i1 to vector<16xi1>
    %masked_cumsum3A_758 = tpu.scan <sum>, %rev3A_755 masked %broadcast_in_dim3A_757 : vector<16xi32>, vector<16xi1> -> vector<16xi32>
    %rev3A_759 = arith.constant 15 : i32
    %rev3A_760 = vector.broadcast %rev3A_759 : i32 to vector<16xi32>
    %rev3A_761 = tpu.iota {dimensions = array<i32: 0>} : vector<16xi32>
    %rev3A_762 = arith.subi %rev3A_760, %rev3A_761 : vector<16xi32>
    %rev3A_763 = tpu.dynamic_gather %masked_cumsum3A_758[%rev3A_762] in [0] : vector<16xi32>, vector<16xi32> -> vector<16xi32>
    %add3A_764 = arith.addi %rev3A_763, %broadcast_in_dim3A_2 : vector<16xi32>
    %swap3A_765 = arith.constant 240 : index
    %swap3A_766 = tpu.vector_load %arg12[%swap3A_765] {strides = array<i32>} : memref<256xi32, #tpu.memory_space<vmem>>, vector<16xi32>,
    tpu.vector_store %arg12[%swap3A_765], %add3A_764 {strides = array<i32>} : memref<256xi32, #tpu.memory_space<vmem>>, vector<16xi32>,
    %reduce_sum3A_767 = arith.constant true
    %reduce_sum3A_768 = vector.broadcast %reduce_sum3A_767 : i1 to vector<16xi1>
    %reduce_sum3A_769 = tpu.scan <sum>, %get3A_750 masked %reduce_sum3A_768 : vector<16xi32>, vector<16xi1> -> vector<16xi32>
    %reduce_sum3A_770 = vector.extract %reduce_sum3A_769[15] : i32 from vector<16xi32>
    %broadcast_in_dim3A_771 = vector.broadcast %reduce_sum3A_770 : i32 to vector<16xi32>
    %add3A_772 = arith.addi %broadcast_in_dim3A_2, %broadcast_in_dim3A_771 : vector<16xi32>
    %ge3A_773 = vector.broadcast %sub3A_622 : i32 to vector<16xi32>
    %ge3A_774 = arith.cmpi sge, %add3A_764, %ge3A_773 : vector<16xi32>
    %all_reduce_population_count3A_775 = tpu.all_reduce %ge3A_774 {dim = 0 : i64, kind = #tpu.reduction_kind<sum>} : vector<16xi1> -> vector<16xi32>
    %add3A_776 = arith.addi %broadcast_in_dim3A_2, %all_reduce_population_count3A_775 : vector<16xi32>
    %get3A_777 = arith.constant 224 : index
    %get3A_778 = tpu.vector_load %arg18[%get3A_777] {strides = array<i32>} : memref<256xi32, #tpu.memory_space<vmem>>, vector<16xi32>,
    %rev3A_779 = arith.constant 15 : i32
    %rev3A_780 = vector.broadcast %rev3A_779 : i32 to vector<16xi32>
    %rev3A_781 = tpu.iota {dimensions = array<i32: 0>} : vector<16xi32>
    %rev3A_782 = arith.subi %rev3A_780, %rev3A_781 : vector<16xi32>
    %rev3A_783 = tpu.dynamic_gather %get3A_778[%rev3A_782] in [0] : vector<16xi32>, vector<16xi32> -> vector<16xi32>
    %broadcast_in_dim3A_784 = arith.constant true
    %broadcast_in_dim3A_785 = vector.broadcast %broadcast_in_dim3A_784 : i1 to vector<16xi1>
    %masked_cumsum3A_786 = tpu.scan <sum>, %rev3A_783 masked %broadcast_in_dim3A_785 : vector<16xi32>, vector<16xi1> -> vector<16xi32>
    %rev3A_787 = arith.constant 15 : i32
    %rev3A_788 = vector.broadcast %rev3A_787 : i32 to vector<16xi32>
    %rev3A_789 = tpu.iota {dimensions = array<i32: 0>} : vector<16xi32>
    %rev3A_790 = arith.subi %rev3A_788, %rev3A_789 : vector<16xi32>
    %rev3A_791 = tpu.dynamic_gather %masked_cumsum3A_786[%rev3A_790] in [0] : vector<16xi32>, vector<16xi32> -> vector<16xi32>
    %add3A_792 = arith.addi %rev3A_791, %add3A_772 : vector<16xi32>
    %swap3A_793 = arith.constant 224 : index
    %swap3A_794 = tpu.vector_load %arg12[%swap3A_793] {strides = array<i32>} : memref<256xi32, #tpu.memory_space<vmem>>, vector<16xi32>,
    tpu.vector_store %arg12[%swap3A_793], %add3A_792 {strides = array<i32>} : memref<256xi32, #tpu.memory_space<vmem>>, vector<16xi32>,
    %reduce_sum3A_795 = arith.constant true
    %reduce_sum3A_796 = vector.broadcast %reduce_sum3A_795 : i1 to vector<16xi1>
    %reduce_sum3A_797 = tpu.scan <sum>, %get3A_778 masked %reduce_sum3A_796 : vector<16xi32>, vector<16xi1> -> vector<16xi32>
    %reduce_sum3A_798 = vector.extract %reduce_sum3A_797[15] : i32 from vector<16xi32>
    %broadcast_in_dim3A_799 = vector.broadcast %reduce_sum3A_798 : i32 to vector<16xi32>
    %add3A_800 = arith.addi %add3A_772, %broadcast_in_dim3A_799 : vector<16xi32>
    %ge3A_801 = vector.broadcast %sub3A_622 : i32 to vector<16xi32>
    %ge3A_802 = arith.cmpi sge, %add3A_792, %ge3A_801 : vector<16xi32>
    %all_reduce_population_count3A_803 = tpu.all_reduce %ge3A_802 {dim = 0 : i64, kind = #tpu.reduction_kind<sum>} : vector<16xi1> -> vector<16xi32>
    %add3A_804 = arith.addi %add3A_776, %all_reduce_population_count3A_803 : vector<16xi32>
    %get3A_805 = arith.constant 208 : index
    %get3A_806 = tpu.vector_load %arg18[%get3A_805] {strides = array<i32>} : memref<256xi32, #tpu.memory_space<vmem>>, vector<16xi32>,
    %rev3A_807 = arith.constant 15 : i32
    %rev3A_808 = vector.broadcast %rev3A_807 : i32 to vector<16xi32>
    %rev3A_809 = tpu.iota {dimensions = array<i32: 0>} : vector<16xi32>
    %rev3A_810 = arith.subi %rev3A_808, %rev3A_809 : vector<16xi32>
    %rev3A_811 = tpu.dynamic_gather %get3A_806[%rev3A_810] in [0] : vector<16xi32>, vector<16xi32> -> vector<16xi32>
    %broadcast_in_dim3A_812 = arith.constant true
    %broadcast_in_dim3A_813 = vector.broadcast %broadcast_in_dim3A_812 : i1 to vector<16xi1>
    %masked_cumsum3A_814 = tpu.scan <sum>, %rev3A_811 masked %broadcast_in_dim3A_813 : vector<16xi32>, vector<16xi1> -> vector<16xi32>
    %rev3A_815 = arith.constant 15 : i32
    %rev3A_816 = vector.broadcast %rev3A_815 : i32 to vector<16xi32>
    %rev3A_817 = tpu.iota {dimensions = array<i32: 0>} : vector<16xi32>
    %rev3A_818 = arith.subi %rev3A_816, %rev3A_817 : vector<16xi32>
    %rev3A_819 = tpu.dynamic_gather %masked_cumsum3A_814[%rev3A_818] in [0] : vector<16xi32>, vector<16xi32> -> vector<16xi32>
    %add3A_820 = arith.addi %rev3A_819, %add3A_800 : vector<16xi32>
    %swap3A_821 = arith.constant 208 : index
    %swap3A_822 = tpu.vector_load %arg12[%swap3A_821] {strides = array<i32>} : memref<256xi32, #tpu.memory_space<vmem>>, vector<16xi32>,
    tpu.vector_store %arg12[%swap3A_821], %add3A_820 {strides = array<i32>} : memref<256xi32, #tpu.memory_space<vmem>>, vector<16xi32>,
    %reduce_sum3A_823 = arith.constant true
    %reduce_sum3A_824 = vector.broadcast %reduce_sum3A_823 : i1 to vector<16xi1>
    %reduce_sum3A_825 = tpu.scan <sum>, %get3A_806 masked %reduce_sum3A_824 : vector<16xi32>, vector<16xi1> -> vector<16xi32>
    %reduce_sum3A_826 = vector.extract %reduce_sum3A_825[15] : i32 from vector<16xi32>
    %broadcast_in_dim3A_827 = vector.broadcast %reduce_sum3A_826 : i32 to vector<16xi32>
    %add3A_828 = arith.addi %add3A_800, %broadcast_in_dim3A_827 : vector<16xi32>
    %ge3A_829 = vector.broadcast %sub3A_622 : i32 to vector<16xi32>
    %ge3A_830 = arith.cmpi sge, %add3A_820, %ge3A_829 : vector<16xi32>
    %all_reduce_population_count3A_831 = tpu.all_reduce %ge3A_830 {dim = 0 : i64, kind = #tpu.reduction_kind<sum>} : vector<16xi1> -> vector<16xi32>
    %add3A_832 = arith.addi %add3A_804, %all_reduce_population_count3A_831 : vector<16xi32>
    %get3A_833 = arith.constant 192 : index
    %get3A_834 = tpu.vector_load %arg18[%get3A_833] {strides = array<i32>} : memref<256xi32, #tpu.memory_space<vmem>>, vector<16xi32>,
    %rev3A_835 = arith.constant 15 : i32
    %rev3A_836 = vector.broadcast %rev3A_835 : i32 to vector<16xi32>
    %rev3A_837 = tpu.iota {dimensions = array<i32: 0>} : vector<16xi32>
    %rev3A_838 = arith.subi %rev3A_836, %rev3A_837 : vector<16xi32>
    %rev3A_839 = tpu.dynamic_gather %get3A_834[%rev3A_838] in [0] : vector<16xi32>, vector<16xi32> -> vector<16xi32>
    %broadcast_in_dim3A_840 = arith.constant true
    %broadcast_in_dim3A_841 = vector.broadcast %broadcast_in_dim3A_840 : i1 to vector<16xi1>
    %masked_cumsum3A_842 = tpu.scan <sum>, %rev3A_839 masked %broadcast_in_dim3A_841 : vector<16xi32>, vector<16xi1> -> vector<16xi32>
    %rev3A_843 = arith.constant 15 : i32
    %rev3A_844 = vector.broadcast %rev3A_843 : i32 to vector<16xi32>
    %rev3A_845 = tpu.iota {dimensions = array<i32: 0>} : vector<16xi32>
    %rev3A_846 = arith.subi %rev3A_844, %rev3A_845 : vector<16xi32>
    %rev3A_847 = tpu.dynamic_gather %masked_cumsum3A_842[%rev3A_846] in [0] : vector<16xi32>, vector<16xi32> -> vector<16xi32>
    %add3A_848 = arith.addi %rev3A_847, %add3A_828 : vector<16xi32>
    %swap3A_849 = arith.constant 192 : index
    %swap3A_850 = tpu.vector_load %arg12[%swap3A_849] {strides = array<i32>} : memref<256xi32, #tpu.memory_space<vmem>>, vector<16xi32>,
    tpu.vector_store %arg12[%swap3A_849], %add3A_848 {strides = array<i32>} : memref<256xi32, #tpu.memory_space<vmem>>, vector<16xi32>,
    %reduce_sum3A_851 = arith.constant true
    %reduce_sum3A_852 = vector.broadcast %reduce_sum3A_851 : i1 to vector<16xi1>
    %reduce_sum3A_853 = tpu.scan <sum>, %get3A_834 masked %reduce_sum3A_852 : vector<16xi32>, vector<16xi1> -> vector<16xi32>
    %reduce_sum3A_854 = vector.extract %reduce_sum3A_853[15] : i32 from vector<16xi32>
    %broadcast_in_dim3A_855 = vector.broadcast %reduce_sum3A_854 : i32 to vector<16xi32>
    %add3A_856 = arith.addi %add3A_828, %broadcast_in_dim3A_855 : vector<16xi32>
    %ge3A_857 = vector.broadcast %sub3A_622 : i32 to vector<16xi32>
    %ge3A_858 = arith.cmpi sge, %add3A_848, %ge3A_857 : vector<16xi32>
    %all_reduce_population_count3A_859 = tpu.all_reduce %ge3A_858 {dim = 0 : i64, kind = #tpu.reduction_kind<sum>} : vector<16xi1> -> vector<16xi32>
    %add3A_860 = arith.addi %add3A_832, %all_reduce_population_count3A_859 : vector<16xi32>
    %get3A_861 = arith.constant 176 : index
    %get3A_862 = tpu.vector_load %arg18[%get3A_861] {strides = array<i32>} : memref<256xi32, #tpu.memory_space<vmem>>, vector<16xi32>,
    %rev3A_863 = arith.constant 15 : i32
    %rev3A_864 = vector.broadcast %rev3A_863 : i32 to vector<16xi32>
    %rev3A_865 = tpu.iota {dimensions = array<i32: 0>} : vector<16xi32>
    %rev3A_866 = arith.subi %rev3A_864, %rev3A_865 : vector<16xi32>
    %rev3A_867 = tpu.dynamic_gather %get3A_862[%rev3A_866] in [0] : vector<16xi32>, vector<16xi32> -> vector<16xi32>
    %broadcast_in_dim3A_868 = arith.constant true
    %broadcast_in_dim3A_869 = vector.broadcast %broadcast_in_dim3A_868 : i1 to vector<16xi1>
    %masked_cumsum3A_870 = tpu.scan <sum>, %rev3A_867 masked %broadcast_in_dim3A_869 : vector<16xi32>, vector<16xi1> -> vector<16xi32>
    %rev3A_871 = arith.constant 15 : i32
    %rev3A_872 = vector.broadcast %rev3A_871 : i32 to vector<16xi32>
    %rev3A_873 = tpu.iota {dimensions = array<i32: 0>} : vector<16xi32>
    %rev3A_874 = arith.subi %rev3A_872, %rev3A_873 : vector<16xi32>
    %rev3A_875 = tpu.dynamic_gather %masked_cumsum3A_870[%rev3A_874] in [0] : vector<16xi32>, vector<16xi32> -> vector<16xi32>
    %add3A_876 = arith.addi %rev3A_875, %add3A_856 : vector<16xi32>
    %swap3A_877 = arith.constant 176 : index
    %swap3A_878 = tpu.vector_load %arg12[%swap3A_877] {strides = array<i32>} : memref<256xi32, #tpu.memory_space<vmem>>, vector<16xi32>,
    tpu.vector_store %arg12[%swap3A_877], %add3A_876 {strides = array<i32>} : memref<256xi32, #tpu.memory_space<vmem>>, vector<16xi32>,
    %reduce_sum3A_879 = arith.constant true
    %reduce_sum3A_880 = vector.broadcast %reduce_sum3A_879 : i1 to vector<16xi1>
    %reduce_sum3A_881 = tpu.scan <sum>, %get3A_862 masked %reduce_sum3A_880 : vector<16xi32>, vector<16xi1> -> vector<16xi32>
    %reduce_sum3A_882 = vector.extract %reduce_sum3A_881[15] : i32 from vector<16xi32>
    %broadcast_in_dim3A_883 = vector.broadcast %reduce_sum3A_882 : i32 to vector<16xi32>
    %add3A_884 = arith.addi %add3A_856, %broadcast_in_dim3A_883 : vector<16xi32>
    %ge3A_885 = vector.broadcast %sub3A_622 : i32 to vector<16xi32>
    %ge3A_886 = arith.cmpi sge, %add3A_876, %ge3A_885 : vector<16xi32>
    %all_reduce_population_count3A_887 = tpu.all_reduce %ge3A_886 {dim = 0 : i64, kind = #tpu.reduction_kind<sum>} : vector<16xi1> -> vector<16xi32>
    %add3A_888 = arith.addi %add3A_860, %all_reduce_population_count3A_887 : vector<16xi32>
    %get3A_889 = arith.constant 160 : index
    %get3A_890 = tpu.vector_load %arg18[%get3A_889] {strides = array<i32>} : memref<256xi32, #tpu.memory_space<vmem>>, vector<16xi32>,
    %rev3A_891 = arith.constant 15 : i32
    %rev3A_892 = vector.broadcast %rev3A_891 : i32 to vector<16xi32>
    %rev3A_893 = tpu.iota {dimensions = array<i32: 0>} : vector<16xi32>
    %rev3A_894 = arith.subi %rev3A_892, %rev3A_893 : vector<16xi32>
    %rev3A_895 = tpu.dynamic_gather %get3A_890[%rev3A_894] in [0] : vector<16xi32>, vector<16xi32> -> vector<16xi32>
    %broadcast_in_dim3A_896 = arith.constant true
    %broadcast_in_dim3A_897 = vector.broadcast %broadcast_in_dim3A_896 : i1 to vector<16xi1>
    %masked_cumsum3A_898 = tpu.scan <sum>, %rev3A_895 masked %broadcast_in_dim3A_897 : vector<16xi32>, vector<16xi1> -> vector<16xi32>
    %rev3A_899 = arith.constant 15 : i32
    %rev3A_900 = vector.broadcast %rev3A_899 : i32 to vector<16xi32>
    %rev3A_901 = tpu.iota {dimensions = array<i32: 0>} : vector<16xi32>
    %rev3A_902 = arith.subi %rev3A_900, %rev3A_901 : vector<16xi32>
    %rev3A_903 = tpu.dynamic_gather %masked_cumsum3A_898[%rev3A_902] in [0] : vector<16xi32>, vector<16xi32> -> vector<16xi32>
    %add3A_904 = arith.addi %rev3A_903, %add3A_884 : vector<16xi32>
    %swap3A_905 = arith.constant 160 : index
    %swap3A_906 = tpu.vector_load %arg12[%swap3A_905] {strides = array<i32>} : memref<256xi32, #tpu.memory_space<vmem>>, vector<16xi32>,
    tpu.vector_store %arg12[%swap3A_905], %add3A_904 {strides = array<i32>} : memref<256xi32, #tpu.memory_space<vmem>>, vector<16xi32>,
    %reduce_sum3A_907 = arith.constant true
    %reduce_sum3A_908 = vector.broadcast %reduce_sum3A_907 : i1 to vector<16xi1>
    %reduce_sum3A_909 = tpu.scan <sum>, %get3A_890 masked %reduce_sum3A_908 : vector<16xi32>, vector<16xi1> -> vector<16xi32>
    %reduce_sum3A_910 = vector.extract %reduce_sum3A_909[15] : i32 from vector<16xi32>
    %broadcast_in_dim3A_911 = vector.broadcast %reduce_sum3A_910 : i32 to vector<16xi32>
    %add3A_912 = arith.addi %add3A_884, %broadcast_in_dim3A_911 : vector<16xi32>
    %ge3A_913 = vector.broadcast %sub3A_622 : i32 to vector<16xi32>
    %ge3A_914 = arith.cmpi sge, %add3A_904, %ge3A_913 : vector<16xi32>
    %all_reduce_population_count3A_915 = tpu.all_reduce %ge3A_914 {dim = 0 : i64, kind = #tpu.reduction_kind<sum>} : vector<16xi1> -> vector<16xi32>
    %add3A_916 = arith.addi %add3A_888, %all_reduce_population_count3A_915 : vector<16xi32>
    %get3A_917 = arith.constant 144 : index
    %get3A_918 = tpu.vector_load %arg18[%get3A_917] {strides = array<i32>} : memref<256xi32, #tpu.memory_space<vmem>>, vector<16xi32>,
    %rev3A_919 = arith.constant 15 : i32
    %rev3A_920 = vector.broadcast %rev3A_919 : i32 to vector<16xi32>
    %rev3A_921 = tpu.iota {dimensions = array<i32: 0>} : vector<16xi32>
    %rev3A_922 = arith.subi %rev3A_920, %rev3A_921 : vector<16xi32>
    %rev3A_923 = tpu.dynamic_gather %get3A_918[%rev3A_922] in [0] : vector<16xi32>, vector<16xi32> -> vector<16xi32>
    %broadcast_in_dim3A_924 = arith.constant true
    %broadcast_in_dim3A_925 = vector.broadcast %broadcast_in_dim3A_924 : i1 to vector<16xi1>
    %masked_cumsum3A_926 = tpu.scan <sum>, %rev3A_923 masked %broadcast_in_dim3A_925 : vector<16xi32>, vector<16xi1> -> vector<16xi32>
    %rev3A_927 = arith.constant 15 : i32
    %rev3A_928 = vector.broadcast %rev3A_927 : i32 to vector<16xi32>
    %rev3A_929 = tpu.iota {dimensions = array<i32: 0>} : vector<16xi32>
    %rev3A_930 = arith.subi %rev3A_928, %rev3A_929 : vector<16xi32>
    %rev3A_931 = tpu.dynamic_gather %masked_cumsum3A_926[%rev3A_930] in [0] : vector<16xi32>, vector<16xi32> -> vector<16xi32>
    %add3A_932 = arith.addi %rev3A_931, %add3A_912 : vector<16xi32>
    %swap3A_933 = arith.constant 144 : index
    %swap3A_934 = tpu.vector_load %arg12[%swap3A_933] {strides = array<i32>} : memref<256xi32, #tpu.memory_space<vmem>>, vector<16xi32>,
    tpu.vector_store %arg12[%swap3A_933], %add3A_932 {strides = array<i32>} : memref<256xi32, #tpu.memory_space<vmem>>, vector<16xi32>,
    %reduce_sum3A_935 = arith.constant true
    %reduce_sum3A_936 = vector.broadcast %reduce_sum3A_935 : i1 to vector<16xi1>
    %reduce_sum3A_937 = tpu.scan <sum>, %get3A_918 masked %reduce_sum3A_936 : vector<16xi32>, vector<16xi1> -> vector<16xi32>
    %reduce_sum3A_938 = vector.extract %reduce_sum3A_937[15] : i32 from vector<16xi32>
    %broadcast_in_dim3A_939 = vector.broadcast %reduce_sum3A_938 : i32 to vector<16xi32>
    %add3A_940 = arith.addi %add3A_912, %broadcast_in_dim3A_939 : vector<16xi32>
    %ge3A_941 = vector.broadcast %sub3A_622 : i32 to vector<16xi32>
    %ge3A_942 = arith.cmpi sge, %add3A_932, %ge3A_941 : vector<16xi32>
    %all_reduce_population_count3A_943 = tpu.all_reduce %ge3A_942 {dim = 0 : i64, kind = #tpu.reduction_kind<sum>} : vector<16xi1> -> vector<16xi32>
    %add3A_944 = arith.addi %add3A_916, %all_reduce_population_count3A_943 : vector<16xi32>
    %get3A_945 = arith.constant 128 : index
    %get3A_946 = tpu.vector_load %arg18[%get3A_945] {strides = array<i32>} : memref<256xi32, #tpu.memory_space<vmem>>, vector<16xi32>,
    %rev3A_947 = arith.constant 15 : i32
    %rev3A_948 = vector.broadcast %rev3A_947 : i32 to vector<16xi32>
    %rev3A_949 = tpu.iota {dimensions = array<i32: 0>} : vector<16xi32>
    %rev3A_950 = arith.subi %rev3A_948, %rev3A_949 : vector<16xi32>
    %rev3A_951 = tpu.dynamic_gather %get3A_946[%rev3A_950] in [0] : vector<16xi32>, vector<16xi32> -> vector<16xi32>
    %broadcast_in_dim3A_952 = arith.constant true
    %broadcast_in_dim3A_953 = vector.broadcast %broadcast_in_dim3A_952 : i1 to vector<16xi1>
    %masked_cumsum3A_954 = tpu.scan <sum>, %rev3A_951 masked %broadcast_in_dim3A_953 : vector<16xi32>, vector<16xi1> -> vector<16xi32>
    %rev3A_955 = arith.constant 15 : i32
    %rev3A_956 = vector.broadcast %rev3A_955 : i32 to vector<16xi32>
    %rev3A_957 = tpu.iota {dimensions = array<i32: 0>} : vector<16xi32>
    %rev3A_958 = arith.subi %rev3A_956, %rev3A_957 : vector<16xi32>
    %rev3A_959 = tpu.dynamic_gather %masked_cumsum3A_954[%rev3A_958] in [0] : vector<16xi32>, vector<16xi32> -> vector<16xi32>
    %add3A_960 = arith.addi %rev3A_959, %add3A_940 : vector<16xi32>
    %swap3A_961 = arith.constant 128 : index
    %swap3A_962 = tpu.vector_load %arg12[%swap3A_961] {strides = array<i32>} : memref<256xi32, #tpu.memory_space<vmem>>, vector<16xi32>,
    tpu.vector_store %arg12[%swap3A_961], %add3A_960 {strides = array<i32>} : memref<256xi32, #tpu.memory_space<vmem>>, vector<16xi32>,
    %reduce_sum3A_963 = arith.constant true
    %reduce_sum3A_964 = vector.broadcast %reduce_sum3A_963 : i1 to vector<16xi1>
    %reduce_sum3A_965 = tpu.scan <sum>, %get3A_946 masked %reduce_sum3A_964 : vector<16xi32>, vector<16xi1> -> vector<16xi32>
    %reduce_sum3A_966 = vector.extract %reduce_sum3A_965[15] : i32 from vector<16xi32>
    %broadcast_in_dim3A_967 = vector.broadcast %reduce_sum3A_966 : i32 to vector<16xi32>
    %add3A_968 = arith.addi %add3A_940, %broadcast_in_dim3A_967 : vector<16xi32>
    %ge3A_969 = vector.broadcast %sub3A_622 : i32 to vector<16xi32>
    %ge3A_970 = arith.cmpi sge, %add3A_960, %ge3A_969 : vector<16xi32>
    %all_reduce_population_count3A_971 = tpu.all_reduce %ge3A_970 {dim = 0 : i64, kind = #tpu.reduction_kind<sum>} : vector<16xi1> -> vector<16xi32>
    %add3A_972 = arith.addi %add3A_944, %all_reduce_population_count3A_971 : vector<16xi32>
    %get3A_973 = arith.constant 112 : index
    %get3A_974 = tpu.vector_load %arg18[%get3A_973] {strides = array<i32>} : memref<256xi32, #tpu.memory_space<vmem>>, vector<16xi32>,
    %rev3A_975 = arith.constant 15 : i32
    %rev3A_976 = vector.broadcast %rev3A_975 : i32 to vector<16xi32>
    %rev3A_977 = tpu.iota {dimensions = array<i32: 0>} : vector<16xi32>
    %rev3A_978 = arith.subi %rev3A_976, %rev3A_977 : vector<16xi32>
    %rev3A_979 = tpu.dynamic_gather %get3A_974[%rev3A_978] in [0] : vector<16xi32>, vector<16xi32> -> vector<16xi32>
    %broadcast_in_dim3A_980 = arith.constant true
    %broadcast_in_dim3A_981 = vector.broadcast %broadcast_in_dim3A_980 : i1 to vector<16xi1>
    %masked_cumsum3A_982 = tpu.scan <sum>, %rev3A_979 masked %broadcast_in_dim3A_981 : vector<16xi32>, vector<16xi1> -> vector<16xi32>
    %rev3A_983 = arith.constant 15 : i32
    %rev3A_984 = vector.broadcast %rev3A_983 : i32 to vector<16xi32>
    %rev3A_985 = tpu.iota {dimensions = array<i32: 0>} : vector<16xi32>
    %rev3A_986 = arith.subi %rev3A_984, %rev3A_985 : vector<16xi32>
    %rev3A_987 = tpu.dynamic_gather %masked_cumsum3A_982[%rev3A_986] in [0] : vector<16xi32>, vector<16xi32> -> vector<16xi32>
    %add3A_988 = arith.addi %rev3A_987, %add3A_968 : vector<16xi32>
    %swap3A_989 = arith.constant 112 : index
    %swap3A_990 = tpu.vector_load %arg12[%swap3A_989] {strides = array<i32>} : memref<256xi32, #tpu.memory_space<vmem>>, vector<16xi32>,
    tpu.vector_store %arg12[%swap3A_989], %add3A_988 {strides = array<i32>} : memref<256xi32, #tpu.memory_space<vmem>>, vector<16xi32>,
    %reduce_sum3A_991 = arith.constant true
    %reduce_sum3A_992 = vector.broadcast %reduce_sum3A_991 : i1 to vector<16xi1>
    %reduce_sum3A_993 = tpu.scan <sum>, %get3A_974 masked %reduce_sum3A_992 : vector<16xi32>, vector<16xi1> -> vector<16xi32>
    %reduce_sum3A_994 = vector.extract %reduce_sum3A_993[15] : i32 from vector<16xi32>
    %broadcast_in_dim3A_995 = vector.broadcast %reduce_sum3A_994 : i32 to vector<16xi32>
    %add3A_996 = arith.addi %add3A_968, %broadcast_in_dim3A_995 : vector<16xi32>
    %ge3A_997 = vector.broadcast %sub3A_622 : i32 to vector<16xi32>
    %ge3A_998 = arith.cmpi sge, %add3A_988, %ge3A_997 : vector<16xi32>
    %all_reduce_population_count3A_999 = tpu.all_reduce %ge3A_998 {dim = 0 : i64, kind = #tpu.reduction_kind<sum>} : vector<16xi1> -> vector<16xi32>
    %add3A_1000 = arith.addi %add3A_972, %all_reduce_population_count3A_999 : vector<16xi32>
    %get3A_1001 = arith.constant 96 : index
    %get3A_1002 = tpu.vector_load %arg18[%get3A_1001] {strides = array<i32>} : memref<256xi32, #tpu.memory_space<vmem>>, vector<16xi32>,
    %rev3A_1003 = arith.constant 15 : i32
    %rev3A_1004 = vector.broadcast %rev3A_1003 : i32 to vector<16xi32>
    %rev3A_1005 = tpu.iota {dimensions = array<i32: 0>} : vector<16xi32>
    %rev3A_1006 = arith.subi %rev3A_1004, %rev3A_1005 : vector<16xi32>
    %rev3A_1007 = tpu.dynamic_gather %get3A_1002[%rev3A_1006] in [0] : vector<16xi32>, vector<16xi32> -> vector<16xi32>
    %broadcast_in_dim3A_1008 = arith.constant true
    %broadcast_in_dim3A_1009 = vector.broadcast %broadcast_in_dim3A_1008 : i1 to vector<16xi1>
    %masked_cumsum3A_1010 = tpu.scan <sum>, %rev3A_1007 masked %broadcast_in_dim3A_1009 : vector<16xi32>, vector<16xi1> -> vector<16xi32>
    %rev3A_1011 = arith.constant 15 : i32
    %rev3A_1012 = vector.broadcast %rev3A_1011 : i32 to vector<16xi32>
    %rev3A_1013 = tpu.iota {dimensions = array<i32: 0>} : vector<16xi32>
    %rev3A_1014 = arith.subi %rev3A_1012, %rev3A_1013 : vector<16xi32>
    %rev3A_1015 = tpu.dynamic_gather %masked_cumsum3A_1010[%rev3A_1014] in [0] : vector<16xi32>, vector<16xi32> -> vector<16xi32>
    %add3A_1016 = arith.addi %rev3A_1015, %add3A_996 : vector<16xi32>
    %swap3A_1017 = arith.constant 96 : index
    %swap3A_1018 = tpu.vector_load %arg12[%swap3A_1017] {strides = array<i32>} : memref<256xi32, #tpu.memory_space<vmem>>, vector<16xi32>,
    tpu.vector_store %arg12[%swap3A_1017], %add3A_1016 {strides = array<i32>} : memref<256xi32, #tpu.memory_space<vmem>>, vector<16xi32>,
    %reduce_sum3A_1019 = arith.constant true
    %reduce_sum3A_1020 = vector.broadcast %reduce_sum3A_1019 : i1 to vector<16xi1>
    %reduce_sum3A_1021 = tpu.scan <sum>, %get3A_1002 masked %reduce_sum3A_1020 : vector<16xi32>, vector<16xi1> -> vector<16xi32>
    %reduce_sum3A_1022 = vector.extract %reduce_sum3A_1021[15] : i32 from vector<16xi32>
    %broadcast_in_dim3A_1023 = vector.broadcast %reduce_sum3A_1022 : i32 to vector<16xi32>
    %add3A_1024 = arith.addi %add3A_996, %broadcast_in_dim3A_1023 : vector<16xi32>
    %ge3A_1025 = vector.broadcast %sub3A_622 : i32 to vector<16xi32>
    %ge3A_1026 = arith.cmpi sge, %add3A_1016, %ge3A_1025 : vector<16xi32>
    %all_reduce_population_count3A_1027 = tpu.all_reduce %ge3A_1026 {dim = 0 : i64, kind = #tpu.reduction_kind<sum>} : vector<16xi1> -> vector<16xi32>
    %add3A_1028 = arith.addi %add3A_1000, %all_reduce_population_count3A_1027 : vector<16xi32>
    %get3A_1029 = arith.constant 80 : index
    %get3A_1030 = tpu.vector_load %arg18[%get3A_1029] {strides = array<i32>} : memref<256xi32, #tpu.memory_space<vmem>>, vector<16xi32>,
    %rev3A_1031 = arith.constant 15 : i32
    %rev3A_1032 = vector.broadcast %rev3A_1031 : i32 to vector<16xi32>
    %rev3A_1033 = tpu.iota {dimensions = array<i32: 0>} : vector<16xi32>
    %rev3A_1034 = arith.subi %rev3A_1032, %rev3A_1033 : vector<16xi32>
    %rev3A_1035 = tpu.dynamic_gather %get3A_1030[%rev3A_1034] in [0] : vector<16xi32>, vector<16xi32> -> vector<16xi32>
    %broadcast_in_dim3A_1036 = arith.constant true
    %broadcast_in_dim3A_1037 = vector.broadcast %broadcast_in_dim3A_1036 : i1 to vector<16xi1>
    %masked_cumsum3A_1038 = tpu.scan <sum>, %rev3A_1035 masked %broadcast_in_dim3A_1037 : vector<16xi32>, vector<16xi1> -> vector<16xi32>
    %rev3A_1039 = arith.constant 15 : i32
    %rev3A_1040 = vector.broadcast %rev3A_1039 : i32 to vector<16xi32>
    %rev3A_1041 = tpu.iota {dimensions = array<i32: 0>} : vector<16xi32>
    %rev3A_1042 = arith.subi %rev3A_1040, %rev3A_1041 : vector<16xi32>
    %rev3A_1043 = tpu.dynamic_gather %masked_cumsum3A_1038[%rev3A_1042] in [0] : vector<16xi32>, vector<16xi32> -> vector<16xi32>
    %add3A_1044 = arith.addi %rev3A_1043, %add3A_1024 : vector<16xi32>
    %swap3A_1045 = arith.constant 80 : index
    %swap3A_1046 = tpu.vector_load %arg12[%swap3A_1045] {strides = array<i32>} : memref<256xi32, #tpu.memory_space<vmem>>, vector<16xi32>,
    tpu.vector_store %arg12[%swap3A_1045], %add3A_1044 {strides = array<i32>} : memref<256xi32, #tpu.memory_space<vmem>>, vector<16xi32>,
    %reduce_sum3A_1047 = arith.constant true
    %reduce_sum3A_1048 = vector.broadcast %reduce_sum3A_1047 : i1 to vector<16xi1>
    %reduce_sum3A_1049 = tpu.scan <sum>, %get3A_1030 masked %reduce_sum3A_1048 : vector<16xi32>, vector<16xi1> -> vector<16xi32>
    %reduce_sum3A_1050 = vector.extract %reduce_sum3A_1049[15] : i32 from vector<16xi32>
    %broadcast_in_dim3A_1051 = vector.broadcast %reduce_sum3A_1050 : i32 to vector<16xi32>
    %add3A_1052 = arith.addi %add3A_1024, %broadcast_in_dim3A_1051 : vector<16xi32>
    %ge3A_1053 = vector.broadcast %sub3A_622 : i32 to vector<16xi32>
    %ge3A_1054 = arith.cmpi sge, %add3A_1044, %ge3A_1053 : vector<16xi32>
    %all_reduce_population_count3A_1055 = tpu.all_reduce %ge3A_1054 {dim = 0 : i64, kind = #tpu.reduction_kind<sum>} : vector<16xi1> -> vector<16xi32>
    %add3A_1056 = arith.addi %add3A_1028, %all_reduce_population_count3A_1055 : vector<16xi32>
    %get3A_1057 = arith.constant 64 : index
    %get3A_1058 = tpu.vector_load %arg18[%get3A_1057] {strides = array<i32>} : memref<256xi32, #tpu.memory_space<vmem>>, vector<16xi32>,
    %rev3A_1059 = arith.constant 15 : i32
    %rev3A_1060 = vector.broadcast %rev3A_1059 : i32 to vector<16xi32>
    %rev3A_1061 = tpu.iota {dimensions = array<i32: 0>} : vector<16xi32>
    %rev3A_1062 = arith.subi %rev3A_1060, %rev3A_1061 : vector<16xi32>
    %rev3A_1063 = tpu.dynamic_gather %get3A_1058[%rev3A_1062] in [0] : vector<16xi32>, vector<16xi32> -> vector<16xi32>
    %broadcast_in_dim3A_1064 = arith.constant true
    %broadcast_in_dim3A_1065 = vector.broadcast %broadcast_in_dim3A_1064 : i1 to vector<16xi1>
    %masked_cumsum3A_1066 = tpu.scan <sum>, %rev3A_1063 masked %broadcast_in_dim3A_1065 : vector<16xi32>, vector<16xi1> -> vector<16xi32>
    %rev3A_1067 = arith.constant 15 : i32
    %rev3A_1068 = vector.broadcast %rev3A_1067 : i32 to vector<16xi32>
    %rev3A_1069 = tpu.iota {dimensions = array<i32: 0>} : vector<16xi32>
    %rev3A_1070 = arith.subi %rev3A_1068, %rev3A_1069 : vector<16xi32>
    %rev3A_1071 = tpu.dynamic_gather %masked_cumsum3A_1066[%rev3A_1070] in [0] : vector<16xi32>, vector<16xi32> -> vector<16xi32>
    %add3A_1072 = arith.addi %rev3A_1071, %add3A_1052 : vector<16xi32>
    %swap3A_1073 = arith.constant 64 : index
    %swap3A_1074 = tpu.vector_load %arg12[%swap3A_1073] {strides = array<i32>} : memref<256xi32, #tpu.memory_space<vmem>>, vector<16xi32>,
    tpu.vector_store %arg12[%swap3A_1073], %add3A_1072 {strides = array<i32>} : memref<256xi32, #tpu.memory_space<vmem>>, vector<16xi32>,
    %reduce_sum3A_1075 = arith.constant true
    %reduce_sum3A_1076 = vector.broadcast %reduce_sum3A_1075 : i1 to vector<16xi1>
    %reduce_sum3A_1077 = tpu.scan <sum>, %get3A_1058 masked %reduce_sum3A_1076 : vector<16xi32>, vector<16xi1> -> vector<16xi32>
    %reduce_sum3A_1078 = vector.extract %reduce_sum3A_1077[15] : i32 from vector<16xi32>
    %broadcast_in_dim3A_1079 = vector.broadcast %reduce_sum3A_1078 : i32 to vector<16xi32>
    %add3A_1080 = arith.addi %add3A_1052, %broadcast_in_dim3A_1079 : vector<16xi32>
    %ge3A_1081 = vector.broadcast %sub3A_622 : i32 to vector<16xi32>
    %ge3A_1082 = arith.cmpi sge, %add3A_1072, %ge3A_1081 : vector<16xi32>
    %all_reduce_population_count3A_1083 = tpu.all_reduce %ge3A_1082 {dim = 0 : i64, kind = #tpu.reduction_kind<sum>} : vector<16xi1> -> vector<16xi32>
    %add3A_1084 = arith.addi %add3A_1056, %all_reduce_population_count3A_1083 : vector<16xi32>
    %get3A_1085 = arith.constant 48 : index
    %get3A_1086 = tpu.vector_load %arg18[%get3A_1085] {strides = array<i32>} : memref<256xi32, #tpu.memory_space<vmem>>, vector<16xi32>,
    %rev3A_1087 = arith.constant 15 : i32
    %rev3A_1088 = vector.broadcast %rev3A_1087 : i32 to vector<16xi32>
    %rev3A_1089 = tpu.iota {dimensions = array<i32: 0>} : vector<16xi32>
    %rev3A_1090 = arith.subi %rev3A_1088, %rev3A_1089 : vector<16xi32>
    %rev3A_1091 = tpu.dynamic_gather %get3A_1086[%rev3A_1090] in [0] : vector<16xi32>, vector<16xi32> -> vector<16xi32>
    %broadcast_in_dim3A_1092 = arith.constant true
    %broadcast_in_dim3A_1093 = vector.broadcast %broadcast_in_dim3A_1092 : i1 to vector<16xi1>
    %masked_cumsum3A_1094 = tpu.scan <sum>, %rev3A_1091 masked %broadcast_in_dim3A_1093 : vector<16xi32>, vector<16xi1> -> vector<16xi32>
    %rev3A_1095 = arith.constant 15 : i32
    %rev3A_1096 = vector.broadcast %rev3A_1095 : i32 to vector<16xi32>
    %rev3A_1097 = tpu.iota {dimensions = array<i32: 0>} : vector<16xi32>
    %rev3A_1098 = arith.subi %rev3A_1096, %rev3A_1097 : vector<16xi32>
    %rev3A_1099 = tpu.dynamic_gather %masked_cumsum3A_1094[%rev3A_1098] in [0] : vector<16xi32>, vector<16xi32> -> vector<16xi32>
    %add3A_1100 = arith.addi %rev3A_1099, %add3A_1080 : vector<16xi32>
    %swap3A_1101 = arith.constant 48 : index
    %swap3A_1102 = tpu.vector_load %arg12[%swap3A_1101] {strides = array<i32>} : memref<256xi32, #tpu.memory_space<vmem>>, vector<16xi32>,
    tpu.vector_store %arg12[%swap3A_1101], %add3A_1100 {strides = array<i32>} : memref<256xi32, #tpu.memory_space<vmem>>, vector<16xi32>,
    %reduce_sum3A_1103 = arith.constant true
    %reduce_sum3A_1104 = vector.broadcast %reduce_sum3A_1103 : i1 to vector<16xi1>
    %reduce_sum3A_1105 = tpu.scan <sum>, %get3A_1086 masked %reduce_sum3A_1104 : vector<16xi32>, vector<16xi1> -> vector<16xi32>
    %reduce_sum3A_1106 = vector.extract %reduce_sum3A_1105[15] : i32 from vector<16xi32>
    %broadcast_in_dim3A_1107 = vector.broadcast %reduce_sum3A_1106 : i32 to vector<16xi32>
    %add3A_1108 = arith.addi %add3A_1080, %broadcast_in_dim3A_1107 : vector<16xi32>
    %ge3A_1109 = vector.broadcast %sub3A_622 : i32 to vector<16xi32>
    %ge3A_1110 = arith.cmpi sge, %add3A_1100, %ge3A_1109 : vector<16xi32>
    %all_reduce_population_count3A_1111 = tpu.all_reduce %ge3A_1110 {dim = 0 : i64, kind = #tpu.reduction_kind<sum>} : vector<16xi1> -> vector<16xi32>
    %add3A_1112 = arith.addi %add3A_1084, %all_reduce_population_count3A_1111 : vector<16xi32>
    %get3A_1113 = arith.constant 32 : index
    %get3A_1114 = tpu.vector_load %arg18[%get3A_1113] {strides = array<i32>} : memref<256xi32, #tpu.memory_space<vmem>>, vector<16xi32>,
    %rev3A_1115 = arith.constant 15 : i32
    %rev3A_1116 = vector.broadcast %rev3A_1115 : i32 to vector<16xi32>
    %rev3A_1117 = tpu.iota {dimensions = array<i32: 0>} : vector<16xi32>
    %rev3A_1118 = arith.subi %rev3A_1116, %rev3A_1117 : vector<16xi32>
    %rev3A_1119 = tpu.dynamic_gather %get3A_1114[%rev3A_1118] in [0] : vector<16xi32>, vector<16xi32> -> vector<16xi32>
    %broadcast_in_dim3A_1120 = arith.constant true
    %broadcast_in_dim3A_1121 = vector.broadcast %broadcast_in_dim3A_1120 : i1 to vector<16xi1>
    %masked_cumsum3A_1122 = tpu.scan <sum>, %rev3A_1119 masked %broadcast_in_dim3A_1121 : vector<16xi32>, vector<16xi1> -> vector<16xi32>
    %rev3A_1123 = arith.constant 15 : i32
    %rev3A_1124 = vector.broadcast %rev3A_1123 : i32 to vector<16xi32>
    %rev3A_1125 = tpu.iota {dimensions = array<i32: 0>} : vector<16xi32>
    %rev3A_1126 = arith.subi %rev3A_1124, %rev3A_1125 : vector<16xi32>
    %rev3A_1127 = tpu.dynamic_gather %masked_cumsum3A_1122[%rev3A_1126] in [0] : vector<16xi32>, vector<16xi32> -> vector<16xi32>
    %add3A_1128 = arith.addi %rev3A_1127, %add3A_1108 : vector<16xi32>
    %swap3A_1129 = arith.constant 32 : index
    %swap3A_1130 = tpu.vector_load %arg12[%swap3A_1129] {strides = array<i32>} : memref<256xi32, #tpu.memory_space<vmem>>, vector<16xi32>,
    tpu.vector_store %arg12[%swap3A_1129], %add3A_1128 {strides = array<i32>} : memref<256xi32, #tpu.memory_space<vmem>>, vector<16xi32>,
    %reduce_sum3A_1131 = arith.constant true
    %reduce_sum3A_1132 = vector.broadcast %reduce_sum3A_1131 : i1 to vector<16xi1>
    %reduce_sum3A_1133 = tpu.scan <sum>, %get3A_1114 masked %reduce_sum3A_1132 : vector<16xi32>, vector<16xi1> -> vector<16xi32>
    %reduce_sum3A_1134 = vector.extract %reduce_sum3A_1133[15] : i32 from vector<16xi32>
    %broadcast_in_dim3A_1135 = vector.broadcast %reduce_sum3A_1134 : i32 to vector<16xi32>
    %add3A_1136 = arith.addi %add3A_1108, %broadcast_in_dim3A_1135 : vector<16xi32>
    %ge3A_1137 = vector.broadcast %sub3A_622 : i32 to vector<16xi32>
    %ge3A_1138 = arith.cmpi sge, %add3A_1128, %ge3A_1137 : vector<16xi32>
    %all_reduce_population_count3A_1139 = tpu.all_reduce %ge3A_1138 {dim = 0 : i64, kind = #tpu.reduction_kind<sum>} : vector<16xi1> -> vector<16xi32>
    %add3A_1140 = arith.addi %add3A_1112, %all_reduce_population_count3A_1139 : vector<16xi32>
    %get3A_1141 = arith.constant 16 : index
    %get3A_1142 = tpu.vector_load %arg18[%get3A_1141] {strides = array<i32>} : memref<256xi32, #tpu.memory_space<vmem>>, vector<16xi32>,
    %rev3A_1143 = arith.constant 15 : i32
    %rev3A_1144 = vector.broadcast %rev3A_1143 : i32 to vector<16xi32>
    %rev3A_1145 = tpu.iota {dimensions = array<i32: 0>} : vector<16xi32>
    %rev3A_1146 = arith.subi %rev3A_1144, %rev3A_1145 : vector<16xi32>
    %rev3A_1147 = tpu.dynamic_gather %get3A_1142[%rev3A_1146] in [0] : vector<16xi32>, vector<16xi32> -> vector<16xi32>
    %broadcast_in_dim3A_1148 = arith.constant true
    %broadcast_in_dim3A_1149 = vector.broadcast %broadcast_in_dim3A_1148 : i1 to vector<16xi1>
    %masked_cumsum3A_1150 = tpu.scan <sum>, %rev3A_1147 masked %broadcast_in_dim3A_1149 : vector<16xi32>, vector<16xi1> -> vector<16xi32>
    %rev3A_1151 = arith.constant 15 : i32
    %rev3A_1152 = vector.broadcast %rev3A_1151 : i32 to vector<16xi32>
    %rev3A_1153 = tpu.iota {dimensions = array<i32: 0>} : vector<16xi32>
    %rev3A_1154 = arith.subi %rev3A_1152, %rev3A_1153 : vector<16xi32>
    %rev3A_1155 = tpu.dynamic_gather %masked_cumsum3A_1150[%rev3A_1154] in [0] : vector<16xi32>, vector<16xi32> -> vector<16xi32>
    %add3A_1156 = arith.addi %rev3A_1155, %add3A_1136 : vector<16xi32>
    %swap3A_1157 = arith.constant 16 : index
    %swap3A_1158 = tpu.vector_load %arg12[%swap3A_1157] {strides = array<i32>} : memref<256xi32, #tpu.memory_space<vmem>>, vector<16xi32>,
    tpu.vector_store %arg12[%swap3A_1157], %add3A_1156 {strides = array<i32>} : memref<256xi32, #tpu.memory_space<vmem>>, vector<16xi32>,
    %reduce_sum3A_1159 = arith.constant true
    %reduce_sum3A_1160 = vector.broadcast %reduce_sum3A_1159 : i1 to vector<16xi1>
    %reduce_sum3A_1161 = tpu.scan <sum>, %get3A_1142 masked %reduce_sum3A_1160 : vector<16xi32>, vector<16xi1> -> vector<16xi32>
    %reduce_sum3A_1162 = vector.extract %reduce_sum3A_1161[15] : i32 from vector<16xi32>
    %broadcast_in_dim3A_1163 = vector.broadcast %reduce_sum3A_1162 : i32 to vector<16xi32>
    %add3A_1164 = arith.addi %add3A_1136, %broadcast_in_dim3A_1163 : vector<16xi32>
    %ge3A_1165 = vector.broadcast %sub3A_622 : i32 to vector<16xi32>
    %ge3A_1166 = arith.cmpi sge, %add3A_1156, %ge3A_1165 : vector<16xi32>
    %all_reduce_population_count3A_1167 = tpu.all_reduce %ge3A_1166 {dim = 0 : i64, kind = #tpu.reduction_kind<sum>} : vector<16xi1> -> vector<16xi32>
    %add3A_1168 = arith.addi %add3A_1140, %all_reduce_population_count3A_1167 : vector<16xi32>
    %get3A_1169 = arith.constant 0 : index
    %get3A_1170 = tpu.vector_load %arg18[%get3A_1169] {strides = array<i32>} : memref<256xi32, #tpu.memory_space<vmem>>, vector<16xi32>,
    %rev3A_1171 = arith.constant 15 : i32
    %rev3A_1172 = vector.broadcast %rev3A_1171 : i32 to vector<16xi32>
    %rev3A_1173 = tpu.iota {dimensions = array<i32: 0>} : vector<16xi32>
    %rev3A_1174 = arith.subi %rev3A_1172, %rev3A_1173 : vector<16xi32>
    %rev3A_1175 = tpu.dynamic_gather %get3A_1170[%rev3A_1174] in [0] : vector<16xi32>, vector<16xi32> -> vector<16xi32>
    %broadcast_in_dim3A_1176 = arith.constant true
    %broadcast_in_dim3A_1177 = vector.broadcast %broadcast_in_dim3A_1176 : i1 to vector<16xi1>
    %masked_cumsum3A_1178 = tpu.scan <sum>, %rev3A_1175 masked %broadcast_in_dim3A_1177 : vector<16xi32>, vector<16xi1> -> vector<16xi32>
    %rev3A_1179 = arith.constant 15 : i32
    %rev3A_1180 = vector.broadcast %rev3A_1179 : i32 to vector<16xi32>
    %rev3A_1181 = tpu.iota {dimensions = array<i32: 0>} : vector<16xi32>
    %rev3A_1182 = arith.subi %rev3A_1180, %rev3A_1181 : vector<16xi32>
    %rev3A_1183 = tpu.dynamic_gather %masked_cumsum3A_1178[%rev3A_1182] in [0] : vector<16xi32>, vector<16xi32> -> vector<16xi32>
    %add3A_1184 = arith.addi %rev3A_1183, %add3A_1164 : vector<16xi32>
    %swap3A_1185 = arith.constant 0 : index
    %swap3A_1186 = tpu.vector_load %arg12[%swap3A_1185] {strides = array<i32>} : memref<256xi32, #tpu.memory_space<vmem>>, vector<16xi32>,
    tpu.vector_store %arg12[%swap3A_1185], %add3A_1184 {strides = array<i32>} : memref<256xi32, #tpu.memory_space<vmem>>, vector<16xi32>,
    %reduce_sum3A_1187 = arith.constant true
    %reduce_sum3A_1188 = vector.broadcast %reduce_sum3A_1187 : i1 to vector<16xi1>
    %reduce_sum3A_1189 = tpu.scan <sum>, %get3A_1170 masked %reduce_sum3A_1188 : vector<16xi32>, vector<16xi1> -> vector<16xi32>
    %reduce_sum3A_1190 = vector.extract %reduce_sum3A_1189[15] : i32 from vector<16xi32>
    %broadcast_in_dim3A_1191 = vector.broadcast %reduce_sum3A_1190 : i32 to vector<16xi32>
    %add3A_1192 = arith.addi %add3A_1164, %broadcast_in_dim3A_1191 : vector<16xi32>
    %ge3A_1193 = vector.broadcast %sub3A_622 : i32 to vector<16xi32>
    %ge3A_1194 = arith.cmpi sge, %add3A_1184, %ge3A_1193 : vector<16xi32>
    %all_reduce_population_count3A_1195 = tpu.all_reduce %ge3A_1194 {dim = 0 : i64, kind = #tpu.reduction_kind<sum>} : vector<16xi1> -> vector<16xi32>
    %add3A_1196 = arith.addi %add3A_1168, %all_reduce_population_count3A_1195 : vector<16xi32>
    %reduce_max3A_1197 = arith.constant true
    %reduce_max3A_1198 = vector.broadcast %reduce_max3A_1197 : i1 to vector<16xi1>
    %reduce_max3A_1199 = arith.constant -2147483648 : i32
    %reduce_max3A_1200 = vector.broadcast %reduce_max3A_1199 : i32 to vector<16xi32>
    %reduce_max3A_1201 = arith.xori %add3A_1196, %reduce_max3A_1200 : vector<16xi32>
    %reduce_max3A_1202 = tpu.scan <max>, %reduce_max3A_1201 masked %reduce_max3A_1198 : vector<16xi32>, vector<16xi1> -> vector<16xi32>
    %reduce_max3A_1203 = arith.xori %reduce_max3A_1202, %reduce_max3A_1200 : vector<16xi32>
    %reduce_max3A_1204 = vector.extract %reduce_max3A_1203[15] : i32 from vector<16xi32>
    %sub3A_1205 = arith.constant 1 : i32
    %sub3A_1206 = arith.subi %reduce_max3A_1204, %sub3A_1205 : i32
    %add3A_1207 = arith.constant 1 : i32
    %add3A_1208 = arith.addi %sub3A_1206, %add3A_1207 : i32
    %min3A_1209 = arith.constant 255 : i32
    %min3A_1210 = arith.minsi %add3A_1208, %min3A_1209 : i32
    %broadcast_in_dim3A_1211 = vector.broadcast %min3A_1210 : i32 to vector<16xi32>
    %gather3A_1212 = tpu.vector_load_idx %arg12[%broadcast_in_dim3A_1211] : memref<256xi32, #tpu.memory_space<vmem>>[vector<16xi32>], vector<16xi32>,
    %ge3A_1213 = arith.constant 255 : i32
    %ge3A_1214 = arith.cmpi sge, %sub3A_1206, %ge3A_1213 : i32
    %reduce_max3A_1215 = arith.constant true
    %reduce_max3A_1216 = vector.broadcast %reduce_max3A_1215 : i1 to vector<16xi1>
    %reduce_max3A_1217 = arith.constant -2147483648 : i32
    %reduce_max3A_1218 = vector.broadcast %reduce_max3A_1217 : i32 to vector<16xi32>
    %reduce_max3A_1219 = arith.xori %gather3A_1212, %reduce_max3A_1218 : vector<16xi32>
    %reduce_max3A_1220 = tpu.scan <max>, %reduce_max3A_1219 masked %reduce_max3A_1216 : vector<16xi32>, vector<16xi1> -> vector<16xi32>
    %reduce_max3A_1221 = arith.xori %reduce_max3A_1220, %reduce_max3A_1218 : vector<16xi32>
    %reduce_max3A_1222 = vector.extract %reduce_max3A_1221[15] : i32 from vector<16xi32>
    %jit3A_1223 = arith.constant 0 : i32
    %select_n3A_1224 = arith.select %ge3A_1214, %jit3A_1223, %reduce_max3A_1222 : i32
    %shift_left3A = arith.constant 24 : i32
    %shift_left3A_1225 = arith.shli %sub3A_624, %shift_left3A : i32
    %shift_left3A_1226 = arith.constant 16 : i32
    %shift_left3A_1227 = arith.shli %sub3A_1206, %shift_left3A_1226 : i32
    %add3A_1228 = arith.addi %shift_left3A_1225, %shift_left3A_1227 : i32
    %scan3A_1229 = arith.constant 0 : i32
    %scan3A_1230 = arith.constant 0 : i32
    %scan3A_1231 = arith.constant 98 : i32
    %scan3A_1232 = arith.addi %scan3A_1230, %scan3A_1231 : i32
    %scan3A_1233 = arith.constant 1 : i32
    %scan3A_1234 = scf.for %scan3A_1419 = %scan3A_1230 to %scan3A_1232 step %scan3A_1233 iter_args(%scan3A_1420 = %scan3A_1229) -> (i32)  : i32 {
      %mul3A_1421 = arith.constant 4 : i32
      %mul3A_1422 = arith.muli %scan3A_1419, %mul3A_1421 : i32
      %add3A_1423 = arith.constant 0 : i32
      %add3A_1424 = arith.addi %mul3A_1422, %add3A_1423 : i32
      %mul3A_1425 = arith.constant 16 : i32
      %mul3A_1426 = arith.muli %add3A_1424, %mul3A_1425 : i32
      %get3A_1427 = arith.index_cast %mul3A_1426 : i32 to index
      %get3A_1428 = tpu.vector_load %arg10[%get3A_1427] {strides = array<i32>} : memref<6272xi32, #tpu.memory_space<vmem>>, vector<16xi32>,
      %mul3A_1429 = arith.constant 4 : i32
      %mul3A_1430 = arith.muli %scan3A_1419, %mul3A_1429 : i32
      %add3A_1431 = arith.constant 1 : i32
      %add3A_1432 = arith.addi %mul3A_1430, %add3A_1431 : i32
      %mul3A_1433 = arith.constant 16 : i32
      %mul3A_1434 = arith.muli %add3A_1432, %mul3A_1433 : i32
      %get3A_1435 = arith.index_cast %mul3A_1434 : i32 to index
      %get3A_1436 = tpu.vector_load %arg10[%get3A_1435] {strides = array<i32>} : memref<6272xi32, #tpu.memory_space<vmem>>, vector<16xi32>,
      %mul3A_1437 = arith.constant 4 : i32
      %mul3A_1438 = arith.muli %scan3A_1419, %mul3A_1437 : i32
      %add3A_1439 = arith.constant 2 : i32
      %add3A_1440 = arith.addi %mul3A_1438, %add3A_1439 : i32
      %mul3A_1441 = arith.constant 16 : i32
      %mul3A_1442 = arith.muli %add3A_1440, %mul3A_1441 : i32
      %get3A_1443 = arith.index_cast %mul3A_1442 : i32 to index
      %get3A_1444 = tpu.vector_load %arg10[%get3A_1443] {strides = array<i32>} : memref<6272xi32, #tpu.memory_space<vmem>>, vector<16xi32>,
      %mul3A_1445 = arith.constant 4 : i32
      %mul3A_1446 = arith.muli %scan3A_1419, %mul3A_1445 : i32
      %add3A_1447 = arith.constant 3 : i32
      %add3A_1448 = arith.addi %mul3A_1446, %add3A_1447 : i32
      %mul3A_1449 = arith.constant 16 : i32
      %mul3A_1450 = arith.muli %add3A_1448, %mul3A_1449 : i32
      %get3A_1451 = arith.index_cast %mul3A_1450 : i32 to index
      %get3A_1452 = tpu.vector_load %arg10[%get3A_1451] {strides = array<i32>} : memref<6272xi32, #tpu.memory_space<vmem>>, vector<16xi32>,
      %ge3A_1453 = vector.broadcast %add3A_1228 : i32 to vector<16xi32>
      %ge3A_1454 = arith.cmpi sge, %get3A_1428, %ge3A_1453 : vector<16xi32>
      %ge3A_1455 = vector.broadcast %add3A_1228 : i32 to vector<16xi32>
      %ge3A_1456 = arith.cmpi sge, %get3A_1436, %ge3A_1455 : vector<16xi32>
      %ge3A_1457 = vector.broadcast %add3A_1228 : i32 to vector<16xi32>
      %ge3A_1458 = arith.cmpi sge, %get3A_1444, %ge3A_1457 : vector<16xi32>
      %ge3A_1459 = vector.broadcast %add3A_1228 : i32 to vector<16xi32>
      %ge3A_1460 = arith.cmpi sge, %get3A_1452, %ge3A_1459 : vector<16xi32>
      %or3A = arith.ori %ge3A_1454, %ge3A_1456 : vector<16xi1>
      %or3A_1461 = arith.ori %ge3A_1458, %ge3A_1460 : vector<16xi1>
      %or3A_1462 = arith.ori %or3A, %or3A_1461 : vector<16xi1>
      %reduce_or3A = arith.constant 1.000000e+00 : f32
      %reduce_or3A_1463 = arith.constant 0.000000e+00 : f32
      %reduce_or3A_1464 = vector.broadcast %reduce_or3A : f32 to vector<16xf32>
      %reduce_or3A_1465 = vector.broadcast %reduce_or3A_1463 : f32 to vector<16xf32>
      %reduce_or3A_1466 = arith.select %or3A_1462, %reduce_or3A_1464, %reduce_or3A_1465 : vector<16xi1>, vector<16xf32>
      %reduce_or3A_1467 = arith.constant true
      %reduce_or3A_1468 = vector.broadcast %reduce_or3A_1467 : i1 to vector<16xi1>
      %reduce_or3A_1469 = tpu.scan <max>, %reduce_or3A_1466 masked %reduce_or3A_1468 : vector<16xf32>, vector<16xi1> -> vector<16xf32>
      %reduce_or3A_1470 = vector.extract %reduce_or3A_1469[15] : f32 from vector<16xf32>
      %reduce_or3A_1471 = arith.constant 0.000000e+00 : f32
      %reduce_or3A_1472 = arith.cmpf ogt, %reduce_or3A_1470, %reduce_or3A_1471 : f32
      %convert_element_type3A_1473 = arith.extui %reduce_or3A_1472 : i1 to i32
      %cond3A_1474 = arith.constant 0 : i32
      %cond3A_1475 = arith.cmpi ne, %convert_element_type3A_1473, %cond3A_1474 : i32
      %cond3A_1476 = scf.if %cond3A_1475 -> (i32) {
        %lt3A_1477 = arith.constant 4096 : i32
        %lt3A_1478 = arith.cmpi slt, %scan3A_1420, %lt3A_1477 : i32
        %and3A_1479 = vector.broadcast %lt3A_1478 : i1 to vector<16xi1>
        %and3A_1480 = arith.andi %ge3A_1454, %and3A_1479 : vector<16xi1>
        %all_reduce_population_count3A_1481 = tpu.all_reduce %and3A_1480 {dim = 0 : i64, kind = #tpu.reduction_kind<sum>} : vector<16xi1> -> vector<16xi32>
        %mul3A_1482 = arith.constant 4 : i32
        %mul3A_1483 = arith.muli %scan3A_1419, %mul3A_1482 : i32
        %add3A_1484 = arith.constant 0 : i32
        %add3A_1485 = arith.addi %mul3A_1483, %add3A_1484 : i32
        %mul3A_1486 = arith.constant 16 : i32
        %mul3A_1487 = arith.muli %add3A_1485, %mul3A_1486 : i32
        %add3A_1488 = arith.addi %mul3A_3, %mul3A_1487 : i32
        %broadcast_in_dim3A_1489 = vector.broadcast %add3A_1488 : i32 to vector<16xi32>
        %add3A_1490 = arith.addi %broadcast_in_dim3A_1489, %iota3A : vector<16xi32>
        %swap3A_1491 = arith.index_cast %scan3A_1420 : i32 to index
        %swap3A_1492 = tpu.vector_load %arg13[%swap3A_1491] masked %and3A_1480 {strides = array<i32>} : memref<4112xi32, #tpu.memory_space<vmem>>, vector<16xi32>, vector<16xi1>
        tpu.vector_store %arg13[%swap3A_1491], %get3A_1428 masked %and3A_1480 {strides = array<i32>} : memref<4112xi32, #tpu.memory_space<vmem>>, vector<16xi32>, vector<16xi1>
        %swap3A_1493 = arith.index_cast %scan3A_1420 : i32 to index
        %swap3A_1494 = tpu.vector_load %arg14[%swap3A_1493] masked %and3A_1480 {strides = array<i32>} : memref<4112xi32, #tpu.memory_space<vmem>>, vector<16xi32>, vector<16xi1>
        tpu.vector_store %arg14[%swap3A_1493], %add3A_1490 masked %and3A_1480 {strides = array<i32>} : memref<4112xi32, #tpu.memory_space<vmem>>, vector<16xi32>, vector<16xi1>
        %reduce_max3A_1495 = arith.constant true
        %reduce_max3A_1496 = vector.broadcast %reduce_max3A_1495 : i1 to vector<16xi1>
        %reduce_max3A_1497 = arith.constant -2147483648 : i32
        %reduce_max3A_1498 = vector.broadcast %reduce_max3A_1497 : i32 to vector<16xi32>
        %reduce_max3A_1499 = arith.xori %all_reduce_population_count3A_1481, %reduce_max3A_1498 : vector<16xi32>
        %reduce_max3A_1500 = tpu.scan <max>, %reduce_max3A_1499 masked %reduce_max3A_1496 : vector<16xi32>, vector<16xi1> -> vector<16xi32>
        %reduce_max3A_1501 = arith.xori %reduce_max3A_1500, %reduce_max3A_1498 : vector<16xi32>
        %reduce_max3A_1502 = vector.extract %reduce_max3A_1501[15] : i32 from vector<16xi32>
        %add3A_1503 = arith.addi %scan3A_1420, %reduce_max3A_1502 : i32
        %lt3A_1504 = arith.constant 4096 : i32
        %lt3A_1505 = arith.cmpi slt, %add3A_1503, %lt3A_1504 : i32
        %and3A_1506 = vector.broadcast %lt3A_1505 : i1 to vector<16xi1>
        %and3A_1507 = arith.andi %ge3A_1456, %and3A_1506 : vector<16xi1>
        %all_reduce_population_count3A_1508 = tpu.all_reduce %and3A_1507 {dim = 0 : i64, kind = #tpu.reduction_kind<sum>} : vector<16xi1> -> vector<16xi32>
        %mul3A_1509 = arith.constant 4 : i32
        %mul3A_1510 = arith.muli %scan3A_1419, %mul3A_1509 : i32
        %add3A_1511 = arith.constant 1 : i32
        %add3A_1512 = arith.addi %mul3A_1510, %add3A_1511 : i32
        %mul3A_1513 = arith.constant 16 : i32
        %mul3A_1514 = arith.muli %add3A_1512, %mul3A_1513 : i32
        %add3A_1515 = arith.addi %mul3A_3, %mul3A_1514 : i32
        %broadcast_in_dim3A_1516 = vector.broadcast %add3A_1515 : i32 to vector<16xi32>
        %add3A_1517 = arith.addi %broadcast_in_dim3A_1516, %iota3A : vector<16xi32>
        %swap3A_1518 = arith.index_cast %add3A_1503 : i32 to index
        %swap3A_1519 = tpu.vector_load %arg13[%swap3A_1518] masked %and3A_1507 {strides = array<i32>} : memref<4112xi32, #tpu.memory_space<vmem>>, vector<16xi32>, vector<16xi1>
        tpu.vector_store %arg13[%swap3A_1518], %get3A_1436 masked %and3A_1507 {strides = array<i32>} : memref<4112xi32, #tpu.memory_space<vmem>>, vector<16xi32>, vector<16xi1>
        %swap3A_1520 = arith.index_cast %add3A_1503 : i32 to index
        %swap3A_1521 = tpu.vector_load %arg14[%swap3A_1520] masked %and3A_1507 {strides = array<i32>} : memref<4112xi32, #tpu.memory_space<vmem>>, vector<16xi32>, vector<16xi1>
        tpu.vector_store %arg14[%swap3A_1520], %add3A_1517 masked %and3A_1507 {strides = array<i32>} : memref<4112xi32, #tpu.memory_space<vmem>>, vector<16xi32>, vector<16xi1>
        %reduce_max3A_1522 = arith.constant true
        %reduce_max3A_1523 = vector.broadcast %reduce_max3A_1522 : i1 to vector<16xi1>
        %reduce_max3A_1524 = arith.constant -2147483648 : i32
        %reduce_max3A_1525 = vector.broadcast %reduce_max3A_1524 : i32 to vector<16xi32>
        %reduce_max3A_1526 = arith.xori %all_reduce_population_count3A_1508, %reduce_max3A_1525 : vector<16xi32>
        %reduce_max3A_1527 = tpu.scan <max>, %reduce_max3A_1526 masked %reduce_max3A_1523 : vector<16xi32>, vector<16xi1> -> vector<16xi32>
        %reduce_max3A_1528 = arith.xori %reduce_max3A_1527, %reduce_max3A_1525 : vector<16xi32>
        %reduce_max3A_1529 = vector.extract %reduce_max3A_1528[15] : i32 from vector<16xi32>
        %add3A_1530 = arith.addi %add3A_1503, %reduce_max3A_1529 : i32
        %lt3A_1531 = arith.constant 4096 : i32
        %lt3A_1532 = arith.cmpi slt, %add3A_1530, %lt3A_1531 : i32
        %and3A_1533 = vector.broadcast %lt3A_1532 : i1 to vector<16xi1>
        %and3A_1534 = arith.andi %ge3A_1458, %and3A_1533 : vector<16xi1>
        %all_reduce_population_count3A_1535 = tpu.all_reduce %and3A_1534 {dim = 0 : i64, kind = #tpu.reduction_kind<sum>} : vector<16xi1> -> vector<16xi32>
        %mul3A_1536 = arith.constant 4 : i32
        %mul3A_1537 = arith.muli %scan3A_1419, %mul3A_1536 : i32
        %add3A_1538 = arith.constant 2 : i32
        %add3A_1539 = arith.addi %mul3A_1537, %add3A_1538 : i32
        %mul3A_1540 = arith.constant 16 : i32
        %mul3A_1541 = arith.muli %add3A_1539, %mul3A_1540 : i32
        %add3A_1542 = arith.addi %mul3A_3, %mul3A_1541 : i32
        %broadcast_in_dim3A_1543 = vector.broadcast %add3A_1542 : i32 to vector<16xi32>
        %add3A_1544 = arith.addi %broadcast_in_dim3A_1543, %iota3A : vector<16xi32>
        %swap3A_1545 = arith.index_cast %add3A_1530 : i32 to index
        %swap3A_1546 = tpu.vector_load %arg13[%swap3A_1545] masked %and3A_1534 {strides = array<i32>} : memref<4112xi32, #tpu.memory_space<vmem>>, vector<16xi32>, vector<16xi1>
        tpu.vector_store %arg13[%swap3A_1545], %get3A_1444 masked %and3A_1534 {strides = array<i32>} : memref<4112xi32, #tpu.memory_space<vmem>>, vector<16xi32>, vector<16xi1>
        %swap3A_1547 = arith.index_cast %add3A_1530 : i32 to index
        %swap3A_1548 = tpu.vector_load %arg14[%swap3A_1547] masked %and3A_1534 {strides = array<i32>} : memref<4112xi32, #tpu.memory_space<vmem>>, vector<16xi32>, vector<16xi1>
        tpu.vector_store %arg14[%swap3A_1547], %add3A_1544 masked %and3A_1534 {strides = array<i32>} : memref<4112xi32, #tpu.memory_space<vmem>>, vector<16xi32>, vector<16xi1>
        %reduce_max3A_1549 = arith.constant true
        %reduce_max3A_1550 = vector.broadcast %reduce_max3A_1549 : i1 to vector<16xi1>
        %reduce_max3A_1551 = arith.constant -2147483648 : i32
        %reduce_max3A_1552 = vector.broadcast %reduce_max3A_1551 : i32 to vector<16xi32>
        %reduce_max3A_1553 = arith.xori %all_reduce_population_count3A_1535, %reduce_max3A_1552 : vector<16xi32>
        %reduce_max3A_1554 = tpu.scan <max>, %reduce_max3A_1553 masked %reduce_max3A_1550 : vector<16xi32>, vector<16xi1> -> vector<16xi32>
        %reduce_max3A_1555 = arith.xori %reduce_max3A_1554, %reduce_max3A_1552 : vector<16xi32>
        %reduce_max3A_1556 = vector.extract %reduce_max3A_1555[15] : i32 from vector<16xi32>
        %add3A_1557 = arith.addi %add3A_1530, %reduce_max3A_1556 : i32
        %lt3A_1558 = arith.constant 4096 : i32
        %lt3A_1559 = arith.cmpi slt, %add3A_1557, %lt3A_1558 : i32
        %and3A_1560 = vector.broadcast %lt3A_1559 : i1 to vector<16xi1>
        %and3A_1561 = arith.andi %ge3A_1460, %and3A_1560 : vector<16xi1>
        %all_reduce_population_count3A_1562 = tpu.all_reduce %and3A_1561 {dim = 0 : i64, kind = #tpu.reduction_kind<sum>} : vector<16xi1> -> vector<16xi32>
        %mul3A_1563 = arith.constant 4 : i32
        %mul3A_1564 = arith.muli %scan3A_1419, %mul3A_1563 : i32
        %add3A_1565 = arith.constant 3 : i32
        %add3A_1566 = arith.addi %mul3A_1564, %add3A_1565 : i32
        %mul3A_1567 = arith.constant 16 : i32
        %mul3A_1568 = arith.muli %add3A_1566, %mul3A_1567 : i32
        %add3A_1569 = arith.addi %mul3A_3, %mul3A_1568 : i32
        %broadcast_in_dim3A_1570 = vector.broadcast %add3A_1569 : i32 to vector<16xi32>
        %add3A_1571 = arith.addi %broadcast_in_dim3A_1570, %iota3A : vector<16xi32>
        %swap3A_1572 = arith.index_cast %add3A_1557 : i32 to index
        %swap3A_1573 = tpu.vector_load %arg13[%swap3A_1572] masked %and3A_1561 {strides = array<i32>} : memref<4112xi32, #tpu.memory_space<vmem>>, vector<16xi32>, vector<16xi1>
        tpu.vector_store %arg13[%swap3A_1572], %get3A_1452 masked %and3A_1561 {strides = array<i32>} : memref<4112xi32, #tpu.memory_space<vmem>>, vector<16xi32>, vector<16xi1>
        %swap3A_1574 = arith.index_cast %add3A_1557 : i32 to index
        %swap3A_1575 = tpu.vector_load %arg14[%swap3A_1574] masked %and3A_1561 {strides = array<i32>} : memref<4112xi32, #tpu.memory_space<vmem>>, vector<16xi32>, vector<16xi1>
        tpu.vector_store %arg14[%swap3A_1574], %add3A_1571 masked %and3A_1561 {strides = array<i32>} : memref<4112xi32, #tpu.memory_space<vmem>>, vector<16xi32>, vector<16xi1>
        %reduce_max3A_1576 = arith.constant true
        %reduce_max3A_1577 = vector.broadcast %reduce_max3A_1576 : i1 to vector<16xi1>
        %reduce_max3A_1578 = arith.constant -2147483648 : i32
        %reduce_max3A_1579 = vector.broadcast %reduce_max3A_1578 : i32 to vector<16xi32>
        %reduce_max3A_1580 = arith.xori %all_reduce_population_count3A_1562, %reduce_max3A_1579 : vector<16xi32>
        %reduce_max3A_1581 = tpu.scan <max>, %reduce_max3A_1580 masked %reduce_max3A_1577 : vector<16xi32>, vector<16xi1> -> vector<16xi32>
        %reduce_max3A_1582 = arith.xori %reduce_max3A_1581, %reduce_max3A_1579 : vector<16xi32>
        %reduce_max3A_1583 = vector.extract %reduce_max3A_1582[15] : i32 from vector<16xi32>
        %add3A_1584 = arith.addi %add3A_1557, %reduce_max3A_1583 : i32
        scf.yield %add3A_1584 : i32
      } else {
        scf.yield %scan3A_1420 : i32
      }
      scf.yield %cond3A_1476 : i32
    }
    %scan3A_1235 = arith.constant 98 : i32
    %min3A_1236 = arith.constant 4096 : i32
    %min3A_1237 = arith.minsi %scan3A_1234, %min3A_1236 : i32
    %broadcast_in_dim3A_1238 = arith.constant -2147483648 : i32
    %broadcast_in_dim3A_1239 = vector.broadcast %broadcast_in_dim3A_1238 : i32 to vector<16xi32>
    %swap3A_1240 = arith.index_cast %min3A_1237 : i32 to index
    %swap3A_1241 = tpu.vector_load %arg13[%swap3A_1240] {strides = array<i32>} : memref<4112xi32, #tpu.memory_space<vmem>>, vector<16xi32>,
    tpu.vector_store %arg13[%swap3A_1240], %broadcast_in_dim3A_1239 {strides = array<i32>} : memref<4112xi32, #tpu.memory_space<vmem>>, vector<16xi32>,
    %broadcast_in_dim3A_1242 = arith.constant 2147483647 : i32
    %broadcast_in_dim3A_1243 = vector.broadcast %broadcast_in_dim3A_1242 : i32 to vector<16xi32>
    %swap3A_1244 = arith.index_cast %min3A_1237 : i32 to index
    %swap3A_1245 = tpu.vector_load %arg14[%swap3A_1244] {strides = array<i32>} : memref<4112xi32, #tpu.memory_space<vmem>>, vector<16xi32>,
    tpu.vector_store %arg14[%swap3A_1244], %broadcast_in_dim3A_1243 {strides = array<i32>} : memref<4112xi32, #tpu.memory_space<vmem>>, vector<16xi32>,
    %add3A_1246 = arith.constant 16 : i32
    %add3A_1247 = arith.addi %min3A_1237, %add3A_1246 : i32
    %sub3A_1248 = arith.constant 1 : i32
    %sub3A_1249 = arith.subi %add3A_1247, %sub3A_1248 : i32
    %jit3A_1250 = arith.constant 16 : i32
    %div3A = arith.divsi %sub3A_1249, %jit3A_1250 : i32
    %sign3A = arith.constant 0 : i32
    %sign3A_1251 = arith.cmpi sgt, %sub3A_1249, %sign3A : i32
    %sign3A_1252 = arith.extui %sign3A_1251 : i1 to i32
    %sign3A_1253 = arith.constant 0 : i32
    %sign3A_1254 = arith.cmpi slt, %sub3A_1249, %sign3A_1253 : i32
    %sign3A_1255 = arith.extui %sign3A_1254 : i1 to i32
    %sign3A_1256 = arith.subi %sign3A_1252, %sign3A_1255 : i32
    %sign3A_1257 = arith.constant 0 : i32
    %sign3A_1258 = arith.cmpi sgt, %jit3A_1250, %sign3A_1257 : i32
    %sign3A_1259 = arith.extui %sign3A_1258 : i1 to i32
    %sign3A_1260 = arith.constant 0 : i32
    %sign3A_1261 = arith.cmpi slt, %jit3A_1250, %sign3A_1260 : i32
    %sign3A_1262 = arith.extui %sign3A_1261 : i1 to i32
    %sign3A_1263 = arith.subi %sign3A_1259, %sign3A_1262 : i32
    %ne3A = arith.cmpi ne, %sign3A_1256, %sign3A_1263 : i32
    %rem3A = arith.remsi %sub3A_1249, %jit3A_1250 : i32
    %ne3A_1264 = arith.constant 0 : i32
    %ne3A_1265 = arith.cmpi ne, %rem3A, %ne3A_1264 : i32
    %and3A_1266 = arith.andi %ne3A, %ne3A_1265 : i1
    %sub3A_1267 = arith.constant 1 : i32
    %sub3A_1268 = arith.subi %div3A, %sub3A_1267 : i32
    %select_n3A_1269 = arith.select %and3A_1266, %sub3A_1268, %div3A : i32
    %min3A_1270 = arith.constant 16 : i32
    %min3A_1271 = arith.minsi %select_n3A_1269, %min3A_1270 : i32
    %broadcast_in_dim3A_1272 = vector.broadcast %min3A_1271 : i32 to vector<16xi32>
    %swap3A_1273 = arith.constant 0 : index
    %swap3A_1274 = tpu.vector_load %arg19[%swap3A_1273] {strides = array<i32>} : memref<16xi32, #tpu.memory_space<vmem>>, vector<16xi32>,
    tpu.vector_store %arg19[%swap3A_1273], %broadcast_in_dim3A_1272 {strides = array<i32>} : memref<16xi32, #tpu.memory_space<vmem>>, vector<16xi32>,
    "tpu.region"() ({
      %run_scoped3A = tpu.sem_alloc : memref<!tpu.dma_semaphore, #tpu.memory_space<semaphore_mem>>
      %dma_start3A = arith.constant 0 : i32
      %dma_start3A_1419 = tpu.memref_slice %arg19[%dma_start3A] : memref<16xi32, #tpu.memory_space<vmem>> -> memref<8xi32, #tpu.memory_space<vmem>>
      %dma_start3A_1420 = arith.constant 0 : i32
      %dma_start3A_1421 = tpu.memref_slice %arg27[%arg1, %dma_start3A_1420] : memref<16x8xi32, #tpu.memory_space<vmem_shared>> -> memref<1x8xi32, #tpu.memory_space<vmem_shared>>
      %dma_start3A_1422 = tpu.memref_squeeze %dma_start3A_1421 : memref<1x8xi32, #tpu.memory_space<vmem_shared>> -> memref<8xi32, #tpu.memory_space<vmem_shared>>
      %dma_start3A_1423 = arith.constant 0 : i32
      %dma_start3A_1424 = tpu.memref_slice %arg27[%arg1, %dma_start3A_1423] : memref<16x8xi32, #tpu.memory_space<vmem_shared>> -> memref<1x8xi32, #tpu.memory_space<vmem_shared>>
      %dma_start3A_1425 = tpu.memref_squeeze %dma_start3A_1424 : memref<1x8xi32, #tpu.memory_space<vmem_shared>> -> memref<8xi32, #tpu.memory_space<vmem_shared>>
      %dma_start3A_1426 = arith.constant 0 : i32
      %dma_start3A_1427 = tpu.memref_slice %arg19[%dma_start3A_1426] : memref<16xi32, #tpu.memory_space<vmem>> -> memref<8xi32, #tpu.memory_space<vmem>>
      tpu.enqueue_dma source(%dma_start3A_1427 : memref<8xi32, #tpu.memory_space<vmem>>) target(%dma_start3A_1425 : memref<8xi32, #tpu.memory_space<vmem_shared>>) target_semaphore(%run_scoped3A : memref<!tpu.dma_semaphore, #tpu.memory_space<semaphore_mem>>)
      %dma_wait3A = arith.constant 0 : i32
      %dma_wait3A_1428 = tpu.memref_slice %arg19[%dma_wait3A] : memref<16xi32, #tpu.memory_space<vmem>> -> memref<8xi32, #tpu.memory_space<vmem>>
      %dma_wait3A_1429 = arith.constant 0 : i32
      %dma_wait3A_1430 = tpu.memref_slice %arg27[%arg1, %dma_wait3A_1429] : memref<16x8xi32, #tpu.memory_space<vmem_shared>> -> memref<1x8xi32, #tpu.memory_space<vmem_shared>>
      %dma_wait3A_1431 = tpu.memref_squeeze %dma_wait3A_1430 : memref<1x8xi32, #tpu.memory_space<vmem_shared>> -> memref<8xi32, #tpu.memory_space<vmem_shared>>
      %dma_wait3A_1432 = arith.constant 0 : i32
      %dma_wait3A_1433 = tpu.memref_slice %arg27[%arg1, %dma_wait3A_1432] : memref<16x8xi32, #tpu.memory_space<vmem_shared>> -> memref<1x8xi32, #tpu.memory_space<vmem_shared>>
      %dma_wait3A_1434 = tpu.memref_squeeze %dma_wait3A_1433 : memref<1x8xi32, #tpu.memory_space<vmem_shared>> -> memref<8xi32, #tpu.memory_space<vmem_shared>>
      %dma_wait3A_1435 = arith.constant 0 : i32
      %dma_wait3A_1436 = tpu.memref_slice %arg19[%dma_wait3A_1435] : memref<16xi32, #tpu.memory_space<vmem>> -> memref<8xi32, #tpu.memory_space<vmem>>
      tpu.wait_dma2 semaphore(%run_scoped3A : memref<!tpu.dma_semaphore, #tpu.memory_space<semaphore_mem>>) src(%dma_wait3A_1436 : memref<8xi32, #tpu.memory_space<vmem>>) dst(%dma_wait3A_1434 : memref<8xi32, #tpu.memory_space<vmem_shared>>)
      tpu.yield
    }) : () -> ()
    %barrier3A_1275 = arith.constant 0 : index
    tpu.barrier barrier_id(%barrier3A_1275)
    "tpu.region"() ({
      %run_scoped3A = tpu.sem_alloc : memref<!tpu.dma_semaphore, #tpu.memory_space<semaphore_mem>>
      tpu.enqueue_dma source(%arg27 : memref<16x8xi32, #tpu.memory_space<vmem_shared>>) target(%arg20 : memref<16x8xi32, #tpu.memory_space<vmem>>) target_semaphore(%run_scoped3A : memref<!tpu.dma_semaphore, #tpu.memory_space<semaphore_mem>>)
      tpu.wait_dma2 semaphore(%run_scoped3A : memref<!tpu.dma_semaphore, #tpu.memory_space<semaphore_mem>>) src(%arg27 : memref<16x8xi32, #tpu.memory_space<vmem_shared>>) dst(%arg20 : memref<16x8xi32, #tpu.memory_space<vmem>>)
      tpu.yield
    }) : () -> ()
    %gather3A_1276 = tpu.vector_load_idx %arg20[%iota3A, %broadcast_in_dim3A_2] : memref<16x8xi32, #tpu.memory_space<vmem>>[vector<16xi32>, vector<16xi32>], vector<16xi32>,
    %broadcast_in_dim3A_1277 = arith.constant true
    %broadcast_in_dim3A_1278 = vector.broadcast %broadcast_in_dim3A_1277 : i1 to vector<16xi1>
    %masked_cumsum3A_1279 = tpu.scan <sum>, %gather3A_1276 masked %broadcast_in_dim3A_1278 : vector<16xi32>, vector<16xi1> -> vector<16xi32>
    %eq3A_1280 = vector.broadcast %arg1 : i32 to vector<16xi32>
    %eq3A_1281 = arith.cmpi eq, %iota3A, %eq3A_1280 : vector<16xi32>
    %sub3A_1282 = arith.subi %masked_cumsum3A_1279, %gather3A_1276 : vector<16xi32>
    %jit3A_1283 = arith.constant 0 : i32
    %broadcast_in_dim3A_1284 = vector.broadcast %jit3A_1283 : i32 to vector<16xi32>
    %select_n3A_1285 = arith.select %eq3A_1281, %sub3A_1282, %broadcast_in_dim3A_1284 : vector<16xi1>, vector<16xi32>
    %reduce_max3A_1286 = arith.constant true
    %reduce_max3A_1287 = vector.broadcast %reduce_max3A_1286 : i1 to vector<16xi1>
    %reduce_max3A_1288 = arith.constant -2147483648 : i32
    %reduce_max3A_1289 = vector.broadcast %reduce_max3A_1288 : i32 to vector<16xi32>
    %reduce_max3A_1290 = arith.xori %select_n3A_1285, %reduce_max3A_1289 : vector<16xi32>
    %reduce_max3A_1291 = tpu.scan <max>, %reduce_max3A_1290 masked %reduce_max3A_1287 : vector<16xi32>, vector<16xi1> -> vector<16xi32>
    %reduce_max3A_1292 = arith.xori %reduce_max3A_1291, %reduce_max3A_1289 : vector<16xi32>
    %reduce_max3A_1293 = vector.extract %reduce_max3A_1292[15] : i32 from vector<16xi32>
    %reduce_max3A_1294 = arith.constant true
    %reduce_max3A_1295 = vector.broadcast %reduce_max3A_1294 : i1 to vector<16xi1>
    %reduce_max3A_1296 = arith.constant -2147483648 : i32
    %reduce_max3A_1297 = vector.broadcast %reduce_max3A_1296 : i32 to vector<16xi32>
    %reduce_max3A_1298 = arith.xori %masked_cumsum3A_1279, %reduce_max3A_1297 : vector<16xi32>
    %reduce_max3A_1299 = tpu.scan <max>, %reduce_max3A_1298 masked %reduce_max3A_1295 : vector<16xi32>, vector<16xi1> -> vector<16xi32>
    %reduce_max3A_1300 = arith.xori %reduce_max3A_1299, %reduce_max3A_1297 : vector<16xi32>
    %reduce_max3A_1301 = vector.extract %reduce_max3A_1300[15] : i32 from vector<16xi32>
    %while3A = arith.constant 0 : i32
    %while3A_1302 = arith.constant 0 : i32
    %while3A_1303 = arith.subi %min3A_1271, %while3A : i32
    %while3A_1304 = arith.addi %while3A, %while3A_1303 : i32
    %while3A_1305 = arith.constant 1 : i32
    %while3A_1306 = arith.divsi %while3A_1303, %while3A_1305 : i32
    %while3A_1307 = arith.muli %while3A_1306, %while3A_1305 : i32
    %while3A_1308 = arith.addi %while3A, %while3A_1307 : i32
    %while3A_1309 = arith.constant 1 : i32
    %while3A_1310 = scf.for %while3A_1419 = %while3A to %while3A_1308 step %while3A_1309 iter_args(%while3A_1420 = %while3A_1302) -> (i32)  : i32 {
      %mul3A_1421 = arith.constant 16 : i32
      %mul3A_1422 = arith.muli %while3A_1419, %mul3A_1421 : i32
      %add3A_1423 = arith.addi %reduce_max3A_1293, %while3A_1419 : i32
      %mul3A_1424 = arith.constant 16 : i32
      %mul3A_1425 = arith.muli %add3A_1423, %mul3A_1424 : i32
      "tpu.region"() ({
        %run_scoped3A = tpu.sem_alloc : memref<!tpu.dma_semaphore, #tpu.memory_space<semaphore_mem>>
        %dma_start3A = tpu.memref_slice %arg13[%mul3A_1422] : memref<4112xi32, #tpu.memory_space<vmem>> -> memref<16xi32, #tpu.memory_space<vmem>>
        %dma_start3A_1432 = tpu.memref_slice %arg28[%mul3A_1425] : memref<4096xi32, #tpu.memory_space<vmem_shared>> -> memref<16xi32, #tpu.memory_space<vmem_shared>>
        %dma_start3A_1433 = tpu.memref_slice %arg28[%mul3A_1425] : memref<4096xi32, #tpu.memory_space<vmem_shared>> -> memref<16xi32, #tpu.memory_space<vmem_shared>>
        %dma_start3A_1434 = tpu.memref_slice %arg13[%mul3A_1422] : memref<4112xi32, #tpu.memory_space<vmem>> -> memref<16xi32, #tpu.memory_space<vmem>>
        tpu.enqueue_dma source(%dma_start3A_1434 : memref<16xi32, #tpu.memory_space<vmem>>) target(%dma_start3A_1433 : memref<16xi32, #tpu.memory_space<vmem_shared>>) target_semaphore(%run_scoped3A : memref<!tpu.dma_semaphore, #tpu.memory_space<semaphore_mem>>)
        %dma_wait3A = tpu.memref_slice %arg13[%mul3A_1422] : memref<4112xi32, #tpu.memory_space<vmem>> -> memref<16xi32, #tpu.memory_space<vmem>>
        %dma_wait3A_1435 = tpu.memref_slice %arg28[%mul3A_1425] : memref<4096xi32, #tpu.memory_space<vmem_shared>> -> memref<16xi32, #tpu.memory_space<vmem_shared>>
        %dma_wait3A_1436 = tpu.memref_slice %arg28[%mul3A_1425] : memref<4096xi32, #tpu.memory_space<vmem_shared>> -> memref<16xi32, #tpu.memory_space<vmem_shared>>
        %dma_wait3A_1437 = tpu.memref_slice %arg13[%mul3A_1422] : memref<4112xi32, #tpu.memory_space<vmem>> -> memref<16xi32, #tpu.memory_space<vmem>>
        tpu.wait_dma2 semaphore(%run_scoped3A : memref<!tpu.dma_semaphore, #tpu.memory_space<semaphore_mem>>) src(%dma_wait3A_1437 : memref<16xi32, #tpu.memory_space<vmem>>) dst(%dma_wait3A_1436 : memref<16xi32, #tpu.memory_space<vmem_shared>>)
        tpu.yield
      }) : () -> ()
      %mul3A_1426 = arith.constant 16 : i32
      %mul3A_1427 = arith.muli %while3A_1419, %mul3A_1426 : i32
      %add3A_1428 = arith.addi %reduce_max3A_1293, %while3A_1419 : i32
      %mul3A_1429 = arith.constant 16 : i32
      %mul3A_1430 = arith.muli %add3A_1428, %mul3A_1429 : i32
      "tpu.region"() ({
        %run_scoped3A = tpu.sem_alloc : memref<!tpu.dma_semaphore, #tpu.memory_space<semaphore_mem>>
        %dma_start3A = tpu.memref_slice %arg14[%mul3A_1427] : memref<4112xi32, #tpu.memory_space<vmem>> -> memref<16xi32, #tpu.memory_space<vmem>>
        %dma_start3A_1432 = tpu.memref_slice %arg29[%mul3A_1430] : memref<4096xi32, #tpu.memory_space<vmem_shared>> -> memref<16xi32, #tpu.memory_space<vmem_shared>>
        %dma_start3A_1433 = tpu.memref_slice %arg29[%mul3A_1430] : memref<4096xi32, #tpu.memory_space<vmem_shared>> -> memref<16xi32, #tpu.memory_space<vmem_shared>>
        %dma_start3A_1434 = tpu.memref_slice %arg14[%mul3A_1427] : memref<4112xi32, #tpu.memory_space<vmem>> -> memref<16xi32, #tpu.memory_space<vmem>>
        tpu.enqueue_dma source(%dma_start3A_1434 : memref<16xi32, #tpu.memory_space<vmem>>) target(%dma_start3A_1433 : memref<16xi32, #tpu.memory_space<vmem_shared>>) target_semaphore(%run_scoped3A : memref<!tpu.dma_semaphore, #tpu.memory_space<semaphore_mem>>)
        %dma_wait3A = tpu.memref_slice %arg14[%mul3A_1427] : memref<4112xi32, #tpu.memory_space<vmem>> -> memref<16xi32, #tpu.memory_space<vmem>>
        %dma_wait3A_1435 = tpu.memref_slice %arg29[%mul3A_1430] : memref<4096xi32, #tpu.memory_space<vmem_shared>> -> memref<16xi32, #tpu.memory_space<vmem_shared>>
        %dma_wait3A_1436 = tpu.memref_slice %arg29[%mul3A_1430] : memref<4096xi32, #tpu.memory_space<vmem_shared>> -> memref<16xi32, #tpu.memory_space<vmem_shared>>
        %dma_wait3A_1437 = tpu.memref_slice %arg14[%mul3A_1427] : memref<4112xi32, #tpu.memory_space<vmem>> -> memref<16xi32, #tpu.memory_space<vmem>>
        tpu.wait_dma2 semaphore(%run_scoped3A : memref<!tpu.dma_semaphore, #tpu.memory_space<semaphore_mem>>) src(%dma_wait3A_1437 : memref<16xi32, #tpu.memory_space<vmem>>) dst(%dma_wait3A_1436 : memref<16xi32, #tpu.memory_space<vmem_shared>>)
        tpu.yield
      }) : () -> ()
      %while3A_1431 = arith.constant 0 : i32
      scf.yield %while3A_1431 : i32
    }
    %while3A_1311 = arith.constant 1 : i32
    %while3A_1312 = scf.for %while3A_1419 = %while3A_1308 to %while3A_1304 step %while3A_1311 iter_args(%while3A_1420 = %while3A_1310) -> (i32)  : i32 {
      %mul3A_1421 = arith.constant 16 : i32
      %mul3A_1422 = arith.muli %while3A_1419, %mul3A_1421 : i32
      %add3A_1423 = arith.addi %reduce_max3A_1293, %while3A_1419 : i32
      %mul3A_1424 = arith.constant 16 : i32
      %mul3A_1425 = arith.muli %add3A_1423, %mul3A_1424 : i32
      "tpu.region"() ({
        %run_scoped3A = tpu.sem_alloc : memref<!tpu.dma_semaphore, #tpu.memory_space<semaphore_mem>>
        %dma_start3A = tpu.memref_slice %arg13[%mul3A_1422] : memref<4112xi32, #tpu.memory_space<vmem>> -> memref<16xi32, #tpu.memory_space<vmem>>
        %dma_start3A_1432 = tpu.memref_slice %arg28[%mul3A_1425] : memref<4096xi32, #tpu.memory_space<vmem_shared>> -> memref<16xi32, #tpu.memory_space<vmem_shared>>
        %dma_start3A_1433 = tpu.memref_slice %arg28[%mul3A_1425] : memref<4096xi32, #tpu.memory_space<vmem_shared>> -> memref<16xi32, #tpu.memory_space<vmem_shared>>
        %dma_start3A_1434 = tpu.memref_slice %arg13[%mul3A_1422] : memref<4112xi32, #tpu.memory_space<vmem>> -> memref<16xi32, #tpu.memory_space<vmem>>
        tpu.enqueue_dma source(%dma_start3A_1434 : memref<16xi32, #tpu.memory_space<vmem>>) target(%dma_start3A_1433 : memref<16xi32, #tpu.memory_space<vmem_shared>>) target_semaphore(%run_scoped3A : memref<!tpu.dma_semaphore, #tpu.memory_space<semaphore_mem>>)
        %dma_wait3A = tpu.memref_slice %arg13[%mul3A_1422] : memref<4112xi32, #tpu.memory_space<vmem>> -> memref<16xi32, #tpu.memory_space<vmem>>
        %dma_wait3A_1435 = tpu.memref_slice %arg28[%mul3A_1425] : memref<4096xi32, #tpu.memory_space<vmem_shared>> -> memref<16xi32, #tpu.memory_space<vmem_shared>>
        %dma_wait3A_1436 = tpu.memref_slice %arg28[%mul3A_1425] : memref<4096xi32, #tpu.memory_space<vmem_shared>> -> memref<16xi32, #tpu.memory_space<vmem_shared>>
        %dma_wait3A_1437 = tpu.memref_slice %arg13[%mul3A_1422] : memref<4112xi32, #tpu.memory_space<vmem>> -> memref<16xi32, #tpu.memory_space<vmem>>
        tpu.wait_dma2 semaphore(%run_scoped3A : memref<!tpu.dma_semaphore, #tpu.memory_space<semaphore_mem>>) src(%dma_wait3A_1437 : memref<16xi32, #tpu.memory_space<vmem>>) dst(%dma_wait3A_1436 : memref<16xi32, #tpu.memory_space<vmem_shared>>)
        tpu.yield
      }) : () -> ()
      %mul3A_1426 = arith.constant 16 : i32
      %mul3A_1427 = arith.muli %while3A_1419, %mul3A_1426 : i32
      %add3A_1428 = arith.addi %reduce_max3A_1293, %while3A_1419 : i32
      %mul3A_1429 = arith.constant 16 : i32
      %mul3A_1430 = arith.muli %add3A_1428, %mul3A_1429 : i32
      "tpu.region"() ({
        %run_scoped3A = tpu.sem_alloc : memref<!tpu.dma_semaphore, #tpu.memory_space<semaphore_mem>>
        %dma_start3A = tpu.memref_slice %arg14[%mul3A_1427] : memref<4112xi32, #tpu.memory_space<vmem>> -> memref<16xi32, #tpu.memory_space<vmem>>
        %dma_start3A_1432 = tpu.memref_slice %arg29[%mul3A_1430] : memref<4096xi32, #tpu.memory_space<vmem_shared>> -> memref<16xi32, #tpu.memory_space<vmem_shared>>
        %dma_start3A_1433 = tpu.memref_slice %arg29[%mul3A_1430] : memref<4096xi32, #tpu.memory_space<vmem_shared>> -> memref<16xi32, #tpu.memory_space<vmem_shared>>
        %dma_start3A_1434 = tpu.memref_slice %arg14[%mul3A_1427] : memref<4112xi32, #tpu.memory_space<vmem>> -> memref<16xi32, #tpu.memory_space<vmem>>
        tpu.enqueue_dma source(%dma_start3A_1434 : memref<16xi32, #tpu.memory_space<vmem>>) target(%dma_start3A_1433 : memref<16xi32, #tpu.memory_space<vmem_shared>>) target_semaphore(%run_scoped3A : memref<!tpu.dma_semaphore, #tpu.memory_space<semaphore_mem>>)
        %dma_wait3A = tpu.memref_slice %arg14[%mul3A_1427] : memref<4112xi32, #tpu.memory_space<vmem>> -> memref<16xi32, #tpu.memory_space<vmem>>
        %dma_wait3A_1435 = tpu.memref_slice %arg29[%mul3A_1430] : memref<4096xi32, #tpu.memory_space<vmem_shared>> -> memref<16xi32, #tpu.memory_space<vmem_shared>>
        %dma_wait3A_1436 = tpu.memref_slice %arg29[%mul3A_1430] : memref<4096xi32, #tpu.memory_space<vmem_shared>> -> memref<16xi32, #tpu.memory_space<vmem_shared>>
        %dma_wait3A_1437 = tpu.memref_slice %arg14[%mul3A_1427] : memref<4112xi32, #tpu.memory_space<vmem>> -> memref<16xi32, #tpu.memory_space<vmem>>
        tpu.wait_dma2 semaphore(%run_scoped3A : memref<!tpu.dma_semaphore, #tpu.memory_space<semaphore_mem>>) src(%dma_wait3A_1437 : memref<16xi32, #tpu.memory_space<vmem>>) dst(%dma_wait3A_1436 : memref<16xi32, #tpu.memory_space<vmem_shared>>)
        tpu.yield
      }) : () -> ()
      %while3A_1431 = arith.constant 0 : i32
      scf.yield %while3A_1431 : i32
    }
    %barrier3A_1313 = arith.constant 0 : index
    tpu.barrier barrier_id(%barrier3A_1313)
    %add3A_1314 = arith.constant 15 : i32
    %add3A_1315 = arith.addi %reduce_max3A_1301, %add3A_1314 : i32
    %jit3A_1316 = arith.constant 16 : i32
    %div3A_1317 = arith.divsi %add3A_1315, %jit3A_1316 : i32
    %sign3A_1318 = arith.constant 0 : i32
    %sign3A_1319 = arith.cmpi sgt, %add3A_1315, %sign3A_1318 : i32
    %sign3A_1320 = arith.extui %sign3A_1319 : i1 to i32
    %sign3A_1321 = arith.constant 0 : i32
    %sign3A_1322 = arith.cmpi slt, %add3A_1315, %sign3A_1321 : i32
    %sign3A_1323 = arith.extui %sign3A_1322 : i1 to i32
    %sign3A_1324 = arith.subi %sign3A_1320, %sign3A_1323 : i32
    %sign3A_1325 = arith.constant 0 : i32
    %sign3A_1326 = arith.cmpi sgt, %jit3A_1316, %sign3A_1325 : i32
    %sign3A_1327 = arith.extui %sign3A_1326 : i1 to i32
    %sign3A_1328 = arith.constant 0 : i32
    %sign3A_1329 = arith.cmpi slt, %jit3A_1316, %sign3A_1328 : i32
    %sign3A_1330 = arith.extui %sign3A_1329 : i1 to i32
    %sign3A_1331 = arith.subi %sign3A_1327, %sign3A_1330 : i32
    %ne3A_1332 = arith.cmpi ne, %sign3A_1324, %sign3A_1331 : i32
    %rem3A_1333 = arith.remsi %add3A_1315, %jit3A_1316 : i32
    %ne3A_1334 = arith.constant 0 : i32
    %ne3A_1335 = arith.cmpi ne, %rem3A_1333, %ne3A_1334 : i32
    %and3A_1336 = arith.andi %ne3A_1332, %ne3A_1335 : i1
    %sub3A_1337 = arith.constant 1 : i32
    %sub3A_1338 = arith.subi %div3A_1317, %sub3A_1337 : i32
    %select_n3A_1339 = arith.select %and3A_1336, %sub3A_1338, %div3A_1317 : i32
    %while3A_1340 = arith.constant 0 : i32
    %while3A_1341 = arith.constant 0 : i32
    %while3A_1342 = arith.subi %select_n3A_1339, %while3A_1340 : i32
    %while3A_1343 = arith.addi %while3A_1340, %while3A_1342 : i32
    %while3A_1344 = arith.constant 1 : i32
    %while3A_1345 = arith.divsi %while3A_1342, %while3A_1344 : i32
    %while3A_1346 = arith.muli %while3A_1345, %while3A_1344 : i32
    %while3A_1347 = arith.addi %while3A_1340, %while3A_1346 : i32
    %while3A_1348 = arith.constant 1 : i32
    %while3A_1349 = scf.for %while3A_1419 = %while3A_1340 to %while3A_1347 step %while3A_1348 iter_args(%while3A_1420 = %while3A_1341) -> (i32)  : i32 {
      %mul3A_1421 = arith.constant 256 : i32
      %mul3A_1422 = arith.muli %while3A_1419, %mul3A_1421 : i32
      %mul3A_1423 = arith.constant 256 : i32
      %mul3A_1424 = arith.muli %while3A_1419, %mul3A_1423 : i32
      "tpu.region"() ({
        %run_scoped3A = tpu.sem_alloc : memref<!tpu.dma_semaphore, #tpu.memory_space<semaphore_mem>>
        %dma_start3A = tpu.memref_slice %arg15[%mul3A_1424] : memref<4096xi32, #tpu.memory_space<vmem>> -> memref<256xi32, #tpu.memory_space<vmem>>
        %dma_start3A_1430 = tpu.memref_slice %arg28[%mul3A_1422] : memref<4096xi32, #tpu.memory_space<vmem_shared>> -> memref<256xi32, #tpu.memory_space<vmem_shared>>
        %dma_start3A_1431 = tpu.memref_slice %arg15[%mul3A_1424] : memref<4096xi32, #tpu.memory_space<vmem>> -> memref<256xi32, #tpu.memory_space<vmem>>
        %dma_start3A_1432 = tpu.memref_slice %arg28[%mul3A_1422] : memref<4096xi32, #tpu.memory_space<vmem_shared>> -> memref<256xi32, #tpu.memory_space<vmem_shared>>
        tpu.enqueue_dma source(%dma_start3A_1432 : memref<256xi32, #tpu.memory_space<vmem_shared>>) target(%dma_start3A_1431 : memref<256xi32, #tpu.memory_space<vmem>>) target_semaphore(%run_scoped3A : memref<!tpu.dma_semaphore, #tpu.memory_space<semaphore_mem>>)
        %dma_wait3A = tpu.memref_slice %arg15[%mul3A_1424] : memref<4096xi32, #tpu.memory_space<vmem>> -> memref<256xi32, #tpu.memory_space<vmem>>
        %dma_wait3A_1433 = tpu.memref_slice %arg28[%mul3A_1422] : memref<4096xi32, #tpu.memory_space<vmem_shared>> -> memref<256xi32, #tpu.memory_space<vmem_shared>>
        %dma_wait3A_1434 = tpu.memref_slice %arg15[%mul3A_1424] : memref<4096xi32, #tpu.memory_space<vmem>> -> memref<256xi32, #tpu.memory_space<vmem>>
        %dma_wait3A_1435 = tpu.memref_slice %arg28[%mul3A_1422] : memref<4096xi32, #tpu.memory_space<vmem_shared>> -> memref<256xi32, #tpu.memory_space<vmem_shared>>
        tpu.wait_dma2 semaphore(%run_scoped3A : memref<!tpu.dma_semaphore, #tpu.memory_space<semaphore_mem>>) src(%dma_wait3A_1435 : memref<256xi32, #tpu.memory_space<vmem_shared>>) dst(%dma_wait3A_1434 : memref<256xi32, #tpu.memory_space<vmem>>)
        tpu.yield
      }) : () -> ()
      %mul3A_1425 = arith.constant 256 : i32
      %mul3A_1426 = arith.muli %while3A_1419, %mul3A_1425 : i32
      %mul3A_1427 = arith.constant 256 : i32
      %mul3A_1428 = arith.muli %while3A_1419, %mul3A_1427 : i32
      "tpu.region"() ({
        %run_scoped3A = tpu.sem_alloc : memref<!tpu.dma_semaphore, #tpu.memory_space<semaphore_mem>>
        %dma_start3A = tpu.memref_slice %arg16[%mul3A_1428] : memref<4096xi32, #tpu.memory_space<vmem>> -> memref<256xi32, #tpu.memory_space<vmem>>
        %dma_start3A_1430 = tpu.memref_slice %arg29[%mul3A_1426] : memref<4096xi32, #tpu.memory_space<vmem_shared>> -> memref<256xi32, #tpu.memory_space<vmem_shared>>
        %dma_start3A_1431 = tpu.memref_slice %arg16[%mul3A_1428] : memref<4096xi32, #tpu.memory_space<vmem>> -> memref<256xi32, #tpu.memory_space<vmem>>
        %dma_start3A_1432 = tpu.memref_slice %arg29[%mul3A_1426] : memref<4096xi32, #tpu.memory_space<vmem_shared>> -> memref<256xi32, #tpu.memory_space<vmem_shared>>
        tpu.enqueue_dma source(%dma_start3A_1432 : memref<256xi32, #tpu.memory_space<vmem_shared>>) target(%dma_start3A_1431 : memref<256xi32, #tpu.memory_space<vmem>>) target_semaphore(%run_scoped3A : memref<!tpu.dma_semaphore, #tpu.memory_space<semaphore_mem>>)
        %dma_wait3A = tpu.memref_slice %arg16[%mul3A_1428] : memref<4096xi32, #tpu.memory_space<vmem>> -> memref<256xi32, #tpu.memory_space<vmem>>
        %dma_wait3A_1433 = tpu.memref_slice %arg29[%mul3A_1426] : memref<4096xi32, #tpu.memory_space<vmem_shared>> -> memref<256xi32, #tpu.memory_space<vmem_shared>>
        %dma_wait3A_1434 = tpu.memref_slice %arg16[%mul3A_1428] : memref<4096xi32, #tpu.memory_space<vmem>> -> memref<256xi32, #tpu.memory_space<vmem>>
        %dma_wait3A_1435 = tpu.memref_slice %arg29[%mul3A_1426] : memref<4096xi32, #tpu.memory_space<vmem_shared>> -> memref<256xi32, #tpu.memory_space<vmem_shared>>
        tpu.wait_dma2 semaphore(%run_scoped3A : memref<!tpu.dma_semaphore, #tpu.memory_space<semaphore_mem>>) src(%dma_wait3A_1435 : memref<256xi32, #tpu.memory_space<vmem_shared>>) dst(%dma_wait3A_1434 : memref<256xi32, #tpu.memory_space<vmem>>)
        tpu.yield
      }) : () -> ()
      %while3A_1429 = arith.constant 0 : i32
      scf.yield %while3A_1429 : i32
    }
    %while3A_1350 = arith.constant 1 : i32
    %while3A_1351 = scf.for %while3A_1419 = %while3A_1347 to %while3A_1343 step %while3A_1350 iter_args(%while3A_1420 = %while3A_1349) -> (i32)  : i32 {
      %mul3A_1421 = arith.constant 256 : i32
      %mul3A_1422 = arith.muli %while3A_1419, %mul3A_1421 : i32
      %mul3A_1423 = arith.constant 256 : i32
      %mul3A_1424 = arith.muli %while3A_1419, %mul3A_1423 : i32
      "tpu.region"() ({
        %run_scoped3A = tpu.sem_alloc : memref<!tpu.dma_semaphore, #tpu.memory_space<semaphore_mem>>
        %dma_start3A = tpu.memref_slice %arg15[%mul3A_1424] : memref<4096xi32, #tpu.memory_space<vmem>> -> memref<256xi32, #tpu.memory_space<vmem>>
        %dma_start3A_1430 = tpu.memref_slice %arg28[%mul3A_1422] : memref<4096xi32, #tpu.memory_space<vmem_shared>> -> memref<256xi32, #tpu.memory_space<vmem_shared>>
        %dma_start3A_1431 = tpu.memref_slice %arg15[%mul3A_1424] : memref<4096xi32, #tpu.memory_space<vmem>> -> memref<256xi32, #tpu.memory_space<vmem>>
        %dma_start3A_1432 = tpu.memref_slice %arg28[%mul3A_1422] : memref<4096xi32, #tpu.memory_space<vmem_shared>> -> memref<256xi32, #tpu.memory_space<vmem_shared>>
        tpu.enqueue_dma source(%dma_start3A_1432 : memref<256xi32, #tpu.memory_space<vmem_shared>>) target(%dma_start3A_1431 : memref<256xi32, #tpu.memory_space<vmem>>) target_semaphore(%run_scoped3A : memref<!tpu.dma_semaphore, #tpu.memory_space<semaphore_mem>>)
        %dma_wait3A = tpu.memref_slice %arg15[%mul3A_1424] : memref<4096xi32, #tpu.memory_space<vmem>> -> memref<256xi32, #tpu.memory_space<vmem>>
        %dma_wait3A_1433 = tpu.memref_slice %arg28[%mul3A_1422] : memref<4096xi32, #tpu.memory_space<vmem_shared>> -> memref<256xi32, #tpu.memory_space<vmem_shared>>
        %dma_wait3A_1434 = tpu.memref_slice %arg15[%mul3A_1424] : memref<4096xi32, #tpu.memory_space<vmem>> -> memref<256xi32, #tpu.memory_space<vmem>>
        %dma_wait3A_1435 = tpu.memref_slice %arg28[%mul3A_1422] : memref<4096xi32, #tpu.memory_space<vmem_shared>> -> memref<256xi32, #tpu.memory_space<vmem_shared>>
        tpu.wait_dma2 semaphore(%run_scoped3A : memref<!tpu.dma_semaphore, #tpu.memory_space<semaphore_mem>>) src(%dma_wait3A_1435 : memref<256xi32, #tpu.memory_space<vmem_shared>>) dst(%dma_wait3A_1434 : memref<256xi32, #tpu.memory_space<vmem>>)
        tpu.yield
      }) : () -> ()
      %mul3A_1425 = arith.constant 256 : i32
      %mul3A_1426 = arith.muli %while3A_1419, %mul3A_1425 : i32
      %mul3A_1427 = arith.constant 256 : i32
      %mul3A_1428 = arith.muli %while3A_1419, %mul3A_1427 : i32
      "tpu.region"() ({
        %run_scoped3A = tpu.sem_alloc : memref<!tpu.dma_semaphore, #tpu.memory_space<semaphore_mem>>
        %dma_start3A = tpu.memref_slice %arg16[%mul3A_1428] : memref<4096xi32, #tpu.memory_space<vmem>> -> memref<256xi32, #tpu.memory_space<vmem>>
        %dma_start3A_1430 = tpu.memref_slice %arg29[%mul3A_1426] : memref<4096xi32, #tpu.memory_space<vmem_shared>> -> memref<256xi32, #tpu.memory_space<vmem_shared>>
        %dma_start3A_1431 = tpu.memref_slice %arg16[%mul3A_1428] : memref<4096xi32, #tpu.memory_space<vmem>> -> memref<256xi32, #tpu.memory_space<vmem>>
        %dma_start3A_1432 = tpu.memref_slice %arg29[%mul3A_1426] : memref<4096xi32, #tpu.memory_space<vmem_shared>> -> memref<256xi32, #tpu.memory_space<vmem_shared>>
        tpu.enqueue_dma source(%dma_start3A_1432 : memref<256xi32, #tpu.memory_space<vmem_shared>>) target(%dma_start3A_1431 : memref<256xi32, #tpu.memory_space<vmem>>) target_semaphore(%run_scoped3A : memref<!tpu.dma_semaphore, #tpu.memory_space<semaphore_mem>>)
        %dma_wait3A = tpu.memref_slice %arg16[%mul3A_1428] : memref<4096xi32, #tpu.memory_space<vmem>> -> memref<256xi32, #tpu.memory_space<vmem>>
        %dma_wait3A_1433 = tpu.memref_slice %arg29[%mul3A_1426] : memref<4096xi32, #tpu.memory_space<vmem_shared>> -> memref<256xi32, #tpu.memory_space<vmem_shared>>
        %dma_wait3A_1434 = tpu.memref_slice %arg16[%mul3A_1428] : memref<4096xi32, #tpu.memory_space<vmem>> -> memref<256xi32, #tpu.memory_space<vmem>>
        %dma_wait3A_1435 = tpu.memref_slice %arg29[%mul3A_1426] : memref<4096xi32, #tpu.memory_space<vmem_shared>> -> memref<256xi32, #tpu.memory_space<vmem_shared>>
        tpu.wait_dma2 semaphore(%run_scoped3A : memref<!tpu.dma_semaphore, #tpu.memory_space<semaphore_mem>>) src(%dma_wait3A_1435 : memref<256xi32, #tpu.memory_space<vmem_shared>>) dst(%dma_wait3A_1434 : memref<256xi32, #tpu.memory_space<vmem>>)
        tpu.yield
      }) : () -> ()
      %while3A_1429 = arith.constant 0 : i32
      scf.yield %while3A_1429 : i32
    }
    %mul3A_1352 = arith.constant 16 : i32
    %mul3A_1353 = arith.muli %reduce_max3A_1301, %mul3A_1352 : i32
    %sub3A_1354 = arith.subi %reduce_max3A_1301, %arg1 : i32
    %add3A_1355 = arith.constant 15 : i32
    %add3A_1356 = arith.addi %sub3A_1354, %add3A_1355 : i32
    %jit3A_1357 = arith.constant 16 : i32
    %div3A_1358 = arith.divsi %add3A_1356, %jit3A_1357 : i32
    %sign3A_1359 = arith.constant 0 : i32
    %sign3A_1360 = arith.cmpi sgt, %add3A_1356, %sign3A_1359 : i32
    %sign3A_1361 = arith.extui %sign3A_1360 : i1 to i32
    %sign3A_1362 = arith.constant 0 : i32
    %sign3A_1363 = arith.cmpi slt, %add3A_1356, %sign3A_1362 : i32
    %sign3A_1364 = arith.extui %sign3A_1363 : i1 to i32
    %sign3A_1365 = arith.subi %sign3A_1361, %sign3A_1364 : i32
    %sign3A_1366 = arith.constant 0 : i32
    %sign3A_1367 = arith.cmpi sgt, %jit3A_1357, %sign3A_1366 : i32
    %sign3A_1368 = arith.extui %sign3A_1367 : i1 to i32
    %sign3A_1369 = arith.constant 0 : i32
    %sign3A_1370 = arith.cmpi slt, %jit3A_1357, %sign3A_1369 : i32
    %sign3A_1371 = arith.extui %sign3A_1370 : i1 to i32
    %sign3A_1372 = arith.subi %sign3A_1368, %sign3A_1371 : i32
    %ne3A_1373 = arith.cmpi ne, %sign3A_1365, %sign3A_1372 : i32
    %rem3A_1374 = arith.remsi %add3A_1356, %jit3A_1357 : i32
    %ne3A_1375 = arith.constant 0 : i32
    %ne3A_1376 = arith.cmpi ne, %rem3A_1374, %ne3A_1375 : i32
    %and3A_1377 = arith.andi %ne3A_1373, %ne3A_1376 : i1
    %sub3A_1378 = arith.constant 1 : i32
    %sub3A_1379 = arith.subi %div3A_1358, %sub3A_1378 : i32
    %select_n3A_1380 = arith.select %and3A_1377, %sub3A_1379, %div3A_1358 : i32
    %max3A = arith.constant 0 : i32
    %max3A_1381 = arith.maxsi %max3A, %select_n3A_1380 : i32
    %while3A_1382 = arith.constant 0 : i32
    %while3A_1383 = arith.constant 0 : i32
    %while3A_1384 = arith.subi %max3A_1381, %while3A_1382 : i32
    %while3A_1385 = arith.addi %while3A_1382, %while3A_1384 : i32
    %while3A_1386 = arith.constant 1 : i32
    %while3A_1387 = arith.divsi %while3A_1384, %while3A_1386 : i32
    %while3A_1388 = arith.muli %while3A_1387, %while3A_1386 : i32
    %while3A_1389 = arith.addi %while3A_1382, %while3A_1388 : i32
    %while3A_1390 = arith.constant 1 : i32
    %while3A_1391 = scf.for %while3A_1419 = %while3A_1382 to %while3A_1389 step %while3A_1390 iter_args(%while3A_1420 = %while3A_1383) -> (i32)  : i32 {
      %mul3A_1421 = arith.constant 16 : i32
      %mul3A_1422 = arith.muli %while3A_1419, %mul3A_1421 : i32
      %add3A_1423 = arith.addi %arg1, %mul3A_1422 : i32
      %mul3A_1424 = arith.constant 16 : i32
      %mul3A_1425 = arith.muli %add3A_1423, %mul3A_1424 : i32
      %get3A_1426 = arith.index_cast %mul3A_1425 : i32 to index
      %get3A_1427 = tpu.vector_load %arg15[%get3A_1426] {strides = array<i32>} : memref<4096xi32, #tpu.memory_space<vmem>>, vector<16xi32>,
      %mul3A_1428 = arith.constant 16 : i32
      %mul3A_1429 = arith.muli %add3A_1423, %mul3A_1428 : i32
      %get3A_1430 = arith.index_cast %mul3A_1429 : i32 to index
      %get3A_1431 = tpu.vector_load %arg16[%get3A_1430] {strides = array<i32>} : memref<4096xi32, #tpu.memory_space<vmem>>, vector<16xi32>,
      %while3A_1432 = arith.constant 0 : i32
      %while3A_1433 = arith.subi %mul3A_1353, %while3A_1432 : i32
      %while3A_1434 = arith.addi %while3A_1432, %while3A_1433 : i32
      %while3A_1435 = arith.constant 1 : i32
      %while3A_1436 = arith.divsi %while3A_1433, %while3A_1435 : i32
      %while3A_1437 = arith.muli %while3A_1436, %while3A_1435 : i32
      %while3A_1438 = arith.addi %while3A_1432, %while3A_1437 : i32
      %while3A_1439 = arith.constant 1 : i32
      %while3A_1440 = scf.for %while3A_1462 = %while3A_1432 to %while3A_1438 step %while3A_1439 iter_args(%while3A_1463 = %broadcast_in_dim3A_2) -> (vector<16xi32>)  : i32 {
        %broadcast_in_dim3A_1464 = vector.broadcast %while3A_1462 : i32 to vector<16xi32>
        %gather3A_1465 = tpu.vector_load_idx %arg15[%broadcast_in_dim3A_1464] : memref<4096xi32, #tpu.memory_space<vmem>>[vector<16xi32>], vector<16xi32>,
        %gather3A_1466 = tpu.vector_load_idx %arg16[%broadcast_in_dim3A_1464] : memref<4096xi32, #tpu.memory_space<vmem>>[vector<16xi32>], vector<16xi32>,
        %gt3A_1467 = arith.cmpi sgt, %gather3A_1465, %get3A_1427 : vector<16xi32>
        %eq3A_1468 = arith.cmpi eq, %gather3A_1465, %get3A_1427 : vector<16xi32>
        %lt3A_1469 = arith.cmpi slt, %gather3A_1466, %get3A_1431 : vector<16xi32>
        %and3A_1470 = arith.andi %eq3A_1468, %lt3A_1469 : vector<16xi1>
        %or3A = arith.ori %gt3A_1467, %and3A_1470 : vector<16xi1>
        %convert_element_type3A_1471 = arith.extui %or3A : vector<16xi1> to vector<16xi32>
        %add3A_1472 = arith.addi %while3A_1463, %convert_element_type3A_1471 : vector<16xi32>
        scf.yield %add3A_1472 : vector<16xi32>
      }
      %while3A_1441 = arith.constant 1 : i32
      %while3A_1442 = scf.for %while3A_1462 = %while3A_1438 to %while3A_1434 step %while3A_1441 iter_args(%while3A_1463 = %while3A_1440) -> (vector<16xi32>)  : i32 {
        %broadcast_in_dim3A_1464 = vector.broadcast %while3A_1462 : i32 to vector<16xi32>
        %gather3A_1465 = tpu.vector_load_idx %arg15[%broadcast_in_dim3A_1464] : memref<4096xi32, #tpu.memory_space<vmem>>[vector<16xi32>], vector<16xi32>,
        %gather3A_1466 = tpu.vector_load_idx %arg16[%broadcast_in_dim3A_1464] : memref<4096xi32, #tpu.memory_space<vmem>>[vector<16xi32>], vector<16xi32>,
        %gt3A_1467 = arith.cmpi sgt, %gather3A_1465, %get3A_1427 : vector<16xi32>
        %eq3A_1468 = arith.cmpi eq, %gather3A_1465, %get3A_1427 : vector<16xi32>
        %lt3A_1469 = arith.cmpi slt, %gather3A_1466, %get3A_1431 : vector<16xi32>
        %and3A_1470 = arith.andi %eq3A_1468, %lt3A_1469 : vector<16xi1>
        %or3A = arith.ori %gt3A_1467, %and3A_1470 : vector<16xi1>
        %convert_element_type3A_1471 = arith.extui %or3A : vector<16xi1> to vector<16xi32>
        %add3A_1472 = arith.addi %while3A_1463, %convert_element_type3A_1471 : vector<16xi32>
        scf.yield %add3A_1472 : vector<16xi32>
      }
      %lt3A_1443 = arith.constant 256 : i32
      %lt3A_1444 = vector.broadcast %lt3A_1443 : i32 to vector<16xi32>
      %lt3A_1445 = arith.cmpi slt, %while3A_1442, %lt3A_1444 : vector<16xi32>
      %all_reduce_population_count3A_1446 = tpu.all_reduce %lt3A_1445 {dim = 0 : i64, kind = #tpu.reduction_kind<sum>} : vector<16xi1> -> vector<16xi32>
      %reduce_max3A_1447 = arith.constant true
      %reduce_max3A_1448 = vector.broadcast %reduce_max3A_1447 : i1 to vector<16xi1>
      %reduce_max3A_1449 = arith.constant -2147483648 : i32
      %reduce_max3A_1450 = vector.broadcast %reduce_max3A_1449 : i32 to vector<16xi32>
      %reduce_max3A_1451 = arith.xori %all_reduce_population_count3A_1446, %reduce_max3A_1450 : vector<16xi32>
      %reduce_max3A_1452 = tpu.scan <max>, %reduce_max3A_1451 masked %reduce_max3A_1448 : vector<16xi32>, vector<16xi1> -> vector<16xi32>
      %reduce_max3A_1453 = arith.xori %reduce_max3A_1452, %reduce_max3A_1450 : vector<16xi32>
      %reduce_max3A_1454 = vector.extract %reduce_max3A_1453[15] : i32 from vector<16xi32>
      %gt3A = arith.constant 0 : i32
      %gt3A_1455 = arith.cmpi sgt, %reduce_max3A_1454, %gt3A : i32
      %convert_element_type3A_1456 = arith.extui %gt3A_1455 : i1 to i32
      %cond3A_1457 = arith.constant 0 : i32
      %cond3A_1458 = arith.constant 0 : i32
      %cond3A_1459 = arith.cmpi ne, %convert_element_type3A_1456, %cond3A_1458 : i32
      %cond3A_1460 = scf.if %cond3A_1459 -> (i32) {
        %add3A_1462 = arith.constant 256 : i32
        %add3A_1463 = vector.broadcast %add3A_1462 : i32 to vector<16xi32>
        %add3A_1464 = arith.addi %add3A_1463, %iota3A : vector<16xi32>
        %select_n3A_1465 = arith.select %lt3A_1445, %while3A_1442, %add3A_1464 : vector<16xi1>, vector<16xi32>
        %swap3A_1466 = arith.constant 0 : index
        %swap3A_1467 = tpu.vector_load %arg21[%swap3A_1466] {strides = array<i32>} : memref<16xi32, #tpu.memory_space<vmem>>, vector<16xi32>,
        tpu.vector_store %arg21[%swap3A_1466], %select_n3A_1465 {strides = array<i32>} : memref<16xi32, #tpu.memory_space<vmem>>, vector<16xi32>,
        %min3A_1468 = arith.constant 99999 : i32
        %min3A_1469 = vector.broadcast %min3A_1468 : i32 to vector<16xi32>
        %min3A_1470 = arith.minsi %get3A_1431, %min3A_1469 : vector<16xi32>
        %swap3A_1471 = arith.constant 0 : index
        %swap3A_1472 = tpu.vector_load %arg22[%swap3A_1471] {strides = array<i32>} : memref<16xi32, #tpu.memory_space<vmem>>, vector<16xi32>,
        tpu.vector_store %arg22[%swap3A_1471], %min3A_1470 {strides = array<i32>} : memref<16xi32, #tpu.memory_space<vmem>>, vector<16xi32>,
        %dma_start3A = arith.constant 0 : i32
        %dma_start3A_1473 = tpu.memref_slice %arg3[%dma_start3A] : memref<100000xi32, #tpu.memory_space<hbm>> -> memref<100000xi32, #tpu.memory_space<hbm>>
        tpu.enqueue_indirect_dma source(%dma_start3A_1473 : memref<100000xi32, #tpu.memory_space<hbm>>) target(%arg23 : memref<16xi32, #tpu.memory_space<vmem>>) offsets(%arg22 : memref<16xi32, #tpu.memory_space<vmem>>) semaphore(%arg33 : memref<!tpu.dma_semaphore, #tpu.memory_space<semaphore_mem>>)
        %dma_start3A_1474 = arith.constant 0 : i32
        %dma_start3A_1475 = tpu.memref_slice %arg4[%dma_start3A_1474] : memref<100000xi32, #tpu.memory_space<hbm>> -> memref<100000xi32, #tpu.memory_space<hbm>>
        tpu.enqueue_indirect_dma source(%dma_start3A_1475 : memref<100000xi32, #tpu.memory_space<hbm>>) target(%arg24 : memref<16xi32, #tpu.memory_space<vmem>>) offsets(%arg22 : memref<16xi32, #tpu.memory_space<vmem>>) semaphore(%arg33 : memref<!tpu.dma_semaphore, #tpu.memory_space<semaphore_mem>>)
        %dma_start3A_1476 = arith.constant 0 : i32
        %dma_start3A_1477 = tpu.memref_slice %arg5[%dma_start3A_1476] : memref<100000xf32, #tpu.memory_space<hbm>> -> memref<100000xf32, #tpu.memory_space<hbm>>
        tpu.enqueue_indirect_dma source(%dma_start3A_1477 : memref<100000xf32, #tpu.memory_space<hbm>>) target(%arg25 : memref<16xf32, #tpu.memory_space<vmem>>) offsets(%arg22 : memref<16xi32, #tpu.memory_space<vmem>>) semaphore(%arg33 : memref<!tpu.dma_semaphore, #tpu.memory_space<semaphore_mem>>)
        %dma_wait3A = arith.constant 0 : i32
        %dma_wait3A_1478 = tpu.memref_slice %arg3[%dma_wait3A] : memref<100000xi32, #tpu.memory_space<hbm>> -> memref<100000xi32, #tpu.memory_space<hbm>>
        tpu.wait_indirect_dma semaphore(%arg33 : memref<!tpu.dma_semaphore, #tpu.memory_space<semaphore_mem>>) src(%dma_wait3A_1478 : memref<100000xi32, #tpu.memory_space<hbm>>) dst(%arg23 : memref<16xi32, #tpu.memory_space<vmem>>)
        %dma_wait3A_1479 = arith.constant 0 : i32
        %dma_wait3A_1480 = tpu.memref_slice %arg4[%dma_wait3A_1479] : memref<100000xi32, #tpu.memory_space<hbm>> -> memref<100000xi32, #tpu.memory_space<hbm>>
        tpu.wait_indirect_dma semaphore(%arg33 : memref<!tpu.dma_semaphore, #tpu.memory_space<semaphore_mem>>) src(%dma_wait3A_1480 : memref<100000xi32, #tpu.memory_space<hbm>>) dst(%arg24 : memref<16xi32, #tpu.memory_space<vmem>>)
        %dma_wait3A_1481 = arith.constant 0 : i32
        %dma_wait3A_1482 = tpu.memref_slice %arg5[%dma_wait3A_1481] : memref<100000xf32, #tpu.memory_space<hbm>> -> memref<100000xf32, #tpu.memory_space<hbm>>
        tpu.wait_indirect_dma semaphore(%arg33 : memref<!tpu.dma_semaphore, #tpu.memory_space<semaphore_mem>>) src(%dma_wait3A_1482 : memref<100000xf32, #tpu.memory_space<hbm>>) dst(%arg25 : memref<16xf32, #tpu.memory_space<vmem>>)
        "tpu.region"() ({
          %run_scoped3A = tpu.sem_alloc : memref<!tpu.dma_semaphore, #tpu.memory_space<semaphore_mem>>
          %dma_start3A_1484 = arith.constant 0 : i32
          %dma_start3A_1485 = tpu.memref_slice %arg30[%dma_start3A_1484] : memref<272xi32, #tpu.memory_space<vmem_shared>> -> memref<272xi32, #tpu.memory_space<vmem_shared>>
          tpu.enqueue_indirect_dma source(%arg23 : memref<16xi32, #tpu.memory_space<vmem>>) target(%dma_start3A_1485 : memref<272xi32, #tpu.memory_space<vmem_shared>>) offsets(%arg21 : memref<16xi32, #tpu.memory_space<vmem>>) semaphore(%run_scoped3A : memref<!tpu.dma_semaphore, #tpu.memory_space<semaphore_mem>>)
          %dma_wait3A_1486 = arith.constant 0 : i32
          %dma_wait3A_1487 = tpu.memref_slice %arg30[%dma_wait3A_1486] : memref<272xi32, #tpu.memory_space<vmem_shared>> -> memref<272xi32, #tpu.memory_space<vmem_shared>>
          tpu.wait_indirect_dma semaphore(%run_scoped3A : memref<!tpu.dma_semaphore, #tpu.memory_space<semaphore_mem>>) src(%arg23 : memref<16xi32, #tpu.memory_space<vmem>>) dst(%dma_wait3A_1487 : memref<272xi32, #tpu.memory_space<vmem_shared>>)
          tpu.yield
        }) : () -> ()
        "tpu.region"() ({
          %run_scoped3A = tpu.sem_alloc : memref<!tpu.dma_semaphore, #tpu.memory_space<semaphore_mem>>
          %dma_start3A_1484 = arith.constant 0 : i32
          %dma_start3A_1485 = tpu.memref_slice %arg31[%dma_start3A_1484] : memref<272xi32, #tpu.memory_space<vmem_shared>> -> memref<272xi32, #tpu.memory_space<vmem_shared>>
          tpu.enqueue_indirect_dma source(%arg24 : memref<16xi32, #tpu.memory_space<vmem>>) target(%dma_start3A_1485 : memref<272xi32, #tpu.memory_space<vmem_shared>>) offsets(%arg21 : memref<16xi32, #tpu.memory_space<vmem>>) semaphore(%run_scoped3A : memref<!tpu.dma_semaphore, #tpu.memory_space<semaphore_mem>>)
          %dma_wait3A_1486 = arith.constant 0 : i32
          %dma_wait3A_1487 = tpu.memref_slice %arg31[%dma_wait3A_1486] : memref<272xi32, #tpu.memory_space<vmem_shared>> -> memref<272xi32, #tpu.memory_space<vmem_shared>>
          tpu.wait_indirect_dma semaphore(%run_scoped3A : memref<!tpu.dma_semaphore, #tpu.memory_space<semaphore_mem>>) src(%arg24 : memref<16xi32, #tpu.memory_space<vmem>>) dst(%dma_wait3A_1487 : memref<272xi32, #tpu.memory_space<vmem_shared>>)
          tpu.yield
        }) : () -> ()
        "tpu.region"() ({
          %run_scoped3A = tpu.sem_alloc : memref<!tpu.dma_semaphore, #tpu.memory_space<semaphore_mem>>
          %dma_start3A_1484 = arith.constant 0 : i32
          %dma_start3A_1485 = tpu.memref_slice %arg32[%dma_start3A_1484] : memref<272xf32, #tpu.memory_space<vmem_shared>> -> memref<272xf32, #tpu.memory_space<vmem_shared>>
          tpu.enqueue_indirect_dma source(%arg25 : memref<16xf32, #tpu.memory_space<vmem>>) target(%dma_start3A_1485 : memref<272xf32, #tpu.memory_space<vmem_shared>>) offsets(%arg21 : memref<16xi32, #tpu.memory_space<vmem>>) semaphore(%run_scoped3A : memref<!tpu.dma_semaphore, #tpu.memory_space<semaphore_mem>>)
          %dma_wait3A_1486 = arith.constant 0 : i32
          %dma_wait3A_1487 = tpu.memref_slice %arg32[%dma_wait3A_1486] : memref<272xf32, #tpu.memory_space<vmem_shared>> -> memref<272xf32, #tpu.memory_space<vmem_shared>>
          tpu.wait_indirect_dma semaphore(%run_scoped3A : memref<!tpu.dma_semaphore, #tpu.memory_space<semaphore_mem>>) src(%arg25 : memref<16xf32, #tpu.memory_space<vmem>>) dst(%dma_wait3A_1487 : memref<272xf32, #tpu.memory_space<vmem_shared>>)
          tpu.yield
        }) : () -> ()
        %cond3A_1483 = arith.constant 0 : i32
        scf.yield %cond3A_1483 : i32
      } else {
        %cond3A_1462 = arith.constant 0 : i32
        scf.yield %cond3A_1462 : i32
      }
      %while3A_1461 = arith.constant 0 : i32
      scf.yield %while3A_1461 : i32
    }
    %while3A_1392 = arith.constant 1 : i32
    %while3A_1393 = scf.for %while3A_1419 = %while3A_1389 to %while3A_1385 step %while3A_1392 iter_args(%while3A_1420 = %while3A_1391) -> (i32)  : i32 {
      %mul3A_1421 = arith.constant 16 : i32
      %mul3A_1422 = arith.muli %while3A_1419, %mul3A_1421 : i32
      %add3A_1423 = arith.addi %arg1, %mul3A_1422 : i32
      %mul3A_1424 = arith.constant 16 : i32
      %mul3A_1425 = arith.muli %add3A_1423, %mul3A_1424 : i32
      %get3A_1426 = arith.index_cast %mul3A_1425 : i32 to index
      %get3A_1427 = tpu.vector_load %arg15[%get3A_1426] {strides = array<i32>} : memref<4096xi32, #tpu.memory_space<vmem>>, vector<16xi32>,
      %mul3A_1428 = arith.constant 16 : i32
      %mul3A_1429 = arith.muli %add3A_1423, %mul3A_1428 : i32
      %get3A_1430 = arith.index_cast %mul3A_1429 : i32 to index
      %get3A_1431 = tpu.vector_load %arg16[%get3A_1430] {strides = array<i32>} : memref<4096xi32, #tpu.memory_space<vmem>>, vector<16xi32>,
      %while3A_1432 = arith.constant 0 : i32
      %while3A_1433 = arith.subi %mul3A_1353, %while3A_1432 : i32
      %while3A_1434 = arith.addi %while3A_1432, %while3A_1433 : i32
      %while3A_1435 = arith.constant 1 : i32
      %while3A_1436 = arith.divsi %while3A_1433, %while3A_1435 : i32
      %while3A_1437 = arith.muli %while3A_1436, %while3A_1435 : i32
      %while3A_1438 = arith.addi %while3A_1432, %while3A_1437 : i32
      %while3A_1439 = arith.constant 1 : i32
      %while3A_1440 = scf.for %while3A_1462 = %while3A_1432 to %while3A_1438 step %while3A_1439 iter_args(%while3A_1463 = %broadcast_in_dim3A_2) -> (vector<16xi32>)  : i32 {
        %broadcast_in_dim3A_1464 = vector.broadcast %while3A_1462 : i32 to vector<16xi32>
        %gather3A_1465 = tpu.vector_load_idx %arg15[%broadcast_in_dim3A_1464] : memref<4096xi32, #tpu.memory_space<vmem>>[vector<16xi32>], vector<16xi32>,
        %gather3A_1466 = tpu.vector_load_idx %arg16[%broadcast_in_dim3A_1464] : memref<4096xi32, #tpu.memory_space<vmem>>[vector<16xi32>], vector<16xi32>,
        %gt3A_1467 = arith.cmpi sgt, %gather3A_1465, %get3A_1427 : vector<16xi32>
        %eq3A_1468 = arith.cmpi eq, %gather3A_1465, %get3A_1427 : vector<16xi32>
        %lt3A_1469 = arith.cmpi slt, %gather3A_1466, %get3A_1431 : vector<16xi32>
        %and3A_1470 = arith.andi %eq3A_1468, %lt3A_1469 : vector<16xi1>
        %or3A = arith.ori %gt3A_1467, %and3A_1470 : vector<16xi1>
        %convert_element_type3A_1471 = arith.extui %or3A : vector<16xi1> to vector<16xi32>
        %add3A_1472 = arith.addi %while3A_1463, %convert_element_type3A_1471 : vector<16xi32>
        scf.yield %add3A_1472 : vector<16xi32>
      }
      %while3A_1441 = arith.constant 1 : i32
      %while3A_1442 = scf.for %while3A_1462 = %while3A_1438 to %while3A_1434 step %while3A_1441 iter_args(%while3A_1463 = %while3A_1440) -> (vector<16xi32>)  : i32 {
        %broadcast_in_dim3A_1464 = vector.broadcast %while3A_1462 : i32 to vector<16xi32>
        %gather3A_1465 = tpu.vector_load_idx %arg15[%broadcast_in_dim3A_1464] : memref<4096xi32, #tpu.memory_space<vmem>>[vector<16xi32>], vector<16xi32>,
        %gather3A_1466 = tpu.vector_load_idx %arg16[%broadcast_in_dim3A_1464] : memref<4096xi32, #tpu.memory_space<vmem>>[vector<16xi32>], vector<16xi32>,
        %gt3A_1467 = arith.cmpi sgt, %gather3A_1465, %get3A_1427 : vector<16xi32>
        %eq3A_1468 = arith.cmpi eq, %gather3A_1465, %get3A_1427 : vector<16xi32>
        %lt3A_1469 = arith.cmpi slt, %gather3A_1466, %get3A_1431 : vector<16xi32>
        %and3A_1470 = arith.andi %eq3A_1468, %lt3A_1469 : vector<16xi1>
        %or3A = arith.ori %gt3A_1467, %and3A_1470 : vector<16xi1>
        %convert_element_type3A_1471 = arith.extui %or3A : vector<16xi1> to vector<16xi32>
        %add3A_1472 = arith.addi %while3A_1463, %convert_element_type3A_1471 : vector<16xi32>
        scf.yield %add3A_1472 : vector<16xi32>
      }
      %lt3A_1443 = arith.constant 256 : i32
      %lt3A_1444 = vector.broadcast %lt3A_1443 : i32 to vector<16xi32>
      %lt3A_1445 = arith.cmpi slt, %while3A_1442, %lt3A_1444 : vector<16xi32>
      %all_reduce_population_count3A_1446 = tpu.all_reduce %lt3A_1445 {dim = 0 : i64, kind = #tpu.reduction_kind<sum>} : vector<16xi1> -> vector<16xi32>
      %reduce_max3A_1447 = arith.constant true
      %reduce_max3A_1448 = vector.broadcast %reduce_max3A_1447 : i1 to vector<16xi1>
      %reduce_max3A_1449 = arith.constant -2147483648 : i32
      %reduce_max3A_1450 = vector.broadcast %reduce_max3A_1449 : i32 to vector<16xi32>
      %reduce_max3A_1451 = arith.xori %all_reduce_population_count3A_1446, %reduce_max3A_1450 : vector<16xi32>
      %reduce_max3A_1452 = tpu.scan <max>, %reduce_max3A_1451 masked %reduce_max3A_1448 : vector<16xi32>, vector<16xi1> -> vector<16xi32>
      %reduce_max3A_1453 = arith.xori %reduce_max3A_1452, %reduce_max3A_1450 : vector<16xi32>
      %reduce_max3A_1454 = vector.extract %reduce_max3A_1453[15] : i32 from vector<16xi32>
      %gt3A = arith.constant 0 : i32
      %gt3A_1455 = arith.cmpi sgt, %reduce_max3A_1454, %gt3A : i32
      %convert_element_type3A_1456 = arith.extui %gt3A_1455 : i1 to i32
      %cond3A_1457 = arith.constant 0 : i32
      %cond3A_1458 = arith.constant 0 : i32
      %cond3A_1459 = arith.cmpi ne, %convert_element_type3A_1456, %cond3A_1458 : i32
      %cond3A_1460 = scf.if %cond3A_1459 -> (i32) {
        %add3A_1462 = arith.constant 256 : i32
        %add3A_1463 = vector.broadcast %add3A_1462 : i32 to vector<16xi32>
        %add3A_1464 = arith.addi %add3A_1463, %iota3A : vector<16xi32>
        %select_n3A_1465 = arith.select %lt3A_1445, %while3A_1442, %add3A_1464 : vector<16xi1>, vector<16xi32>
        %swap3A_1466 = arith.constant 0 : index
        %swap3A_1467 = tpu.vector_load %arg21[%swap3A_1466] {strides = array<i32>} : memref<16xi32, #tpu.memory_space<vmem>>, vector<16xi32>,
        tpu.vector_store %arg21[%swap3A_1466], %select_n3A_1465 {strides = array<i32>} : memref<16xi32, #tpu.memory_space<vmem>>, vector<16xi32>,
        %min3A_1468 = arith.constant 99999 : i32
        %min3A_1469 = vector.broadcast %min3A_1468 : i32 to vector<16xi32>
        %min3A_1470 = arith.minsi %get3A_1431, %min3A_1469 : vector<16xi32>
        %swap3A_1471 = arith.constant 0 : index
        %swap3A_1472 = tpu.vector_load %arg22[%swap3A_1471] {strides = array<i32>} : memref<16xi32, #tpu.memory_space<vmem>>, vector<16xi32>,
        tpu.vector_store %arg22[%swap3A_1471], %min3A_1470 {strides = array<i32>} : memref<16xi32, #tpu.memory_space<vmem>>, vector<16xi32>,
        %dma_start3A = arith.constant 0 : i32
        %dma_start3A_1473 = tpu.memref_slice %arg3[%dma_start3A] : memref<100000xi32, #tpu.memory_space<hbm>> -> memref<100000xi32, #tpu.memory_space<hbm>>
        tpu.enqueue_indirect_dma source(%dma_start3A_1473 : memref<100000xi32, #tpu.memory_space<hbm>>) target(%arg23 : memref<16xi32, #tpu.memory_space<vmem>>) offsets(%arg22 : memref<16xi32, #tpu.memory_space<vmem>>) semaphore(%arg33 : memref<!tpu.dma_semaphore, #tpu.memory_space<semaphore_mem>>)
        %dma_start3A_1474 = arith.constant 0 : i32
        %dma_start3A_1475 = tpu.memref_slice %arg4[%dma_start3A_1474] : memref<100000xi32, #tpu.memory_space<hbm>> -> memref<100000xi32, #tpu.memory_space<hbm>>
        tpu.enqueue_indirect_dma source(%dma_start3A_1475 : memref<100000xi32, #tpu.memory_space<hbm>>) target(%arg24 : memref<16xi32, #tpu.memory_space<vmem>>) offsets(%arg22 : memref<16xi32, #tpu.memory_space<vmem>>) semaphore(%arg33 : memref<!tpu.dma_semaphore, #tpu.memory_space<semaphore_mem>>)
        %dma_start3A_1476 = arith.constant 0 : i32
        %dma_start3A_1477 = tpu.memref_slice %arg5[%dma_start3A_1476] : memref<100000xf32, #tpu.memory_space<hbm>> -> memref<100000xf32, #tpu.memory_space<hbm>>
        tpu.enqueue_indirect_dma source(%dma_start3A_1477 : memref<100000xf32, #tpu.memory_space<hbm>>) target(%arg25 : memref<16xf32, #tpu.memory_space<vmem>>) offsets(%arg22 : memref<16xi32, #tpu.memory_space<vmem>>) semaphore(%arg33 : memref<!tpu.dma_semaphore, #tpu.memory_space<semaphore_mem>>)
        %dma_wait3A = arith.constant 0 : i32
        %dma_wait3A_1478 = tpu.memref_slice %arg3[%dma_wait3A] : memref<100000xi32, #tpu.memory_space<hbm>> -> memref<100000xi32, #tpu.memory_space<hbm>>
        tpu.wait_indirect_dma semaphore(%arg33 : memref<!tpu.dma_semaphore, #tpu.memory_space<semaphore_mem>>) src(%dma_wait3A_1478 : memref<100000xi32, #tpu.memory_space<hbm>>) dst(%arg23 : memref<16xi32, #tpu.memory_space<vmem>>)
        %dma_wait3A_1479 = arith.constant 0 : i32
        %dma_wait3A_1480 = tpu.memref_slice %arg4[%dma_wait3A_1479] : memref<100000xi32, #tpu.memory_space<hbm>> -> memref<100000xi32, #tpu.memory_space<hbm>>
        tpu.wait_indirect_dma semaphore(%arg33 : memref<!tpu.dma_semaphore, #tpu.memory_space<semaphore_mem>>) src(%dma_wait3A_1480 : memref<100000xi32, #tpu.memory_space<hbm>>) dst(%arg24 : memref<16xi32, #tpu.memory_space<vmem>>)
        %dma_wait3A_1481 = arith.constant 0 : i32
        %dma_wait3A_1482 = tpu.memref_slice %arg5[%dma_wait3A_1481] : memref<100000xf32, #tpu.memory_space<hbm>> -> memref<100000xf32, #tpu.memory_space<hbm>>
        tpu.wait_indirect_dma semaphore(%arg33 : memref<!tpu.dma_semaphore, #tpu.memory_space<semaphore_mem>>) src(%dma_wait3A_1482 : memref<100000xf32, #tpu.memory_space<hbm>>) dst(%arg25 : memref<16xf32, #tpu.memory_space<vmem>>)
        "tpu.region"() ({
          %run_scoped3A = tpu.sem_alloc : memref<!tpu.dma_semaphore, #tpu.memory_space<semaphore_mem>>
          %dma_start3A_1484 = arith.constant 0 : i32
          %dma_start3A_1485 = tpu.memref_slice %arg30[%dma_start3A_1484] : memref<272xi32, #tpu.memory_space<vmem_shared>> -> memref<272xi32, #tpu.memory_space<vmem_shared>>
          tpu.enqueue_indirect_dma source(%arg23 : memref<16xi32, #tpu.memory_space<vmem>>) target(%dma_start3A_1485 : memref<272xi32, #tpu.memory_space<vmem_shared>>) offsets(%arg21 : memref<16xi32, #tpu.memory_space<vmem>>) semaphore(%run_scoped3A : memref<!tpu.dma_semaphore, #tpu.memory_space<semaphore_mem>>)
          %dma_wait3A_1486 = arith.constant 0 : i32
          %dma_wait3A_1487 = tpu.memref_slice %arg30[%dma_wait3A_1486] : memref<272xi32, #tpu.memory_space<vmem_shared>> -> memref<272xi32, #tpu.memory_space<vmem_shared>>
          tpu.wait_indirect_dma semaphore(%run_scoped3A : memref<!tpu.dma_semaphore, #tpu.memory_space<semaphore_mem>>) src(%arg23 : memref<16xi32, #tpu.memory_space<vmem>>) dst(%dma_wait3A_1487 : memref<272xi32, #tpu.memory_space<vmem_shared>>)
          tpu.yield
        }) : () -> ()
        "tpu.region"() ({
          %run_scoped3A = tpu.sem_alloc : memref<!tpu.dma_semaphore, #tpu.memory_space<semaphore_mem>>
          %dma_start3A_1484 = arith.constant 0 : i32
          %dma_start3A_1485 = tpu.memref_slice %arg31[%dma_start3A_1484] : memref<272xi32, #tpu.memory_space<vmem_shared>> -> memref<272xi32, #tpu.memory_space<vmem_shared>>
          tpu.enqueue_indirect_dma source(%arg24 : memref<16xi32, #tpu.memory_space<vmem>>) target(%dma_start3A_1485 : memref<272xi32, #tpu.memory_space<vmem_shared>>) offsets(%arg21 : memref<16xi32, #tpu.memory_space<vmem>>) semaphore(%run_scoped3A : memref<!tpu.dma_semaphore, #tpu.memory_space<semaphore_mem>>)
          %dma_wait3A_1486 = arith.constant 0 : i32
          %dma_wait3A_1487 = tpu.memref_slice %arg31[%dma_wait3A_1486] : memref<272xi32, #tpu.memory_space<vmem_shared>> -> memref<272xi32, #tpu.memory_space<vmem_shared>>
          tpu.wait_indirect_dma semaphore(%run_scoped3A : memref<!tpu.dma_semaphore, #tpu.memory_space<semaphore_mem>>) src(%arg24 : memref<16xi32, #tpu.memory_space<vmem>>) dst(%dma_wait3A_1487 : memref<272xi32, #tpu.memory_space<vmem_shared>>)
          tpu.yield
        }) : () -> ()
        "tpu.region"() ({
          %run_scoped3A = tpu.sem_alloc : memref<!tpu.dma_semaphore, #tpu.memory_space<semaphore_mem>>
          %dma_start3A_1484 = arith.constant 0 : i32
          %dma_start3A_1485 = tpu.memref_slice %arg32[%dma_start3A_1484] : memref<272xf32, #tpu.memory_space<vmem_shared>> -> memref<272xf32, #tpu.memory_space<vmem_shared>>
          tpu.enqueue_indirect_dma source(%arg25 : memref<16xf32, #tpu.memory_space<vmem>>) target(%dma_start3A_1485 : memref<272xf32, #tpu.memory_space<vmem_shared>>) offsets(%arg21 : memref<16xi32, #tpu.memory_space<vmem>>) semaphore(%run_scoped3A : memref<!tpu.dma_semaphore, #tpu.memory_space<semaphore_mem>>)
          %dma_wait3A_1486 = arith.constant 0 : i32
          %dma_wait3A_1487 = tpu.memref_slice %arg32[%dma_wait3A_1486] : memref<272xf32, #tpu.memory_space<vmem_shared>> -> memref<272xf32, #tpu.memory_space<vmem_shared>>
          tpu.wait_indirect_dma semaphore(%run_scoped3A : memref<!tpu.dma_semaphore, #tpu.memory_space<semaphore_mem>>) src(%arg25 : memref<16xf32, #tpu.memory_space<vmem>>) dst(%dma_wait3A_1487 : memref<272xf32, #tpu.memory_space<vmem_shared>>)
          tpu.yield
        }) : () -> ()
        %cond3A_1483 = arith.constant 0 : i32
        scf.yield %cond3A_1483 : i32
      } else {
        %cond3A_1462 = arith.constant 0 : i32
        scf.yield %cond3A_1462 : i32
      }
      %while3A_1461 = arith.constant 0 : i32
      scf.yield %while3A_1461 : i32
    }
    %barrier3A_1394 = arith.constant 0 : index
    tpu.barrier barrier_id(%barrier3A_1394)
    %eq3A_1395 = arith.constant 0 : i32
    %eq3A_1396 = arith.cmpi eq, %arg0, %eq3A_1395 : i32
    %eq3A_1397 = arith.constant 0 : i32
    %eq3A_1398 = arith.cmpi eq, %arg1, %eq3A_1397 : i32
    %and3A_1399 = arith.andi %eq3A_1396, %eq3A_1398 : i1
    %convert_element_type3A_1400 = arith.extui %and3A_1399 : i1 to i32
    %cond3A_1401 = arith.constant 0 : i32
    %cond3A_1402 = arith.cmpi ne, %convert_element_type3A_1400, %cond3A_1401 : i32
    scf.if %cond3A_1402 {
      "tpu.region"() ({
        %run_scoped3A = tpu.sem_alloc : memref<!tpu.dma_semaphore, #tpu.memory_space<semaphore_mem>>
        %dma_start3A = arith.constant 0 : i32
        %dma_start3A_1419 = tpu.memref_slice %arg30[%dma_start3A] : memref<272xi32, #tpu.memory_space<vmem_shared>> -> memref<256xi32, #tpu.memory_space<vmem_shared>>
        tpu.enqueue_dma source(%dma_start3A_1419 : memref<256xi32, #tpu.memory_space<vmem_shared>>) target(%arg6 : memref<256xi32, #tpu.memory_space<hbm>>) target_semaphore(%run_scoped3A : memref<!tpu.dma_semaphore, #tpu.memory_space<semaphore_mem>>)
        %dma_wait3A = arith.constant 0 : i32
        %dma_wait3A_1420 = tpu.memref_slice %arg30[%dma_wait3A] : memref<272xi32, #tpu.memory_space<vmem_shared>> -> memref<256xi32, #tpu.memory_space<vmem_shared>>
        tpu.wait_dma2 semaphore(%run_scoped3A : memref<!tpu.dma_semaphore, #tpu.memory_space<semaphore_mem>>) src(%dma_wait3A_1420 : memref<256xi32, #tpu.memory_space<vmem_shared>>) dst(%arg6 : memref<256xi32, #tpu.memory_space<hbm>>)
        tpu.yield
      }) : () -> ()
    } else {
    }
    %eq3A_1403 = arith.constant 0 : i32
    %eq3A_1404 = arith.cmpi eq, %arg0, %eq3A_1403 : i32
    %eq3A_1405 = arith.constant 1 : i32
    %eq3A_1406 = arith.cmpi eq, %arg1, %eq3A_1405 : i32
    %and3A_1407 = arith.andi %eq3A_1404, %eq3A_1406 : i1
    %convert_element_type3A_1408 = arith.extui %and3A_1407 : i1 to i32
    %cond3A_1409 = arith.constant 0 : i32
    %cond3A_1410 = arith.cmpi ne, %convert_element_type3A_1408, %cond3A_1409 : i32
    scf.if %cond3A_1410 {
      "tpu.region"() ({
        %run_scoped3A = tpu.sem_alloc : memref<!tpu.dma_semaphore, #tpu.memory_space<semaphore_mem>>
        %dma_start3A = arith.constant 0 : i32
        %dma_start3A_1419 = tpu.memref_slice %arg31[%dma_start3A] : memref<272xi32, #tpu.memory_space<vmem_shared>> -> memref<256xi32, #tpu.memory_space<vmem_shared>>
        tpu.enqueue_dma source(%dma_start3A_1419 : memref<256xi32, #tpu.memory_space<vmem_shared>>) target(%arg7 : memref<256xi32, #tpu.memory_space<hbm>>) target_semaphore(%run_scoped3A : memref<!tpu.dma_semaphore, #tpu.memory_space<semaphore_mem>>)
        %dma_wait3A = arith.constant 0 : i32
        %dma_wait3A_1420 = tpu.memref_slice %arg31[%dma_wait3A] : memref<272xi32, #tpu.memory_space<vmem_shared>> -> memref<256xi32, #tpu.memory_space<vmem_shared>>
        tpu.wait_dma2 semaphore(%run_scoped3A : memref<!tpu.dma_semaphore, #tpu.memory_space<semaphore_mem>>) src(%dma_wait3A_1420 : memref<256xi32, #tpu.memory_space<vmem_shared>>) dst(%arg7 : memref<256xi32, #tpu.memory_space<hbm>>)
        tpu.yield
      }) : () -> ()
    } else {
    }
    %eq3A_1411 = arith.constant 0 : i32
    %eq3A_1412 = arith.cmpi eq, %arg0, %eq3A_1411 : i32
    %eq3A_1413 = arith.constant 2 : i32
    %eq3A_1414 = arith.cmpi eq, %arg1, %eq3A_1413 : i32
    %and3A_1415 = arith.andi %eq3A_1412, %eq3A_1414 : i1
    %convert_element_type3A_1416 = arith.extui %and3A_1415 : i1 to i32
    %cond3A_1417 = arith.constant 0 : i32
    %cond3A_1418 = arith.cmpi ne, %convert_element_type3A_1416, %cond3A_1417 : i32
    scf.if %cond3A_1418 {
      "tpu.region"() ({
        %run_scoped3A = tpu.sem_alloc : memref<!tpu.dma_semaphore, #tpu.memory_space<semaphore_mem>>
        %dma_start3A = arith.constant 0 : i32
        %dma_start3A_1419 = tpu.memref_slice %arg32[%dma_start3A] : memref<272xf32, #tpu.memory_space<vmem_shared>> -> memref<256xf32, #tpu.memory_space<vmem_shared>>
        tpu.enqueue_dma source(%dma_start3A_1419 : memref<256xf32, #tpu.memory_space<vmem_shared>>) target(%arg8 : memref<256xf32, #tpu.memory_space<hbm>>) target_semaphore(%run_scoped3A : memref<!tpu.dma_semaphore, #tpu.memory_space<semaphore_mem>>)
        %dma_wait3A = arith.constant 0 : i32
        %dma_wait3A_1420 = tpu.memref_slice %arg32[%dma_wait3A] : memref<272xf32, #tpu.memory_space<vmem_shared>> -> memref<256xf32, #tpu.memory_space<vmem_shared>>
        tpu.wait_dma2 semaphore(%run_scoped3A : memref<!tpu.dma_semaphore, #tpu.memory_space<semaphore_mem>>) src(%dma_wait3A_1420 : memref<256xf32, #tpu.memory_space<vmem_shared>>) dst(%arg8 : memref<256xf32, #tpu.memory_space<hbm>>)
        tpu.yield
      }) : () -> ()
    } else {
    }
    return
  }
}

</mosaic_0001>

<sc_bundles>
// kernel: kernel.3.cloned.1.call-start
scs
__scs_entry_jumppad:
0x0: {  	(pc) =	sbr.rel $0x88, $3  }
0x1: {  	(tag) =	ssettag $0x0;
	lr =	simm.s32 $0x1  }
0x2: {  	[smem:$0x3F9E] =	sst lr;
	_ =	strace $0xD0000000  }
0x3: {  	_ = 	snop  }
0x4: {  	_ = 	snop  }
0x5: {  	_ = 	snop  }
0x6: {  	_ = 	snop  }
0x7: {  	_ = 	snop  }
__scs_overlays_trampoline_lowered:
0x8: {  	[smem:$0x3FAD] =	sst s0  }
0x9: {  	[smem:$0x3FAE] =	sst s1  }
0xa: {  	[smem:$0x3FAF] =	sst s2  }
0xb: {  	[smem:$0x3FB0] =	sst s3  }
0xc: {  	[smem:$0x3FB1] =	sst s4  }
0xd: {  	[smem:$0x3FB2] =	sst s5  }
0xe: {  	[smem:$0x3FB3] =	sst s6  }
0xf: {  	[smem:$0x3FB4] =	sst s7  }
0x10: {  	[smem:$0x3FB5] =	sst s8  }
0x11: {  	[smem:$0x3FB6] =	sst s9;
	s0 =	simm.s32 @!p0 $0x0  }
0x12: {  	s1 =	sld [smem:$0x3F9C];
	s0 =	simm.s32 @p0 $0x1  }
0x13: {  	[smem:$0x3FB7] =	sst s0;
	s0 =	simm.s32 @!p1 $0x0  }
0x14: {  	s2 =	sld [smem:$0x3F9B];
	s0 =	simm.s32 @p1 $0x1  }
0x15: {  	[smem:$0x3FB8] =	sst s0;
	s0 =	simm.s32 @!p2 $0x0  }
0x16: {  	s3 =	sld [smem:$0x3FDB];
	s0 =	simm.s32 @p2 $0x1  }
0x17: {  	s4 =	simm.s32 $0x1BF5;
	[smem:$0x3FBA] =	sst s0  }
0x18: {  	s0 =	sld [smem:$0x3F9D];
	_ =	swait.ge [sflag:s4], $0x0  }
0x19: {  	s7 =	sld [smem:$0x3F9E]  }
0x1a: {  	s8 =	sadd.s32 $0xFFFFE003, lr  }
0x1b: {  	s9 =	sadd.s32 $0xFFFFFEF7, lr;
	s5 =	simm.s32 $0xFFFFFFFF;
	p2 =	slt.u32 s8, $0xFFFFF086  }
0x1c: {  	p1 =	slt.u32 s9, $0xF7A;
	s5 =	simm.s32 @!p2 $0x0  }
0x1d: {  	s5 =	simm.s32 @p1 $0x1;
	p0 =	seq.s32 s7, s2  }
0x1e: {  	s7 =	smul.u32 @!p0 $0xF7A, s2;
	p2 =	seq.s32 @!p0 s5, $0x0  }
0x1f: {  	s9 =	smul.u32 $0xF7A, s1;
	s8 =	simm.s32 @!p0 $0x1BF5;
	p2 =	por !p2, p0  }
0x20: {  	[sflag:s8] =	ssyncset.s32 @!p0 $0xFFFFF086;
	s6 =	sadd.s32 @!p0 s3, s7;
	s7 =	simm.s32 @!p0 $0x108  }
0x21: {  	s3 =	sadd.s32 s3, s9;
	s6 =	sadd.s32 @!p0 $0x88, s6;
	s7 =	simm.s32 @p2 $0x1082  }
0x22: {  	[simem:s7], [sflag:s8] =	dma.local @!p0 [hbm:s6], $0xF7A  }
0x23: {  	s9 =	sor.u32 $0xD0000000, s2;
	s6 =	simm.s32 $0x108;
	_ =	swait.ge @!p0 [sflag:s8], $0x0  }
0x24: {  	s3 =	sadd.s32 $0x88, s3;
	s6 =	simm.s32 @!p1 $0x1082;
	[sflag:s4] =	ssyncset.s32 $0xFFFFF086  }
0x25: {  	[simem:s6], [sflag:s4] =	dma.local [hbm:s3], $0xF7A  }
0x26: {  	[smem:$0x3F9E] =	sst s1;
	(tag) =	ssettag s2;
	_ =	strace s9  }
0x27: {  	s1 =	sld [smem:$0x3FAE]  }
0x28: {  	s2 =	sld [smem:$0x3FAF]  }
0x29: {  	s4 =	sld [smem:$0x3FB1]  }
0x2a: {  	p0 =	seq.s32 s5, $0x0;
	s5 =	sld [smem:$0x3FB2]  }
0x2b: {  	s6 =	sld [smem:$0x3FB3]  }
0x2c: {  	s7 =	sld [smem:$0x3FB4]  }
0x2d: {  	s3 =	simm.s32 $0x108;
	s8 =	sld [smem:$0x3FB5]  }
0x2e: {  	s3 =	simm.s32 @!p0 $0x1082;
	s9 =	sld [smem:$0x3FB6]  }
0x2f: {  	lr =	sadd.s32 s0, s3;
	s0 =	sld [smem:$0x3FAD]  }
0x30: {  	s3 =	sld [smem:$0x3FB0]  }
0x31: {  	[smem:$0x3FB9] =	sst s10  }
0x32: {  	s10 =	sld [smem:$0x3FB7];
	_ =	sdelay $0x3  }
0x33: {  	p0 =	seq.s32 s10, $0x1;
	s10 =	sld [smem:$0x3FB9];
	_ =	sdelay $0x3  }
0x34: {  	[smem:$0x3FB9] =	sst s10  }
0x35: {  	s10 =	sld [smem:$0x3FB8];
	_ =	sdelay $0x3  }
0x36: {  	p1 =	seq.s32 s10, $0x1;
	s10 =	sld [smem:$0x3FB9];
	_ =	sdelay $0x3  }
0x37: {  	[smem:$0x3FB9] =	sst s10  }
0x38: {  	s10 =	sld [smem:$0x3FBA]  }
0x39: {  	_ = 	snop;
	(pc) =	sbr.ind lr, $3  }
0x3a: {  	_ = 	snop  }
0x3b: {  	_ = 	snop  }
0x3c: {  	p2 =	seq.s32 s10, $0x1;
	s10 =	sld [smem:$0x3FB9]  }
0x3d: {  	_ =	shalt  }
0x3e: {  	_ =	shalt  }
0x3f: {  	_ =	shalt  }
0x40: {  	_ =	shalt  }
0x41: {  	_ =	shalt  }
0x42: {  	_ =	shalt  }
0x43: {  	_ =	shalt  }
0x44: {  	_ =	shalt  }
0x45: {  	_ =	shalt  }
0x46: {  	_ =	shalt  }
0x47: {  	_ =	shalt  }
0x48: {  	_ =	shalt  }
0x49: {  	_ =	shalt  }
0x4a: {  	_ =	shalt  }
0x4b: {  	_ =	shalt  }
0x4c: {  	_ =	shalt  }
0x4d: {  	_ =	shalt  }
0x4e: {  	_ =	shalt  }
0x4f: {  	_ =	shalt  }
0x50: {  	_ =	shalt  }
0x51: {  	_ =	shalt  }
0x52: {  	_ =	shalt  }
0x53: {  	_ =	shalt  }
0x54: {  	_ =	shalt  }
0x55: {  	_ =	shalt  }
0x56: {  	_ =	shalt  }
0x57: {  	_ =	shalt  }
0x58: {  	_ =	shalt  }
0x59: {  	_ =	shalt  }
0x5a: {  	_ =	shalt  }
0x5b: {  	_ =	shalt  }
0x5c: {  	_ =	shalt  }
0x5d: {  	_ =	shalt  }
0x5e: {  	_ =	shalt  }
0x5f: {  	_ =	shalt  }
0x60: {  	_ =	shalt  }
0x61: {  	_ =	shalt  }
0x62: {  	_ =	shalt  }
0x63: {  	_ =	shalt  }
0x64: {  	_ =	shalt  }
0x65: {  	_ =	shalt  }
0x66: {  	_ =	shalt  }
0x67: {  	_ =	shalt  }
0x68: {  	_ =	shalt  }
0x69: {  	_ =	shalt  }
0x6a: {  	_ =	shalt  }
0x6b: {  	_ =	shalt  }
0x6c: {  	_ =	shalt  }
0x6d: {  	_ =	shalt  }
0x6e: {  	_ =	shalt  }
0x6f: {  	_ =	shalt  }
0x70: {  	_ =	shalt  }
0x71: {  	_ =	shalt  }
0x72: {  	_ =	shalt  }
0x73: {  	_ =	shalt  }
0x74: {  	_ =	shalt  }
0x75: {  	_ =	shalt  }
0x76: {  	_ =	shalt  }
0x77: {  	_ =	shalt  }
0x78: {  	_ =	shalt  }
0x79: {  	_ =	shalt  }
0x7a: {  	_ =	shalt  }
0x7b: {  	_ =	shalt  }
0x7c: {  	_ =	shalt  }
0x7d: {  	_ =	shalt  }
0x7e: {  	_ =	shalt  }
0x7f: {  	_ =	shalt  }
0x80: {  	_ =	shalt  }
0x81: {  	_ =	shalt  }
0x82: {  	_ =	shalt  }
0x83: {  	_ =	shalt  }
0x84: {  	_ =	shalt  }
0x85: {  	_ =	shalt  }
0x86: {  	_ =	shalt  }
0x87: {  	_ =	shalt  }
.Lfunc_end0:
.L_simem_size_0:
called_computation_lowered:
.L_overlay_start_0:
0x88: {  	s0 =	sld [smem:$0x3FD9]  }
0x89: {  	s1 =	sld [smem:$0x3FFE];
	_ =	sdelay $0x3  }
0x8a: {  	s0 =	sadd.s32 s1, s0  }
0x8b: {  	[smem:$0x3FC5] =	sst s0  }
0x8c: {  	_ = 	snop  }
0x8d: {  	s3 =	sld [smem:$0x3FD0]  }
0x8e: {  	s0 =	sld [smem:$0x3FC9]  }
0x8f: {  	s29 =	sld [smem:$0x3FC8]  }
0x90: {  	s4 =	simm.s32 $0xA;
	s5 =	simm.s32 $0x10;
	s2 =	sld [smem:$0x3FC7]  }
0x91: {  	[smem:s5], [sflag:s4] =	dma.local [hbm:s3], $0x1  }
0x92: {  	_ =	swait.eq [sflag:s4], $0x1  }
0x93: {  	s30 =	sld [smem:$0x10];
	[sflag:s4] =	ssyncset.done $0x0  }
0x94: {  	s31 =	sld [smem:$0x11];
	[sflag:s4] =	ssyncadd.s32 $0xFFFFFFFF  }
0x95: {  	s6 =	sld [smem:$0x12];
	(tm) =	ssettm $0x1  }
0x96: {  	s11 =	sld [smem:$0x3FFB];
	_ =	sdelay $0x3  }
0x97: {  	_ =	strace s11  }
0x98: {  	s4 =	sld [smem:$0x3FFC];
	_ =	sdelay $0x3  }
0x99: {  	_ =	strace s4  }
0x9a: {  	s4 =	sld [smem:$0x3FFD];
	_ =	sdelay $0x3  }
0x9b: {  	_ =	strace s4  }
0x9c: {  	_ =	strace $0x8FFFFFFF  }
0x9d: {  	s12 =	sld [smem:$0x3FDB];
	_ =	sdelay $0x1  }
0x9e: {  	s7 =	simm.s32 $_scs_section_size  }
0x9f: {  	s8 =	simm.s32 $_size__tile_task_arg_handler_lowered;
	s9 =	simm.s32 $_tile_task_arg_handler_lowered  }
0xa0: {  	s15 =	simm.s32 $0x1BFF;
	s14 =	sshll.u32 s9, $0x1;
	s7 =	sadd.s32 s7, s12  }
0xa1: {  	s10 =	simm.s32 $0x60;
	s13 =	sshll.u32 s8, $0x1;
	s8 =	sadd.s32 s14, s7  }
0xa2: {  	[timem:s10], [sflag:s15] =	dma.local [hbm:s8], s13  }
0xa3: {  	_ =	swait.ge [sflag:s15], s13  }
0xa4: {  	s16 =	simm.s32 $_tile_overlayer_lowered;
	s4 =	ssub.s32 $0x0, s13;
	[sflag:s15] =	ssyncset.done $0x0  }
0xa5: {  	s17 =	simm.s32 $_size__tile_overlayer_lowered;
	s8 =	sshll.u32 s16, $0x1;
	[sflag:s15] =	ssyncadd.s32 s4  }
0xa6: {  	s19 =	simm.s32 $0x0;
	s18 =	sshll.u32 s17, $0x1;
	s8 =	sadd.s32 s8, s7  }
0xa7: {  	[timem:s19], [sflag:s15] =	dma.local [hbm:s8], s18  }
0xa8: {  	_ =	swait.ge [sflag:s15], s18  }
0xa9: {  	s20 =	ssub.s32 $0x0, s18;
	[sflag:s15] =	ssyncset.done $0x0  }
0xaa: {  	[sflag:s15] =	ssyncadd.s32 s20;
	_ =	sdelay $0x1  }
0xab: {  	s21 =	simm.s32 $0x1B8B  }
0xac: {  	_ =	swait.ge [sflag:s21], $0x1  }
0xad: {  	[sflag:s21] =	ssyncset.done $0x0  }
0xae: {  	s23 =	simm.s32 $0x1B8E;
	s22 =	sld [smem:$0x3FFE];
	[sflag:s21] =	ssyncadd.s32 $0xFFFFFFFF  }
0xaf: {  	s24 =	simm.s32 $execute0_lowered;
	[smem:$0x3FD2] =	sst s23  }
0xb0: {  	s9 =	sshll.u32 s24, $0x1;
	_ =	strace $0x80000046;
	[dreg:$0x1] =	wrdreg $0xFFFFFFFF  }
0xb1: {  	s25 =	simm.s32 $_size_execute0_lowered;
	s7 =	sadd.s32 s7, s9;
	[dreg:$0x0] =	wrdreg $0x0  }
0xb2: {  	s9 =	sshll.u32 s25, $0x1;
	[dreg:$0x2] =	wrdreg s7  }
0xb3: {  	[dreg:$0x3] =	wrdreg s9  }
0xb4: {  	[dreg:$0x4] =	wrdreg $0xC0  }
0xb5: {  	_ =	task [dreg:s19], $0x5FFFF  }
0xb6: {  	[dreg:$0x1] =	wrdreg $0xFFFFFFFF  }
0xb7: {  	[dreg:$0x0] =	wrdreg $0x30  }
0xb8: {  	[dreg:$0x2] =	wrdreg $0x0  }
0xb9: {  	[dreg:$0x3] =	wrdreg $0x9  }
0xba: {  	_ =	task [dreg:s19], $0x4FFFF  }
0xbb: {  	[dreg:$0x1] =	wrdreg $0xFFFFFFFF  }
0xbc: {  	[dreg:$0x0] =	wrdreg $0x60  }
0xbd: {  	[dreg:$0x2] =	wrdreg s22  }
0xbe: {  	[dreg:$0x3] =	wrdreg s0  }
0xbf: {  	[dreg:$0x4] =	wrdreg s29  }
0xc0: {  	[dreg:$0x5] =	wrdreg s2  }
0xc1: {  	[dreg:$0x6] =	wrdreg s30  }
0xc2: {  	[dreg:$0x7] =	wrdreg s31  }
0xc3: {  	[dreg:$0x8] =	wrdreg s6  }
0xc4: {  	[dreg:$0x9] =	wrdreg $0xA0000  }
0xc5: {  	[dreg:$0xa] =	wrdreg $0x9F000  }
0xc6: {  	[dreg:$0xb] =	wrdreg $0xA0080  }
0xc7: {  	[dreg:$0xc] =	wrdreg $0xA1080  }
0xc8: {  	[dreg:$0xd] =	wrdreg $0xA2080  }
0xc9: {  	[dreg:$0xe] =	wrdreg $0xA2200  }
0xca: {  	[dreg:$0xf] =	wrdreg $0xA2380  }
0xcb: {  	_ =	task.clear_ibuf [dreg:s19], $0x10FFFF;
	_ =	strace $0x90000046  }
0xcc: {  	s26 =	simm.s32 $0x9;
	_ =	strace $0x80000048  }
0xcd: {  	_ =	swait.ge [sflag:s26], $0x1  }
0xce: {  	[sflag:s26] =	ssyncadd.s32 $0xFFFFFFFF  }
0xcf: {  	_ =	strace $0x90000048  }
0xd0: {  	_ =	sfence  }
0xd1: {  	s28 =	sld [smem:$0x0];
	_ =	sdelay $0x1  }
0xd2: {  	s29 =	srdreg.scid  }
0xd3: {  	s30 =	sshll.u32 s29, $0xD;
	s31 =	sshrl.u32 s29, $0x2  }
0xd4: {  	s1 =	sand.u32 $0x1, s29;
	s2 =	sand.u32 $0x4000, s30;
	s0 =	sadd.s32 s31, s28  }
0xd5: {  	s1 =	sor.u32 s2, s1;
	s0 =	sshll.u32 s0, $0x11  }
0xd6: {  	s0 =	sor.u32 s0, s1  }
0xd7: {  	s0 =	sadd.s32 $0x8F2B, s0  }
0xd8: {  	[sflag:s0] =	ssyncadd.remote.s32 $0x1  }
0xd9: {  	_ =	sfence.sel $0xFFFF  }
0xda: {  	[dreg:$0x0] =	wrdreg $0xFFFFFFFF;
	(pc) =	sbr.abs _section_cstart, $3  }
0xdb: {  	[dreg:$0x1] =	wrdreg $0xFFFFFFFF  }
0xdc: {  	_ =	task.clear_ibuf [dreg:s19], $0x2FFFF;
	_ =	strace $0x9FFFFFFF  }
0xdd: {  	(tm) =	ssettm $0x7FFFFFFF  }
tec
_tile_task_arg_handler_lowered:
.L_overlay_start_1:
0x0: {  	(tag) =	ssettag $0x1  }
0x1: {  	s0 =	rddreg [dreg:$0x0]  }
0x2: {  	s1 =	rddreg [dreg:$0x1]  }
0x3: {  	s2 =	rddreg [dreg:$0x2]  }
0x4: {  	s3 =	rddreg [dreg:$0x3]  }
0x5: {  	s4 =	rddreg [dreg:$0x4]  }
0x6: {  	s5 =	rddreg [dreg:$0x5]  }
0x7: {  	s6 =	rddreg [dreg:$0x6]  }
0x8: {  	s7 =	rddreg [dreg:$0x7]  }
0x9: {  	s8 =	rddreg [dreg:$0x8]  }
0xa: {  	s9 =	rddreg [dreg:$0x9]  }
0xb: {  	s10 =	rddreg [dreg:$0xa]  }
0xc: {  	s11 =	rddreg [dreg:$0xb]  }
0xd: {  	s12 =	rddreg [dreg:$0xc]  }
0xe: {  	s13 =	rddreg [dreg:$0xd]  }
0xf: {  	[smem:s0] =	sst s1  }
0x10: {  	[smem:s0+$0x1] =	sst s2  }
0x11: {  	[smem:s0+$0x2] =	sst s3  }
0x12: {  	[smem:s0+$0x3] =	sst s4  }
0x13: {  	[smem:s0+$0x4] =	sst s5  }
0x14: {  	[smem:s0+$0x5] =	sst s6  }
0x15: {  	[smem:s0+$0x6] =	sst s7  }
0x16: {  	[smem:s0+$0x7] =	sst s8  }
0x17: {  	[smem:s0+$0x8] =	sst s9  }
0x18: {  	[smem:s0+$0x9] =	sst s10  }
0x19: {  	[smem:s0+$0xA] =	sst s11  }
0x1a: {  	[smem:s0+$0xB] =	sst s12  }
0x1b: {  	[smem:s0+$0xC] =	sst s13;
	_ =	shalt  }
.Lfunc_end2:
execute0_lowered:
.L_overlay_start_2:
0x1c: {  	(tag) =	ssettag $0x2  }
0x1d: {  	s11 =	rddreg [dreg:$0x0]  }
0x1e: {  	s6 =	rddreg [dreg:$0x1]  }
0x1f: {  	s8 =	rddreg [dreg:$0x2]  }
0x20: {  	s9 =	rddreg [dreg:$0x3]  }
0x21: {  	s2 =	rddreg [dreg:$0x4]  }
0x22: {  	s3 =	rddreg [dreg:$0x5]  }
0x23: {  	s5 =	rddreg [dreg:$0x6]  }
0x24: {  	s14 =	rddreg [dreg:$0x7]  }
0x25: {  	s18 =	rddreg [dreg:$0x8]  }
0x26: {  	s12 =	rddreg [dreg:$0x9]  }
0x27: {  	s13 =	rddreg [dreg:$0xa]  }
0x28: {  	s4 =	rddreg [dreg:$0xb];
	s1 =	stileid.u32  }
0x29: {  	s7 =	rddreg [dreg:$0xc];
	p0 =	seq.s32 s1, $0xF  }
.Ltmp0:
0x2a: {  	s10 =	rddreg [dreg:$0xd];
	s15 =	simm.s32 $0x0;
	(pc) =	sbr.rel @!p0 .LBB3_1-.Ltmp0, $4  }
0x2b: {  	[smem:$0x7FF] =	sst s15  }
0x2c: {  	s20 =	sadd.s32 $0x400, s11;
	s31 =	sshll.u32 s1, $0x8;
	s11 =	sshll.u32 s1, $0x7  }
0x2d: {  	s16 =	smul.u32 $0x1870, s1;
	s0 =	sld [smem:$0x0];
	s19 =	sand.u32 $0x800, s31  }
0x2e: {  	_ =	strace $0x80000047;
	s17 =	sand.u32 $0x380, s11;
	s19 =	sadd.s32 s19, s18  }
0x2f: {  	s20 =	sadd.s32 $0x2DD2, s20  }
0x30: {  	v0 =	vimm.s32 $0xFF800000;
	[tilespmem:s15], [sflag:$0x1] =	stream.linear.gather [hbm4b:s20+s15], $0x1810, $0x38;
	[tilespmem:$0xA250] =	vst v63  }
0x31: {  	[tilespmem:$0x1810] =	vst v0  }
0x32: {  	[tilespmem:$0x1820] =	vst v0  }
0x33: {  	[tilespmem:$0x1830] =	vst v0  }
0x34: {  	[tilespmem:$0x1840] =	vst v0  }
0x35: {  	[tilespmem:$0x1850] =	vst v0  }
0x36: {  	s15 =	simm.s32 $0x0;
	s20 =	simm.s32 $0x200;
	[tilespmem:$0x1860] =	vst v0;
	v0 =	vimm.s32 $0x0  }
.LBB3_5:
0x37: {  	p0 =	sne.s32 s20, $0x3E00;
	[tilespmem:s15+$0x3170] =	vst v0  }
0x38: {  	[tilespmem:s15+$0x3100] =	vst v0  }
0x39: {  	[tilespmem:s15+$0x3110] =	vst v0  }
.Ltmp1:
0x3a: {  	[tilespmem:s15+$0x3120] =	vst v0;
	(pc) =	sbr.rel @p0 .LBB3_5-.Ltmp1, $4  }
0x3b: {  	[tilespmem:s15+$0x3130] =	vst v0  }
0x3c: {  	[tilespmem:s15+$0x3140] =	vst v0  }
0x3d: {  	[tilespmem:s15+$0x3150] =	vst v0  }
0x3e: {  	[tilespmem:s15+$0x3160] =	vst v0;
	s15 =	sshra.s32 s20, $0x2;
	s20 =	sadd.s32 $0x200, s20  }
0x3f: {  	[tilespmem:s15+$0x3170] =	vst v0  }
0x40: {  	[tilespmem:s15+$0x3100] =	vst v0  }
0x41: {  	[tilespmem:s15+$0x3110] =	vst v0  }
0x42: {  	[tilespmem:s15+$0x3120] =	vst v0  }
0x43: {  	[tilespmem:s15+$0x3130] =	vst v0  }
0x44: {  	[tilespmem:s15+$0x3140] =	vst v0  }
.Ltmp2:
0x45: {  	[tilespmem:s15+$0x3150] =	vst v0;
	(pc) =	sbr.rel .LBB3_7-.Ltmp2, $4  }
0x46: {  	[tilespmem:s15+$0x3160] =	vst v0;
	s31 =	simm.s32 $0x1  }
0x47: {  	_ =	swait.ge [sflag:s31], $0x1810  }
0x48: {  	[sflag:s31] =	ssyncset.done $0x0  }
0x49: {  	[sflag:s31] =	ssyncadd.s32 $0xFFFFE7F0  }
.LBB3_1:
0x4a: {  	s21 =	sshrl.u32 s16, $0x3  }
0x4b: {  	s20 =	sadd.s32 s20, s21  }
0x4c: {  	[tilespmem:s15], [sflag:$0x1] =	stream.linear.gather [hbm4b:s20+s15], $0x1870, $0x38;
	[tilespmem:$0xA250] =	vst v63  }
0x4d: {  	v0 =	vimm.s32 $0x0;
	s15 =	simm.s32 $0x0;
	s20 =	simm.s32 $0x200  }
.LBB3_2:
0x4e: {  	p0 =	sne.s32 s20, $0x3E00;
	[tilespmem:s15+$0x3170] =	vst v0  }
0x4f: {  	[tilespmem:s15+$0x3100] =	vst v0  }
0x50: {  	[tilespmem:s15+$0x3110] =	vst v0  }
.Ltmp3:
0x51: {  	[tilespmem:s15+$0x3120] =	vst v0;
	(pc) =	sbr.rel @p0 .LBB3_2-.Ltmp3, $4  }
0x52: {  	[tilespmem:s15+$0x3130] =	vst v0  }
0x53: {  	[tilespmem:s15+$0x3140] =	vst v0  }
0x54: {  	[tilespmem:s15+$0x3150] =	vst v0  }
0x55: {  	[tilespmem:s15+$0x3160] =	vst v0;
	s15 =	sshra.s32 s20, $0x2;
	s20 =	sadd.s32 $0x200, s20  }
0x56: {  	[tilespmem:s15+$0x3170] =	vst v0  }
0x57: {  	[tilespmem:s15+$0x3100] =	vst v0  }
0x58: {  	[tilespmem:s15+$0x3110] =	vst v0  }
0x59: {  	[tilespmem:s15+$0x3120] =	vst v0  }
0x5a: {  	[tilespmem:s15+$0x3130] =	vst v0  }
0x5b: {  	[tilespmem:s15+$0x3140] =	vst v0  }
0x5c: {  	[tilespmem:s15+$0x3150] =	vst v0  }
0x5d: {  	[tilespmem:s15+$0x3160] =	vst v0;
	s31 =	simm.s32 $0x1  }
0x5e: {  	_ =	swait.ge [sflag:s31], $0x1870  }
0x5f: {  	[sflag:s31] =	ssyncset.done $0x0  }
0x60: {  	[sflag:s31] =	ssyncadd.s32 $0xFFFFE790  }
.LBB3_7:
0x61: {  	s20 =	simm.s32 $0x0  }
0x62: {  	v3 =	vld [tilespmem:s20+$0x20]  }
0x63: {  	v4 =	vld [tilespmem:s20+$0x0]  }
0x64: {  	v5 =	vld [tilespmem:s20+$0x40]  }
0x65: {  	v6 =	vld [tilespmem:s20+$0x50]  }
0x66: {  	v0 =	vlaneseq.u32;
	v8 =	vld [tilespmem:s20+$0x70]  }
0x67: {  	v1 =	vmul.u32 $0x100, v0;
	_ =	sdelay $0x1  }
0x68: {  	v0 =	vmov s1;
	v7 =	vld [tilespmem:s20+$0x10];
	v2 =	vor.u32 $0x80, v1;
	v1 =	vimm.s32 $0x1  }
0x69: {  	v11 =	vld [tilespmem:s20+$0x30];
	v9 =	vshra.s32 v3, $0x1F;
	v10 =	vshra.s32 v4, $0x1F;
	v12 =	vshra.s32 v5, $0x1F  }
0x6a: {  	v60 =	vshra.s32 v6, $0x1F;
	v13 =	vshra.s32 v8, $0x1F;
	v9 =	vand.u32 $0x7FFFFFFF, v9  }
0x6b: {  	v10 =	vand.u32 $0x7FFFFFFF, v10;
	v13 =	vand.u32 $0x7FFFFFFF, v13;
	v3 =	vxor.u32 v3, v9  }
0x6c: {  	v9 =	vand.u32 $0x7FFFFFFF, v12;
	v4 =	vxor.u32 v4, v10;
	v10 =	vld [tilespmem:s20+$0x60];
	v12 =	vand.u32 $0x7FFFFFFF, v60  }
0x6d: {  	v8 =	vxor.u32 v8, v13;
	v14 =	vshra.s32 v4, $0x18;
	v15 =	vshra.s32 v3, $0x18  }
0x6e: {  	v9 =	vxor.u32 v5, v9;
	v5 =	vshra.s32 v7, $0x1F;
	[tilespmem:s20+$0x1880] =	vst v4;
	v4 =	vshra.s32 v11, $0x1F  }
0x6f: {  	[tilespmem:s20+$0x18A0] =	vst v3;
	v6 =	vxor.u32 v6, v12;
	v3 =	vadd.s32 v2, v14;
	v5 =	vand.u32 $0x7FFFFFFF, v5  }
0x70: {  	v61 =	vshra.s32 v9, $0x18;
	[tilespmem:s20+$0x18D0] =	vst v6;
	v5 =	vxor.u32 v7, v5;
	v7 =	vand.u32 $0x7FFFFFFF, v4  }
0x71: {  	[tilespmem:s20+$0x18C0] =	vst v9;
	v4 =	vshra.s32 v5, $0x18;
	v11 =	vxor.u32 v11, v7;
	v62 =	vshra.s32 v10, $0x1F  }
0x72: {  	s15 =	sxor.u32 $0xF, s1;
	s19 =	sadd.s32 s17, s19;
	s17 =	sadd.s32 s11, s14;
	[tilespmem:s20+$0x1890] =	vst v5;
	v7 =	vadd.s32 v2, v15;
	v5 =	vadd.s32 v2, v4;
	v63 =	vand.u32 $0x7FFFFFFF, v62  }
0x73: {  	s11 =	sshll.u32 s1, $0x4;
	s21 =	simm.s32 $0x3100;
	s22 =	simm.s32 $0x200;
	v4 =	vadd.s32 v2, v61;
	[tilespmem:s20+$0x18B0] =	vst v11;
	v9 =	vxor.u32 v10, v63;
	v10 =	vshra.s32 v11, $0x18  }
.LBB3_8:
0x74: {  	p0 =	sne.s32 s22, $0x5E00;
	v10 =	vadd.s32 v2, v10;
	v6 =	vshra.s32 v6, $0x18;
	[tilespmem:s20+$0x18F0] =	vst v8;
	s23 =	smov.u32 s22;
	s22 =	sadd.s32 $0x200, s22  }
0x75: {  	v6 =	vadd.s32 v2, v6;
	[tilespmem:s20+$0x18E0] =	vst v9  }
0x76: {  	v8 =	vshra.s32 v8, $0x18;
	v9 =	vshra.s32 v9, $0x18;
	[tilespmem:v3+s21+$0x0] =	vst.idx.add.s32.msk $0xffff, v1  }
0x77: {  	v8 =	vadd.s32 v2, v8;
	v3 =	vadd.s32 v2, v9;
	[tilespmem:v5+s21+$0x0] =	vst.idx.add.s32.msk $0xffff, v1  }
0x78: {  	[tilespmem:v7+s21+$0x0] =	vst.idx.add.s32.msk $0xffff, v1  }
0x79: {  	s20 =	sshra.s32 s23, $0x2;
	[tilespmem:v10+s21+$0x0] =	vst.idx.add.s32.msk $0xffff, v1  }
0x7a: {  	[tilespmem:v4+s21+$0x0] =	vst.idx.add.s32.msk $0xffff, v1  }
0x7b: {  	[tilespmem:v6+s21+$0x0] =	vst.idx.add.s32.msk $0xffff, v1  }
0x7c: {  	[tilespmem:v3+s21+$0x0] =	vst.idx.add.s32.msk $0xffff, v1  }
0x7d: {  	[tilespmem:v8+s21+$0x0] =	vst.idx.add.s32.msk $0xffff, v1  }
0x7e: {  	v3 =	vld [tilespmem:s20+$0x20]  }
0x7f: {  	v4 =	vld [tilespmem:s20+$0x0]  }
0x80: {  	v5 =	vld [tilespmem:s20+$0x40]  }
0x81: {  	v6 =	vld [tilespmem:s20+$0x50]  }
0x82: {  	v8 =	vld [tilespmem:s20+$0x70]  }
0x83: {  	v7 =	vld [tilespmem:s20+$0x10];
	v9 =	vshra.s32 v3, $0x1F  }
0x84: {  	v10 =	vshra.s32 v4, $0x1F;
	v9 =	vand.u32 $0x7FFFFFFF, v9  }
0x85: {  	v11 =	vld [tilespmem:s20+$0x30];
	v10 =	vand.u32 $0x7FFFFFFF, v10;
	v12 =	vshra.s32 v5, $0x1F;
	v3 =	vxor.u32 v3, v9  }
0x86: {  	v9 =	vand.u32 $0x7FFFFFFF, v12;
	v12 =	vshra.s32 v6, $0x1F;
	v4 =	vxor.u32 v4, v10;
	[tilespmem:s20+$0x18A0] =	vst v3  }
0x87: {  	v15 =	vshra.s32 v3, $0x18;
	v10 =	vld [tilespmem:s20+$0x60];
	v13 =	vshra.s32 v8, $0x1F;
	v14 =	vshra.s32 v4, $0x18;
	[tilespmem:s20+$0x1880] =	vst v4  }
0x88: {  	v9 =	vxor.u32 v5, v9;
	v4 =	vshra.s32 v7, $0x1F;
	v3 =	vadd.s32 v2, v14  }
0x89: {  	v5 =	vand.u32 $0x7FFFFFFF, v12;
	v12 =	vand.u32 $0x7FFFFFFF, v13;
	v4 =	vand.u32 $0x7FFFFFFF, v4  }
.Ltmp4:
0x8a: {  	v6 =	vxor.u32 v6, v5;
	v13 =	vshra.s32 v11, $0x1F;
	v4 =	vxor.u32 v7, v4;
	(pc) =	sbr.rel @p0 .LBB3_8-.Ltmp4, $4  }
0x8b: {  	v7 =	vand.u32 $0x7FFFFFFF, v13;
	v5 =	vshra.s32 v4, $0x18;
	v13 =	vshra.s32 v9, $0x18;
	[tilespmem:s20+$0x1890] =	vst v4  }
0x8c: {  	v14 =	vshra.s32 v10, $0x1F;
	v5 =	vadd.s32 v2, v5;
	v4 =	vadd.s32 v2, v13;
	[tilespmem:s20+$0x18D0] =	vst v6  }
0x8d: {  	v11 =	vxor.u32 v11, v7;
	v7 =	vadd.s32 v2, v15;
	v13 =	vand.u32 $0x7FFFFFFF, v14;
	[tilespmem:s20+$0x18C0] =	vst v9  }
0x8e: {  	v8 =	vxor.u32 v8, v12;
	v9 =	vxor.u32 v10, v13;
	v10 =	vshra.s32 v11, $0x18;
	[tilespmem:s20+$0x18B0] =	vst v11  }
0x8f: {  	_ =	sdelay $0x1  }
0x90: {  	v10 =	vadd.s32 v2, v10;
	[tilespmem:s20+$0x18F0] =	vst v8  }
0x91: {  	v6 =	vshra.s32 v6, $0x18;
	[tilespmem:s20+$0x18E0] =	vst v9  }
0x92: {  	v47 =	vshra.s32 v9, $0x18;
	v6 =	vadd.s32 v2, v6;
	[tilespmem:v3+s21+$0x0] =	vst.idx.add.s32.msk $0xffff, v1  }
0x93: {  	v3 =	vshra.s32 v8, $0x18;
	v48 =	vadd.s32 v2, v47;
	[tilespmem:v5+s21+$0x0] =	vst.idx.add.s32.msk $0xffff, v1  }
0x94: {  	v2 =	vadd.s32 v2, v3;
	[tilespmem:v7+s21+$0x0] =	vst.idx.add.s32.msk $0xffff, v1  }
0x95: {  	[tilespmem:v10+s21+$0x0] =	vst.idx.add.s32.msk $0xffff, v1  }
0x96: {  	[tilespmem:v4+s21+$0x0] =	vst.idx.add.s32.msk $0xffff, v1  }
0x97: {  	[tilespmem:v6+s21+$0x0] =	vst.idx.add.s32.msk $0xffff, v1  }
0x98: {  	[tilespmem:v48+s21+$0x0] =	vst.idx.add.s32.msk $0xffff, v1  }
0x99: {  	[tilespmem:v2+s21+$0x0] =	vst.idx.add.s32.msk $0xffff, v1  }
0x9a: {  	v1 =	vld [tilespmem:$0x1800];
	_ =	sdelay $0x4  }
0x9b: {  	v3 =	vlaneseq.u32;
	v2 =	vshra.s32 v1, $0x1F  }
0x9c: {  	v3 =	vmul.u32 $0x100, v3;
	v2 =	vand.u32 $0x7FFFFFFF, v2  }
0x9d: {  	v1 =	vxor.u32 v1, v2  }
0x9e: {  	v3 =	vor.u32 $0x80, v3;
	v2 =	vshra.s32 v1, $0x18  }
0x9f: {  	v2 =	vadd.s32 v3, v2;
	_ =	sdelay $0x3  }
0xa0: {  	s20 =	simm.s32 $0x3100;
	[tilespmem:$0x3080] =	vst v1;
	v1 =	vimm.s32 $0x1  }
0xa1: {  	[tilespmem:v2+s20+$0x0] =	vst.idx.add.s32.msk $0xffff, v1  }
0xa2: {  	v2 =	vld [tilespmem:$0x1810];
	_ =	sdelay $0x4  }
0xa3: {  	v49 =	vshra.s32 v2, $0x1F  }
0xa4: {  	v4 =	vand.u32 $0x7FFFFFFF, v49  }
0xa5: {  	v2 =	vxor.u32 v2, v4  }
0xa6: {  	v4 =	vshra.s32 v2, $0x18  }
0xa7: {  	v4 =	vadd.s32 v3, v4;
	_ =	sdelay $0x3  }
0xa8: {  	[tilespmem:$0x3090] =	vst v2  }
0xa9: {  	[tilespmem:v4+s20+$0x0] =	vst.idx.add.s32.msk $0xffff, v1  }
0xaa: {  	v2 =	vld [tilespmem:$0x1820];
	_ =	sdelay $0x4  }
0xab: {  	v50 =	vshra.s32 v2, $0x1F  }
0xac: {  	v4 =	vand.u32 $0x7FFFFFFF, v50  }
0xad: {  	v2 =	vxor.u32 v2, v4  }
0xae: {  	v4 =	vshra.s32 v2, $0x18  }
0xaf: {  	v4 =	vadd.s32 v3, v4;
	_ =	sdelay $0x3  }
0xb0: {  	[tilespmem:$0x30A0] =	vst v2  }
0xb1: {  	[tilespmem:v4+s20+$0x0] =	vst.idx.add.s32.msk $0xffff, v1  }
0xb2: {  	v2 =	vld [tilespmem:$0x1830];
	_ =	sdelay $0x4  }
0xb3: {  	v51 =	vshra.s32 v2, $0x1F  }
0xb4: {  	v4 =	vand.u32 $0x7FFFFFFF, v51  }
0xb5: {  	v2 =	vxor.u32 v2, v4  }
0xb6: {  	v4 =	vshra.s32 v2, $0x18  }
0xb7: {  	v4 =	vadd.s32 v3, v4;
	_ =	sdelay $0x3  }
0xb8: {  	[tilespmem:$0x30B0] =	vst v2  }
0xb9: {  	[tilespmem:v4+s20+$0x0] =	vst.idx.add.s32.msk $0xffff, v1  }
0xba: {  	v2 =	vld [tilespmem:$0x1840];
	_ =	sdelay $0x4  }
0xbb: {  	v52 =	vshra.s32 v2, $0x1F  }
0xbc: {  	v4 =	vand.u32 $0x7FFFFFFF, v52  }
0xbd: {  	v2 =	vxor.u32 v2, v4  }
0xbe: {  	v4 =	vshra.s32 v2, $0x18  }
0xbf: {  	v4 =	vadd.s32 v3, v4;
	_ =	sdelay $0x3  }
0xc0: {  	[tilespmem:$0x30C0] =	vst v2  }
0xc1: {  	[tilespmem:v4+s20+$0x0] =	vst.idx.add.s32.msk $0xffff, v1  }
0xc2: {  	v2 =	vld [tilespmem:$0x1850];
	_ =	sdelay $0x4  }
0xc3: {  	v53 =	vshra.s32 v2, $0x1F  }
0xc4: {  	v4 =	vand.u32 $0x7FFFFFFF, v53  }
0xc5: {  	v2 =	vxor.u32 v2, v4  }
0xc6: {  	v4 =	vshra.s32 v2, $0x18  }
0xc7: {  	v4 =	vadd.s32 v3, v4;
	_ =	sdelay $0x3  }
0xc8: {  	[tilespmem:$0x30D0] =	vst v2  }
0xc9: {  	[tilespmem:v4+s20+$0x0] =	vst.idx.add.s32.msk $0xffff, v1  }
0xca: {  	v2 =	vld [tilespmem:$0x1860];
	_ =	sdelay $0x4  }
0xcb: {  	v54 =	vshra.s32 v2, $0x1F  }
0xcc: {  	v4 =	vand.u32 $0x7FFFFFFF, v54  }
0xcd: {  	v2 =	vxor.u32 v2, v4  }
0xce: {  	v4 =	vshra.s32 v2, $0x18  }
0xcf: {  	v3 =	vadd.s32 v3, v4;
	_ =	sdelay $0x3  }
0xd0: {  	[tilespmem:$0x30E0] =	vst v2  }
0xd1: {  	[tilespmem:v3+s20+$0x0] =	vst.idx.add.s32.msk $0xffff, v1;
	v1 =	vimm.s32 $0x80000000  }
0xd2: {  	s31 =	simm.s32 $0x0;
	[tilespmem:$0x30F0] =	vst v1;
	v1 =	vimm.s32 $0x0  }
0xd3: {  	s23 =	sand.u32 $0xF0, s31;
	v2 =	vld [tilespmem:s20+$0x0];
	[tilespmem:s20+$0x0] =	vst v1  }
0xd4: {  	v3 =	vld [tilespmem:s23+$0x3200]  }
0xd5: {  	v55 =	vld [tilespmem:s23+$0x3300]  }
0xd6: {  	v5 =	vld [tilespmem:s23+$0x3400]  }
0xd7: {  	v6 =	vld [tilespmem:s23+$0x3500]  }
0xd8: {  	v7 =	vld [tilespmem:s23+$0x3600]  }
0xd9: {  	[tilespmem:s23+$0x3200] =	vst v1;
	v2 =	vadd.s32 v2, v3;
	v3 =	vld [tilespmem:s23+$0x3700]  }
0xda: {  	[tilespmem:s23+$0x3300] =	vst v1;
	v56 =	vld [tilespmem:s23+$0x3800];
	v2 =	vadd.s32 v55, v2  }
0xdb: {  	[tilespmem:s23+$0x3400] =	vst v1;
	v57 =	vld [tilespmem:s23+$0x3900];
	v2 =	vadd.s32 v5, v2  }
0xdc: {  	[tilespmem:s23+$0x3500] =	vst v1;
	v58 =	vld [tilespmem:s23+$0x3A00];
	v2 =	vadd.s32 v6, v2  }
0xdd: {  	[tilespmem:s23+$0x3600] =	vst v1;
	v59 =	vld [tilespmem:s23+$0x3B00];
	v2 =	vadd.s32 v7, v2  }
0xde: {  	[tilespmem:s23+$0x3800] =	vst v1;
	v2 =	vadd.s32 v3, v2;
	v3 =	vld [tilespmem:s23+$0x3C00]  }
0xdf: {  	v60 =	vld [tilespmem:s23+$0x3D00];
	[tilespmem:s23+$0x3900] =	vst v1;
	v2 =	vadd.s32 v56, v2  }
0xe0: {  	v61 =	vld [tilespmem:s23+$0x3E00];
	[tilespmem:s23+$0x3A00] =	vst v1;
	v2 =	vadd.s32 v57, v2  }
0xe1: {  	v62 =	vld [tilespmem:s23+$0x3F00];
	[tilespmem:s23+$0x3B00] =	vst v1;
	v2 =	vadd.s32 v58, v2  }
0xe2: {  	v63 =	vld [tilespmem:s23+$0x4000];
	[tilespmem:s23+$0x3D00] =	vst v1;
	v2 =	vadd.s32 v59, v2  }
0xe3: {  	[tilespmem:s23+$0x3E00] =	vst v1;
	v2 =	vadd.s32 v3, v2  }
0xe4: {  	[tilespmem:s23+$0x3F00] =	vst v1;
	v2 =	vadd.s32 v60, v2  }
0xe5: {  	[tilespmem:s23+$0x4000] =	vst v1;
	v2 =	vadd.s32 v61, v2  }
0xe6: {  	[tilespmem:s23+$0x3700] =	vst v1;
	v2 =	vadd.s32 v62, v2  }
0xe7: {  	s22 =	simm.s32 $0x10;
	s21 =	simm.s32 $0x9300;
	[tilespmem:s23+$0x3C00] =	vst v1;
	v2 =	vadd.s32 v63, v2  }
.LBB3_10:
0xe8: {  	p0 =	sne.s32 s22, $0xF0;
	[tilespmem:s21+$0x0] =	vst v2;
	s20 =	sadd.s32 $0x10, s20;
	s21 =	sadd.s32 $0x10, s21  }
0xe9: {  	s23 =	smov.u32 s22;
	s22 =	sadd.s32 $0x10, s22;
	v2 =	vld [tilespmem:s20+$0x0]  }
0xea: {  	s23 =	sand.u32 $0xF0, s23;
	[tilespmem:s20+$0x0] =	vst v1  }
0xeb: {  	v3 =	vld [tilespmem:s23+$0x3200]  }
0xec: {  	[tilespmem:s23+$0x3200] =	vst v1;
	v4 =	vld [tilespmem:s23+$0x3300]  }
0xed: {  	[tilespmem:s23+$0x3300] =	vst v1;
	v5 =	vld [tilespmem:s23+$0x3400]  }
0xee: {  	[tilespmem:s23+$0x3400] =	vst v1;
	v6 =	vld [tilespmem:s23+$0x3500]  }
0xef: {  	[tilespmem:s23+$0x3500] =	vst v1;
	v7 =	vld [tilespmem:s23+$0x3600]  }
0xf0: {  	v2 =	vadd.s32 v2, v3;
	[tilespmem:s23+$0x3600] =	vst v1;
	v3 =	vld [tilespmem:s23+$0x3700]  }
0xf1: {  	v2 =	vadd.s32 v4, v2;
	[tilespmem:s23+$0x3700] =	vst v1;
	v4 =	vld [tilespmem:s23+$0x3800]  }
0xf2: {  	v2 =	vadd.s32 v5, v2;
	[tilespmem:s23+$0x3800] =	vst v1;
	v5 =	vld [tilespmem:s23+$0x3900]  }
0xf3: {  	v2 =	vadd.s32 v6, v2;
	[tilespmem:s23+$0x3900] =	vst v1;
	v6 =	vld [tilespmem:s23+$0x3A00]  }
0xf4: {  	v2 =	vadd.s32 v7, v2;
	[tilespmem:s23+$0x3A00] =	vst v1;
	v7 =	vld [tilespmem:s23+$0x3B00]  }
0xf5: {  	v2 =	vadd.s32 v3, v2;
	[tilespmem:s23+$0x3B00] =	vst v1;
	v3 =	vld [tilespmem:s23+$0x3C00]  }
0xf6: {  	v2 =	vadd.s32 v4, v2;
	[tilespmem:s23+$0x3C00] =	vst v1;
	v4 =	vld [tilespmem:s23+$0x3D00]  }
0xf7: {  	v2 =	vadd.s32 v5, v2;
	[tilespmem:s23+$0x3D00] =	vst v1;
	v5 =	vld [tilespmem:s23+$0x3E00]  }
0xf8: {  	v2 =	vadd.s32 v6, v2;
	[tilespmem:s23+$0x3E00] =	vst v1;
	v6 =	vld [tilespmem:s23+$0x3F00]  }
0xf9: {  	v2 =	vadd.s32 v7, v2;
	[tilespmem:s23+$0x3F00] =	vst v1;
	v7 =	vld [tilespmem:s23+$0x4000]  }
.Ltmp5:
0xfa: {  	v2 =	vadd.s32 v3, v2;
	[tilespmem:s23+$0x4000] =	vst v1;
	(pc) =	sbr.rel @p0 .LBB3_10-.Ltmp5, $4  }
0xfb: {  	v2 =	vadd.s32 v4, v2  }
0xfc: {  	v2 =	vadd.s32 v5, v2  }
0xfd: {  	v2 =	vadd.s32 v6, v2  }
0xfe: {  	v2 =	vadd.s32 v7, v2  }
0xff: {  	s25 =	simm.s32 $0x80  }
0x100: {  	[tilespmem:s21+$0x0] =	vst v2;
	s22 =	simm.s32 $0x400;
	s20 =	simm.s32 $0x9300;
	s26 =	simm.s32 $0x2  }
0x101: {  	[spmem:s19] =	stream.strided.scatter [tilespmem:s20], [sflag:$0x2], $0x100, s22, s25, $0x38;
	[tilespmem:$0xA250] =	vst v63  }
0x102: {  	_ =	swait.ge [sflag:s26], $0x100  }
0x103: {  	[sflag:s26] =	ssyncset.done $0x0  }
0x104: {  	[sflag:s26] =	ssyncadd.s32 $0xFFFFFF00  }
0x105: {  	s28 =	simm.s32 $0x8300;
	[bflag:$0x0] =	sbarrier.arrive $0xFFFF  }
0x106: {  	[tilespmem:s28], [sflag:$0x2] =	stream.linear.gather [spmem:s18], $0x1000, $0x38;
	[tilespmem:$0xA250] =	vst v63  }
0x107: {  	_ =	swait.ge [sflag:s26], $0x1000  }
0x108: {  	s29 =	simm.s32 $0x0;
	[sflag:s26] =	ssyncset.done $0x0  }
0x109: {  	s30 =	sand.u32 $0x70, s29;
	s22 =	sand.u32 $0x400, s29;
	[sflag:s26] =	ssyncadd.s32 $0xFFFFF000  }
0x10a: {  	s21 =	sor.u32 s30, s22;
	[bflag:$0x0] =	sbarrier.arrive $0xFFFF  }
0x10b: {  	v1 =	vld [tilespmem:s21+$0x8380]  }
0x10c: {  	v2 =	vld [tilespmem:s21+$0x8300]  }
0x10d: {  	v3 =	vld [tilespmem:s21+$0x8400]  }
0x10e: {  	v4 =	vld [tilespmem:s21+$0x8480]  }
0x10f: {  	v5 =	vld [tilespmem:s21+$0x8500]  }
0x110: {  	v6 =	vld [tilespmem:s21+$0x8580]  }
0x111: {  	v1 =	vadd.s32 v2, v1;
	v2 =	vld [tilespmem:s21+$0x8600]  }
0x112: {  	v1 =	vadd.s32 v3, v1;
	v3 =	vld [tilespmem:s21+$0x8680]  }
0x113: {  	v58 =	vld [tilespmem:s21+$0x8B00];
	v1 =	vadd.s32 v4, v1  }
0x114: {  	v59 =	vld [tilespmem:s21+$0x8B80];
	v1 =	vadd.s32 v5, v1  }
0x115: {  	v60 =	vld [tilespmem:s21+$0x8C00];
	v1 =	vadd.s32 v6, v1  }
0x116: {  	v1 =	vadd.s32 v2, v1;
	v2 =	vld [tilespmem:s21+$0x8C80]  }
0x117: {  	v1 =	vadd.s32 v3, v1;
	v3 =	vld [tilespmem:s21+$0x8D00]  }
0x118: {  	v61 =	vld [tilespmem:s21+$0x8D80];
	v1 =	vadd.s32 v58, v1  }
0x119: {  	v62 =	vld [tilespmem:s21+$0x8E00];
	v1 =	vadd.s32 v59, v1  }
0x11a: {  	v63 =	vld [tilespmem:s21+$0x8E80];
	v1 =	vadd.s32 v60, v1  }
0x11b: {  	v1 =	vadd.s32 v2, v1  }
0x11c: {  	v1 =	vadd.s32 v3, v1  }
0x11d: {  	v1 =	vadd.s32 v61, v1  }
0x11e: {  	s31 =	simm.s32 $0x10;
	s22 =	simm.s32 $0x80;
	v1 =	vadd.s32 v62, v1  }
0x11f: {  	s23 =	sand.u32 $0x400, s22;
	s21 =	sand.u32 $0x70, s31;
	v1 =	vadd.s32 v63, v1  }
0x120: {  	s21 =	sor.u32 s21, s23;
	s23 =	simm.s32 $0x20;
	[tilespmem:s20+$0x0] =	vst v1  }
.LBB3_12:
0x121: {  	p0 =	sne.s32 s23, $0xF0;
	v1 =	vld [tilespmem:s21+$0x8380]  }
0x122: {  	v2 =	vld [tilespmem:s21+$0x8300]  }
0x123: {  	v3 =	vld [tilespmem:s21+$0x8400]  }
0x124: {  	v4 =	vld [tilespmem:s21+$0x8480]  }
0x125: {  	v5 =	vld [tilespmem:s21+$0x8500]  }
0x126: {  	v6 =	vld [tilespmem:s21+$0x8580]  }
0x127: {  	v1 =	vadd.s32 v2, v1;
	v2 =	vld [tilespmem:s21+$0x8600]  }
0x128: {  	v1 =	vadd.s32 v3, v1;
	v3 =	vld [tilespmem:s21+$0x8680]  }
0x129: {  	v1 =	vadd.s32 v4, v1;
	v4 =	vld [tilespmem:s21+$0x8B00]  }
0x12a: {  	v1 =	vadd.s32 v5, v1;
	v5 =	vld [tilespmem:s21+$0x8B80]  }
0x12b: {  	v1 =	vadd.s32 v6, v1;
	v6 =	vld [tilespmem:s21+$0x8C00]  }
0x12c: {  	v1 =	vadd.s32 v2, v1;
	v2 =	vld [tilespmem:s21+$0x8C80]  }
0x12d: {  	v1 =	vadd.s32 v3, v1;
	v3 =	vld [tilespmem:s21+$0x8D00]  }
0x12e: {  	v1 =	vadd.s32 v4, v1;
	v4 =	vld [tilespmem:s21+$0x8D80]  }
0x12f: {  	v1 =	vadd.s32 v5, v1;
	v5 =	vld [tilespmem:s21+$0x8E00]  }
0x130: {  	v1 =	vadd.s32 v6, v1;
	v6 =	vld [tilespmem:s21+$0x8E80]  }
0x131: {  	v1 =	vadd.s32 v2, v1  }
.Ltmp6:
0x132: {  	v1 =	vadd.s32 v3, v1;
	(pc) =	sbr.rel @p0 .LBB3_12-.Ltmp6, $4  }
0x133: {  	v1 =	vadd.s32 v4, v1  }
0x134: {  	s22 =	sadd.s32 $0x80, s22;
	v1 =	vadd.s32 v5, v1  }
0x135: {  	s20 =	sadd.s32 $0x10, s20;
	s24 =	sand.u32 $0x400, s22;
	s21 =	sand.u32 $0x70, s23;
	v1 =	vadd.s32 v6, v1  }
0x136: {  	s23 =	sadd.s32 $0x10, s23;
	s21 =	sor.u32 s21, s24;
	[tilespmem:s20+$0x0] =	vst v1  }
0x137: {  	v1 =	vld [tilespmem:s21+$0x8380]  }
0x138: {  	v2 =	vld [tilespmem:s21+$0x8300]  }
0x139: {  	v3 =	vld [tilespmem:s21+$0x8400]  }
0x13a: {  	v4 =	vld [tilespmem:s21+$0x8480]  }
0x13b: {  	v5 =	vld [tilespmem:s21+$0x8500]  }
0x13c: {  	v6 =	vld [tilespmem:s21+$0x8580]  }
0x13d: {  	v1 =	vadd.s32 v2, v1;
	v2 =	vld [tilespmem:s21+$0x8600]  }
0x13e: {  	v1 =	vadd.s32 v3, v1;
	v3 =	vld [tilespmem:s21+$0x8680]  }
0x13f: {  	v1 =	vadd.s32 v4, v1;
	v4 =	vld [tilespmem:s21+$0x8B00]  }
0x140: {  	v1 =	vadd.s32 v5, v1;
	v5 =	vld [tilespmem:s21+$0x8B80]  }
0x141: {  	v1 =	vadd.s32 v6, v1;
	v6 =	vld [tilespmem:s21+$0x8C00]  }
0x142: {  	v1 =	vadd.s32 v2, v1;
	v2 =	vld [tilespmem:s21+$0x8C80]  }
0x143: {  	v1 =	vadd.s32 v3, v1;
	v3 =	vld [tilespmem:s21+$0x8D00]  }
0x144: {  	v1 =	vadd.s32 v4, v1;
	v4 =	vld [tilespmem:s21+$0x8D80]  }
0x145: {  	v1 =	vadd.s32 v5, v1;
	v5 =	vld [tilespmem:s21+$0x8E00]  }
0x146: {  	v1 =	vadd.s32 v6, v1;
	v6 =	vld [tilespmem:s21+$0x8E80]  }
0x147: {  	v1 =	vadd.s32 v2, v1  }
0x148: {  	v1 =	vadd.s32 v3, v1  }
0x149: {  	v1 =	vadd.s32 v4, v1  }
0x14a: {  	v1 =	vadd.s32 v5, v1  }
0x14b: {  	s20 =	sadd.s32 $0x10, s20;
	v1 =	vadd.s32 v6, v1  }
0x14c: {  	[tilespmem:s20+$0x0] =	vst v1  }
0x14d: {  	v3 =	vld [tilespmem:$0x93F0]  }
0x14e: {  	v1 =	vlaneseq.u32  }
0x14f: {  	v2 =	vmul.u32 $0xFFFFFFFF, v1;
	v4 =	vld [tilespmem:$0x93E0];
	_ =	sdelay $0x1  }
0x150: {  	v6 =	vld [tilespmem:$0x93D0];
	v2 =	vadd.s32 $0xF, v2  }
0x151: {  	v5 =	vperm.xlane v3, v2;
	_ =	sdelay $0x1  }
0x152: {  	v7 =	vld [tilespmem:$0x93C0];
	(xrf0) =	vadd.scan.msk.s32 $0xffff, v5;
	v5 =	vperm.xlane v4, v2  }
0x153: {  	(xrf0) =	vadd.scan.msk.s32 $0xffff, v3  }
0x154: {  	v3 =	vperm.xlane v6, v2;
	(xrf0) =	vadd.scan.msk.s32 $0xffff, v5  }
0x155: {  	(xrf0) =	vadd.scan.msk.s32 $0xffff, v4;
	v4 =	vld [tilespmem:$0x93B0]  }
0x156: {  	(xrf0) =	vadd.scan.msk.s32 $0xffff, v3  }
0x157: {  	v3 =	vperm.xlane v7, v2  }
0x158: {  	v5, _, _ =	vpop (xrf0);
	(xrf0) =	vadd.scan.msk.s32 $0xffff, v6  }
0x159: {  	v6, _, _ =	vpop (xrf0);
	(xrf0) =	vadd.scan.msk.s32 $0xffff, v3  }
0x15a: {  	v9, _, _ =	vpop (xrf0);
	(xrf0) =	vadd.scan.msk.s32 $0xffff, v7;
	v7 =	vperm.xlane v4, v2  }
0x15b: {  	v8 =	vld [tilespmem:$0x93A0];
	v3 =	vperm.xlane v5, v2;
	v10, _, _ =	vpop (xrf0)  }
0x15c: {  	v5 =	vbroadcast v6, $0xF;
	v9 =	vperm.xlane v9, v2;
	(xrf0) =	vadd.scan.msk.s32 $0xffff, v7;
	v11, _, _ =	vpop (xrf0)  }
0x15d: {  	v7 =	vld [tilespmem:$0x9390];
	v11 =	vperm.xlane v11, v2  }
0x15e: {  	vm0 =	vgt.s32 v3, $0xFF;
	v6 =	vadd.s32 v6, v10;
	(xrf0) =	vadd.scan.msk.s32 $0xffff, v4;
	v4 =	vadd.s32 v5, v9  }
0x15f: {  	v14 =	vld [tilespmem:$0x9380];
	v15 =	vmpcnt.ones.xlane vm0;
	v10 =	vbroadcast v6, $0xF;
	v12, _, _ =	vpop (xrf0);
	vm0 =	vgt.s32 v4, $0xFF  }
0x160: {  	v53 =	vld [tilespmem:$0x9370];
	v13 =	vperm.xlane v8, v2;
	v6 =	vadd.s32 v6, v12;
	v9, _, _ =	vpop (xrf0);
	v16 =	vmpcnt.ones.xlane vm0  }
0x161: {  	v59 =	vld [tilespmem:$0x9350];
	v5 =	vadd.s32 v10, v11;
	v10 =	vbroadcast v6, $0xF;
	v9 =	vperm.xlane v9, v2;
	v11, _, _ =	vpop (xrf0)  }
0x162: {  	v63 =	vld [tilespmem:$0x9340];
	vm0 =	vgt.s32 v5, $0xFF;
	(xrf0) =	vadd.scan.msk.s32 $0xffff, v13;
	v54 =	vperm.xlane v7, v2;
	v11 =	vadd.s32 v6, v11;
	v18, _, _ =	vpop (xrf0)  }
0x163: {  	(xrf0) =	vadd.scan.msk.s32 $0xffff, v8;
	v6 =	vadd.s32 v10, v9;
	v17 =	vbroadcast v11, $0xF;
	v8 =	vperm.xlane v18, v2  }
0x164: {  	v56 =	vmpcnt.ones.xlane vm0;
	v9 =	vperm.xlane v14, v2;
	v10 =	vld [tilespmem:$0x9360];
	(xrf0) =	vadd.scan.msk.s32 $0xffff, v54;
	vm0 =	vgt.s32 v6, $0xFF;
	v57, _, _ =	vpop (xrf0)  }
0x165: {  	v30 =	vld [tilespmem:$0x9320];
	(xrf0) =	vadd.scan.msk.s32 $0xffff, v7;
	v7 =	vadd.s32 v17, v8;
	v8 =	vadd.s32 v11, v57;
	v11 =	vmpcnt.ones.xlane vm0  }
0x166: {  	v25 =	vperm.xlane v59, v2;
	(xrf0) =	vadd.scan.msk.s32 $0xffff, v9  }
0x167: {  	v32 =	vld [tilespmem:$0x9310];
	v29 =	vperm.xlane v63, v2;
	v55 =	vadd.s32 v15, v16;
	v9 =	vperm.xlane v53, v2;
	(xrf0) =	vadd.scan.msk.s32 $0xffff, v14  }
0x168: {  	v13 =	vadd.s32 v56, v55;
	v16 =	vbroadcast v8, $0xF;
	vm0 =	vgt.s32 v7, $0xFF;
	v58, _, _ =	vpop (xrf0)  }
0x169: {  	(xrf0) =	vadd.scan.msk.s32 $0xffff, v9;
	v9 =	vadd.s32 v11, v13;
	v61 =	vperm.xlane v10, v2;
	v17 =	vperm.xlane v58, v2;
	v11, _, _ =	vpop (xrf0)  }
0x16a: {  	v38 =	vperm.xlane v30, v2;
	v60 =	vmpcnt.ones.xlane vm0;
	(xrf0) =	vadd.scan.msk.s32 $0xffff, v53;
	v8 =	vadd.s32 v8, v11;
	v11, _, _ =	vpop (xrf0)  }
0x16b: {  	v62 =	vadd.s32 v16, v17;
	v21 =	vbroadcast v8, $0xF;
	v11 =	vperm.xlane v11, v2;
	v22, _, _ =	vpop (xrf0);
	(xrf0) =	vadd.scan.msk.s32 $0xffff, v61  }
0x16c: {  	v40 =	vperm.xlane v32, v2;
	v9 =	vadd.s32 v60, v9;
	vm0 =	vgt.s32 v62, $0xFF;
	v24, _, _ =	vpop (xrf0);
	(xrf0) =	vadd.scan.msk.s32 $0xffff, v10;
	v10 =	vld [tilespmem:$0x9330]  }
0x16d: {  	v23 =	vmpcnt.ones.xlane vm0;
	v8 =	vadd.s32 v8, v22;
	v11 =	vadd.s32 v21, v11;
	v19, _, _ =	vpop (xrf0)  }
0x16e: {  	v26 =	vbroadcast v8, $0xF;
	v17 =	vperm.xlane v24, v2;
	(xrf0) =	vadd.scan.msk.s32 $0xffff, v25;
	v8 =	vadd.s32 v8, v19  }
0x16f: {  	v9 =	vadd.s32 v23, v9;
	vm0 =	vgt.s32 v11, $0xFF;
	v27, _, _ =	vpop (xrf0);
	(xrf0) =	vadd.scan.msk.s32 $0xffff, v59;
	v19 =	vbroadcast v8, $0xF  }
0x170: {  	v16 =	vadd.s32 v26, v17;
	v28, _, _ =	vpop (xrf0);
	v12 =	vperm.xlane v27, v2;
	v31 =	vmpcnt.ones.xlane vm0  }
0x171: {  	v8 =	vadd.s32 v8, v28;
	vm0 =	vgt.s32 v16, $0xFF;
	v21, _, _ =	vpop (xrf0);
	(xrf0) =	vadd.scan.msk.s32 $0xffff, v29;
	v34 =	vperm.xlane v10, v2  }
0x172: {  	v36 =	vld [tilespmem:$0x9300];
	v20 =	vbroadcast v8, $0xF;
	v12 =	vadd.s32 v19, v12;
	v33 =	vperm.xlane v21, v2;
	(xrf0) =	vadd.scan.msk.s32 $0xffff, v63  }
0x173: {  	v9 =	vadd.s32 v31, v9;
	v35 =	vmpcnt.ones.xlane vm0;
	vm0 =	vgt.s32 v12, $0xFF;
	v22, _, _ =	vpop (xrf0);
	(xrf0) =	vadd.scan.msk.s32 $0xffff, v34  }
0x174: {  	v8 =	vadd.s32 v8, v22;
	v37, _, _ =	vpop (xrf0);
	v39 =	vmpcnt.ones.xlane vm0;
	v19 =	vadd.s32 v20, v33;
	(xrf0) =	vadd.scan.msk.s32 $0xffff, v10  }
0x175: {  	v9 =	vadd.s32 v35, v9;
	v23 =	vbroadcast v8, $0xF;
	v10, _, _ =	vpop (xrf0);
	vm0 =	vgt.s32 v19, $0xFF;
	(xrf0) =	vadd.scan.msk.s32 $0xffff, v38  }
0x176: {  	v41 =	vperm.xlane v37, v2;
	v8 =	vadd.s32 v8, v10;
	v10 =	vmpcnt.ones.xlane vm0;
	(xrf0) =	vadd.scan.msk.s32 $0xffff, v30  }
0x177: {  	v15 =	vperm.xlane v36, v2;
	v9 =	vadd.s32 v39, v9;
	v42 =	vbroadcast v8, $0xF;
	v43, _, _ =	vpop (xrf0);
	(xrf0) =	vadd.scan.msk.s32 $0xffff, v40  }
0x178: {  	v18 =	vperm.xlane v43, v2;
	v9 =	vadd.s32 v10, v9;
	v10 =	vadd.s32 v23, v41;
	v44, _, _ =	vpop (xrf0);
	(xrf0) =	vadd.scan.msk.s32 $0xffff, v32  }
0x179: {  	vm0 =	vgt.s32 v10, $0xFF;
	v46, _, _ =	vpop (xrf0);
	(xrf0) =	vadd.scan.msk.s32 $0xffff, v15  }
0x17a: {  	v8 =	vadd.s32 v8, v44;
	v45 =	vadd.s32 v42, v18;
	v47, _, _ =	vpop (xrf0);
	v48 =	vmpcnt.ones.xlane vm0  }
0x17b: {  	v49 =	vbroadcast v8, $0xF;
	v17 =	vperm.xlane v46, v2;
	vm0 =	vgt.s32 v45, $0xFF;
	v50, _, _ =	vpop (xrf0)  }
0x17c: {  	v8 =	vadd.s32 v8, v47;
	v51 =	vmpcnt.ones.xlane vm0;
	v52, _, _ =	vpop (xrf0);
	v9 =	vadd.s32 v48, v9  }
0x17d: {  	v53 =	vbroadcast v8, $0xF;
	v21 =	vperm.xlane v50, v2;
	v17 =	vadd.s32 v49, v17;
	v54, _, _ =	vpop (xrf0)  }
0x17e: {  	v8 =	vadd.s32 v8, v52;
	vm0 =	vgt.s32 v17, $0xFF;
	v9 =	vadd.s32 v51, v9;
	v55, _, _ =	vpop (xrf0)  }
0x17f: {  	v15 =	vbroadcast v8, $0xF;
	v56 =	vperm.xlane v54, v2;
	v8 =	vadd.s32 v8, v55;
	v57, _, _ =	vpop (xrf0)  }
0x180: {  	v18 =	vadd.s32 v53, v21;
	v2 =	vperm.xlane v57, v2;
	v8 =	vbroadcast v8, $0xF  }
0x181: {  	v58 =	vmpcnt.ones.xlane vm0;
	vm0 =	vgt.s32 v18, $0xFF;
	v15 =	vadd.s32 v15, v56  }
0x182: {  	v2 =	vadd.s32 v8, v2;
	v8 =	vmpcnt.ones.xlane vm0;
	vm0 =	vgt.s32 v15, $0xFF  }
0x183: {  	v9 =	vadd.s32 v58, v9;
	v59 =	vmpcnt.ones.xlane vm0;
	vm0 =	vgt.s32 v2, $0xFF  }
0x184: {  	v8 =	vadd.s32 v8, v9;
	v9 =	vmpcnt.ones.xlane vm0  }
0x185: {  	v8 =	vadd.s32 v59, v8  }
0x186: {  	v8 =	vadd.s32 v9, v8  }
0x187: {  	v8 =	vxor.u32 $0x80000000, v8  }
0x188: {  	(xrf0) =	vmax.scan.msk.u32 $0xffff, v8;
	_ =	sdelay $0x1  }
0x189: {  	[tilespmem:$0x41F0] =	vst v3  }
0x18a: {  	[tilespmem:$0x41E0] =	vst v4  }
0x18b: {  	[tilespmem:$0x41D0] =	vst v5  }
0x18c: {  	[tilespmem:$0x41C0] =	vst v6  }
0x18d: {  	[tilespmem:$0x41B0] =	vst v7;
	v3, _, _ =	vpop (xrf0)  }
0x18e: {  	[tilespmem:$0x41A0] =	vst v62;
	(v2sf) =	vpush v3, $0xF  }
0x18f: {  	[tilespmem:$0x4190] =	vst v11  }
0x190: {  	[tilespmem:$0x4180] =	vst v16  }
0x191: {  	[tilespmem:$0x4170] =	vst v12  }
0x192: {  	[tilespmem:$0x4160] =	vst v19  }
0x193: {  	[tilespmem:$0x4150] =	vst v10  }
0x194: {  	[tilespmem:$0x4140] =	vst v45  }
0x195: {  	[tilespmem:$0x4130] =	vst v17  }
0x196: {  	[tilespmem:$0x4120] =	vst v18  }
0x197: {  	[tilespmem:$0x4110] =	vst v15  }
0x198: {  	s22 =	simm.s32 $0x0;
	[tilespmem:$0x4100] =	vst v2  }
0x199: {  	v4 =	vld [tilespmem:s22+$0x1880]  }
0x19a: {  	v5 =	vld [tilespmem:s22+$0x1890];
	_ =	sdelay $0x2  }
0x19b: {  	v8 =	vld [tilespmem:s22+$0x18B0];
	s21 =	spop (v2sf)  }
0x19c: {  	v9 =	vshra.s32 v4, $0x18;
	v10 =	vshrl.u32 v4, $0x10;
	s20 =	sxor.u32 $0x80000000, s21  }
0x19d: {  	v6 =	vld [tilespmem:s22+$0x18A0];
	v4 =	vmul.u32 $0x100, v1;
	v1 =	vshra.s32 v5, $0x18;
	v5 =	vshrl.u32 v5, $0x10;
	p0 =	slt.s32 s20, $0xFF  }
0x19e: {  	v5 =	vand.u32 $0xFF, v5;
	s20 =	simm.s32 @!p0 $0xFF  }
0x19f: {  	v11 =	vld [tilespmem:s22+$0x18C0];
	v61 =	vor.u32 v4, v5;
	v7 =	vmov s20;
	s20 =	sadd.s32 $0x7FFFFF7F, s21  }
0x1a0: {  	v13 =	vld [tilespmem:s22+$0x18E0];
	v60 =	vshrl.u32 v8, $0x10;
	v3 =	vimm.s32 $0x1;
	v2 =	vmov s20  }
0x1a1: {  	vm2 =	veq.s32 v9, v2;
	v9 =	vand.u32 $0xFF, v10;
	v10 =	vld [tilespmem:s22+$0x18D0];
	vm3 =	veq.s32 v1, v2  }
0x1a2: {  	v1 =	vshra.s32 v6, $0x18;
	v6 =	vshrl.u32 v6, $0x10;
	v9 =	vor.u32 v4, v9  }
0x1a3: {  	vm4 =	veq.s32 v1, v2;
	v1 =	vshra.s32 v8, $0x18;
	v5 =	vand.u32 $0xFF, v6  }
0x1a4: {  	v6 =	vand.u32 $0xFF, v60;
	vm5 =	veq.s32 v1, v2;
	v62 =	vor.u32 v4, v5  }
0x1a5: {  	s31 =	simm.s32 $0x4100;
	v8 =	vld [tilespmem:s22+$0x18F0];
	v63 =	vor.u32 v4, v6;
	v1 =	vshra.s32 v11, $0x18;
	v6 =	vshrl.u32 v11, $0x10  }
0x1a6: {  	vm0 =	veq.s32 v1, v2;
	v1 =	vld.idx.msk [tilespmem:v7+s31+$0x0], $0xffff;
	v7 =	vshrl.u32 v13, $0x10;
	v5 =	vshra.s32 v10, $0x18  }
0x1a7: {  	s22 =	simm.s32 $0x3100;
	vm1 =	veq.s32 v5, v2;
	v5 =	vand.u32 $0xFF, v6;
	v6 =	vshrl.u32 v10, $0x10  }
0x1a8: {  	[tilespmem:v9+s22+$0x0] =	vst.idx.add.s32.msk vm2, v3;
	v9 =	vshra.s32 v13, $0x18;
	v5 =	vor.u32 v4, v5;
	v6 =	vand.u32 $0xFF, v6  }
0x1a9: {  	v7 =	vand.u32 $0xFF, v7;
	[tilespmem:v61+s22+$0x0] =	vst.idx.add.s32.msk vm3, v3;
	vm2 =	veq.s32 v9, v2;
	v6 =	vor.u32 v4, v6  }
0x1aa: {  	v7 =	vor.u32 v4, v7;
	v10 =	vshra.s32 v8, $0x18;
	v8 =	vshrl.u32 v8, $0x10;
	[tilespmem:v62+s22+$0x0] =	vst.idx.add.s32.msk vm4, v3  }
0x1ab: {  	s23 =	simm.s32 $0x200;
	vm3 =	veq.s32 v10, v2;
	v8 =	vand.u32 $0xFF, v8;
	[tilespmem:v63+s22+$0x0] =	vst.idx.add.s32.msk vm5, v3  }
.LBB3_14:
0x1ac: {  	p0 =	sne.s32 s23, $0x5E00;
	v8 =	vor.u32 v4, v8;
	s24 =	smov.u32 s23;
	s23 =	sadd.s32 $0x200, s23  }
0x1ad: {  	[tilespmem:v5+s22+$0x0] =	vst.idx.add.s32.msk vm0, v3  }
0x1ae: {  	[tilespmem:v6+s22+$0x0] =	vst.idx.add.s32.msk vm1, v3  }
0x1af: {  	[tilespmem:v7+s22+$0x0] =	vst.idx.add.s32.msk vm2, v3;
	_ =	sdelay $0x1  }
0x1b0: {  	s24 =	sshra.s32 s24, $0x2;
	[tilespmem:v8+s22+$0x0] =	vst.idx.add.s32.msk vm3, v3  }
0x1b1: {  	v5 =	vld [tilespmem:s24+$0x1880]  }
0x1b2: {  	v6 =	vld [tilespmem:s24+$0x1890]  }
0x1b3: {  	v7 =	vld [tilespmem:s24+$0x18A0];
	_ =	sdelay $0x1  }
0x1b4: {  	v8 =	vld [tilespmem:s24+$0x18B0]  }
0x1b5: {  	v9 =	vshra.s32 v5, $0x18;
	v5 =	vshrl.u32 v5, $0x10  }
0x1b6: {  	v10 =	vld [tilespmem:s24+$0x18C0];
	v11 =	vshra.s32 v6, $0x18;
	vm2 =	veq.s32 v9, v2;
	v5 =	vand.u32 $0xFF, v5  }
0x1b7: {  	v6 =	vshrl.u32 v6, $0x10;
	v9 =	vld [tilespmem:s24+$0x18D0];
	vm3 =	veq.s32 v11, v2;
	v5 =	vor.u32 v4, v5  }
0x1b8: {  	v11 =	vshra.s32 v7, $0x18;
	v7 =	vshrl.u32 v7, $0x10;
	v6 =	vand.u32 $0xFF, v6  }
0x1b9: {  	vm4 =	veq.s32 v11, v2;
	v6 =	vor.u32 v4, v6;
	v12 =	vld [tilespmem:s24+$0x18E0];
	v13 =	vshrl.u32 v8, $0x10  }
0x1ba: {  	v7 =	vand.u32 $0xFF, v7;
	v8 =	vshra.s32 v8, $0x18;
	v11 =	vand.u32 $0xFF, v13  }
0x1bb: {  	v7 =	vor.u32 v4, v7;
	vm5 =	veq.s32 v8, v2;
	v13 =	vld [tilespmem:s24+$0x18F0];
	v8 =	vor.u32 v4, v11  }
0x1bc: {  	v11 =	vshra.s32 v10, $0x18;
	v10 =	vshrl.u32 v10, $0x10;
	v14 =	vshra.s32 v9, $0x18  }
0x1bd: {  	vm0 =	veq.s32 v11, v2;
	vm1 =	veq.s32 v14, v2;
	[tilespmem:v5+s22+$0x0] =	vst.idx.add.s32.msk vm2, v3;
	v5 =	vand.u32 $0xFF, v10  }
.Ltmp7:
0x1be: {  	v9 =	vshrl.u32 v9, $0x10;
	v10 =	vshrl.u32 v12, $0x10;
	[tilespmem:v6+s22+$0x0] =	vst.idx.add.s32.msk vm3, v3;
	v5 =	vor.u32 v4, v5;
	(pc) =	sbr.rel @p0 .LBB3_14-.Ltmp7, $4  }
0x1bf: {  	v9 =	vand.u32 $0xFF, v9;
	v6 =	vshra.s32 v12, $0x18;
	v10 =	vand.u32 $0xFF, v10  }
0x1c0: {  	vm2 =	veq.s32 v6, v2;
	v6 =	vor.u32 v4, v9;
	v11 =	vshra.s32 v13, $0x18;
	[tilespmem:v7+s22+$0x0] =	vst.idx.add.s32.msk vm4, v3  }
0x1c1: {  	v9 =	vshrl.u32 v13, $0x10;
	v7 =	vor.u32 v4, v10;
	vm3 =	veq.s32 v11, v2;
	[tilespmem:v8+s22+$0x0] =	vst.idx.add.s32.msk vm5, v3  }
0x1c2: {  	v8 =	vand.u32 $0xFF, v9  }
0x1c3: {  	_ =	sdelay $0x2  }
0x1c4: {  	v4 =	vor.u32 v4, v8;
	_ =	sdelay $0x1  }
0x1c5: {  	[tilespmem:v5+s22+$0x0] =	vst.idx.add.s32.msk vm0, v3  }
0x1c6: {  	[tilespmem:v6+s22+$0x0] =	vst.idx.add.s32.msk vm1, v3  }
0x1c7: {  	[tilespmem:v7+s22+$0x0] =	vst.idx.add.s32.msk vm2, v3  }
0x1c8: {  	[tilespmem:v4+s22+$0x0] =	vst.idx.add.s32.msk vm3, v3  }
0x1c9: {  	v3 =	vld [tilespmem:$0x3080];
	_ =	sdelay $0x3  }
0x1ca: {  	v45 =	vlaneseq.u32  }
0x1cb: {  	v4 =	vmul.u32 $0x100, v45;
	v46 =	vshra.s32 v3, $0x18;
	v3 =	vshrl.u32 v3, $0x10  }
0x1cc: {  	vm9 =	veq.s32 v46, v2;
	v3 =	vand.u32 $0xFF, v3  }
0x1cd: {  	v3 =	vor.u32 v4, v3;
	_ =	sdelay $0x3  }
0x1ce: {  	v47 =	vimm.s32 $0x1;
	s30 =	simm.s32 $0x3100  }
0x1cf: {  	[tilespmem:v3+s30+$0x0] =	vst.idx.add.s32.msk vm9, v47  }
0x1d0: {  	v3 =	vld [tilespmem:$0x3090];
	_ =	sdelay $0x4  }
0x1d1: {  	v48 =	vshra.s32 v3, $0x18;
	v3 =	vshrl.u32 v3, $0x10  }
0x1d2: {  	vm10 =	veq.s32 v48, v2;
	v3 =	vand.u32 $0xFF, v3  }
0x1d3: {  	v3 =	vor.u32 v4, v3;
	_ =	sdelay $0x4  }
0x1d4: {  	[tilespmem:v3+s30+$0x0] =	vst.idx.add.s32.msk vm10, v47  }
0x1d5: {  	v3 =	vld [tilespmem:$0x30A0];
	_ =	sdelay $0x4  }
0x1d6: {  	v49 =	vshra.s32 v3, $0x18;
	v3 =	vshrl.u32 v3, $0x10  }
0x1d7: {  	vm11 =	veq.s32 v49, v2;
	v3 =	vand.u32 $0xFF, v3  }
0x1d8: {  	v3 =	vor.u32 v4, v3;
	_ =	sdelay $0x4  }
0x1d9: {  	[tilespmem:v3+s30+$0x0] =	vst.idx.add.s32.msk vm11, v47  }
0x1da: {  	v3 =	vld [tilespmem:$0x30B0];
	_ =	sdelay $0x4  }
0x1db: {  	v50 =	vshra.s32 v3, $0x18;
	v3 =	vshrl.u32 v3, $0x10  }
0x1dc: {  	vm12 =	veq.s32 v50, v2;
	v3 =	vand.u32 $0xFF, v3  }
0x1dd: {  	v3 =	vor.u32 v4, v3;
	_ =	sdelay $0x4  }
0x1de: {  	[tilespmem:v3+s30+$0x0] =	vst.idx.add.s32.msk vm12, v47  }
0x1df: {  	v3 =	vld [tilespmem:$0x30C0];
	_ =	sdelay $0x4  }
0x1e0: {  	v51 =	vshra.s32 v3, $0x18;
	v3 =	vshrl.u32 v3, $0x10  }
0x1e1: {  	vm13 =	veq.s32 v51, v2;
	v3 =	vand.u32 $0xFF, v3  }
0x1e2: {  	v3 =	vor.u32 v4, v3;
	_ =	sdelay $0x4  }
0x1e3: {  	[tilespmem:v3+s30+$0x0] =	vst.idx.add.s32.msk vm13, v47  }
0x1e4: {  	v3 =	vld [tilespmem:$0x30D0];
	_ =	sdelay $0x4  }
0x1e5: {  	v52 =	vshra.s32 v3, $0x18;
	v3 =	vshrl.u32 v3, $0x10  }
0x1e6: {  	vm14 =	veq.s32 v52, v2;
	v3 =	vand.u32 $0xFF, v3  }
0x1e7: {  	v3 =	vor.u32 v4, v3;
	_ =	sdelay $0x4  }
0x1e8: {  	[tilespmem:v3+s30+$0x0] =	vst.idx.add.s32.msk vm14, v47  }
0x1e9: {  	v3 =	vld [tilespmem:$0x30E0];
	_ =	sdelay $0x4  }
0x1ea: {  	v53 =	vshra.s32 v3, $0x18;
	v3 =	vshrl.u32 v3, $0x10  }
0x1eb: {  	vm15 =	veq.s32 v53, v2;
	v2 =	vand.u32 $0xFF, v3  }
0x1ec: {  	v2 =	vor.u32 v4, v2;
	_ =	sdelay $0x3  }
0x1ed: {  	s23 =	simm.s32 $0x0  }
0x1ee: {  	s23 =	sand.u32 $0xF0, s23;
	[tilespmem:v2+s30+$0x0] =	vst.idx.add.s32.msk vm15, v47  }
0x1ef: {  	v2 =	vld [tilespmem:s23+$0x3200]  }
0x1f0: {  	v3 =	vld [tilespmem:s30+$0x0]  }
0x1f1: {  	v54 =	vld [tilespmem:s23+$0x3300]  }
0x1f2: {  	v5 =	vld [tilespmem:s23+$0x3400]  }
0x1f3: {  	v55 =	vld [tilespmem:s23+$0x3500]  }
0x1f4: {  	v7 =	vld [tilespmem:s23+$0x3600]  }
0x1f5: {  	v2 =	vadd.s32 v3, v2;
	v3 =	vld [tilespmem:s23+$0x3700]  }
0x1f6: {  	v56 =	vld [tilespmem:s23+$0x3800];
	v2 =	vadd.s32 v54, v2  }
0x1f7: {  	v57 =	vld [tilespmem:s23+$0x3900];
	v2 =	vadd.s32 v5, v2  }
0x1f8: {  	v58 =	vld [tilespmem:s23+$0x3A00];
	v2 =	vadd.s32 v55, v2  }
0x1f9: {  	v59 =	vld [tilespmem:s23+$0x3B00];
	v2 =	vadd.s32 v7, v2  }
0x1fa: {  	v2 =	vadd.s32 v3, v2;
	v3 =	vld [tilespmem:s23+$0x3C00]  }
0x1fb: {  	v60 =	vld [tilespmem:s23+$0x3D00];
	v2 =	vadd.s32 v56, v2  }
0x1fc: {  	v61 =	vld [tilespmem:s23+$0x3E00];
	v2 =	vadd.s32 v57, v2  }
0x1fd: {  	v62 =	vld [tilespmem:s23+$0x3F00];
	v2 =	vadd.s32 v58, v2  }
0x1fe: {  	v63 =	vld [tilespmem:s23+$0x4000];
	v2 =	vadd.s32 v59, v2  }
0x1ff: {  	v2 =	vadd.s32 v3, v2  }
0x200: {  	v2 =	vadd.s32 v60, v2  }
0x201: {  	v2 =	vadd.s32 v61, v2  }
0x202: {  	v2 =	vadd.s32 v62, v2  }
0x203: {  	s31 =	simm.s32 $0x10;
	s22 =	simm.s32 $0x9300;
	v2 =	vadd.s32 v63, v2  }
0x204: {  	s23 =	sand.u32 $0xF0, s31;
	[tilespmem:s22+$0x0] =	vst v2  }
0x205: {  	s25 =	simm.s32 $0x20;
	s24 =	simm.s32 $0x3110;
	v2 =	vld [tilespmem:s23+$0x3200]  }
.LBB3_16:
0x206: {  	p0 =	sne.s32 s25, $0xF0;
	v3 =	vld [tilespmem:s24+$0x0]  }
0x207: {  	v4 =	vld [tilespmem:s23+$0x3300]  }
0x208: {  	v5 =	vld [tilespmem:s23+$0x3400]  }
0x209: {  	v6 =	vld [tilespmem:s23+$0x3500]  }
0x20a: {  	v7 =	vld [tilespmem:s23+$0x3600]  }
0x20b: {  	v2 =	vadd.s32 v3, v2;
	v3 =	vld [tilespmem:s23+$0x3700]  }
0x20c: {  	v2 =	vadd.s32 v4, v2;
	v4 =	vld [tilespmem:s23+$0x3800]  }
0x20d: {  	v2 =	vadd.s32 v5, v2;
	v5 =	vld [tilespmem:s23+$0x3900]  }
0x20e: {  	v2 =	vadd.s32 v6, v2;
	v6 =	vld [tilespmem:s23+$0x3A00]  }
0x20f: {  	v2 =	vadd.s32 v7, v2;
	v7 =	vld [tilespmem:s23+$0x3B00]  }
0x210: {  	v2 =	vadd.s32 v3, v2;
	v3 =	vld [tilespmem:s23+$0x3C00]  }
0x211: {  	v2 =	vadd.s32 v4, v2;
	v4 =	vld [tilespmem:s23+$0x3D00]  }
0x212: {  	v2 =	vadd.s32 v5, v2;
	v5 =	vld [tilespmem:s23+$0x3E00]  }
0x213: {  	v2 =	vadd.s32 v6, v2;
	v6 =	vld [tilespmem:s23+$0x3F00]  }
0x214: {  	v2 =	vadd.s32 v7, v2;
	v7 =	vld [tilespmem:s23+$0x4000]  }
0x215: {  	v2 =	vadd.s32 v3, v2  }
0x216: {  	v2 =	vadd.s32 v4, v2  }
.Ltmp8:
0x217: {  	v2 =	vadd.s32 v5, v2;
	(pc) =	sbr.rel @p0 .LBB3_16-.Ltmp8, $4  }
0x218: {  	v2 =	vadd.s32 v6, v2  }
0x219: {  	s22 =	sadd.s32 $0x10, s22;
	v2 =	vadd.s32 v7, v2  }
0x21a: {  	s23 =	sand.u32 $0xF0, s25;
	[tilespmem:s22+$0x0] =	vst v2  }
0x21b: {  	s24 =	sadd.s32 $0x10, s24;
	s25 =	sadd.s32 $0x10, s25;
	v2 =	vld [tilespmem:s23+$0x3200]  }
0x21c: {  	v3 =	vld [tilespmem:s24+$0x0]  }
0x21d: {  	v4 =	vld [tilespmem:s23+$0x3300]  }
0x21e: {  	v5 =	vld [tilespmem:s23+$0x3400]  }
0x21f: {  	v6 =	vld [tilespmem:s23+$0x3500]  }
0x220: {  	v7 =	vld [tilespmem:s23+$0x3600]  }
0x221: {  	v2 =	vadd.s32 v3, v2;
	v3 =	vld [tilespmem:s23+$0x3700]  }
0x222: {  	v44 =	vld [tilespmem:s23+$0x3800];
	v2 =	vadd.s32 v4, v2  }
0x223: {  	v45 =	vld [tilespmem:s23+$0x3900];
	v2 =	vadd.s32 v5, v2  }
0x224: {  	v46 =	vld [tilespmem:s23+$0x3A00];
	v2 =	vadd.s32 v6, v2  }
0x225: {  	v47 =	vld [tilespmem:s23+$0x3B00];
	v2 =	vadd.s32 v7, v2  }
0x226: {  	v2 =	vadd.s32 v3, v2;
	v3 =	vld [tilespmem:s23+$0x3C00]  }
0x227: {  	v48 =	vld [tilespmem:s23+$0x3D00];
	v2 =	vadd.s32 v44, v2  }
0x228: {  	v49 =	vld [tilespmem:s23+$0x3E00];
	v2 =	vadd.s32 v45, v2  }
0x229: {  	v50 =	vld [tilespmem:s23+$0x3F00];
	v2 =	vadd.s32 v46, v2  }
0x22a: {  	v51 =	vld [tilespmem:s23+$0x4000];
	v2 =	vadd.s32 v47, v2  }
0x22b: {  	v2 =	vadd.s32 v3, v2  }
0x22c: {  	v2 =	vadd.s32 v48, v2  }
0x22d: {  	v2 =	vadd.s32 v49, v2  }
0x22e: {  	v2 =	vadd.s32 v50, v2  }
0x22f: {  	s22 =	sadd.s32 $0x10, s22;
	s30 =	simm.s32 $0x80;
	v2 =	vadd.s32 v51, v2  }
0x230: {  	s31 =	simm.s32 $0x400;
	s25 =	simm.s32 $0x2;
	[tilespmem:s22+$0x0] =	vst v2;
	s22 =	simm.s32 $0x9300  }
0x231: {  	[spmem:s19] =	stream.strided.scatter [tilespmem:s22], [sflag:$0x2], $0x100, s31, s30, $0x38;
	[tilespmem:$0xA250] =	vst v63  }
0x232: {  	_ =	swait.ge [sflag:s25], $0x100  }
0x233: {  	[sflag:s25] =	ssyncset.done $0x0  }
0x234: {  	[sflag:s25] =	ssyncadd.s32 $0xFFFFFF00  }
0x235: {  	s26 =	simm.s32 $0x8300;
	[bflag:$0x0] =	sbarrier.arrive $0xFFFF  }
0x236: {  	[tilespmem:s26], [sflag:$0x2] =	stream.linear.gather [spmem:s18], $0x1000, $0x38;
	[tilespmem:$0xA250] =	vst v63  }
0x237: {  	_ =	swait.ge [sflag:s25], $0x1000  }
0x238: {  	s28 =	simm.s32 $0x0;
	[sflag:s25] =	ssyncset.done $0x0  }
0x239: {  	s29 =	sand.u32 $0x70, s28;
	s18 =	sand.u32 $0x400, s28;
	[sflag:s25] =	ssyncadd.s32 $0xFFFFF000  }
0x23a: {  	s18 =	sor.u32 s29, s18;
	[bflag:$0x0] =	sbarrier.arrive $0xFFFF  }
0x23b: {  	v2 =	vld [tilespmem:s18+$0x8380]  }
0x23c: {  	v3 =	vld [tilespmem:s18+$0x8300]  }
0x23d: {  	v52 =	vld [tilespmem:s18+$0x8400]  }
0x23e: {  	v53 =	vld [tilespmem:s18+$0x8480]  }
0x23f: {  	v54 =	vld [tilespmem:s18+$0x8500]  }
0x240: {  	v55 =	vld [tilespmem:s18+$0x8580]  }
0x241: {  	v2 =	vadd.s32 v3, v2;
	v3 =	vld [tilespmem:s18+$0x8600]  }
0x242: {  	v56 =	vld [tilespmem:s18+$0x8680];
	v2 =	vadd.s32 v52, v2  }
0x243: {  	v57 =	vld [tilespmem:s18+$0x8B00];
	v2 =	vadd.s32 v53, v2  }
0x244: {  	v58 =	vld [tilespmem:s18+$0x8B80];
	v2 =	vadd.s32 v54, v2  }
0x245: {  	v59 =	vld [tilespmem:s18+$0x8C00];
	v2 =	vadd.s32 v55, v2  }
0x246: {  	v2 =	vadd.s32 v3, v2;
	v3 =	vld [tilespmem:s18+$0x8C80]  }
0x247: {  	v60 =	vld [tilespmem:s18+$0x8D00];
	v2 =	vadd.s32 v56, v2  }
0x248: {  	v61 =	vld [tilespmem:s18+$0x8D80];
	v2 =	vadd.s32 v57, v2  }
0x249: {  	v62 =	vld [tilespmem:s18+$0x8E00];
	v2 =	vadd.s32 v58, v2  }
0x24a: {  	v63 =	vld [tilespmem:s18+$0x8E80];
	v2 =	vadd.s32 v59, v2  }
0x24b: {  	v2 =	vadd.s32 v3, v2  }
0x24c: {  	v2 =	vadd.s32 v60, v2  }
0x24d: {  	v2 =	vadd.s32 v61, v2  }
0x24e: {  	s30 =	simm.s32 $0x10;
	s19 =	simm.s32 $0x80;
	v2 =	vadd.s32 v62, v2  }
0x24f: {  	s31 =	sand.u32 $0x400, s19;
	s18 =	sand.u32 $0x70, s30;
	v2 =	vadd.s32 v63, v2  }
0x250: {  	s23 =	simm.s32 $0x20;
	s18 =	sor.u32 s18, s31;
	[tilespmem:s22+$0x0] =	vst v2  }
.LBB3_18:
0x251: {  	p0 =	sne.s32 s23, $0xF0;
	v2 =	vld [tilespmem:s18+$0x8380]  }
0x252: {  	v3 =	vld [tilespmem:s18+$0x8300]  }
0x253: {  	v4 =	vld [tilespmem:s18+$0x8400]  }
0x254: {  	v5 =	vld [tilespmem:s18+$0x8480]  }
0x255: {  	v6 =	vld [tilespmem:s18+$0x8500]  }
0x256: {  	v7 =	vld [tilespmem:s18+$0x8580]  }
0x257: {  	v2 =	vadd.s32 v3, v2;
	v3 =	vld [tilespmem:s18+$0x8600]  }
0x258: {  	v2 =	vadd.s32 v4, v2;
	v4 =	vld [tilespmem:s18+$0x8680]  }
0x259: {  	v2 =	vadd.s32 v5, v2;
	v5 =	vld [tilespmem:s18+$0x8B00]  }
0x25a: {  	v2 =	vadd.s32 v6, v2;
	v6 =	vld [tilespmem:s18+$0x8B80]  }
0x25b: {  	v2 =	vadd.s32 v7, v2;
	v7 =	vld [tilespmem:s18+$0x8C00]  }
0x25c: {  	v2 =	vadd.s32 v3, v2;
	v3 =	vld [tilespmem:s18+$0x8C80]  }
0x25d: {  	v2 =	vadd.s32 v4, v2;
	v4 =	vld [tilespmem:s18+$0x8D00]  }
0x25e: {  	v2 =	vadd.s32 v5, v2;
	v5 =	vld [tilespmem:s18+$0x8D80]  }
0x25f: {  	v2 =	vadd.s32 v6, v2;
	v6 =	vld [tilespmem:s18+$0x8E00]  }
0x260: {  	v2 =	vadd.s32 v7, v2;
	v7 =	vld [tilespmem:s18+$0x8E80]  }
0x261: {  	v2 =	vadd.s32 v3, v2  }
.Ltmp9:
0x262: {  	v2 =	vadd.s32 v4, v2;
	(pc) =	sbr.rel @p0 .LBB3_18-.Ltmp9, $4  }
0x263: {  	v2 =	vadd.s32 v5, v2  }
0x264: {  	s19 =	sadd.s32 $0x80, s19;
	v2 =	vadd.s32 v6, v2  }
0x265: {  	s22 =	sadd.s32 $0x10, s22;
	s24 =	sand.u32 $0x400, s19;
	s18 =	sand.u32 $0x70, s23;
	v2 =	vadd.s32 v7, v2  }
0x266: {  	s23 =	sadd.s32 $0x10, s23;
	s18 =	sor.u32 s18, s24;
	[tilespmem:s22+$0x0] =	vst v2  }
0x267: {  	v2 =	vld [tilespmem:s18+$0x8380]  }
0x268: {  	v3 =	vld [tilespmem:s18+$0x8300]  }
0x269: {  	v4 =	vld [tilespmem:s18+$0x8400]  }
0x26a: {  	v5 =	vld [tilespmem:s18+$0x8480]  }
0x26b: {  	v6 =	vld [tilespmem:s18+$0x8500]  }
0x26c: {  	v7 =	vld [tilespmem:s18+$0x8580]  }
0x26d: {  	v2 =	vadd.s32 v3, v2;
	v3 =	vld [tilespmem:s18+$0x8600]  }
0x26e: {  	v2 =	vadd.s32 v4, v2;
	v4 =	vld [tilespmem:s18+$0x8680]  }
0x26f: {  	v2 =	vadd.s32 v5, v2;
	v5 =	vld [tilespmem:s18+$0x8B00]  }
0x270: {  	v32 =	vld [tilespmem:s18+$0x8B80];
	v2 =	vadd.s32 v6, v2  }
0x271: {  	v33 =	vld [tilespmem:s18+$0x8C00];
	v2 =	vadd.s32 v7, v2  }
0x272: {  	v2 =	vadd.s32 v3, v2;
	v3 =	vld [tilespmem:s18+$0x8C80]  }
0x273: {  	v2 =	vadd.s32 v4, v2;
	v4 =	vld [tilespmem:s18+$0x8D00]  }
0x274: {  	v2 =	vadd.s32 v5, v2;
	v5 =	vld [tilespmem:s18+$0x8D80]  }
0x275: {  	v34 =	vld [tilespmem:s18+$0x8E00];
	v2 =	vadd.s32 v32, v2  }
0x276: {  	v1 =	vxor.u32 $0x80000000, v1;
	v35 =	vld [tilespmem:s18+$0x8E80];
	v2 =	vadd.s32 v33, v2  }
0x277: {  	(xrf0) =	vmax.scan.msk.u32 $0xffff, v1;
	v1 =	vadd.s32 v3, v2  }
0x278: {  	v1 =	vadd.s32 v4, v1  }
0x279: {  	v1 =	vadd.s32 v5, v1  }
0x27a: {  	v1 =	vadd.s32 v34, v1  }
0x27b: {  	v1 =	vadd.s32 v35, v1  }
0x27c: {  	s28 =	sadd.s32 $0x10, s22  }
0x27d: {  	[tilespmem:s28+$0x0] =	vst v1  }
0x27e: {  	v3 =	vld [tilespmem:$0x93F0];
	v1, _, _ =	vpop (xrf0)  }
0x27f: {  	(v2sf) =	vpush v1, $0xF;
	v1 =	vlaneseq.u32  }
0x280: {  	v4 =	vld [tilespmem:$0x93E0];
	v2 =	vmul.u32 $0xFFFFFFFF, v1;
	_ =	sdelay $0x1  }
0x281: {  	v36 =	vld [tilespmem:$0x93D0];
	v2 =	vadd.s32 $0xF, v2  }
0x282: {  	v37 =	vld [tilespmem:$0x93C0];
	v5 =	vperm.xlane v3, v2  }
0x283: {  	v8 =	vld [tilespmem:$0x93A0]  }
0x284: {  	v40 =	vld [tilespmem:$0x9390];
	(xrf0) =	vadd.scan.msk.s32 $0xffff, v5;
	v5 =	vperm.xlane v4, v2  }
0x285: {  	v14 =	vld [tilespmem:$0x9380];
	(xrf0) =	vadd.scan.msk.s32 $0xffff, v3  }
0x286: {  	v44 =	vld [tilespmem:$0x9370];
	(xrf0) =	vadd.scan.msk.s32 $0xffff, v5  }
0x287: {  	v3 =	vperm.xlane v36, v2;
	(xrf0) =	vadd.scan.msk.s32 $0xffff, v4;
	v4 =	vld [tilespmem:$0x93B0]  }
0x288: {  	v48 =	vld [tilespmem:$0x9360]  }
0x289: {  	v56 =	vld [tilespmem:$0x9350];
	(xrf0) =	vadd.scan.msk.s32 $0xffff, v3;
	v3 =	vperm.xlane v37, v2  }
0x28a: {  	v62 =	vld [tilespmem:$0x9340];
	(xrf0) =	vadd.scan.msk.s32 $0xffff, v36;
	v5, _, _ =	vpop (xrf0)  }
0x28b: {  	v13 =	vperm.xlane v8, v2;
	v38, _, _ =	vpop (xrf0);
	(xrf0) =	vadd.scan.msk.s32 $0xffff, v3  }
0x28c: {  	v45 =	vperm.xlane v40, v2;
	(xrf0) =	vadd.scan.msk.s32 $0xffff, v37;
	v39 =	vperm.xlane v4, v2  }
0x28d: {  	v25 =	vld [tilespmem:$0x9330];
	v47 =	vperm.xlane v14, v2;
	v53 =	vperm.xlane v44, v2;
	v9, _, _ =	vpop (xrf0)  }
0x28e: {  	v60 =	vperm.xlane v48, v2;
	v23 =	vperm.xlane v56, v2;
	v10, _, _ =	vpop (xrf0);
	(xrf0) =	vadd.scan.msk.s32 $0xffff, v39  }
0x28f: {  	v28 =	vperm.xlane v62, v2;
	v3 =	vperm.xlane v5, v2;
	s29 =	spop (v2sf);
	v11, _, _ =	vpop (xrf0)  }
0x290: {  	s19 =	sadd.s32 $0x7FFFFFFF, s21;
	v5 =	vbroadcast v38, $0xF;
	v9 =	vperm.xlane v9, v2;
	s18 =	sxor.u32 $0x80000000, s29;
	v6 =	vadd.s32 v38, v10;
	v12, _, _ =	vpop (xrf0)  }
0x291: {  	p0 =	sgt.s32 s19, $0xFE;
	s18 =	ssub.s32 $0x100, s18;
	v10 =	vbroadcast v6, $0xF;
	v11 =	vperm.xlane v11, v2;
	(xrf0) =	vadd.scan.msk.s32 $0xffff, v4;
	v41, _, _ =	vpop (xrf0)  }
0x292: {  	v33 =	vperm.xlane v25, v2;
	v4 =	vadd.s32 v5, v9;
	s18 =	simm.s32 @p0 $0x100;
	v6 =	vadd.s32 v6, v12;
	v43, _, _ =	vpop (xrf0);
	(xrf0) =	vadd.scan.msk.s32 $0xffff, v13  }
0x293: {  	vm0 =	vge.s32 v3, s18;
	v5 =	vadd.s32 v10, v11;
	v42 =	vbroadcast v6, $0xF;
	(xrf0) =	vadd.scan.msk.s32 $0xffff, v8  }
0x294: {  	v15 =	vmpcnt.ones.xlane vm0;
	vm0 =	vge.s32 v4, s18;
	v9 =	vperm.xlane v41, v2;
	v18, _, _ =	vpop (xrf0);
	(xrf0) =	vadd.scan.msk.s32 $0xffff, v45  }
0x295: {  	v29 =	vld [tilespmem:$0x9320];
	v11 =	vadd.s32 v6, v43;
	v16 =	vmpcnt.ones.xlane vm0;
	vm0 =	vge.s32 v5, s18;
	(xrf0) =	vadd.scan.msk.s32 $0xffff, v40  }
0x296: {  	v17 =	vbroadcast v11, $0xF;
	v6 =	vadd.s32 v42, v9;
	v50 =	vmpcnt.ones.xlane vm0  }
0x297: {  	v46 =	vperm.xlane v18, v2;
	v49 =	vadd.s32 v15, v16;
	vm0 =	vge.s32 v6, s18;
	v51, _, _ =	vpop (xrf0);
	(xrf0) =	vadd.scan.msk.s32 $0xffff, v47  }
0x298: {  	v31 =	vld [tilespmem:$0x9310];
	v52 =	vadd.s32 v11, v51;
	v54 =	vmpcnt.ones.xlane vm0;
	v13 =	vadd.s32 v50, v49;
	(xrf0) =	vadd.scan.msk.s32 $0xffff, v14;
	v55, _, _ =	vpop (xrf0)  }
0x299: {  	v7 =	vadd.s32 v17, v46;
	v16 =	vbroadcast v52, $0xF;
	(xrf0) =	vadd.scan.msk.s32 $0xffff, v53;
	v17 =	vperm.xlane v55, v2;
	v59, _, _ =	vpop (xrf0)  }
0x29a: {  	v35 =	vld [tilespmem:$0x9300];
	v37 =	vperm.xlane v29, v2;
	vm0 =	vge.s32 v7, s18;
	v58 =	vadd.s32 v54, v13;
	(xrf0) =	vadd.scan.msk.s32 $0xffff, v44;
	v61, _, _ =	vpop (xrf0)  }
0x29b: {  	v57 =	vmpcnt.ones.xlane vm0;
	v8 =	vadd.s32 v52, v59;
	v13 =	vadd.s32 v16, v17;
	v20, _, _ =	vpop (xrf0);
	(xrf0) =	vadd.scan.msk.s32 $0xffff, v60  }
0x29c: {  	v63 =	vbroadcast v8, $0xF;
	v11 =	vperm.xlane v61, v2;
	vm0 =	vge.s32 v13, s18  }
0x29d: {  	v41 =	vperm.xlane v31, v2;
	v8 =	vadd.s32 v8, v20;
	v22, _, _ =	vpop (xrf0);
	(xrf0) =	vadd.scan.msk.s32 $0xffff, v48;
	v21 =	vmpcnt.ones.xlane vm0  }
0x29e: {  	v11 =	vadd.s32 v63, v11;
	v24 =	vbroadcast v8, $0xF;
	v17 =	vperm.xlane v22, v2;
	v19, _, _ =	vpop (xrf0);
	(xrf0) =	vadd.scan.msk.s32 $0xffff, v23  }
0x29f: {  	v15 =	vperm.xlane v35, v2;
	v9 =	vadd.s32 v57, v58;
	vm0 =	vge.s32 v11, s18;
	v26, _, _ =	vpop (xrf0)  }
0x2a0: {  	v8 =	vadd.s32 v8, v19;
	(xrf0) =	vadd.scan.msk.s32 $0xffff, v56;
	v9 =	vadd.s32 v21, v9;
	v16 =	vadd.s32 v24, v17;
	v27, _, _ =	vpop (xrf0)  }
0x2a1: {  	v19 =	vbroadcast v8, $0xF;
	v12 =	vperm.xlane v26, v2;
	v8 =	vadd.s32 v8, v27;
	v21, _, _ =	vpop (xrf0);
	(xrf0) =	vadd.scan.msk.s32 $0xffff, v28  }
0x2a2: {  	v30 =	vmpcnt.ones.xlane vm0;
	vm0 =	vge.s32 v16, s18;
	v20 =	vbroadcast v8, $0xF;
	(xrf0) =	vadd.scan.msk.s32 $0xffff, v62  }
0x2a3: {  	v12 =	vadd.s32 v19, v12;
	v34 =	vmpcnt.ones.xlane vm0;
	v32 =	vperm.xlane v21, v2;
	v22, _, _ =	vpop (xrf0);
	(xrf0) =	vadd.scan.msk.s32 $0xffff, v33  }
0x2a4: {  	v9 =	vadd.s32 v30, v9;
	vm0 =	vge.s32 v12, s18;
	v8 =	vadd.s32 v8, v22;
	v36, _, _ =	vpop (xrf0);
	(xrf0) =	vadd.scan.msk.s32 $0xffff, v25  }
0x2a5: {  	v38 =	vmpcnt.ones.xlane vm0;
	v9 =	vadd.s32 v34, v9;
	v19 =	vadd.s32 v20, v32;
	(xrf0) =	vadd.scan.msk.s32 $0xffff, v37  }
0x2a6: {  	v23 =	vbroadcast v8, $0xF;
	v39, _, _ =	vpop (xrf0);
	v42 =	vperm.xlane v36, v2;
	vm0 =	vge.s32 v19, s18;
	(xrf0) =	vadd.scan.msk.s32 $0xffff, v29  }
0x2a7: {  	v8 =	vadd.s32 v8, v39;
	v9 =	vadd.s32 v38, v9;
	v40 =	vmpcnt.ones.xlane vm0;
	v44, _, _ =	vpop (xrf0);
	(xrf0) =	vadd.scan.msk.s32 $0xffff, v41  }
0x2a8: {  	v43 =	vbroadcast v8, $0xF;
	v45 =	vadd.s32 v23, v42;
	v18 =	vperm.xlane v44, v2;
	v46, _, _ =	vpop (xrf0);
	(xrf0) =	vadd.scan.msk.s32 $0xffff, v31  }
0x2a9: {  	vm0 =	vge.s32 v45, s18;
	v9 =	vadd.s32 v40, v9;
	v48, _, _ =	vpop (xrf0);
	(xrf0) =	vadd.scan.msk.s32 $0xffff, v15  }
0x2aa: {  	v50 =	vmpcnt.ones.xlane vm0;
	v8 =	vadd.s32 v8, v46;
	v47 =	vadd.s32 v43, v18;
	v49, _, _ =	vpop (xrf0)  }
0x2ab: {  	v51 =	vbroadcast v8, $0xF;
	v17 =	vperm.xlane v48, v2;
	vm0 =	vge.s32 v47, s18;
	v52, _, _ =	vpop (xrf0)  }
0x2ac: {  	v9 =	vadd.s32 v50, v9;
	v8 =	vadd.s32 v8, v49;
	v53 =	vmpcnt.ones.xlane vm0;
	v54, _, _ =	vpop (xrf0)  }
0x2ad: {  	v55 =	vbroadcast v8, $0xF;
	v21 =	vperm.xlane v52, v2;
	v17 =	vadd.s32 v51, v17;
	v56, _, _ =	vpop (xrf0)  }
0x2ae: {  	v8 =	vadd.s32 v8, v54;
	vm0 =	vge.s32 v17, s18;
	v9 =	vadd.s32 v53, v9;
	v57, _, _ =	vpop (xrf0)  }
0x2af: {  	v15 =	vbroadcast v8, $0xF;
	v58 =	vperm.xlane v56, v2;
	v8 =	vadd.s32 v8, v57;
	v59, _, _ =	vpop (xrf0)  }
0x2b0: {  	v18 =	vadd.s32 v55, v21;
	v2 =	vperm.xlane v59, v2;
	v8 =	vbroadcast v8, $0xF  }
0x2b1: {  	v60 =	vmpcnt.ones.xlane vm0;
	vm0 =	vge.s32 v18, s18;
	v15 =	vadd.s32 v15, v58  }
0x2b2: {  	v61 =	vmpcnt.ones.xlane vm0;
	vm0 =	vge.s32 v15, s18;
	v2 =	vadd.s32 v8, v2  }
0x2b3: {  	v9 =	vadd.s32 v60, v9;
	v62 =	vmpcnt.ones.xlane vm0;
	vm0 =	vge.s32 v2, s18  }
0x2b4: {  	v8 =	vadd.s32 v61, v9;
	v63 =	vmpcnt.ones.xlane vm0  }
0x2b5: {  	v8 =	vadd.s32 v62, v8  }
0x2b6: {  	v8 =	vadd.s32 v63, v8  }
0x2b7: {  	v8 =	vxor.u32 $0x80000000, v8  }
0x2b8: {  	(xrf0) =	vmax.scan.msk.u32 $0xffff, v8;
	_ =	sdelay $0x5  }
0x2b9: {  	v8, _, _ =	vpop (xrf0)  }
0x2ba: {  	(v2sf) =	vpush v8, $0xF;
	_ =	sdelay $0x3  }
0x2bb: {  	[tilespmem:$0x41F0] =	vst v3  }
0x2bc: {  	[tilespmem:$0x41E0] =	vst v4  }
0x2bd: {  	[tilespmem:$0x41D0] =	vst v5  }
0x2be: {  	[tilespmem:$0x41C0] =	vst v6  }
0x2bf: {  	[tilespmem:$0x41B0] =	vst v7  }
0x2c0: {  	[tilespmem:$0x41A0] =	vst v13  }
0x2c1: {  	[tilespmem:$0x4190] =	vst v11  }
0x2c2: {  	[tilespmem:$0x4180] =	vst v16  }
0x2c3: {  	[tilespmem:$0x4170] =	vst v12  }
0x2c4: {  	[tilespmem:$0x4160] =	vst v19  }
0x2c5: {  	[tilespmem:$0x4150] =	vst v45  }
.Ltmp10:
0x2c6: {  	[tilespmem:$0x4140] =	vst v47;
	s30 =	spop (v2sf);
	(pc) =	sbr.rel .LBB3_20-.Ltmp10, $4  }
0x2c7: {  	s31 =	sshll.u32 s20, $0x18;
	[tilespmem:$0x4130] =	vst v17;
	s18 =	sshll.u32 s30, $0x10  }
0x2c8: {  	[tilespmem:$0x4120] =	vst v18;
	s18 =	sadd.s32 s18, s31  }
0x2c9: {  	[tilespmem:$0x4110] =	vst v15;
	s18 =	sadd.s32 $0xFFFF0000, s18  }
0x2ca: {  	s20 =	simm.s32 $0x0;
	s19 =	simm.s32 $0x18A0;
	v3 =	vimm.f32 $0.0e+00;
	[tilespmem:$0x4100] =	vst v2;
	vm0 =	vmxor vm0, vm0;
	v2 =	vmov s18;
	s18 =	simm.s32 $0x0  }
.LBB3_22:
0x2cb: {  	s20 =	sadd.s32 $0x40, s20  }
0x2cc: {  	p0 =	sne.s32 s20, $0x1880  }
.Ltmp11:
0x2cd: {  	_ = 	snop;
	(pc) =	sbr.rel @!p0 .LBB3_23-.Ltmp11, $2  }
0x2ce: {  	_ =	sdelay $0x2  }
0x2cf: {  	s19 =	sadd.s32 $0x40, s19  }
.LBB3_20:
0x2d0: {  	v5 =	vld [tilespmem:s19+$0x0]  }
0x2d1: {  	v4 =	vld [tilespmem:s19+$0x10]  }
0x2d2: {  	v6 =	vld [tilespmem:s19+$0xFFFFFFF0]  }
0x2d3: {  	v7 =	vld [tilespmem:s19+$0xFFFFFFE0];
	_ =	sdelay $0x2  }
0x2d4: {  	vm3 =	vge.s32 v5, v2;
	vm1 =	vge.s32 v4, v2  }
0x2d5: {  	vm4 =	vge.s32 v6, v2;
	vm5 =	vmor vm3, vm1  }
0x2d6: {  	vm2 =	vge.s32 v7, v2;
	vm5 =	vmor vm4, vm5  }
0x2d7: {  	vm5 =	vmor vm2, vm5  }
0x2d8: {  	v8 =	vsel vm5, $0x3F800000, v3  }
0x2d9: {  	(xrf0) =	vmax.scan.msk.f32 $0xffff, v8;
	_ =	sdelay $0x5  }
0x2da: {  	v8, _, _ =	vpop (xrf0)  }
0x2db: {  	(v2sf) =	vpush v8, $0xF;
	_ =	sdelay $0xe  }
0x2dc: {  	s21 =	spop (v2sf)  }
0x2dd: {  	p0 =	sgt.f32 s21, $0.0e+00  }
.Ltmp12:
0x2de: {  	_ = 	snop;
	(pc) =	sbr.rel @!p0 .LBB3_22-.Ltmp12, $1  }
0x2df: {  	_ =	sdelay $0x3  }
0x2e0: {  	p0 =	slt.s32 s18, $0x1000;
	vm5 =	vmmov vm0  }
0x2e1: {  	vm5 =	vmneg @p0 vm5  }
0x2e2: {  	vm2 =	vmand vm5, vm2  }
0x2e3: {  	v8 =	vmpcnt.ones.xlane vm2;
	_ =	sdelay $0x1  }
0x2e4: {  	v8 =	vxor.u32 $0x80000000, v8  }
0x2e5: {  	(xrf0) =	vmax.scan.msk.u32 $0xffff, v8;
	_ =	sdelay $0x5  }
0x2e6: {  	v8, _, _ =	vpop (xrf0)  }
0x2e7: {  	(v2sf) =	vpush v8, $0xF;
	_ =	sdelay $0xe  }
0x2e8: {  	s21 =	spop (v2sf)  }
0x2e9: {  	s21 =	sadd.s32 s21, s18  }
0x2ea: {  	s21 =	sadd.s32 $0x80000000, s21  }
0x2eb: {  	vm5 =	vmmov vm0;
	p0 =	slt.s32 s21, $0x1000  }
0x2ec: {  	vm5 =	vmneg @p0 vm5  }
0x2ed: {  	vm4 =	vmand vm4, vm5  }
0x2ee: {  	v58 =	vmpcnt.ones.xlane vm4;
	_ =	sdelay $0x1  }
0x2ef: {  	v8 =	vxor.u32 $0x80000000, v58  }
0x2f0: {  	(xrf0) =	vmax.scan.msk.u32 $0xffff, v8;
	_ =	sdelay $0x5  }
0x2f1: {  	v8, _, _ =	vpop (xrf0)  }
0x2f2: {  	(v2sf) =	vpush v8, $0xF;
	_ =	sdelay $0xe  }
0x2f3: {  	s22 =	spop (v2sf)  }
0x2f4: {  	s22 =	sadd.s32 s22, s21  }
0x2f5: {  	s22 =	sadd.s32 $0x80000000, s22  }
0x2f6: {  	vm5 =	vmmov vm0;
	p0 =	slt.s32 s22, $0x1000  }
0x2f7: {  	vm5 =	vmneg @p0 vm5  }
0x2f8: {  	vm3 =	vmand vm3, vm5  }
0x2f9: {  	v59 =	vmpcnt.ones.xlane vm3;
	_ =	sdelay $0x1  }
0x2fa: {  	v8 =	vxor.u32 $0x80000000, v59  }
0x2fb: {  	(xrf0) =	vmax.scan.msk.u32 $0xffff, v8;
	_ =	sdelay $0x5  }
0x2fc: {  	v8, _, _ =	vpop (xrf0)  }
0x2fd: {  	(v2sf) =	vpush v8, $0xF;
	_ =	sdelay $0xe  }
0x2fe: {  	s23 =	spop (v2sf)  }
0x2ff: {  	s23 =	sadd.s32 s23, s22  }
0x300: {  	s23 =	sadd.s32 $0x80000000, s23  }
0x301: {  	vm5 =	vmmov vm0;
	p0 =	slt.s32 s23, $0x1000  }
0x302: {  	vm5 =	vmneg @p0 vm5  }
0x303: {  	vm1 =	vmand vm1, vm5  }
0x304: {  	v60 =	vmpcnt.ones.xlane vm1;
	_ =	sdelay $0x1  }
0x305: {  	v8 =	vxor.u32 $0x80000000, v60  }
0x306: {  	(xrf0) =	vmax.scan.msk.u32 $0xffff, v8;
	_ =	sdelay $0x5  }
0x307: {  	v8, _, _ =	vpop (xrf0)  }
0x308: {  	(v2sf) =	vpush v8, $0xF;
	_ =	sdelay $0x8  }
0x309: {  	s24 =	sadd.s32 s20, s16  }
0x30a: {  	v61 =	vor.u32 s24, v1;
	[tilespmem:s18+$0x4200] =	vst.msk vm2, v7  }
0x30b: {  	s26 =	sadd.s32 $0x10, s24;
	[tilespmem:s18+$0x5280] =	vst.msk vm2, v61  }
0x30c: {  	v62 =	vor.u32 s26, v1;
	[tilespmem:s21+$0x4200] =	vst.msk vm4, v6  }
.Ltmp13:
0x30d: {  	s28 =	sadd.s32 $0x20, s24;
	[tilespmem:s21+$0x5280] =	vst.msk vm4, v62;
	(pc) =	sbr.rel .LBB3_22-.Ltmp13, $4  }
0x30e: {  	v63 =	vor.u32 s28, v1;
	[tilespmem:s22+$0x4200] =	vst.msk vm3, v5  }
0x30f: {  	s29 =	sadd.s32 $0x30, s24;
	[tilespmem:s22+$0x5280] =	vst.msk vm3, v63;
	s30 =	spop (v2sf)  }
0x310: {  	v5 =	vor.u32 s29, v1;
	[tilespmem:s23+$0x4200] =	vst.msk vm1, v4;
	s31 =	sadd.s32 s30, s23  }
0x311: {  	[tilespmem:s23+$0x5280] =	vst.msk vm1, v5;
	s18 =	sadd.s32 $0x80000000, s31  }
.LBB3_23:
0x312: {  	p0 =	slt.s32 s18, $0x1000  }
0x313: {  	p1 =	slt.s32 s18, $0xFFFFFFF2;
	s18 =	simm.s32 @!p0 $0x1000  }
0x314: {  	s16 =	sadd.s32 $0xF, s18  }
0x315: {  	s19 =	sand.u32 $0xF, s16  }
0x316: {  	s20 =	sshra.s32 s16, $0x1F;
	p6 =	sne.s32 s19, $0x0  }
0x317: {  	s28 =	sshrl.u32 s20, $0x1C;
	p0 =	por !p1, !p6  }
0x318: {  	s19 =	simm.s32 $0x1;
	s16 =	sadd.s32 s28, s16;
	p0 =	por !p0, !p0  }
0x319: {  	s16 =	sshra.s32 s16, $0x4;
	s19 =	simm.s32 @!p0 $0x0  }
0x31a: {  	s29 =	ssub.s32 s16, s19  }
0x31b: {  	v1 =	vimm.s32 $0x80000000;
	p0 =	slt.s32 s29, $0x10;
	s19 =	smov.u32 s29  }
0x31c: {  	v57 =	vimm.s32 $0x7FFFFFFF;
	[tilespmem:s18+$0x4200] =	vst v1;
	s19 =	simm.s32 @!p0 $0x10  }
0x31d: {  	[tilespmem:s18+$0x5280] =	vst v57;
	v58 =	vmov s19  }
0x31e: {  	s30 =	simm.s32 $0x9400;
	s16 =	simm.s32 $0x2;
	[tilespmem:$0x9400] =	vst v58  }
0x31f: {  	[spmem:s17] =	stream.linear.scatter [tilespmem:s30], [sflag:$0x2], $0x8, $0x38;
	[tilespmem:$0xA250] =	vst v63  }
0x320: {  	_ =	swait.ge [sflag:s16], $0x8  }
0x321: {  	v59 =	vlaneseq.u32;
	[sflag:s16] =	ssyncset.done $0x0  }
0x322: {  	v2 =	vmul.u32 $0x80, v59;
	[sflag:s16] =	ssyncadd.s32 $0xFFFFFFF8  }
0x323: {  	s31 =	simm.s32 $0x9480;
	[bflag:$0x0] =	sbarrier.arrive $0xFFFF  }
0x324: {  	[tilespmem:s31], [sflag:$0x2] =	stream.linear.gather [spmem:s14], $0x800, $0x38;
	[tilespmem:$0xA250] =	vst v63  }
0x325: {  	_ =	swait.ge [sflag:s16], $0x800  }
0x326: {  	[sflag:s16] =	ssyncset.done $0x0  }
0x327: {  	[sflag:s16] =	ssyncadd.s32 $0xFFFFF800  }
0x328: {  	v2 =	vld.idx.msk [tilespmem:v2+s31+$0x0], $0xffff;
	_ =	sdelay $0x4  }
0x329: {  	(xrf0) =	vadd.scan.msk.s32 $0xffff, v2;
	_ =	sdelay $0x5  }
0x32a: {  	v3, _, _ =	vpop (xrf0)  }
0x32b: {  	v2 =	vsub.s32 v3, v2  }
0x32c: {  	vm0 =	veq.s32 v0, v59;
	v60 =	vxor.u32 $0x80000000, v2  }
0x32d: {  	v0 =	vnsel vm0, $0x80000000, v60  }
0x32e: {  	v61 =	vxor.u32 $0x80000000, v3;
	(xrf0) =	vmax.scan.msk.u32 $0xffff, v0  }
0x32f: {  	(xrf0) =	vmax.scan.msk.u32 $0xffff, v61;
	_ =	sdelay $0x4  }
0x330: {  	v62, _, _ =	vpop (xrf0)  }
0x331: {  	(v2sf) =	vpush v62, $0xF;
	v63, _, _ =	vpop (xrf0)  }
0x332: {  	(v2sf) =	vpush v63, $0xF;
	_ =	sdelay $0x9  }
0x333: {  	p0 =	slt.s32 s29, $0x1  }
.Ltmp14:
0x334: {  	_ = 	snop;
	(pc) =	sbr.rel @p0 .LBB3_27-.Ltmp14, $3  }
0x335: {  	_ =	sdelay $0x1  }
0x336: {  	s18 =	spop (v2sf)  }
0x337: {  	s17 =	simm.s32 $0x1;
	s14 =	spop (v2sf)  }
0x338: {  	s18 =	sshll.u32 s18, $0x6  }
0x339: {  	s20 =	sshra.s32 s18, $0x2  }
0x33a: {  	s21 =	simm.s32 $0x4200;
	s18 =	sadd.s32 s20, s12  }
0x33b: {  	[spmem:s18] =	stream.linear.scatter [tilespmem:s21], [sflag:$0x2], $0x10, $0x38;
	[tilespmem:$0xA250] =	vst v63  }
0x33c: {  	p0 =	sne.s32 s19, $0x1;
	_ =	swait.ge [sflag:s16], $0x10  }
.Ltmp15:
0x33d: {  	[sflag:s16] =	ssyncset.done $0x0;
	(pc) =	sbr.rel @!p0 .LBB3_26-.Ltmp15, $4  }
0x33e: {  	s31 =	simm.s32 $0x5280;
	s20 =	sadd.s32 s20, s13;
	[sflag:s16] =	ssyncadd.s32 $0xFFFFFFF0  }
0x33f: {  	[spmem:s20] =	stream.linear.scatter [tilespmem:s31], [sflag:$0x2], $0x10, $0x38;
	[tilespmem:$0xA250] =	vst v63  }
0x340: {  	s19 =	sadd.s32 $0xFFFFFFFF, s19;
	_ =	swait.ge [sflag:s16], $0x10  }
0x341: {  	s22 =	simm.s32 $0x5290;
	s21 =	simm.s32 $0x4210;
	[sflag:s16] =	ssyncset.done $0x0  }
.LBB3_25:
0x342: {  	[sflag:s16] =	ssyncadd.s32 $0xFFFFFFF0;
	s18 =	sadd.s32 $0x10, s18;
	s20 =	sadd.s32 $0x10, s20  }
0x343: {  	[spmem:s18] =	stream.linear.scatter [tilespmem:s21], [sflag:$0x2], $0x10, $0x38;
	[tilespmem:$0xA250] =	vst v63  }
0x344: {  	p0 =	sne.s32 s19, $0x1;
	s19 =	sadd.s32 $0xFFFFFFFF, s19;
	_ =	swait.ge [sflag:s16], $0x10  }
.Ltmp16:
0x345: {  	[sflag:s16] =	ssyncset.done $0x0;
	(pc) =	sbr.rel @p0 .LBB3_25-.Ltmp16, $4  }
0x346: {  	[sflag:s16] =	ssyncadd.s32 $0xFFFFFFF0  }
0x347: {  	[spmem:s20] =	stream.linear.scatter [tilespmem:s22], [sflag:$0x2], $0x10, $0x38;
	[tilespmem:$0xA250] =	vst v63  }
0x348: {  	_ =	swait.ge [sflag:s16], $0x10  }
0x349: {  	s21 =	sadd.s32 $0x10, s21;
	s22 =	sadd.s32 $0x10, s22;
	[sflag:s16] =	ssyncset.done $0x0  }
.LBB3_26:
0x34a: {  	[sflag:s16] =	ssyncadd.s32 $0xFFFFFFF0  }
.LBB3_27:
0x34b: {  	s16 =	sadd.s32 $0x8000000F, s14  }
0x34c: {  	s18 =	sand.u32 $0xF, s16  }
0x34d: {  	s19 =	sshra.s32 s16, $0x1F;
	p0 =	slt.s32 s16, $0x1;
	p1 =	sne.s32 s18, $0x0  }
0x34e: {  	s31 =	sshrl.u32 s19, $0x1C;
	p0 =	por !p0, !p1  }
0x34f: {  	s16 =	sadd.s32 s31, s16;
	p0 =	por !p0, !p0  }
0x350: {  	s16 =	sshra.s32 s16, $0x4;
	s17 =	simm.s32 @!p0 $0x0  }
0x351: {  	s19 =	ssub.s32 s16, s17  }
0x352: {  	p0 =	slt.s32 s19, $0x1  }
.Ltmp17:
0x353: {  	_ = 	snop;
	(pc) =	sbr.rel @p0 .LBB3_31-.Ltmp17, $3  }
0x354: {  	_ =	sdelay $0x1  }
0x355: {  	[bflag:$0x0] =	sbarrier.arrive $0xFFFF  }
0x356: {  	s16 =	sxor.u32 $0x80000000, s14  }
0x357: {  	s18 =	simm.s32 $0x6300;
	s17 =	simm.s32 $0x2  }
0x358: {  	[tilespmem:s18], [sflag:$0x2] =	stream.linear.gather [spmem:s12], $0x100, $0x38;
	[tilespmem:$0xA250] =	vst v63  }
0x359: {  	p0 =	sne.s32 s19, $0x1;
	_ =	swait.ge [sflag:s17], $0x100  }
.Ltmp18:
0x35a: {  	[sflag:s17] =	ssyncset.done $0x0;
	(pc) =	sbr.rel @!p0 .LBB3_30-.Ltmp18, $4  }
0x35b: {  	s20 =	simm.s32 $0x7300;
	[sflag:s17] =	ssyncadd.s32 $0xFFFFFF00  }
0x35c: {  	[tilespmem:s20], [sflag:$0x2] =	stream.linear.gather [spmem:s13], $0x100, $0x38;
	[tilespmem:$0xA250] =	vst v63  }
0x35d: {  	s19 =	sadd.s32 $0xFFFFFFFF, s19;
	_ =	swait.ge [sflag:s17], $0x100  }
0x35e: {  	s20 =	simm.s32 $0x7400;
	s13 =	sadd.s32 $0x100, s13;
	[sflag:s17] =	ssyncset.done $0x0  }
.LBB3_29:
0x35f: {  	[sflag:s17] =	ssyncadd.s32 $0xFFFFFF00;
	s18 =	sadd.s32 $0x100, s18;
	s12 =	sadd.s32 $0x100, s12  }
0x360: {  	[tilespmem:s18], [sflag:$0x2] =	stream.linear.gather [spmem:s12], $0x100, $0x38;
	[tilespmem:$0xA250] =	vst v63  }
0x361: {  	p0 =	sne.s32 s19, $0x1;
	s19 =	sadd.s32 $0xFFFFFFFF, s19;
	_ =	swait.ge [sflag:s17], $0x100  }
.Ltmp19:
0x362: {  	[sflag:s17] =	ssyncset.done $0x0;
	(pc) =	sbr.rel @p0 .LBB3_29-.Ltmp19, $4  }
0x363: {  	[sflag:s17] =	ssyncadd.s32 $0xFFFFFF00  }
0x364: {  	[tilespmem:s20], [sflag:$0x2] =	stream.linear.gather [spmem:s13], $0x100, $0x38;
	[tilespmem:$0xA250] =	vst v63  }
0x365: {  	_ =	swait.ge [sflag:s17], $0x100  }
0x366: {  	s20 =	sadd.s32 $0x100, s20;
	s13 =	sadd.s32 $0x100, s13;
	[sflag:s17] =	ssyncset.done $0x0  }
.LBB3_30:
0x367: {  	[sflag:s17] =	ssyncadd.s32 $0xFFFFFF00  }
.LBB3_31:
0x368: {  	s12 =	sadd.s32 s15, s16  }
0x369: {  	s13 =	sand.u32 $0xF, s12  }
0x36a: {  	s15 =	sshra.s32 s12, $0x1F;
	p0 =	slt.s32 s12, $0x1;
	p1 =	sne.s32 s13, $0x0  }
0x36b: {  	s31 =	sshrl.u32 s15, $0x1C;
	p0 =	por !p0, !p1  }
0x36c: {  	s13 =	simm.s32 $0x1;
	s12 =	sadd.s32 s31, s12;
	p0 =	por !p0, !p0  }
0x36d: {  	s12 =	sshra.s32 s12, $0x4;
	s13 =	simm.s32 @!p0 $0x0  }
0x36e: {  	s12 =	ssub.s32 s12, s13  }
0x36f: {  	p0 =	slt.s32 s12, $0x1  }
.Ltmp20:
0x370: {  	_ = 	snop;
	(pc) =	sbr.rel @p0 .LBB3_44-.Ltmp20, $1  }
0x371: {  	_ =	sdelay $0x3  }
.Ltmp21:
0x372: {  	(pc) =	sbr.rel .LBB3_33-.Ltmp21, $3  }
0x373: {  	_ =	sdelay $0x1  }
0x374: {  	s13 =	sshll.u32 s14, $0x4;
	s14 =	simm.s32 $0x0  }
0x375: {  	s15 =	simm.s32 $0x6300;
	s16 =	simm.s32 $0x7300;
	v0 =	vimm.s32 $0x0;
	p0 =	slt.s32 s13, $0x1  }
.LBB3_35:
0x376: {  	v4 =	vimm.s32 $0x0  }
.LBB3_42:
0x377: {  	_ =	sdelay $0x3  }
0x378: {  	v5 =	vld.idx.msk [tilespmem:v3+s15+$0x0], $0xffff  }
0x379: {  	v3 =	vld.idx.msk [tilespmem:v3+s16+$0x0], $0xffff;
	_ =	sdelay $0x1  }
0x37a: {  	vm1 =	veq.s32 @p1 v7, v2;
	vm2 =	vlt.s32 @p1 v6, v1;
	v6 =	vsel @p2 vm0, $0x1, v0  }
0x37b: {  	vm1 =	vmand @p1 vm1, vm2;
	vm2 =	vgt.s32 @p1 v7, v2;
	v4 =	vadd.s32 @p2 v6, v4  }
0x37c: {  	vm0 =	vmor @p1 vm2, vm1;
	v4 =	vpsel p2, v4, v0  }
0x37d: {  	vm0 =	vmmov @p1 vm0;
	vm13 =	veq.s32 v5, v2;
	vm14 =	vlt.s32 v3, v1  }
0x37e: {  	v3 =	vsel @p1 vm0, $0x1, v0;
	vm15 =	vgt.s32 v5, v2;
	vm1 =	vmand vm13, vm14  }
0x37f: {  	v2 =	vadd.s32 @p1 v3, v4;
	vm0 =	vmor vm15, vm1  }
0x380: {  	v2 =	vpsel p1, v2, v0;
	v3 =	vsel vm0, $0x1, v0  }
0x381: {  	v2 =	vadd.s32 v3, v2  }
.LBB3_43:
0x382: {  	vm0 =	vlt.s32 v2, $0x100  }
0x383: {  	v3 =	vmpcnt.ones.xlane vm0;
	_ =	sdelay $0x1  }
0x384: {  	v3 =	vxor.u32 $0x80000000, v3  }
0x385: {  	(xrf0) =	vmax.scan.msk.u32 $0xffff, v3;
	_ =	sdelay $0x5  }
0x386: {  	v3, _, _ =	vpop (xrf0)  }
0x387: {  	(v2sf) =	vpush v3, $0xF;
	_ =	sdelay $0xe  }
0x388: {  	s17 =	spop (v2sf)  }
0x389: {  	p1 =	slt.u32 s17, $0x80000001  }
0x38a: {  	v3 =	vlaneseq.u32 @!p1  }
0x38b: {  	vm0 =	vlt.s32 @!p1 v2, $0x100;
	v3 =	vor.u32 @!p1 $0x100, v3  }
0x38c: {  	v2 =	vsel @!p1 vm0, v2, v3;
	vm0 =	vlt.s32 @!p1 v1, $0x1869F  }
0x38d: {  	[tilespmem:$0x9C80] =	vst @!p1 v2;
	v1 =	vnsel @!p1 vm0, $0x1869F, v1  }
0x38e: {  	s17 =	simm.s32 @!p1 $0x10;
	s18 =	simm.s32 @!p1 $0x9D00;
	s19 =	simm.s32 @!p1 $0x9D80;
	[tilespmem:$0x9D00] =	vst @!p1 v1  }
0x38f: {  	[tilespmem:s19], [sflag:$0x1] =	stream.indirect.gather @!p1 [hbm4b:s6+s17], $0x1, s18, s17, $0xb8;
	[tilespmem:$0xA250] =	vst v63  }
0x390: {  	s20 =	simm.s32 @!p1 $0x9E00  }
0x391: {  	[tilespmem:s20], [sflag:$0x1] =	stream.indirect.gather @!p1 [hbm4b:s8+s17], $0x1, s18, s17, $0xb8;
	[tilespmem:$0xA250] =	vst v63  }
0x392: {  	s21 =	simm.s32 @!p1 $0x9E80  }
0x393: {  	[tilespmem:s21], [sflag:$0x1] =	stream.indirect.gather @!p1 [hbm4b:s9+s17], $0x1, s18, s17, $0xb8;
	[tilespmem:$0xA250] =	vst v63  }
0x394: {  	s18 =	simm.s32 @!p1 $0x1  }
0x395: {  	_ =	swait.ge @!p1 [sflag:s18], $0x10  }
0x396: {  	[sflag:s18] =	ssyncset.done @!p1 $0x0  }
0x397: {  	[sflag:s18] =	ssyncadd.s32 @!p1 $0xFFFFFFF0  }
0x398: {  	_ =	swait.ge @!p1 [sflag:s18], $0x10  }
0x399: {  	[sflag:s18] =	ssyncset.done @!p1 $0x0  }
0x39a: {  	[sflag:s18] =	ssyncadd.s32 @!p1 $0xFFFFFFF0  }
0x39b: {  	_ =	swait.ge @!p1 [sflag:s18], $0x10  }
0x39c: {  	[sflag:s18] =	ssyncset.done @!p1 $0x0  }
0x39d: {  	[sflag:s18] =	ssyncadd.s32 @!p1 $0xFFFFFFF0;
	s18 =	simm.s32 @!p1 $0x9C80  }
0x39e: {  	[spmem:s4] =	stream.indirect.scatter @!p1 [tilespmem:s19], [sflag:$0x3], $0x1, s18, s17, $0xb8;
	[tilespmem:$0xA250] =	vst v63  }
0x39f: {  	s19 =	simm.s32 @!p1 $0x3  }
0x3a0: {  	_ =	swait.ge @!p1 [sflag:s19], $0x10  }
0x3a1: {  	[sflag:s19] =	ssyncset.done @!p1 $0x0  }
0x3a2: {  	[sflag:s19] =	ssyncadd.s32 @!p1 $0xFFFFFFF0  }
0x3a3: {  	[spmem:s7] =	stream.indirect.scatter @!p1 [tilespmem:s20], [sflag:$0x3], $0x1, s18, s17, $0xb8;
	[tilespmem:$0xA250] =	vst v63  }
0x3a4: {  	_ =	swait.ge @!p1 [sflag:s19], $0x10  }
0x3a5: {  	s14 =	sadd.s32 $0x1, s14;
	[sflag:s19] =	ssyncset.done @!p1 $0x0  }
0x3a6: {  	p2 =	sne.s32 s14, s12;
	[sflag:s19] =	ssyncadd.s32 @!p1 $0xFFFFFFF0  }
0x3a7: {  	[spmem:s10] =	stream.indirect.scatter @!p1 [tilespmem:s21], [sflag:$0x2], $0x1, s18, s17, $0xb8;
	[tilespmem:$0xA250] =	vst v63  }
.Ltmp22:
0x3a8: {  	_ = 	snop;
	(pc) =	sbr.rel @!p2 .LBB3_44-.Ltmp22, $4  }
0x3a9: {  	s17 =	simm.s32 @!p1 $0x2  }
0x3aa: {  	_ =	swait.ge @!p1 [sflag:s17], $0x10  }
0x3ab: {  	[sflag:s17] =	ssyncset.done @!p1 $0x0  }
0x3ac: {  	[sflag:s17] =	ssyncadd.s32 @!p1 $0xFFFFFFF0  }
.LBB3_33:
.Ltmp23:
0x3ad: {  	(pc) =	sbr.rel @p0 .LBB3_43-.Ltmp23, $4  }
0x3ae: {  	_ = 	snop  }
0x3af: {  	s17 =	sshll.u32 s14, $0x8  }
0x3b0: {  	s17 =	sor.u32 s11, s17  }
0x3b1: {  	v2 =	vimm.s32 $0x0;
	v1 =	vld [tilespmem:s17+$0x7300]  }
0x3b2: {  	p3 =	sne.s32 s13, $0x1  }
.Ltmp24:
0x3b3: {  	_ = 	snop;
	(pc) =	sbr.rel @!p3 .LBB3_35-.Ltmp24, $3  }
0x3b4: {  	_ =	sdelay $0x1  }
0x3b5: {  	s18 =	simm.s32 $0x0;
	v2 =	vld [tilespmem:s17+$0x6300]  }
0x3b6: {  	s17 =	simm.s32 $0x1;
	p1 =	por $0x0, $0x0;
	p2 =	por $0x0, $0x0;
	v3 =	vmov s18  }
0x3b7: {  	p3 =	sne.s32 s13, $0x2  }
.Ltmp25:
0x3b8: {  	_ = 	snop;
	(pc) =	sbr.rel @!p3 .LBB3_37-.Ltmp25, $3  }
0x3b9: {  	_ =	sdelay $0x1  }
0x3ba: {  	v7 =	vld.idx.msk [tilespmem:v3+s15+$0x0], $0xffff  }
0x3bb: {  	s18 =	simm.s32 $0x2;
	v8 =	vmov s17;
	v6 =	vld.idx.msk [tilespmem:v3+s16+$0x0], $0xffff;
	p1 =	por $0x1, $0x1  }
0x3bc: {  	_ = 	snop  }
0x3bd: {  	p3 =	sne.s32 s13, $0x3  }
.Ltmp26:
0x3be: {  	_ = 	snop;
	(pc) =	sbr.rel @!p3 .LBB3_39-.Ltmp26, $4  }
0x3bf: {  	_ = 	snop  }
0x3c0: {  	vm0 =	veq.s32 v7, v2;
	vm1 =	vlt.s32 v6, v1  }
0x3c1: {  	v5 =	vld.idx.msk [tilespmem:v8+s15+$0x0], $0xffff;
	v3 =	vmov s18;
	vm2 =	vgt.s32 v7, v2;
	vm0 =	vmand vm0, vm1  }
0x3c2: {  	s17 =	simm.s32 $0x3;
	p2 =	por $0x1, $0x1;
	v4 =	vimm.s32 $0x0;
	v6 =	vld.idx.msk [tilespmem:v8+s16+$0x0], $0xffff;
	vm0 =	vmor vm2, vm0  }
.LBB3_40:
0x3c3: {  	s18 =	smov.u32 s17;
	s17 =	sadd.s32 $0x1, s17  }
0x3c4: {  	v8 =	vsel vm0, $0x1, v0;
	p3 =	sne.s32 s13, s17  }
.Ltmp27:
0x3c5: {  	v4 =	vadd.s32 v8, v4;
	(pc) =	sbr.rel @p3 .LBB3_40-.Ltmp27, $4  }
0x3c6: {  	vm0 =	veq.s32 v5, v2;
	v7 =	vmov v5;
	v5 =	vld.idx.msk [tilespmem:v3+s15+$0x0], $0xffff  }
0x3c7: {  	vm1 =	vgt.s32 v7, v2;
	vm2 =	vlt.s32 v6, v1;
	v6 =	vld.idx.msk [tilespmem:v3+s16+$0x0], $0xffff;
	v3 =	vmov s18  }
0x3c8: {  	vm0 =	vmand vm0, vm2  }
0x3c9: {  	vm0 =	vmor vm1, vm0  }
.Ltmp28:
0x3ca: {  	(pc) =	sbr.rel .LBB3_42-.Ltmp28, $2  }
0x3cb: {  	_ =	sdelay $0x2  }
0x3cc: {  	v7 =	vmov v5  }
.LBB3_37:
.Ltmp29:
0x3cd: {  	(pc) =	sbr.rel .LBB3_42-.Ltmp29, $2  }
0x3ce: {  	_ =	sdelay $0x2  }
0x3cf: {  	v4 =	vimm.s32 $0x0;
	v3 =	vmov v8  }
.LBB3_39:
.Ltmp30:
0x3d0: {  	(pc) =	sbr.rel .LBB3_42-.Ltmp30, $2  }
0x3d1: {  	_ =	sdelay $0x2  }
0x3d2: {  	v4 =	vimm.s32 $0x0;
	v7 =	vmov v5  }
.LBB3_44:
0x3d3: {  	p0 =	seq.s32 s1, $0x2  }
.Ltmp31:
0x3d4: {  	_ = 	snop;
	(pc) =	sbr.rel @p0 .LBB3_49-.Ltmp31, $2  }
0x3d5: {  	_ =	sdelay $0x1  }
0x3d6: {  	[bflag:$0x0] =	sbarrier.arrive $0xFFFF;
	_ =	sdelay $0x1  }
0x3d7: {  	p0 =	seq.s32 s1, $0x1  }
.Ltmp32:
0x3d8: {  	_ = 	snop;
	(pc) =	sbr.rel @p0 .LBB3_48-.Ltmp32, $1  }
0x3d9: {  	_ =	sdelay $0x3  }
0x3da: {  	p0 =	sne.s32 s1, $0x0  }
.Ltmp33:
0x3db: {  	_ = 	snop;
	(pc) =	sbr.rel @p0 .LBB3_51-.Ltmp33, $1  }
0x3dc: {  	_ =	sdelay $0x3  }
.Ltmp34:
0x3dd: {  	(pc) =	sbr.rel .LBB3_50-.Ltmp34, $3  }
0x3de: {  	_ =	sdelay $0x1  }
0x3df: {  	s3 =	sshrl.u32 s4, $0x3;
	s31 =	simm.s32 $0x1C02  }
0x3e0: {  	[hbm:s2], [sflag:s31] =	dma.local [spmem:s3], $0x20  }
.LBB3_48:
.Ltmp35:
0x3e1: {  	(pc) =	sbr.rel .LBB3_50-.Ltmp35, $3  }
0x3e2: {  	_ =	sdelay $0x1  }
0x3e3: {  	s2 =	sshrl.u32 s7, $0x3;
	s4 =	simm.s32 $0x1C42  }
0x3e4: {  	[hbm:s3], [sflag:s4] =	dma.local [spmem:s2], $0x20  }
.LBB3_49:
0x3e5: {  	s2 =	sshrl.u32 s10, $0x3;
	s3 =	simm.s32 $0x1C82  }
0x3e6: {  	[hbm:s5], [sflag:s3] =	dma.local [spmem:s2], $0x20  }
.LBB3_50:
0x3e7: {  	s2 =	simm.s32 $0x2  }
0x3e8: {  	_ =	swait.ge [sflag:s2], $0x20  }
0x3e9: {  	[sflag:s2] =	ssyncset.done $0x0  }
0x3ea: {  	[sflag:s2] =	ssyncadd.s32 $0xFFFFFFE0  }
.LBB3_51:
0x3eb: {  	_ =	sfence.sel $0x180000  }
0x3ec: {  	[bflag:$0x0] =	sbarrier.arrive $0xFFFF  }
0x3ed: {  	p0 =	sne.s32 s1, $0x0;
	_ =	strace $0x90000047  }
0x3ee: {  	s0 =	sadd.s32 @!p0 $0x100000, s0;
	[bflag:$0x2] =	sbarrier.arrive $0xFFFF  }
0x3ef: {  	[sflag:s0] =	ssyncadd.tile.s32 @!p0 $0x1;
	_ =	shalt  }
.Lfunc_end3:
_tile_overlayer_lowered:
.L_overlay_start_3:
0x3f0: {  	(tag) =	ssettag $0x3  }
0x3f1: {  	s0 =	rddreg [dreg:$0x0];
	s2 =	stileid.u32  }
0x3f2: {  	s1 =	rddreg [dreg:$0x1];
	p0 =	sne.s32 s2, $0x0  }
0x3f3: {  	s3 =	rddreg [dreg:$0x2];
	[bflag:$0x3] =	sbarrier.arrive $0xFFFF;
	s2 =	simm.s32 @!p0 $0x1C02  }
0x3f4: {  	[timem:s3], [sflag:s2] =	dma.local @!p0 [hbm:s0], s1  }
0x3f5: {  	s0 =	simm.s32 @!p0 $0x2  }
0x3f6: {  	_ =	swait.ge @!p0 [sflag:s0], s1  }
0x3f7: {  	s1 =	ssub.s32 @!p0 $0x0, s1;
	[sflag:s0] =	ssyncset.done @!p0 $0x0  }
0x3f8: {  	[sflag:s0] =	ssyncadd.s32 @!p0 s1  }
0x3f9: {  	[bflag:$0x3] =	sbarrier.arrive $0xFFFF  }
0x3fa: {  	_ =	shalt  }

</sc_bundles>
